<compile_context>
chip_gen: v7x
topology: tpu7x:2x2x1
jax: 0.10.2.dev20260603
libtpu: 0.0.44.dev20260713+nightly
codegen_flags: <defaults>
</compile_context>

<pallas_src>
import functools

import jax
import jax.numpy as jnp
from jax import lax
from jax.experimental import pallas as pl
from jax.experimental.pallas import tpu as pltpu
from jax.experimental.pallas import tpu_sc as plsc

BATCH = 16384
EMBED_DIM = 64
LANES = 16

_info = plsc.get_sparse_core_info()
_NC = _info.num_cores
_NS = _info.num_subcores
NW = _NC * _NS
B_PER_W = BATCH // NW
NSTAGE = 4
QUARTER = B_PER_W // NSTAGE
NGROUP = QUARTER // LANES
VPR = EMBED_DIM // LANES


def _gmf_body(uidx_hbm, iidx_hbm, utab_hbm, itab_hbm, out_hbm,
              uidx_v, iidx_v, ubuf0, ibuf0, ubuf1, ibuf1, obuf_v,
              sem0, sem1):
    wid = lax.axis_index("s") * _NC + lax.axis_index("c")
    base = wid * B_PER_W

    pltpu.sync_copy(uidx_hbm.at[pl.ds(base, B_PER_W)], uidx_v)
    pltpu.sync_copy(iidx_hbm.at[pl.ds(base, B_PER_W)], iidx_v)

    ubufs = (ubuf0, ubuf1)
    ibufs = (ibuf0, ibuf1)
    sems = (sem0, sem1)

    def fire_quarter(q, parity):
        ubuf = ubufs[parity]
        ibuf = ibufs[parity]
        sem = sems[parity]

        def fire_group(g, c2):
            uvec = uidx_v[pl.ds(q * QUARTER + g * LANES, LANES)]
            ivec = iidx_v[pl.ds(q * QUARTER + g * LANES, LANES)]
            for l in range(LANES):
                i = g * LANES + l
                pltpu.async_copy(
                    utab_hbm.at[pl.ds(uvec[l], 1)],
                    ubuf.at[pl.ds(i, 1)], sem)
                pltpu.async_copy(
                    itab_hbm.at[pl.ds(ivec[l], 1)],
                    ibuf.at[pl.ds(i, 1)], sem)
            return c2

        lax.fori_loop(0, NGROUP, fire_group, None)

    def drain_mul_write(q, parity):
        ubuf = ubufs[parity]
        ibuf = ibufs[parity]
        sem = sems[parity]
        pltpu.make_async_copy(utab_hbm.at[pl.ds(0, QUARTER)], ubuf, sem).wait()
        pltpu.make_async_copy(itab_hbm.at[pl.ds(0, QUARTER)], ibuf, sem).wait()

        def mul_row(i, c2):
            for c in range(VPR):
                sl = pl.ds(c * LANES, LANES)
                obuf_v[i, sl] = ubuf[i, sl] * ibuf[i, sl]
            return c2

        lax.fori_loop(0, QUARTER, mul_row, None)
        pltpu.sync_copy(obuf_v, out_hbm.at[pl.ds(base + q * QUARTER, QUARTER)])

    fire_quarter(0, 0)
    for q in range(1, NSTAGE):
        fire_quarter(q, q % 2)
        drain_mul_write(q - 1, (q - 1) % 2)
    drain_mul_write(NSTAGE - 1, (NSTAGE - 1) % 2)


@jax.jit
def _gmf(uidx, iidx, utab, itab):
    mesh = plsc.VectorSubcoreMesh(core_axis_name="c", subcore_axis_name="s")
    kfn = functools.partial(
        pl.kernel,
        mesh=mesh,
        out_type=jax.ShapeDtypeStruct((BATCH, EMBED_DIM), jnp.float32),
        scratch_types=[
            pltpu.VMEM((B_PER_W,), jnp.int32),
            pltpu.VMEM((B_PER_W,), jnp.int32),
            pltpu.VMEM((QUARTER, EMBED_DIM), jnp.float32),
            pltpu.VMEM((QUARTER, EMBED_DIM), jnp.float32),
            pltpu.VMEM((QUARTER, EMBED_DIM), jnp.float32),
            pltpu.VMEM((QUARTER, EMBED_DIM), jnp.float32),
            pltpu.VMEM((QUARTER, EMBED_DIM), jnp.float32),
            pltpu.SemaphoreType.DMA,
            pltpu.SemaphoreType.DMA,
        ],
    )(_gmf_body)
    return kfn(uidx, iidx, utab, itab)


def kernel(user_indices, item_indices, user_table, item_table):
    uidx = user_indices.astype(jnp.int32)
    iidx = item_indices.astype(jnp.int32)
    return _gmf(uidx, iidx, user_table, item_table)

# --- scband reference (transcript-rebuilt; emitter-appended) ---
"""Pipeline reference for scband-gmflayer-29059748725420 (READ-ONLY COPY).

The authoritative reference and input builder live on the scoring server;
editing this copy changes nothing except your own understanding.
"""

import jax, jax.numpy as jnp
import numpy as np

NUM_USERS = 1000000
NUM_ITEMS = 1000000
EMBED_DIM = 64
BATCH = 16384


def setup_inputs(seed: int = 0) -> dict:
    key = jax.random.key(seed)
    k1, k2, k3, k4 = jax.random.split(key, 4)
    user_indices = jax.random.randint(k1, (BATCH,), 0, NUM_USERS, dtype=jnp.int64 if jax.config.jax_enable_x64 else jnp.int32)
    item_indices = jax.random.randint(k2, (BATCH,), 0, NUM_ITEMS, dtype=jnp.int64 if jax.config.jax_enable_x64 else jnp.int32)
    user_table = jax.random.normal(k3, (NUM_USERS, EMBED_DIM), dtype=jnp.float32) * 0.01
    item_table = jax.random.normal(k4, (NUM_ITEMS, EMBED_DIM), dtype=jnp.float32) * 0.01
    return {
        "user_indices": user_indices,
        "item_indices": item_indices,
        "user_table": user_table,
        "item_table": item_table,
    }


def reference(user_indices, item_indices, user_table, item_table):
    # GMF: elementwise product of gathered user and item embeddings
    user_embedding = jnp.take(user_table, user_indices, axis=0)
    item_embedding = jnp.take(item_table, item_indices, axis=0)
    return user_embedding * item_embedding

if __name__ == "__main__":
    import jax
    _d = setup_inputs()
    print(jax.jit(kernel)(*tuple(_d.values())))

</pallas_src>

<mosaic_0001>
#map = affine_map<(d0, d1) -> (0)>
#map1 = affine_map<(d0, d1) -> (0, 0)>
module attributes {stable_mosaic.version = 14 : i64} {
  func.func @_gmf_body(%arg0: i32, %arg1: i32, %arg2: memref<16384xi32, #tpu.memory_space<hbm>>, %arg3: memref<16384xi32, #tpu.memory_space<hbm>>, %arg4: memref<1000000x64xf32, #tpu.memory_space<hbm>>, %arg5: memref<1000000x64xf32, #tpu.memory_space<hbm>>, %arg6: memref<16384x64xf32, #tpu.memory_space<hbm>>, %arg7: memref<512xi32, #tpu.memory_space<vmem>>, %arg8: memref<512xi32, #tpu.memory_space<vmem>>, %arg9: memref<128x64xf32, #tpu.memory_space<vmem>>, %arg10: memref<128x64xf32, #tpu.memory_space<vmem>>, %arg11: memref<128x64xf32, #tpu.memory_space<vmem>>, %arg12: memref<128x64xf32, #tpu.memory_space<vmem>>, %arg13: memref<128x64xf32, #tpu.memory_space<vmem>>, %arg14: memref<!tpu.dma_semaphore, #tpu.memory_space<semaphore_mem>>, %arg15: memref<!tpu.dma_semaphore, #tpu.memory_space<semaphore_mem>>) attributes {dimension_semantics = [#tpu.dimension_semantics<core_parallel>, #tpu.dimension_semantics<subcore_parallel>], iteration_bounds = array<i64: 2, 16>, scalar_prefetch = 0 : i64, scratch_operands = 9 : i64, tpu.core_type = #tpu.core_type<sc_vector_subcore>, window_params = [{transform_indices = #map}, {transform_indices = #map}, {transform_indices = #map1}, {transform_indices = #map1}, {transform_indices = #map1}]} {
    %mul3A = arith.constant 2 : i32
    %mul3A_0 = arith.muli %arg1, %mul3A : i32
    %add3A = arith.addi %mul3A_0, %arg0 : i32
    %mul3A_1 = arith.constant 512 : i32
    %mul3A_2 = arith.muli %add3A, %mul3A_1 : i32
    "tpu.region"() ({
      %run_scoped3A = tpu.sem_alloc : memref<!tpu.dma_semaphore, #tpu.memory_space<semaphore_mem>>
      %dma_start3A = tpu.memref_slice %arg2[%mul3A_2] : memref<16384xi32, #tpu.memory_space<hbm>> -> memref<512xi32, #tpu.memory_space<hbm>>
      %dma_start3A_97 = tpu.memref_slice %arg2[%mul3A_2] : memref<16384xi32, #tpu.memory_space<hbm>> -> memref<512xi32, #tpu.memory_space<hbm>>
      tpu.enqueue_dma source(%dma_start3A_97 : memref<512xi32, #tpu.memory_space<hbm>>) target(%arg7 : memref<512xi32, #tpu.memory_space<vmem>>) target_semaphore(%run_scoped3A : memref<!tpu.dma_semaphore, #tpu.memory_space<semaphore_mem>>)
      %dma_wait3A_98 = tpu.memref_slice %arg2[%mul3A_2] : memref<16384xi32, #tpu.memory_space<hbm>> -> memref<512xi32, #tpu.memory_space<hbm>>
      %dma_wait3A_99 = tpu.memref_slice %arg2[%mul3A_2] : memref<16384xi32, #tpu.memory_space<hbm>> -> memref<512xi32, #tpu.memory_space<hbm>>
      tpu.wait_dma2 semaphore(%run_scoped3A : memref<!tpu.dma_semaphore, #tpu.memory_space<semaphore_mem>>) src(%dma_wait3A_99 : memref<512xi32, #tpu.memory_space<hbm>>) dst(%arg7 : memref<512xi32, #tpu.memory_space<vmem>>)
      tpu.yield
    }) : () -> ()
    "tpu.region"() ({
      %run_scoped3A = tpu.sem_alloc : memref<!tpu.dma_semaphore, #tpu.memory_space<semaphore_mem>>
      %dma_start3A = tpu.memref_slice %arg3[%mul3A_2] : memref<16384xi32, #tpu.memory_space<hbm>> -> memref<512xi32, #tpu.memory_space<hbm>>
      %dma_start3A_97 = tpu.memref_slice %arg3[%mul3A_2] : memref<16384xi32, #tpu.memory_space<hbm>> -> memref<512xi32, #tpu.memory_space<hbm>>
      tpu.enqueue_dma source(%dma_start3A_97 : memref<512xi32, #tpu.memory_space<hbm>>) target(%arg8 : memref<512xi32, #tpu.memory_space<vmem>>) target_semaphore(%run_scoped3A : memref<!tpu.dma_semaphore, #tpu.memory_space<semaphore_mem>>)
      %dma_wait3A_98 = tpu.memref_slice %arg3[%mul3A_2] : memref<16384xi32, #tpu.memory_space<hbm>> -> memref<512xi32, #tpu.memory_space<hbm>>
      %dma_wait3A_99 = tpu.memref_slice %arg3[%mul3A_2] : memref<16384xi32, #tpu.memory_space<hbm>> -> memref<512xi32, #tpu.memory_space<hbm>>
      tpu.wait_dma2 semaphore(%run_scoped3A : memref<!tpu.dma_semaphore, #tpu.memory_space<semaphore_mem>>) src(%dma_wait3A_99 : memref<512xi32, #tpu.memory_space<hbm>>) dst(%arg8 : memref<512xi32, #tpu.memory_space<vmem>>)
      tpu.yield
    }) : () -> ()
    %scan3A = arith.constant 0 : i32
    %scan3A_3 = arith.constant 8 : i32
    %scan3A_4 = arith.addi %scan3A, %scan3A_3 : i32
    %scan3A_5 = arith.constant 1 : i32
    scf.for %scan3A_97 = %scan3A to %scan3A_4 step %scan3A_5  : i32 {
      %mul3A_98 = arith.constant 16 : i32
      %mul3A_99 = arith.muli %scan3A_97, %mul3A_98 : i32
      %add3A_100 = arith.constant 0 : i32
      %add3A_101 = arith.addi %add3A_100, %mul3A_99 : i32
      %get3A = arith.index_cast %add3A_101 : i32 to index
      %get3A_102 = tpu.vector_load %arg7[%get3A] {strides = array<i32>} : memref<512xi32, #tpu.memory_space<vmem>>, vector<16xi32>,
      %get3A_103 = vector.shape_cast %get3A_102 : vector<16xi32> to vector<16xi32>
      %mul3A_104 = arith.constant 16 : i32
      %mul3A_105 = arith.muli %scan3A_97, %mul3A_104 : i32
      %add3A_106 = arith.constant 0 : i32
      %add3A_107 = arith.addi %add3A_106, %mul3A_105 : i32
      %get3A_108 = arith.index_cast %add3A_107 : i32 to index
      %get3A_109 = tpu.vector_load %arg8[%get3A_108] {strides = array<i32>} : memref<512xi32, #tpu.memory_space<vmem>>, vector<16xi32>,
      %get3A_110 = vector.shape_cast %get3A_109 : vector<16xi32> to vector<16xi32>
      %mul3A_111 = arith.constant 16 : i32
      %mul3A_112 = arith.muli %scan3A_97, %mul3A_111 : i32
      %add3A_113 = arith.constant 0 : i32
      %add3A_114 = arith.addi %mul3A_112, %add3A_113 : i32
      %slice3A = vector.extract_strided_slice %get3A_103 {offsets = [0], sizes = [1], strides = [1]} : vector<16xi32> to vector<1xi32>
      %squeeze3A = vector.extract %slice3A[0] : i32 from vector<1xi32>
      %dma_start3A = arith.constant 0 : i32
      %dma_start3A_115 = tpu.memref_slice %arg9[%add3A_114, %dma_start3A] : memref<128x64xf32, #tpu.memory_space<vmem>> -> memref<1x64xf32, #tpu.memory_space<vmem>>
      %dma_start3A_116 = arith.constant 0 : i32
      %dma_start3A_117 = tpu.memref_slice %arg4[%squeeze3A, %dma_start3A_116] : memref<1000000x64xf32, #tpu.memory_space<hbm>> -> memref<1x64xf32, #tpu.memory_space<hbm>>
      %dma_start3A_118 = arith.constant 0 : i32
      %dma_start3A_119 = tpu.memref_slice %arg9[%add3A_114, %dma_start3A_118] : memref<128x64xf32, #tpu.memory_space<vmem>> -> memref<1x64xf32, #tpu.memory_space<vmem>>
      %dma_start3A_120 = arith.constant 0 : i32
      %dma_start3A_121 = tpu.memref_slice %arg4[%squeeze3A, %dma_start3A_120] : memref<1000000x64xf32, #tpu.memory_space<hbm>> -> memref<1x64xf32, #tpu.memory_space<hbm>>
      tpu.enqueue_dma source(%dma_start3A_121 : memref<1x64xf32, #tpu.memory_space<hbm>>) target(%dma_start3A_119 : memref<1x64xf32, #tpu.memory_space<vmem>>) target_semaphore(%arg14 : memref<!tpu.dma_semaphore, #tpu.memory_space<semaphore_mem>>)
      %slice3A_122 = vector.extract_strided_slice %get3A_110 {offsets = [0], sizes = [1], strides = [1]} : vector<16xi32> to vector<1xi32>
      %squeeze3A_123 = vector.extract %slice3A_122[0] : i32 from vector<1xi32>
      %dma_start3A_124 = arith.constant 0 : i32
      %dma_start3A_125 = tpu.memref_slice %arg10[%add3A_114, %dma_start3A_124] : memref<128x64xf32, #tpu.memory_space<vmem>> -> memref<1x64xf32, #tpu.memory_space<vmem>>
      %dma_start3A_126 = arith.constant 0 : i32
      %dma_start3A_127 = tpu.memref_slice %arg5[%squeeze3A_123, %dma_start3A_126] : memref<1000000x64xf32, #tpu.memory_space<hbm>> -> memref<1x64xf32, #tpu.memory_space<hbm>>
      %dma_start3A_128 = arith.constant 0 : i32
      %dma_start3A_129 = tpu.memref_slice %arg10[%add3A_114, %dma_start3A_128] : memref<128x64xf32, #tpu.memory_space<vmem>> -> memref<1x64xf32, #tpu.memory_space<vmem>>
      %dma_start3A_130 = arith.constant 0 : i32
      %dma_start3A_131 = tpu.memref_slice %arg5[%squeeze3A_123, %dma_start3A_130] : memref<1000000x64xf32, #tpu.memory_space<hbm>> -> memref<1x64xf32, #tpu.memory_space<hbm>>
      tpu.enqueue_dma source(%dma_start3A_131 : memref<1x64xf32, #tpu.memory_space<hbm>>) target(%dma_start3A_129 : memref<1x64xf32, #tpu.memory_space<vmem>>) target_semaphore(%arg14 : memref<!tpu.dma_semaphore, #tpu.memory_space<semaphore_mem>>)
      %mul3A_132 = arith.constant 16 : i32
      %mul3A_133 = arith.muli %scan3A_97, %mul3A_132 : i32
      %add3A_134 = arith.constant 1 : i32
      %add3A_135 = arith.addi %mul3A_133, %add3A_134 : i32
      %slice3A_136 = vector.extract_strided_slice %get3A_103 {offsets = [1], sizes = [1], strides = [1]} : vector<16xi32> to vector<1xi32>
      %squeeze3A_137 = vector.extract %slice3A_136[0] : i32 from vector<1xi32>
      %dma_start3A_138 = arith.constant 0 : i32
      %dma_start3A_139 = tpu.memref_slice %arg9[%add3A_135, %dma_start3A_138] : memref<128x64xf32, #tpu.memory_space<vmem>> -> memref<1x64xf32, #tpu.memory_space<vmem>>
      %dma_start3A_140 = arith.constant 0 : i32
      %dma_start3A_141 = tpu.memref_slice %arg4[%squeeze3A_137, %dma_start3A_140] : memref<1000000x64xf32, #tpu.memory_space<hbm>> -> memref<1x64xf32, #tpu.memory_space<hbm>>
      %dma_start3A_142 = arith.constant 0 : i32
      %dma_start3A_143 = tpu.memref_slice %arg9[%add3A_135, %dma_start3A_142] : memref<128x64xf32, #tpu.memory_space<vmem>> -> memref<1x64xf32, #tpu.memory_space<vmem>>
      %dma_start3A_144 = arith.constant 0 : i32
      %dma_start3A_145 = tpu.memref_slice %arg4[%squeeze3A_137, %dma_start3A_144] : memref<1000000x64xf32, #tpu.memory_space<hbm>> -> memref<1x64xf32, #tpu.memory_space<hbm>>
      tpu.enqueue_dma source(%dma_start3A_145 : memref<1x64xf32, #tpu.memory_space<hbm>>) target(%dma_start3A_143 : memref<1x64xf32, #tpu.memory_space<vmem>>) target_semaphore(%arg14 : memref<!tpu.dma_semaphore, #tpu.memory_space<semaphore_mem>>)
      %slice3A_146 = vector.extract_strided_slice %get3A_110 {offsets = [1], sizes = [1], strides = [1]} : vector<16xi32> to vector<1xi32>
      %squeeze3A_147 = vector.extract %slice3A_146[0] : i32 from vector<1xi32>
      %dma_start3A_148 = arith.constant 0 : i32
      %dma_start3A_149 = tpu.memref_slice %arg10[%add3A_135, %dma_start3A_148] : memref<128x64xf32, #tpu.memory_space<vmem>> -> memref<1x64xf32, #tpu.memory_space<vmem>>
      %dma_start3A_150 = arith.constant 0 : i32
      %dma_start3A_151 = tpu.memref_slice %arg5[%squeeze3A_147, %dma_start3A_150] : memref<1000000x64xf32, #tpu.memory_space<hbm>> -> memref<1x64xf32, #tpu.memory_space<hbm>>
      %dma_start3A_152 = arith.constant 0 : i32
      %dma_start3A_153 = tpu.memref_slice %arg10[%add3A_135, %dma_start3A_152] : memref<128x64xf32, #tpu.memory_space<vmem>> -> memref<1x64xf32, #tpu.memory_space<vmem>>
      %dma_start3A_154 = arith.constant 0 : i32
      %dma_start3A_155 = tpu.memref_slice %arg5[%squeeze3A_147, %dma_start3A_154] : memref<1000000x64xf32, #tpu.memory_space<hbm>> -> memref<1x64xf32, #tpu.memory_space<hbm>>
      tpu.enqueue_dma source(%dma_start3A_155 : memref<1x64xf32, #tpu.memory_space<hbm>>) target(%dma_start3A_153 : memref<1x64xf32, #tpu.memory_space<vmem>>) target_semaphore(%arg14 : memref<!tpu.dma_semaphore, #tpu.memory_space<semaphore_mem>>)
      %mul3A_156 = arith.constant 16 : i32
      %mul3A_157 = arith.muli %scan3A_97, %mul3A_156 : i32
      %add3A_158 = arith.constant 2 : i32
      %add3A_159 = arith.addi %mul3A_157, %add3A_158 : i32
      %slice3A_160 = vector.extract_strided_slice %get3A_103 {offsets = [2], sizes = [1], strides = [1]} : vector<16xi32> to vector<1xi32>
      %squeeze3A_161 = vector.extract %slice3A_160[0] : i32 from vector<1xi32>
      %dma_start3A_162 = arith.constant 0 : i32
      %dma_start3A_163 = tpu.memref_slice %arg9[%add3A_159, %dma_start3A_162] : memref<128x64xf32, #tpu.memory_space<vmem>> -> memref<1x64xf32, #tpu.memory_space<vmem>>
      %dma_start3A_164 = arith.constant 0 : i32
      %dma_start3A_165 = tpu.memref_slice %arg4[%squeeze3A_161, %dma_start3A_164] : memref<1000000x64xf32, #tpu.memory_space<hbm>> -> memref<1x64xf32, #tpu.memory_space<hbm>>
      %dma_start3A_166 = arith.constant 0 : i32
      %dma_start3A_167 = tpu.memref_slice %arg9[%add3A_159, %dma_start3A_166] : memref<128x64xf32, #tpu.memory_space<vmem>> -> memref<1x64xf32, #tpu.memory_space<vmem>>
      %dma_start3A_168 = arith.constant 0 : i32
      %dma_start3A_169 = tpu.memref_slice %arg4[%squeeze3A_161, %dma_start3A_168] : memref<1000000x64xf32, #tpu.memory_space<hbm>> -> memref<1x64xf32, #tpu.memory_space<hbm>>
      tpu.enqueue_dma source(%dma_start3A_169 : memref<1x64xf32, #tpu.memory_space<hbm>>) target(%dma_start3A_167 : memref<1x64xf32, #tpu.memory_space<vmem>>) target_semaphore(%arg14 : memref<!tpu.dma_semaphore, #tpu.memory_space<semaphore_mem>>)
      %slice3A_170 = vector.extract_strided_slice %get3A_110 {offsets = [2], sizes = [1], strides = [1]} : vector<16xi32> to vector<1xi32>
      %squeeze3A_171 = vector.extract %slice3A_170[0] : i32 from vector<1xi32>
      %dma_start3A_172 = arith.constant 0 : i32
      %dma_start3A_173 = tpu.memref_slice %arg10[%add3A_159, %dma_start3A_172] : memref<128x64xf32, #tpu.memory_space<vmem>> -> memref<1x64xf32, #tpu.memory_space<vmem>>
      %dma_start3A_174 = arith.constant 0 : i32
      %dma_start3A_175 = tpu.memref_slice %arg5[%squeeze3A_171, %dma_start3A_174] : memref<1000000x64xf32, #tpu.memory_space<hbm>> -> memref<1x64xf32, #tpu.memory_space<hbm>>
      %dma_start3A_176 = arith.constant 0 : i32
      %dma_start3A_177 = tpu.memref_slice %arg10[%add3A_159, %dma_start3A_176] : memref<128x64xf32, #tpu.memory_space<vmem>> -> memref<1x64xf32, #tpu.memory_space<vmem>>
      %dma_start3A_178 = arith.constant 0 : i32
      %dma_start3A_179 = tpu.memref_slice %arg5[%squeeze3A_171, %dma_start3A_178] : memref<1000000x64xf32, #tpu.memory_space<hbm>> -> memref<1x64xf32, #tpu.memory_space<hbm>>
      tpu.enqueue_dma source(%dma_start3A_179 : memref<1x64xf32, #tpu.memory_space<hbm>>) target(%dma_start3A_177 : memref<1x64xf32, #tpu.memory_space<vmem>>) target_semaphore(%arg14 : memref<!tpu.dma_semaphore, #tpu.memory_space<semaphore_mem>>)
      %mul3A_180 = arith.constant 16 : i32
      %mul3A_181 = arith.muli %scan3A_97, %mul3A_180 : i32
      %add3A_182 = arith.constant 3 : i32
      %add3A_183 = arith.addi %mul3A_181, %add3A_182 : i32
      %slice3A_184 = vector.extract_strided_slice %get3A_103 {offsets = [3], sizes = [1], strides = [1]} : vector<16xi32> to vector<1xi32>
      %squeeze3A_185 = vector.extract %slice3A_184[0] : i32 from vector<1xi32>
      %dma_start3A_186 = arith.constant 0 : i32
      %dma_start3A_187 = tpu.memref_slice %arg9[%add3A_183, %dma_start3A_186] : memref<128x64xf32, #tpu.memory_space<vmem>> -> memref<1x64xf32, #tpu.memory_space<vmem>>
      %dma_start3A_188 = arith.constant 0 : i32
      %dma_start3A_189 = tpu.memref_slice %arg4[%squeeze3A_185, %dma_start3A_188] : memref<1000000x64xf32, #tpu.memory_space<hbm>> -> memref<1x64xf32, #tpu.memory_space<hbm>>
      %dma_start3A_190 = arith.constant 0 : i32
      %dma_start3A_191 = tpu.memref_slice %arg9[%add3A_183, %dma_start3A_190] : memref<128x64xf32, #tpu.memory_space<vmem>> -> memref<1x64xf32, #tpu.memory_space<vmem>>
      %dma_start3A_192 = arith.constant 0 : i32
      %dma_start3A_193 = tpu.memref_slice %arg4[%squeeze3A_185, %dma_start3A_192] : memref<1000000x64xf32, #tpu.memory_space<hbm>> -> memref<1x64xf32, #tpu.memory_space<hbm>>
      tpu.enqueue_dma source(%dma_start3A_193 : memref<1x64xf32, #tpu.memory_space<hbm>>) target(%dma_start3A_191 : memref<1x64xf32, #tpu.memory_space<vmem>>) target_semaphore(%arg14 : memref<!tpu.dma_semaphore, #tpu.memory_space<semaphore_mem>>)
      %slice3A_194 = vector.extract_strided_slice %get3A_110 {offsets = [3], sizes = [1], strides = [1]} : vector<16xi32> to vector<1xi32>
      %squeeze3A_195 = vector.extract %slice3A_194[0] : i32 from vector<1xi32>
      %dma_start3A_196 = arith.constant 0 : i32
      %dma_start3A_197 = tpu.memref_slice %arg10[%add3A_183, %dma_start3A_196] : memref<128x64xf32, #tpu.memory_space<vmem>> -> memref<1x64xf32, #tpu.memory_space<vmem>>
      %dma_start3A_198 = arith.constant 0 : i32
      %dma_start3A_199 = tpu.memref_slice %arg5[%squeeze3A_195, %dma_start3A_198] : memref<1000000x64xf32, #tpu.memory_space<hbm>> -> memref<1x64xf32, #tpu.memory_space<hbm>>
      %dma_start3A_200 = arith.constant 0 : i32
      %dma_start3A_201 = tpu.memref_slice %arg10[%add3A_183, %dma_start3A_200] : memref<128x64xf32, #tpu.memory_space<vmem>> -> memref<1x64xf32, #tpu.memory_space<vmem>>
      %dma_start3A_202 = arith.constant 0 : i32
      %dma_start3A_203 = tpu.memref_slice %arg5[%squeeze3A_195, %dma_start3A_202] : memref<1000000x64xf32, #tpu.memory_space<hbm>> -> memref<1x64xf32, #tpu.memory_space<hbm>>
      tpu.enqueue_dma source(%dma_start3A_203 : memref<1x64xf32, #tpu.memory_space<hbm>>) target(%dma_start3A_201 : memref<1x64xf32, #tpu.memory_space<vmem>>) target_semaphore(%arg14 : memref<!tpu.dma_semaphore, #tpu.memory_space<semaphore_mem>>)
      %mul3A_204 = arith.constant 16 : i32
      %mul3A_205 = arith.muli %scan3A_97, %mul3A_204 : i32
      %add3A_206 = arith.constant 4 : i32
      %add3A_207 = arith.addi %mul3A_205, %add3A_206 : i32
      %slice3A_208 = vector.extract_strided_slice %get3A_103 {offsets = [4], sizes = [1], strides = [1]} : vector<16xi32> to vector<1xi32>
      %squeeze3A_209 = vector.extract %slice3A_208[0] : i32 from vector<1xi32>
      %dma_start3A_210 = arith.constant 0 : i32
      %dma_start3A_211 = tpu.memref_slice %arg9[%add3A_207, %dma_start3A_210] : memref<128x64xf32, #tpu.memory_space<vmem>> -> memref<1x64xf32, #tpu.memory_space<vmem>>
      %dma_start3A_212 = arith.constant 0 : i32
      %dma_start3A_213 = tpu.memref_slice %arg4[%squeeze3A_209, %dma_start3A_212] : memref<1000000x64xf32, #tpu.memory_space<hbm>> -> memref<1x64xf32, #tpu.memory_space<hbm>>
      %dma_start3A_214 = arith.constant 0 : i32
      %dma_start3A_215 = tpu.memref_slice %arg9[%add3A_207, %dma_start3A_214] : memref<128x64xf32, #tpu.memory_space<vmem>> -> memref<1x64xf32, #tpu.memory_space<vmem>>
      %dma_start3A_216 = arith.constant 0 : i32
      %dma_start3A_217 = tpu.memref_slice %arg4[%squeeze3A_209, %dma_start3A_216] : memref<1000000x64xf32, #tpu.memory_space<hbm>> -> memref<1x64xf32, #tpu.memory_space<hbm>>
      tpu.enqueue_dma source(%dma_start3A_217 : memref<1x64xf32, #tpu.memory_space<hbm>>) target(%dma_start3A_215 : memref<1x64xf32, #tpu.memory_space<vmem>>) target_semaphore(%arg14 : memref<!tpu.dma_semaphore, #tpu.memory_space<semaphore_mem>>)
      %slice3A_218 = vector.extract_strided_slice %get3A_110 {offsets = [4], sizes = [1], strides = [1]} : vector<16xi32> to vector<1xi32>
      %squeeze3A_219 = vector.extract %slice3A_218[0] : i32 from vector<1xi32>
      %dma_start3A_220 = arith.constant 0 : i32
      %dma_start3A_221 = tpu.memref_slice %arg10[%add3A_207, %dma_start3A_220] : memref<128x64xf32, #tpu.memory_space<vmem>> -> memref<1x64xf32, #tpu.memory_space<vmem>>
      %dma_start3A_222 = arith.constant 0 : i32
      %dma_start3A_223 = tpu.memref_slice %arg5[%squeeze3A_219, %dma_start3A_222] : memref<1000000x64xf32, #tpu.memory_space<hbm>> -> memref<1x64xf32, #tpu.memory_space<hbm>>
      %dma_start3A_224 = arith.constant 0 : i32
      %dma_start3A_225 = tpu.memref_slice %arg10[%add3A_207, %dma_start3A_224] : memref<128x64xf32, #tpu.memory_space<vmem>> -> memref<1x64xf32, #tpu.memory_space<vmem>>
      %dma_start3A_226 = arith.constant 0 : i32
      %dma_start3A_227 = tpu.memref_slice %arg5[%squeeze3A_219, %dma_start3A_226] : memref<1000000x64xf32, #tpu.memory_space<hbm>> -> memref<1x64xf32, #tpu.memory_space<hbm>>
      tpu.enqueue_dma source(%dma_start3A_227 : memref<1x64xf32, #tpu.memory_space<hbm>>) target(%dma_start3A_225 : memref<1x64xf32, #tpu.memory_space<vmem>>) target_semaphore(%arg14 : memref<!tpu.dma_semaphore, #tpu.memory_space<semaphore_mem>>)
      %mul3A_228 = arith.constant 16 : i32
      %mul3A_229 = arith.muli %scan3A_97, %mul3A_228 : i32
      %add3A_230 = arith.constant 5 : i32
      %add3A_231 = arith.addi %mul3A_229, %add3A_230 : i32
      %slice3A_232 = vector.extract_strided_slice %get3A_103 {offsets = [5], sizes = [1], strides = [1]} : vector<16xi32> to vector<1xi32>
      %squeeze3A_233 = vector.extract %slice3A_232[0] : i32 from vector<1xi32>
      %dma_start3A_234 = arith.constant 0 : i32
      %dma_start3A_235 = tpu.memref_slice %arg9[%add3A_231, %dma_start3A_234] : memref<128x64xf32, #tpu.memory_space<vmem>> -> memref<1x64xf32, #tpu.memory_space<vmem>>
      %dma_start3A_236 = arith.constant 0 : i32
      %dma_start3A_237 = tpu.memref_slice %arg4[%squeeze3A_233, %dma_start3A_236] : memref<1000000x64xf32, #tpu.memory_space<hbm>> -> memref<1x64xf32, #tpu.memory_space<hbm>>
      %dma_start3A_238 = arith.constant 0 : i32
      %dma_start3A_239 = tpu.memref_slice %arg9[%add3A_231, %dma_start3A_238] : memref<128x64xf32, #tpu.memory_space<vmem>> -> memref<1x64xf32, #tpu.memory_space<vmem>>
      %dma_start3A_240 = arith.constant 0 : i32
      %dma_start3A_241 = tpu.memref_slice %arg4[%squeeze3A_233, %dma_start3A_240] : memref<1000000x64xf32, #tpu.memory_space<hbm>> -> memref<1x64xf32, #tpu.memory_space<hbm>>
      tpu.enqueue_dma source(%dma_start3A_241 : memref<1x64xf32, #tpu.memory_space<hbm>>) target(%dma_start3A_239 : memref<1x64xf32, #tpu.memory_space<vmem>>) target_semaphore(%arg14 : memref<!tpu.dma_semaphore, #tpu.memory_space<semaphore_mem>>)
      %slice3A_242 = vector.extract_strided_slice %get3A_110 {offsets = [5], sizes = [1], strides = [1]} : vector<16xi32> to vector<1xi32>
      %squeeze3A_243 = vector.extract %slice3A_242[0] : i32 from vector<1xi32>
      %dma_start3A_244 = arith.constant 0 : i32
      %dma_start3A_245 = tpu.memref_slice %arg10[%add3A_231, %dma_start3A_244] : memref<128x64xf32, #tpu.memory_space<vmem>> -> memref<1x64xf32, #tpu.memory_space<vmem>>
      %dma_start3A_246 = arith.constant 0 : i32
      %dma_start3A_247 = tpu.memref_slice %arg5[%squeeze3A_243, %dma_start3A_246] : memref<1000000x64xf32, #tpu.memory_space<hbm>> -> memref<1x64xf32, #tpu.memory_space<hbm>>
      %dma_start3A_248 = arith.constant 0 : i32
      %dma_start3A_249 = tpu.memref_slice %arg10[%add3A_231, %dma_start3A_248] : memref<128x64xf32, #tpu.memory_space<vmem>> -> memref<1x64xf32, #tpu.memory_space<vmem>>
      %dma_start3A_250 = arith.constant 0 : i32
      %dma_start3A_251 = tpu.memref_slice %arg5[%squeeze3A_243, %dma_start3A_250] : memref<1000000x64xf32, #tpu.memory_space<hbm>> -> memref<1x64xf32, #tpu.memory_space<hbm>>
      tpu.enqueue_dma source(%dma_start3A_251 : memref<1x64xf32, #tpu.memory_space<hbm>>) target(%dma_start3A_249 : memref<1x64xf32, #tpu.memory_space<vmem>>) target_semaphore(%arg14 : memref<!tpu.dma_semaphore, #tpu.memory_space<semaphore_mem>>)
      %mul3A_252 = arith.constant 16 : i32
      %mul3A_253 = arith.muli %scan3A_97, %mul3A_252 : i32
      %add3A_254 = arith.constant 6 : i32
      %add3A_255 = arith.addi %mul3A_253, %add3A_254 : i32
      %slice3A_256 = vector.extract_strided_slice %get3A_103 {offsets = [6], sizes = [1], strides = [1]} : vector<16xi32> to vector<1xi32>
      %squeeze3A_257 = vector.extract %slice3A_256[0] : i32 from vector<1xi32>
      %dma_start3A_258 = arith.constant 0 : i32
      %dma_start3A_259 = tpu.memref_slice %arg9[%add3A_255, %dma_start3A_258] : memref<128x64xf32, #tpu.memory_space<vmem>> -> memref<1x64xf32, #tpu.memory_space<vmem>>
      %dma_start3A_260 = arith.constant 0 : i32
      %dma_start3A_261 = tpu.memref_slice %arg4[%squeeze3A_257, %dma_start3A_260] : memref<1000000x64xf32, #tpu.memory_space<hbm>> -> memref<1x64xf32, #tpu.memory_space<hbm>>
      %dma_start3A_262 = arith.constant 0 : i32
      %dma_start3A_263 = tpu.memref_slice %arg9[%add3A_255, %dma_start3A_262] : memref<128x64xf32, #tpu.memory_space<vmem>> -> memref<1x64xf32, #tpu.memory_space<vmem>>
      %dma_start3A_264 = arith.constant 0 : i32
      %dma_start3A_265 = tpu.memref_slice %arg4[%squeeze3A_257, %dma_start3A_264] : memref<1000000x64xf32, #tpu.memory_space<hbm>> -> memref<1x64xf32, #tpu.memory_space<hbm>>
      tpu.enqueue_dma source(%dma_start3A_265 : memref<1x64xf32, #tpu.memory_space<hbm>>) target(%dma_start3A_263 : memref<1x64xf32, #tpu.memory_space<vmem>>) target_semaphore(%arg14 : memref<!tpu.dma_semaphore, #tpu.memory_space<semaphore_mem>>)
      %slice3A_266 = vector.extract_strided_slice %get3A_110 {offsets = [6], sizes = [1], strides = [1]} : vector<16xi32> to vector<1xi32>
      %squeeze3A_267 = vector.extract %slice3A_266[0] : i32 from vector<1xi32>
      %dma_start3A_268 = arith.constant 0 : i32
      %dma_start3A_269 = tpu.memref_slice %arg10[%add3A_255, %dma_start3A_268] : memref<128x64xf32, #tpu.memory_space<vmem>> -> memref<1x64xf32, #tpu.memory_space<vmem>>
      %dma_start3A_270 = arith.constant 0 : i32
      %dma_start3A_271 = tpu.memref_slice %arg5[%squeeze3A_267, %dma_start3A_270] : memref<1000000x64xf32, #tpu.memory_space<hbm>> -> memref<1x64xf32, #tpu.memory_space<hbm>>
      %dma_start3A_272 = arith.constant 0 : i32
      %dma_start3A_273 = tpu.memref_slice %arg10[%add3A_255, %dma_start3A_272] : memref<128x64xf32, #tpu.memory_space<vmem>> -> memref<1x64xf32, #tpu.memory_space<vmem>>
      %dma_start3A_274 = arith.constant 0 : i32
      %dma_start3A_275 = tpu.memref_slice %arg5[%squeeze3A_267, %dma_start3A_274] : memref<1000000x64xf32, #tpu.memory_space<hbm>> -> memref<1x64xf32, #tpu.memory_space<hbm>>
      tpu.enqueue_dma source(%dma_start3A_275 : memref<1x64xf32, #tpu.memory_space<hbm>>) target(%dma_start3A_273 : memref<1x64xf32, #tpu.memory_space<vmem>>) target_semaphore(%arg14 : memref<!tpu.dma_semaphore, #tpu.memory_space<semaphore_mem>>)
      %mul3A_276 = arith.constant 16 : i32
      %mul3A_277 = arith.muli %scan3A_97, %mul3A_276 : i32
      %add3A_278 = arith.constant 7 : i32
      %add3A_279 = arith.addi %mul3A_277, %add3A_278 : i32
      %slice3A_280 = vector.extract_strided_slice %get3A_103 {offsets = [7], sizes = [1], strides = [1]} : vector<16xi32> to vector<1xi32>
      %squeeze3A_281 = vector.extract %slice3A_280[0] : i32 from vector<1xi32>
      %dma_start3A_282 = arith.constant 0 : i32
      %dma_start3A_283 = tpu.memref_slice %arg9[%add3A_279, %dma_start3A_282] : memref<128x64xf32, #tpu.memory_space<vmem>> -> memref<1x64xf32, #tpu.memory_space<vmem>>
      %dma_start3A_284 = arith.constant 0 : i32
      %dma_start3A_285 = tpu.memref_slice %arg4[%squeeze3A_281, %dma_start3A_284] : memref<1000000x64xf32, #tpu.memory_space<hbm>> -> memref<1x64xf32, #tpu.memory_space<hbm>>
      %dma_start3A_286 = arith.constant 0 : i32
      %dma_start3A_287 = tpu.memref_slice %arg9[%add3A_279, %dma_start3A_286] : memref<128x64xf32, #tpu.memory_space<vmem>> -> memref<1x64xf32, #tpu.memory_space<vmem>>
      %dma_start3A_288 = arith.constant 0 : i32
      %dma_start3A_289 = tpu.memref_slice %arg4[%squeeze3A_281, %dma_start3A_288] : memref<1000000x64xf32, #tpu.memory_space<hbm>> -> memref<1x64xf32, #tpu.memory_space<hbm>>
      tpu.enqueue_dma source(%dma_start3A_289 : memref<1x64xf32, #tpu.memory_space<hbm>>) target(%dma_start3A_287 : memref<1x64xf32, #tpu.memory_space<vmem>>) target_semaphore(%arg14 : memref<!tpu.dma_semaphore, #tpu.memory_space<semaphore_mem>>)
      %slice3A_290 = vector.extract_strided_slice %get3A_110 {offsets = [7], sizes = [1], strides = [1]} : vector<16xi32> to vector<1xi32>
      %squeeze3A_291 = vector.extract %slice3A_290[0] : i32 from vector<1xi32>
      %dma_start3A_292 = arith.constant 0 : i32
      %dma_start3A_293 = tpu.memref_slice %arg10[%add3A_279, %dma_start3A_292] : memref<128x64xf32, #tpu.memory_space<vmem>> -> memref<1x64xf32, #tpu.memory_space<vmem>>
      %dma_start3A_294 = arith.constant 0 : i32
      %dma_start3A_295 = tpu.memref_slice %arg5[%squeeze3A_291, %dma_start3A_294] : memref<1000000x64xf32, #tpu.memory_space<hbm>> -> memref<1x64xf32, #tpu.memory_space<hbm>>
      %dma_start3A_296 = arith.constant 0 : i32
      %dma_start3A_297 = tpu.memref_slice %arg10[%add3A_279, %dma_start3A_296] : memref<128x64xf32, #tpu.memory_space<vmem>> -> memref<1x64xf32, #tpu.memory_space<vmem>>
      %dma_start3A_298 = arith.constant 0 : i32
      %dma_start3A_299 = tpu.memref_slice %arg5[%squeeze3A_291, %dma_start3A_298] : memref<1000000x64xf32, #tpu.memory_space<hbm>> -> memref<1x64xf32, #tpu.memory_space<hbm>>
      tpu.enqueue_dma source(%dma_start3A_299 : memref<1x64xf32, #tpu.memory_space<hbm>>) target(%dma_start3A_297 : memref<1x64xf32, #tpu.memory_space<vmem>>) target_semaphore(%arg14 : memref<!tpu.dma_semaphore, #tpu.memory_space<semaphore_mem>>)
      %mul3A_300 = arith.constant 16 : i32
      %mul3A_301 = arith.muli %scan3A_97, %mul3A_300 : i32
      %add3A_302 = arith.constant 8 : i32
      %add3A_303 = arith.addi %mul3A_301, %add3A_302 : i32
      %slice3A_304 = vector.extract_strided_slice %get3A_103 {offsets = [8], sizes = [1], strides = [1]} : vector<16xi32> to vector<1xi32>
      %squeeze3A_305 = vector.extract %slice3A_304[0] : i32 from vector<1xi32>
      %dma_start3A_306 = arith.constant 0 : i32
      %dma_start3A_307 = tpu.memref_slice %arg9[%add3A_303, %dma_start3A_306] : memref<128x64xf32, #tpu.memory_space<vmem>> -> memref<1x64xf32, #tpu.memory_space<vmem>>
      %dma_start3A_308 = arith.constant 0 : i32
      %dma_start3A_309 = tpu.memref_slice %arg4[%squeeze3A_305, %dma_start3A_308] : memref<1000000x64xf32, #tpu.memory_space<hbm>> -> memref<1x64xf32, #tpu.memory_space<hbm>>
      %dma_start3A_310 = arith.constant 0 : i32
      %dma_start3A_311 = tpu.memref_slice %arg9[%add3A_303, %dma_start3A_310] : memref<128x64xf32, #tpu.memory_space<vmem>> -> memref<1x64xf32, #tpu.memory_space<vmem>>
      %dma_start3A_312 = arith.constant 0 : i32
      %dma_start3A_313 = tpu.memref_slice %arg4[%squeeze3A_305, %dma_start3A_312] : memref<1000000x64xf32, #tpu.memory_space<hbm>> -> memref<1x64xf32, #tpu.memory_space<hbm>>
      tpu.enqueue_dma source(%dma_start3A_313 : memref<1x64xf32, #tpu.memory_space<hbm>>) target(%dma_start3A_311 : memref<1x64xf32, #tpu.memory_space<vmem>>) target_semaphore(%arg14 : memref<!tpu.dma_semaphore, #tpu.memory_space<semaphore_mem>>)
      %slice3A_314 = vector.extract_strided_slice %get3A_110 {offsets = [8], sizes = [1], strides = [1]} : vector<16xi32> to vector<1xi32>
      %squeeze3A_315 = vector.extract %slice3A_314[0] : i32 from vector<1xi32>
      %dma_start3A_316 = arith.constant 0 : i32
      %dma_start3A_317 = tpu.memref_slice %arg10[%add3A_303, %dma_start3A_316] : memref<128x64xf32, #tpu.memory_space<vmem>> -> memref<1x64xf32, #tpu.memory_space<vmem>>
      %dma_start3A_318 = arith.constant 0 : i32
      %dma_start3A_319 = tpu.memref_slice %arg5[%squeeze3A_315, %dma_start3A_318] : memref<1000000x64xf32, #tpu.memory_space<hbm>> -> memref<1x64xf32, #tpu.memory_space<hbm>>
      %dma_start3A_320 = arith.constant 0 : i32
      %dma_start3A_321 = tpu.memref_slice %arg10[%add3A_303, %dma_start3A_320] : memref<128x64xf32, #tpu.memory_space<vmem>> -> memref<1x64xf32, #tpu.memory_space<vmem>>
      %dma_start3A_322 = arith.constant 0 : i32
      %dma_start3A_323 = tpu.memref_slice %arg5[%squeeze3A_315, %dma_start3A_322] : memref<1000000x64xf32, #tpu.memory_space<hbm>> -> memref<1x64xf32, #tpu.memory_space<hbm>>
      tpu.enqueue_dma source(%dma_start3A_323 : memref<1x64xf32, #tpu.memory_space<hbm>>) target(%dma_start3A_321 : memref<1x64xf32, #tpu.memory_space<vmem>>) target_semaphore(%arg14 : memref<!tpu.dma_semaphore, #tpu.memory_space<semaphore_mem>>)
      %mul3A_324 = arith.constant 16 : i32
      %mul3A_325 = arith.muli %scan3A_97, %mul3A_324 : i32
      %add3A_326 = arith.constant 9 : i32
      %add3A_327 = arith.addi %mul3A_325, %add3A_326 : i32
      %slice3A_328 = vector.extract_strided_slice %get3A_103 {offsets = [9], sizes = [1], strides = [1]} : vector<16xi32> to vector<1xi32>
      %squeeze3A_329 = vector.extract %slice3A_328[0] : i32 from vector<1xi32>
      %dma_start3A_330 = arith.constant 0 : i32
      %dma_start3A_331 = tpu.memref_slice %arg9[%add3A_327, %dma_start3A_330] : memref<128x64xf32, #tpu.memory_space<vmem>> -> memref<1x64xf32, #tpu.memory_space<vmem>>
      %dma_start3A_332 = arith.constant 0 : i32
      %dma_start3A_333 = tpu.memref_slice %arg4[%squeeze3A_329, %dma_start3A_332] : memref<1000000x64xf32, #tpu.memory_space<hbm>> -> memref<1x64xf32, #tpu.memory_space<hbm>>
      %dma_start3A_334 = arith.constant 0 : i32
      %dma_start3A_335 = tpu.memref_slice %arg9[%add3A_327, %dma_start3A_334] : memref<128x64xf32, #tpu.memory_space<vmem>> -> memref<1x64xf32, #tpu.memory_space<vmem>>
      %dma_start3A_336 = arith.constant 0 : i32
      %dma_start3A_337 = tpu.memref_slice %arg4[%squeeze3A_329, %dma_start3A_336] : memref<1000000x64xf32, #tpu.memory_space<hbm>> -> memref<1x64xf32, #tpu.memory_space<hbm>>
      tpu.enqueue_dma source(%dma_start3A_337 : memref<1x64xf32, #tpu.memory_space<hbm>>) target(%dma_start3A_335 : memref<1x64xf32, #tpu.memory_space<vmem>>) target_semaphore(%arg14 : memref<!tpu.dma_semaphore, #tpu.memory_space<semaphore_mem>>)
      %slice3A_338 = vector.extract_strided_slice %get3A_110 {offsets = [9], sizes = [1], strides = [1]} : vector<16xi32> to vector<1xi32>
      %squeeze3A_339 = vector.extract %slice3A_338[0] : i32 from vector<1xi32>
      %dma_start3A_340 = arith.constant 0 : i32
      %dma_start3A_341 = tpu.memref_slice %arg10[%add3A_327, %dma_start3A_340] : memref<128x64xf32, #tpu.memory_space<vmem>> -> memref<1x64xf32, #tpu.memory_space<vmem>>
      %dma_start3A_342 = arith.constant 0 : i32
      %dma_start3A_343 = tpu.memref_slice %arg5[%squeeze3A_339, %dma_start3A_342] : memref<1000000x64xf32, #tpu.memory_space<hbm>> -> memref<1x64xf32, #tpu.memory_space<hbm>>
      %dma_start3A_344 = arith.constant 0 : i32
      %dma_start3A_345 = tpu.memref_slice %arg10[%add3A_327, %dma_start3A_344] : memref<128x64xf32, #tpu.memory_space<vmem>> -> memref<1x64xf32, #tpu.memory_space<vmem>>
      %dma_start3A_346 = arith.constant 0 : i32
      %dma_start3A_347 = tpu.memref_slice %arg5[%squeeze3A_339, %dma_start3A_346] : memref<1000000x64xf32, #tpu.memory_space<hbm>> -> memref<1x64xf32, #tpu.memory_space<hbm>>
      tpu.enqueue_dma source(%dma_start3A_347 : memref<1x64xf32, #tpu.memory_space<hbm>>) target(%dma_start3A_345 : memref<1x64xf32, #tpu.memory_space<vmem>>) target_semaphore(%arg14 : memref<!tpu.dma_semaphore, #tpu.memory_space<semaphore_mem>>)
      %mul3A_348 = arith.constant 16 : i32
      %mul3A_349 = arith.muli %scan3A_97, %mul3A_348 : i32
      %add3A_350 = arith.constant 10 : i32
      %add3A_351 = arith.addi %mul3A_349, %add3A_350 : i32
      %slice3A_352 = vector.extract_strided_slice %get3A_103 {offsets = [10], sizes = [1], strides = [1]} : vector<16xi32> to vector<1xi32>
      %squeeze3A_353 = vector.extract %slice3A_352[0] : i32 from vector<1xi32>
      %dma_start3A_354 = arith.constant 0 : i32
      %dma_start3A_355 = tpu.memref_slice %arg9[%add3A_351, %dma_start3A_354] : memref<128x64xf32, #tpu.memory_space<vmem>> -> memref<1x64xf32, #tpu.memory_space<vmem>>
      %dma_start3A_356 = arith.constant 0 : i32
      %dma_start3A_357 = tpu.memref_slice %arg4[%squeeze3A_353, %dma_start3A_356] : memref<1000000x64xf32, #tpu.memory_space<hbm>> -> memref<1x64xf32, #tpu.memory_space<hbm>>
      %dma_start3A_358 = arith.constant 0 : i32
      %dma_start3A_359 = tpu.memref_slice %arg9[%add3A_351, %dma_start3A_358] : memref<128x64xf32, #tpu.memory_space<vmem>> -> memref<1x64xf32, #tpu.memory_space<vmem>>
      %dma_start3A_360 = arith.constant 0 : i32
      %dma_start3A_361 = tpu.memref_slice %arg4[%squeeze3A_353, %dma_start3A_360] : memref<1000000x64xf32, #tpu.memory_space<hbm>> -> memref<1x64xf32, #tpu.memory_space<hbm>>
      tpu.enqueue_dma source(%dma_start3A_361 : memref<1x64xf32, #tpu.memory_space<hbm>>) target(%dma_start3A_359 : memref<1x64xf32, #tpu.memory_space<vmem>>) target_semaphore(%arg14 : memref<!tpu.dma_semaphore, #tpu.memory_space<semaphore_mem>>)
      %slice3A_362 = vector.extract_strided_slice %get3A_110 {offsets = [10], sizes = [1], strides = [1]} : vector<16xi32> to vector<1xi32>
      %squeeze3A_363 = vector.extract %slice3A_362[0] : i32 from vector<1xi32>
      %dma_start3A_364 = arith.constant 0 : i32
      %dma_start3A_365 = tpu.memref_slice %arg10[%add3A_351, %dma_start3A_364] : memref<128x64xf32, #tpu.memory_space<vmem>> -> memref<1x64xf32, #tpu.memory_space<vmem>>
      %dma_start3A_366 = arith.constant 0 : i32
      %dma_start3A_367 = tpu.memref_slice %arg5[%squeeze3A_363, %dma_start3A_366] : memref<1000000x64xf32, #tpu.memory_space<hbm>> -> memref<1x64xf32, #tpu.memory_space<hbm>>
      %dma_start3A_368 = arith.constant 0 : i32
      %dma_start3A_369 = tpu.memref_slice %arg10[%add3A_351, %dma_start3A_368] : memref<128x64xf32, #tpu.memory_space<vmem>> -> memref<1x64xf32, #tpu.memory_space<vmem>>
      %dma_start3A_370 = arith.constant 0 : i32
      %dma_start3A_371 = tpu.memref_slice %arg5[%squeeze3A_363, %dma_start3A_370] : memref<1000000x64xf32, #tpu.memory_space<hbm>> -> memref<1x64xf32, #tpu.memory_space<hbm>>
      tpu.enqueue_dma source(%dma_start3A_371 : memref<1x64xf32, #tpu.memory_space<hbm>>) target(%dma_start3A_369 : memref<1x64xf32, #tpu.memory_space<vmem>>) target_semaphore(%arg14 : memref<!tpu.dma_semaphore, #tpu.memory_space<semaphore_mem>>)
      %mul3A_372 = arith.constant 16 : i32
      %mul3A_373 = arith.muli %scan3A_97, %mul3A_372 : i32
      %add3A_374 = arith.constant 11 : i32
      %add3A_375 = arith.addi %mul3A_373, %add3A_374 : i32
      %slice3A_376 = vector.extract_strided_slice %get3A_103 {offsets = [11], sizes = [1], strides = [1]} : vector<16xi32> to vector<1xi32>
      %squeeze3A_377 = vector.extract %slice3A_376[0] : i32 from vector<1xi32>
      %dma_start3A_378 = arith.constant 0 : i32
      %dma_start3A_379 = tpu.memref_slice %arg9[%add3A_375, %dma_start3A_378] : memref<128x64xf32, #tpu.memory_space<vmem>> -> memref<1x64xf32, #tpu.memory_space<vmem>>
      %dma_start3A_380 = arith.constant 0 : i32
      %dma_start3A_381 = tpu.memref_slice %arg4[%squeeze3A_377, %dma_start3A_380] : memref<1000000x64xf32, #tpu.memory_space<hbm>> -> memref<1x64xf32, #tpu.memory_space<hbm>>
      %dma_start3A_382 = arith.constant 0 : i32
      %dma_start3A_383 = tpu.memref_slice %arg9[%add3A_375, %dma_start3A_382] : memref<128x64xf32, #tpu.memory_space<vmem>> -> memref<1x64xf32, #tpu.memory_space<vmem>>
      %dma_start3A_384 = arith.constant 0 : i32
      %dma_start3A_385 = tpu.memref_slice %arg4[%squeeze3A_377, %dma_start3A_384] : memref<1000000x64xf32, #tpu.memory_space<hbm>> -> memref<1x64xf32, #tpu.memory_space<hbm>>
      tpu.enqueue_dma source(%dma_start3A_385 : memref<1x64xf32, #tpu.memory_space<hbm>>) target(%dma_start3A_383 : memref<1x64xf32, #tpu.memory_space<vmem>>) target_semaphore(%arg14 : memref<!tpu.dma_semaphore, #tpu.memory_space<semaphore_mem>>)
      %slice3A_386 = vector.extract_strided_slice %get3A_110 {offsets = [11], sizes = [1], strides = [1]} : vector<16xi32> to vector<1xi32>
      %squeeze3A_387 = vector.extract %slice3A_386[0] : i32 from vector<1xi32>
      %dma_start3A_388 = arith.constant 0 : i32
      %dma_start3A_389 = tpu.memref_slice %arg10[%add3A_375, %dma_start3A_388] : memref<128x64xf32, #tpu.memory_space<vmem>> -> memref<1x64xf32, #tpu.memory_space<vmem>>
      %dma_start3A_390 = arith.constant 0 : i32
      %dma_start3A_391 = tpu.memref_slice %arg5[%squeeze3A_387, %dma_start3A_390] : memref<1000000x64xf32, #tpu.memory_space<hbm>> -> memref<1x64xf32, #tpu.memory_space<hbm>>
      %dma_start3A_392 = arith.constant 0 : i32
      %dma_start3A_393 = tpu.memref_slice %arg10[%add3A_375, %dma_start3A_392] : memref<128x64xf32, #tpu.memory_space<vmem>> -> memref<1x64xf32, #tpu.memory_space<vmem>>
      %dma_start3A_394 = arith.constant 0 : i32
      %dma_start3A_395 = tpu.memref_slice %arg5[%squeeze3A_387, %dma_start3A_394] : memref<1000000x64xf32, #tpu.memory_space<hbm>> -> memref<1x64xf32, #tpu.memory_space<hbm>>
      tpu.enqueue_dma source(%dma_start3A_395 : memref<1x64xf32, #tpu.memory_space<hbm>>) target(%dma_start3A_393 : memref<1x64xf32, #tpu.memory_space<vmem>>) target_semaphore(%arg14 : memref<!tpu.dma_semaphore, #tpu.memory_space<semaphore_mem>>)
      %mul3A_396 = arith.constant 16 : i32
      %mul3A_397 = arith.muli %scan3A_97, %mul3A_396 : i32
      %add3A_398 = arith.constant 12 : i32
      %add3A_399 = arith.addi %mul3A_397, %add3A_398 : i32
      %slice3A_400 = vector.extract_strided_slice %get3A_103 {offsets = [12], sizes = [1], strides = [1]} : vector<16xi32> to vector<1xi32>
      %squeeze3A_401 = vector.extract %slice3A_400[0] : i32 from vector<1xi32>
      %dma_start3A_402 = arith.constant 0 : i32
      %dma_start3A_403 = tpu.memref_slice %arg9[%add3A_399, %dma_start3A_402] : memref<128x64xf32, #tpu.memory_space<vmem>> -> memref<1x64xf32, #tpu.memory_space<vmem>>
      %dma_start3A_404 = arith.constant 0 : i32
      %dma_start3A_405 = tpu.memref_slice %arg4[%squeeze3A_401, %dma_start3A_404] : memref<1000000x64xf32, #tpu.memory_space<hbm>> -> memref<1x64xf32, #tpu.memory_space<hbm>>
      %dma_start3A_406 = arith.constant 0 : i32
      %dma_start3A_407 = tpu.memref_slice %arg9[%add3A_399, %dma_start3A_406] : memref<128x64xf32, #tpu.memory_space<vmem>> -> memref<1x64xf32, #tpu.memory_space<vmem>>
      %dma_start3A_408 = arith.constant 0 : i32
      %dma_start3A_409 = tpu.memref_slice %arg4[%squeeze3A_401, %dma_start3A_408] : memref<1000000x64xf32, #tpu.memory_space<hbm>> -> memref<1x64xf32, #tpu.memory_space<hbm>>
      tpu.enqueue_dma source(%dma_start3A_409 : memref<1x64xf32, #tpu.memory_space<hbm>>) target(%dma_start3A_407 : memref<1x64xf32, #tpu.memory_space<vmem>>) target_semaphore(%arg14 : memref<!tpu.dma_semaphore, #tpu.memory_space<semaphore_mem>>)
      %slice3A_410 = vector.extract_strided_slice %get3A_110 {offsets = [12], sizes = [1], strides = [1]} : vector<16xi32> to vector<1xi32>
      %squeeze3A_411 = vector.extract %slice3A_410[0] : i32 from vector<1xi32>
      %dma_start3A_412 = arith.constant 0 : i32
      %dma_start3A_413 = tpu.memref_slice %arg10[%add3A_399, %dma_start3A_412] : memref<128x64xf32, #tpu.memory_space<vmem>> -> memref<1x64xf32, #tpu.memory_space<vmem>>
      %dma_start3A_414 = arith.constant 0 : i32
      %dma_start3A_415 = tpu.memref_slice %arg5[%squeeze3A_411, %dma_start3A_414] : memref<1000000x64xf32, #tpu.memory_space<hbm>> -> memref<1x64xf32, #tpu.memory_space<hbm>>
      %dma_start3A_416 = arith.constant 0 : i32
      %dma_start3A_417 = tpu.memref_slice %arg10[%add3A_399, %dma_start3A_416] : memref<128x64xf32, #tpu.memory_space<vmem>> -> memref<1x64xf32, #tpu.memory_space<vmem>>
      %dma_start3A_418 = arith.constant 0 : i32
      %dma_start3A_419 = tpu.memref_slice %arg5[%squeeze3A_411, %dma_start3A_418] : memref<1000000x64xf32, #tpu.memory_space<hbm>> -> memref<1x64xf32, #tpu.memory_space<hbm>>
      tpu.enqueue_dma source(%dma_start3A_419 : memref<1x64xf32, #tpu.memory_space<hbm>>) target(%dma_start3A_417 : memref<1x64xf32, #tpu.memory_space<vmem>>) target_semaphore(%arg14 : memref<!tpu.dma_semaphore, #tpu.memory_space<semaphore_mem>>)
      %mul3A_420 = arith.constant 16 : i32
      %mul3A_421 = arith.muli %scan3A_97, %mul3A_420 : i32
      %add3A_422 = arith.constant 13 : i32
      %add3A_423 = arith.addi %mul3A_421, %add3A_422 : i32
      %slice3A_424 = vector.extract_strided_slice %get3A_103 {offsets = [13], sizes = [1], strides = [1]} : vector<16xi32> to vector<1xi32>
      %squeeze3A_425 = vector.extract %slice3A_424[0] : i32 from vector<1xi32>
      %dma_start3A_426 = arith.constant 0 : i32
      %dma_start3A_427 = tpu.memref_slice %arg9[%add3A_423, %dma_start3A_426] : memref<128x64xf32, #tpu.memory_space<vmem>> -> memref<1x64xf32, #tpu.memory_space<vmem>>
      %dma_start3A_428 = arith.constant 0 : i32
      %dma_start3A_429 = tpu.memref_slice %arg4[%squeeze3A_425, %dma_start3A_428] : memref<1000000x64xf32, #tpu.memory_space<hbm>> -> memref<1x64xf32, #tpu.memory_space<hbm>>
      %dma_start3A_430 = arith.constant 0 : i32
      %dma_start3A_431 = tpu.memref_slice %arg9[%add3A_423, %dma_start3A_430] : memref<128x64xf32, #tpu.memory_space<vmem>> -> memref<1x64xf32, #tpu.memory_space<vmem>>
      %dma_start3A_432 = arith.constant 0 : i32
      %dma_start3A_433 = tpu.memref_slice %arg4[%squeeze3A_425, %dma_start3A_432] : memref<1000000x64xf32, #tpu.memory_space<hbm>> -> memref<1x64xf32, #tpu.memory_space<hbm>>
      tpu.enqueue_dma source(%dma_start3A_433 : memref<1x64xf32, #tpu.memory_space<hbm>>) target(%dma_start3A_431 : memref<1x64xf32, #tpu.memory_space<vmem>>) target_semaphore(%arg14 : memref<!tpu.dma_semaphore, #tpu.memory_space<semaphore_mem>>)
      %slice3A_434 = vector.extract_strided_slice %get3A_110 {offsets = [13], sizes = [1], strides = [1]} : vector<16xi32> to vector<1xi32>
      %squeeze3A_435 = vector.extract %slice3A_434[0] : i32 from vector<1xi32>
      %dma_start3A_436 = arith.constant 0 : i32
      %dma_start3A_437 = tpu.memref_slice %arg10[%add3A_423, %dma_start3A_436] : memref<128x64xf32, #tpu.memory_space<vmem>> -> memref<1x64xf32, #tpu.memory_space<vmem>>
      %dma_start3A_438 = arith.constant 0 : i32
      %dma_start3A_439 = tpu.memref_slice %arg5[%squeeze3A_435, %dma_start3A_438] : memref<1000000x64xf32, #tpu.memory_space<hbm>> -> memref<1x64xf32, #tpu.memory_space<hbm>>
      %dma_start3A_440 = arith.constant 0 : i32
      %dma_start3A_441 = tpu.memref_slice %arg10[%add3A_423, %dma_start3A_440] : memref<128x64xf32, #tpu.memory_space<vmem>> -> memref<1x64xf32, #tpu.memory_space<vmem>>
      %dma_start3A_442 = arith.constant 0 : i32
      %dma_start3A_443 = tpu.memref_slice %arg5[%squeeze3A_435, %dma_start3A_442] : memref<1000000x64xf32, #tpu.memory_space<hbm>> -> memref<1x64xf32, #tpu.memory_space<hbm>>
      tpu.enqueue_dma source(%dma_start3A_443 : memref<1x64xf32, #tpu.memory_space<hbm>>) target(%dma_start3A_441 : memref<1x64xf32, #tpu.memory_space<vmem>>) target_semaphore(%arg14 : memref<!tpu.dma_semaphore, #tpu.memory_space<semaphore_mem>>)
      %mul3A_444 = arith.constant 16 : i32
      %mul3A_445 = arith.muli %scan3A_97, %mul3A_444 : i32
      %add3A_446 = arith.constant 14 : i32
      %add3A_447 = arith.addi %mul3A_445, %add3A_446 : i32
      %slice3A_448 = vector.extract_strided_slice %get3A_103 {offsets = [14], sizes = [1], strides = [1]} : vector<16xi32> to vector<1xi32>
      %squeeze3A_449 = vector.extract %slice3A_448[0] : i32 from vector<1xi32>
      %dma_start3A_450 = arith.constant 0 : i32
      %dma_start3A_451 = tpu.memref_slice %arg9[%add3A_447, %dma_start3A_450] : memref<128x64xf32, #tpu.memory_space<vmem>> -> memref<1x64xf32, #tpu.memory_space<vmem>>
      %dma_start3A_452 = arith.constant 0 : i32
      %dma_start3A_453 = tpu.memref_slice %arg4[%squeeze3A_449, %dma_start3A_452] : memref<1000000x64xf32, #tpu.memory_space<hbm>> -> memref<1x64xf32, #tpu.memory_space<hbm>>
      %dma_start3A_454 = arith.constant 0 : i32
      %dma_start3A_455 = tpu.memref_slice %arg9[%add3A_447, %dma_start3A_454] : memref<128x64xf32, #tpu.memory_space<vmem>> -> memref<1x64xf32, #tpu.memory_space<vmem>>
      %dma_start3A_456 = arith.constant 0 : i32
      %dma_start3A_457 = tpu.memref_slice %arg4[%squeeze3A_449, %dma_start3A_456] : memref<1000000x64xf32, #tpu.memory_space<hbm>> -> memref<1x64xf32, #tpu.memory_space<hbm>>
      tpu.enqueue_dma source(%dma_start3A_457 : memref<1x64xf32, #tpu.memory_space<hbm>>) target(%dma_start3A_455 : memref<1x64xf32, #tpu.memory_space<vmem>>) target_semaphore(%arg14 : memref<!tpu.dma_semaphore, #tpu.memory_space<semaphore_mem>>)
      %slice3A_458 = vector.extract_strided_slice %get3A_110 {offsets = [14], sizes = [1], strides = [1]} : vector<16xi32> to vector<1xi32>
      %squeeze3A_459 = vector.extract %slice3A_458[0] : i32 from vector<1xi32>
      %dma_start3A_460 = arith.constant 0 : i32
      %dma_start3A_461 = tpu.memref_slice %arg10[%add3A_447, %dma_start3A_460] : memref<128x64xf32, #tpu.memory_space<vmem>> -> memref<1x64xf32, #tpu.memory_space<vmem>>
      %dma_start3A_462 = arith.constant 0 : i32
      %dma_start3A_463 = tpu.memref_slice %arg5[%squeeze3A_459, %dma_start3A_462] : memref<1000000x64xf32, #tpu.memory_space<hbm>> -> memref<1x64xf32, #tpu.memory_space<hbm>>
      %dma_start3A_464 = arith.constant 0 : i32
      %dma_start3A_465 = tpu.memref_slice %arg10[%add3A_447, %dma_start3A_464] : memref<128x64xf32, #tpu.memory_space<vmem>> -> memref<1x64xf32, #tpu.memory_space<vmem>>
      %dma_start3A_466 = arith.constant 0 : i32
      %dma_start3A_467 = tpu.memref_slice %arg5[%squeeze3A_459, %dma_start3A_466] : memref<1000000x64xf32, #tpu.memory_space<hbm>> -> memref<1x64xf32, #tpu.memory_space<hbm>>
      tpu.enqueue_dma source(%dma_start3A_467 : memref<1x64xf32, #tpu.memory_space<hbm>>) target(%dma_start3A_465 : memref<1x64xf32, #tpu.memory_space<vmem>>) target_semaphore(%arg14 : memref<!tpu.dma_semaphore, #tpu.memory_space<semaphore_mem>>)
      %mul3A_468 = arith.constant 16 : i32
      %mul3A_469 = arith.muli %scan3A_97, %mul3A_468 : i32
      %add3A_470 = arith.constant 15 : i32
      %add3A_471 = arith.addi %mul3A_469, %add3A_470 : i32
      %slice3A_472 = vector.extract_strided_slice %get3A_103 {offsets = [15], sizes = [1], strides = [1]} : vector<16xi32> to vector<1xi32>
      %squeeze3A_473 = vector.extract %slice3A_472[0] : i32 from vector<1xi32>
      %dma_start3A_474 = arith.constant 0 : i32
      %dma_start3A_475 = tpu.memref_slice %arg9[%add3A_471, %dma_start3A_474] : memref<128x64xf32, #tpu.memory_space<vmem>> -> memref<1x64xf32, #tpu.memory_space<vmem>>
      %dma_start3A_476 = arith.constant 0 : i32
      %dma_start3A_477 = tpu.memref_slice %arg4[%squeeze3A_473, %dma_start3A_476] : memref<1000000x64xf32, #tpu.memory_space<hbm>> -> memref<1x64xf32, #tpu.memory_space<hbm>>
      %dma_start3A_478 = arith.constant 0 : i32
      %dma_start3A_479 = tpu.memref_slice %arg9[%add3A_471, %dma_start3A_478] : memref<128x64xf32, #tpu.memory_space<vmem>> -> memref<1x64xf32, #tpu.memory_space<vmem>>
      %dma_start3A_480 = arith.constant 0 : i32
      %dma_start3A_481 = tpu.memref_slice %arg4[%squeeze3A_473, %dma_start3A_480] : memref<1000000x64xf32, #tpu.memory_space<hbm>> -> memref<1x64xf32, #tpu.memory_space<hbm>>
      tpu.enqueue_dma source(%dma_start3A_481 : memref<1x64xf32, #tpu.memory_space<hbm>>) target(%dma_start3A_479 : memref<1x64xf32, #tpu.memory_space<vmem>>) target_semaphore(%arg14 : memref<!tpu.dma_semaphore, #tpu.memory_space<semaphore_mem>>)
      %slice3A_482 = vector.extract_strided_slice %get3A_110 {offsets = [15], sizes = [1], strides = [1]} : vector<16xi32> to vector<1xi32>
      %squeeze3A_483 = vector.extract %slice3A_482[0] : i32 from vector<1xi32>
      %dma_start3A_484 = arith.constant 0 : i32
      %dma_start3A_485 = tpu.memref_slice %arg10[%add3A_471, %dma_start3A_484] : memref<128x64xf32, #tpu.memory_space<vmem>> -> memref<1x64xf32, #tpu.memory_space<vmem>>
      %dma_start3A_486 = arith.constant 0 : i32
      %dma_start3A_487 = tpu.memref_slice %arg5[%squeeze3A_483, %dma_start3A_486] : memref<1000000x64xf32, #tpu.memory_space<hbm>> -> memref<1x64xf32, #tpu.memory_space<hbm>>
      %dma_start3A_488 = arith.constant 0 : i32
      %dma_start3A_489 = tpu.memref_slice %arg10[%add3A_471, %dma_start3A_488] : memref<128x64xf32, #tpu.memory_space<vmem>> -> memref<1x64xf32, #tpu.memory_space<vmem>>
      %dma_start3A_490 = arith.constant 0 : i32
      %dma_start3A_491 = tpu.memref_slice %arg5[%squeeze3A_483, %dma_start3A_490] : memref<1000000x64xf32, #tpu.memory_space<hbm>> -> memref<1x64xf32, #tpu.memory_space<hbm>>
      tpu.enqueue_dma source(%dma_start3A_491 : memref<1x64xf32, #tpu.memory_space<hbm>>) target(%dma_start3A_489 : memref<1x64xf32, #tpu.memory_space<vmem>>) target_semaphore(%arg14 : memref<!tpu.dma_semaphore, #tpu.memory_space<semaphore_mem>>)
    }
    %scan3A_6 = arith.constant 8 : i32
    %scan3A_7 = arith.constant 0 : i32
    %scan3A_8 = arith.constant 8 : i32
    %scan3A_9 = arith.addi %scan3A_7, %scan3A_8 : i32
    %scan3A_10 = arith.constant 1 : i32
    scf.for %scan3A_97 = %scan3A_7 to %scan3A_9 step %scan3A_10  : i32 {
      %mul3A_98 = arith.constant 16 : i32
      %mul3A_99 = arith.muli %scan3A_97, %mul3A_98 : i32
      %add3A_100 = arith.constant 128 : i32
      %add3A_101 = arith.addi %add3A_100, %mul3A_99 : i32
      %get3A = arith.index_cast %add3A_101 : i32 to index
      %get3A_102 = tpu.vector_load %arg7[%get3A] {strides = array<i32>} : memref<512xi32, #tpu.memory_space<vmem>>, vector<16xi32>,
      %get3A_103 = vector.shape_cast %get3A_102 : vector<16xi32> to vector<16xi32>
      %mul3A_104 = arith.constant 16 : i32
      %mul3A_105 = arith.muli %scan3A_97, %mul3A_104 : i32
      %add3A_106 = arith.constant 128 : i32
      %add3A_107 = arith.addi %add3A_106, %mul3A_105 : i32
      %get3A_108 = arith.index_cast %add3A_107 : i32 to index
      %get3A_109 = tpu.vector_load %arg8[%get3A_108] {strides = array<i32>} : memref<512xi32, #tpu.memory_space<vmem>>, vector<16xi32>,
      %get3A_110 = vector.shape_cast %get3A_109 : vector<16xi32> to vector<16xi32>
      %mul3A_111 = arith.constant 16 : i32
      %mul3A_112 = arith.muli %scan3A_97, %mul3A_111 : i32
      %add3A_113 = arith.constant 0 : i32
      %add3A_114 = arith.addi %mul3A_112, %add3A_113 : i32
      %slice3A = vector.extract_strided_slice %get3A_103 {offsets = [0], sizes = [1], strides = [1]} : vector<16xi32> to vector<1xi32>
      %squeeze3A = vector.extract %slice3A[0] : i32 from vector<1xi32>
      %dma_start3A = arith.constant 0 : i32
      %dma_start3A_115 = tpu.memref_slice %arg11[%add3A_114, %dma_start3A] : memref<128x64xf32, #tpu.memory_space<vmem>> -> memref<1x64xf32, #tpu.memory_space<vmem>>
      %dma_start3A_116 = arith.constant 0 : i32
      %dma_start3A_117 = tpu.memref_slice %arg4[%squeeze3A, %dma_start3A_116] : memref<1000000x64xf32, #tpu.memory_space<hbm>> -> memref<1x64xf32, #tpu.memory_space<hbm>>
      %dma_start3A_118 = arith.constant 0 : i32
      %dma_start3A_119 = tpu.memref_slice %arg11[%add3A_114, %dma_start3A_118] : memref<128x64xf32, #tpu.memory_space<vmem>> -> memref<1x64xf32, #tpu.memory_space<vmem>>
      %dma_start3A_120 = arith.constant 0 : i32
      %dma_start3A_121 = tpu.memref_slice %arg4[%squeeze3A, %dma_start3A_120] : memref<1000000x64xf32, #tpu.memory_space<hbm>> -> memref<1x64xf32, #tpu.memory_space<hbm>>
      tpu.enqueue_dma source(%dma_start3A_121 : memref<1x64xf32, #tpu.memory_space<hbm>>) target(%dma_start3A_119 : memref<1x64xf32, #tpu.memory_space<vmem>>) target_semaphore(%arg15 : memref<!tpu.dma_semaphore, #tpu.memory_space<semaphore_mem>>)
      %slice3A_122 = vector.extract_strided_slice %get3A_110 {offsets = [0], sizes = [1], strides = [1]} : vector<16xi32> to vector<1xi32>
      %squeeze3A_123 = vector.extract %slice3A_122[0] : i32 from vector<1xi32>
      %dma_start3A_124 = arith.constant 0 : i32
      %dma_start3A_125 = tpu.memref_slice %arg12[%add3A_114, %dma_start3A_124] : memref<128x64xf32, #tpu.memory_space<vmem>> -> memref<1x64xf32, #tpu.memory_space<vmem>>
      %dma_start3A_126 = arith.constant 0 : i32
      %dma_start3A_127 = tpu.memref_slice %arg5[%squeeze3A_123, %dma_start3A_126] : memref<1000000x64xf32, #tpu.memory_space<hbm>> -> memref<1x64xf32, #tpu.memory_space<hbm>>
      %dma_start3A_128 = arith.constant 0 : i32
      %dma_start3A_129 = tpu.memref_slice %arg12[%add3A_114, %dma_start3A_128] : memref<128x64xf32, #tpu.memory_space<vmem>> -> memref<1x64xf32, #tpu.memory_space<vmem>>
      %dma_start3A_130 = arith.constant 0 : i32
      %dma_start3A_131 = tpu.memref_slice %arg5[%squeeze3A_123, %dma_start3A_130] : memref<1000000x64xf32, #tpu.memory_space<hbm>> -> memref<1x64xf32, #tpu.memory_space<hbm>>
      tpu.enqueue_dma source(%dma_start3A_131 : memref<1x64xf32, #tpu.memory_space<hbm>>) target(%dma_start3A_129 : memref<1x64xf32, #tpu.memory_space<vmem>>) target_semaphore(%arg15 : memref<!tpu.dma_semaphore, #tpu.memory_space<semaphore_mem>>)
      %mul3A_132 = arith.constant 16 : i32
      %mul3A_133 = arith.muli %scan3A_97, %mul3A_132 : i32
      %add3A_134 = arith.constant 1 : i32
      %add3A_135 = arith.addi %mul3A_133, %add3A_134 : i32
      %slice3A_136 = vector.extract_strided_slice %get3A_103 {offsets = [1], sizes = [1], strides = [1]} : vector<16xi32> to vector<1xi32>
      %squeeze3A_137 = vector.extract %slice3A_136[0] : i32 from vector<1xi32>
      %dma_start3A_138 = arith.constant 0 : i32
      %dma_start3A_139 = tpu.memref_slice %arg11[%add3A_135, %dma_start3A_138] : memref<128x64xf32, #tpu.memory_space<vmem>> -> memref<1x64xf32, #tpu.memory_space<vmem>>
      %dma_start3A_140 = arith.constant 0 : i32
      %dma_start3A_141 = tpu.memref_slice %arg4[%squeeze3A_137, %dma_start3A_140] : memref<1000000x64xf32, #tpu.memory_space<hbm>> -> memref<1x64xf32, #tpu.memory_space<hbm>>
      %dma_start3A_142 = arith.constant 0 : i32
      %dma_start3A_143 = tpu.memref_slice %arg11[%add3A_135, %dma_start3A_142] : memref<128x64xf32, #tpu.memory_space<vmem>> -> memref<1x64xf32, #tpu.memory_space<vmem>>
      %dma_start3A_144 = arith.constant 0 : i32
      %dma_start3A_145 = tpu.memref_slice %arg4[%squeeze3A_137, %dma_start3A_144] : memref<1000000x64xf32, #tpu.memory_space<hbm>> -> memref<1x64xf32, #tpu.memory_space<hbm>>
      tpu.enqueue_dma source(%dma_start3A_145 : memref<1x64xf32, #tpu.memory_space<hbm>>) target(%dma_start3A_143 : memref<1x64xf32, #tpu.memory_space<vmem>>) target_semaphore(%arg15 : memref<!tpu.dma_semaphore, #tpu.memory_space<semaphore_mem>>)
      %slice3A_146 = vector.extract_strided_slice %get3A_110 {offsets = [1], sizes = [1], strides = [1]} : vector<16xi32> to vector<1xi32>
      %squeeze3A_147 = vector.extract %slice3A_146[0] : i32 from vector<1xi32>
      %dma_start3A_148 = arith.constant 0 : i32
      %dma_start3A_149 = tpu.memref_slice %arg12[%add3A_135, %dma_start3A_148] : memref<128x64xf32, #tpu.memory_space<vmem>> -> memref<1x64xf32, #tpu.memory_space<vmem>>
      %dma_start3A_150 = arith.constant 0 : i32
      %dma_start3A_151 = tpu.memref_slice %arg5[%squeeze3A_147, %dma_start3A_150] : memref<1000000x64xf32, #tpu.memory_space<hbm>> -> memref<1x64xf32, #tpu.memory_space<hbm>>
      %dma_start3A_152 = arith.constant 0 : i32
      %dma_start3A_153 = tpu.memref_slice %arg12[%add3A_135, %dma_start3A_152] : memref<128x64xf32, #tpu.memory_space<vmem>> -> memref<1x64xf32, #tpu.memory_space<vmem>>
      %dma_start3A_154 = arith.constant 0 : i32
      %dma_start3A_155 = tpu.memref_slice %arg5[%squeeze3A_147, %dma_start3A_154] : memref<1000000x64xf32, #tpu.memory_space<hbm>> -> memref<1x64xf32, #tpu.memory_space<hbm>>
      tpu.enqueue_dma source(%dma_start3A_155 : memref<1x64xf32, #tpu.memory_space<hbm>>) target(%dma_start3A_153 : memref<1x64xf32, #tpu.memory_space<vmem>>) target_semaphore(%arg15 : memref<!tpu.dma_semaphore, #tpu.memory_space<semaphore_mem>>)
      %mul3A_156 = arith.constant 16 : i32
      %mul3A_157 = arith.muli %scan3A_97, %mul3A_156 : i32
      %add3A_158 = arith.constant 2 : i32
      %add3A_159 = arith.addi %mul3A_157, %add3A_158 : i32
      %slice3A_160 = vector.extract_strided_slice %get3A_103 {offsets = [2], sizes = [1], strides = [1]} : vector<16xi32> to vector<1xi32>
      %squeeze3A_161 = vector.extract %slice3A_160[0] : i32 from vector<1xi32>
      %dma_start3A_162 = arith.constant 0 : i32
      %dma_start3A_163 = tpu.memref_slice %arg11[%add3A_159, %dma_start3A_162] : memref<128x64xf32, #tpu.memory_space<vmem>> -> memref<1x64xf32, #tpu.memory_space<vmem>>
      %dma_start3A_164 = arith.constant 0 : i32
      %dma_start3A_165 = tpu.memref_slice %arg4[%squeeze3A_161, %dma_start3A_164] : memref<1000000x64xf32, #tpu.memory_space<hbm>> -> memref<1x64xf32, #tpu.memory_space<hbm>>
      %dma_start3A_166 = arith.constant 0 : i32
      %dma_start3A_167 = tpu.memref_slice %arg11[%add3A_159, %dma_start3A_166] : memref<128x64xf32, #tpu.memory_space<vmem>> -> memref<1x64xf32, #tpu.memory_space<vmem>>
      %dma_start3A_168 = arith.constant 0 : i32
      %dma_start3A_169 = tpu.memref_slice %arg4[%squeeze3A_161, %dma_start3A_168] : memref<1000000x64xf32, #tpu.memory_space<hbm>> -> memref<1x64xf32, #tpu.memory_space<hbm>>
      tpu.enqueue_dma source(%dma_start3A_169 : memref<1x64xf32, #tpu.memory_space<hbm>>) target(%dma_start3A_167 : memref<1x64xf32, #tpu.memory_space<vmem>>) target_semaphore(%arg15 : memref<!tpu.dma_semaphore, #tpu.memory_space<semaphore_mem>>)
      %slice3A_170 = vector.extract_strided_slice %get3A_110 {offsets = [2], sizes = [1], strides = [1]} : vector<16xi32> to vector<1xi32>
      %squeeze3A_171 = vector.extract %slice3A_170[0] : i32 from vector<1xi32>
      %dma_start3A_172 = arith.constant 0 : i32
      %dma_start3A_173 = tpu.memref_slice %arg12[%add3A_159, %dma_start3A_172] : memref<128x64xf32, #tpu.memory_space<vmem>> -> memref<1x64xf32, #tpu.memory_space<vmem>>
      %dma_start3A_174 = arith.constant 0 : i32
      %dma_start3A_175 = tpu.memref_slice %arg5[%squeeze3A_171, %dma_start3A_174] : memref<1000000x64xf32, #tpu.memory_space<hbm>> -> memref<1x64xf32, #tpu.memory_space<hbm>>
      %dma_start3A_176 = arith.constant 0 : i32
      %dma_start3A_177 = tpu.memref_slice %arg12[%add3A_159, %dma_start3A_176] : memref<128x64xf32, #tpu.memory_space<vmem>> -> memref<1x64xf32, #tpu.memory_space<vmem>>
      %dma_start3A_178 = arith.constant 0 : i32
      %dma_start3A_179 = tpu.memref_slice %arg5[%squeeze3A_171, %dma_start3A_178] : memref<1000000x64xf32, #tpu.memory_space<hbm>> -> memref<1x64xf32, #tpu.memory_space<hbm>>
      tpu.enqueue_dma source(%dma_start3A_179 : memref<1x64xf32, #tpu.memory_space<hbm>>) target(%dma_start3A_177 : memref<1x64xf32, #tpu.memory_space<vmem>>) target_semaphore(%arg15 : memref<!tpu.dma_semaphore, #tpu.memory_space<semaphore_mem>>)
      %mul3A_180 = arith.constant 16 : i32
      %mul3A_181 = arith.muli %scan3A_97, %mul3A_180 : i32
      %add3A_182 = arith.constant 3 : i32
      %add3A_183 = arith.addi %mul3A_181, %add3A_182 : i32
      %slice3A_184 = vector.extract_strided_slice %get3A_103 {offsets = [3], sizes = [1], strides = [1]} : vector<16xi32> to vector<1xi32>
      %squeeze3A_185 = vector.extract %slice3A_184[0] : i32 from vector<1xi32>
      %dma_start3A_186 = arith.constant 0 : i32
      %dma_start3A_187 = tpu.memref_slice %arg11[%add3A_183, %dma_start3A_186] : memref<128x64xf32, #tpu.memory_space<vmem>> -> memref<1x64xf32, #tpu.memory_space<vmem>>
      %dma_start3A_188 = arith.constant 0 : i32
      %dma_start3A_189 = tpu.memref_slice %arg4[%squeeze3A_185, %dma_start3A_188] : memref<1000000x64xf32, #tpu.memory_space<hbm>> -> memref<1x64xf32, #tpu.memory_space<hbm>>
      %dma_start3A_190 = arith.constant 0 : i32
      %dma_start3A_191 = tpu.memref_slice %arg11[%add3A_183, %dma_start3A_190] : memref<128x64xf32, #tpu.memory_space<vmem>> -> memref<1x64xf32, #tpu.memory_space<vmem>>
      %dma_start3A_192 = arith.constant 0 : i32
      %dma_start3A_193 = tpu.memref_slice %arg4[%squeeze3A_185, %dma_start3A_192] : memref<1000000x64xf32, #tpu.memory_space<hbm>> -> memref<1x64xf32, #tpu.memory_space<hbm>>
      tpu.enqueue_dma source(%dma_start3A_193 : memref<1x64xf32, #tpu.memory_space<hbm>>) target(%dma_start3A_191 : memref<1x64xf32, #tpu.memory_space<vmem>>) target_semaphore(%arg15 : memref<!tpu.dma_semaphore, #tpu.memory_space<semaphore_mem>>)
      %slice3A_194 = vector.extract_strided_slice %get3A_110 {offsets = [3], sizes = [1], strides = [1]} : vector<16xi32> to vector<1xi32>
      %squeeze3A_195 = vector.extract %slice3A_194[0] : i32 from vector<1xi32>
      %dma_start3A_196 = arith.constant 0 : i32
      %dma_start3A_197 = tpu.memref_slice %arg12[%add3A_183, %dma_start3A_196] : memref<128x64xf32, #tpu.memory_space<vmem>> -> memref<1x64xf32, #tpu.memory_space<vmem>>
      %dma_start3A_198 = arith.constant 0 : i32
      %dma_start3A_199 = tpu.memref_slice %arg5[%squeeze3A_195, %dma_start3A_198] : memref<1000000x64xf32, #tpu.memory_space<hbm>> -> memref<1x64xf32, #tpu.memory_space<hbm>>
      %dma_start3A_200 = arith.constant 0 : i32
      %dma_start3A_201 = tpu.memref_slice %arg12[%add3A_183, %dma_start3A_200] : memref<128x64xf32, #tpu.memory_space<vmem>> -> memref<1x64xf32, #tpu.memory_space<vmem>>
      %dma_start3A_202 = arith.constant 0 : i32
      %dma_start3A_203 = tpu.memref_slice %arg5[%squeeze3A_195, %dma_start3A_202] : memref<1000000x64xf32, #tpu.memory_space<hbm>> -> memref<1x64xf32, #tpu.memory_space<hbm>>
      tpu.enqueue_dma source(%dma_start3A_203 : memref<1x64xf32, #tpu.memory_space<hbm>>) target(%dma_start3A_201 : memref<1x64xf32, #tpu.memory_space<vmem>>) target_semaphore(%arg15 : memref<!tpu.dma_semaphore, #tpu.memory_space<semaphore_mem>>)
      %mul3A_204 = arith.constant 16 : i32
      %mul3A_205 = arith.muli %scan3A_97, %mul3A_204 : i32
      %add3A_206 = arith.constant 4 : i32
      %add3A_207 = arith.addi %mul3A_205, %add3A_206 : i32
      %slice3A_208 = vector.extract_strided_slice %get3A_103 {offsets = [4], sizes = [1], strides = [1]} : vector<16xi32> to vector<1xi32>
      %squeeze3A_209 = vector.extract %slice3A_208[0] : i32 from vector<1xi32>
      %dma_start3A_210 = arith.constant 0 : i32
      %dma_start3A_211 = tpu.memref_slice %arg11[%add3A_207, %dma_start3A_210] : memref<128x64xf32, #tpu.memory_space<vmem>> -> memref<1x64xf32, #tpu.memory_space<vmem>>
      %dma_start3A_212 = arith.constant 0 : i32
      %dma_start3A_213 = tpu.memref_slice %arg4[%squeeze3A_209, %dma_start3A_212] : memref<1000000x64xf32, #tpu.memory_space<hbm>> -> memref<1x64xf32, #tpu.memory_space<hbm>>
      %dma_start3A_214 = arith.constant 0 : i32
      %dma_start3A_215 = tpu.memref_slice %arg11[%add3A_207, %dma_start3A_214] : memref<128x64xf32, #tpu.memory_space<vmem>> -> memref<1x64xf32, #tpu.memory_space<vmem>>
      %dma_start3A_216 = arith.constant 0 : i32
      %dma_start3A_217 = tpu.memref_slice %arg4[%squeeze3A_209, %dma_start3A_216] : memref<1000000x64xf32, #tpu.memory_space<hbm>> -> memref<1x64xf32, #tpu.memory_space<hbm>>
      tpu.enqueue_dma source(%dma_start3A_217 : memref<1x64xf32, #tpu.memory_space<hbm>>) target(%dma_start3A_215 : memref<1x64xf32, #tpu.memory_space<vmem>>) target_semaphore(%arg15 : memref<!tpu.dma_semaphore, #tpu.memory_space<semaphore_mem>>)
      %slice3A_218 = vector.extract_strided_slice %get3A_110 {offsets = [4], sizes = [1], strides = [1]} : vector<16xi32> to vector<1xi32>
      %squeeze3A_219 = vector.extract %slice3A_218[0] : i32 from vector<1xi32>
      %dma_start3A_220 = arith.constant 0 : i32
      %dma_start3A_221 = tpu.memref_slice %arg12[%add3A_207, %dma_start3A_220] : memref<128x64xf32, #tpu.memory_space<vmem>> -> memref<1x64xf32, #tpu.memory_space<vmem>>
      %dma_start3A_222 = arith.constant 0 : i32
      %dma_start3A_223 = tpu.memref_slice %arg5[%squeeze3A_219, %dma_start3A_222] : memref<1000000x64xf32, #tpu.memory_space<hbm>> -> memref<1x64xf32, #tpu.memory_space<hbm>>
      %dma_start3A_224 = arith.constant 0 : i32
      %dma_start3A_225 = tpu.memref_slice %arg12[%add3A_207, %dma_start3A_224] : memref<128x64xf32, #tpu.memory_space<vmem>> -> memref<1x64xf32, #tpu.memory_space<vmem>>
      %dma_start3A_226 = arith.constant 0 : i32
      %dma_start3A_227 = tpu.memref_slice %arg5[%squeeze3A_219, %dma_start3A_226] : memref<1000000x64xf32, #tpu.memory_space<hbm>> -> memref<1x64xf32, #tpu.memory_space<hbm>>
      tpu.enqueue_dma source(%dma_start3A_227 : memref<1x64xf32, #tpu.memory_space<hbm>>) target(%dma_start3A_225 : memref<1x64xf32, #tpu.memory_space<vmem>>) target_semaphore(%arg15 : memref<!tpu.dma_semaphore, #tpu.memory_space<semaphore_mem>>)
      %mul3A_228 = arith.constant 16 : i32
      %mul3A_229 = arith.muli %scan3A_97, %mul3A_228 : i32
      %add3A_230 = arith.constant 5 : i32
      %add3A_231 = arith.addi %mul3A_229, %add3A_230 : i32
      %slice3A_232 = vector.extract_strided_slice %get3A_103 {offsets = [5], sizes = [1], strides = [1]} : vector<16xi32> to vector<1xi32>
      %squeeze3A_233 = vector.extract %slice3A_232[0] : i32 from vector<1xi32>
      %dma_start3A_234 = arith.constant 0 : i32
      %dma_start3A_235 = tpu.memref_slice %arg11[%add3A_231, %dma_start3A_234] : memref<128x64xf32, #tpu.memory_space<vmem>> -> memref<1x64xf32, #tpu.memory_space<vmem>>
      %dma_start3A_236 = arith.constant 0 : i32
      %dma_start3A_237 = tpu.memref_slice %arg4[%squeeze3A_233, %dma_start3A_236] : memref<1000000x64xf32, #tpu.memory_space<hbm>> -> memref<1x64xf32, #tpu.memory_space<hbm>>
      %dma_start3A_238 = arith.constant 0 : i32
      %dma_start3A_239 = tpu.memref_slice %arg11[%add3A_231, %dma_start3A_238] : memref<128x64xf32, #tpu.memory_space<vmem>> -> memref<1x64xf32, #tpu.memory_space<vmem>>
      %dma_start3A_240 = arith.constant 0 : i32
      %dma_start3A_241 = tpu.memref_slice %arg4[%squeeze3A_233, %dma_start3A_240] : memref<1000000x64xf32, #tpu.memory_space<hbm>> -> memref<1x64xf32, #tpu.memory_space<hbm>>
      tpu.enqueue_dma source(%dma_start3A_241 : memref<1x64xf32, #tpu.memory_space<hbm>>) target(%dma_start3A_239 : memref<1x64xf32, #tpu.memory_space<vmem>>) target_semaphore(%arg15 : memref<!tpu.dma_semaphore, #tpu.memory_space<semaphore_mem>>)
      %slice3A_242 = vector.extract_strided_slice %get3A_110 {offsets = [5], sizes = [1], strides = [1]} : vector<16xi32> to vector<1xi32>
      %squeeze3A_243 = vector.extract %slice3A_242[0] : i32 from vector<1xi32>
      %dma_start3A_244 = arith.constant 0 : i32
      %dma_start3A_245 = tpu.memref_slice %arg12[%add3A_231, %dma_start3A_244] : memref<128x64xf32, #tpu.memory_space<vmem>> -> memref<1x64xf32, #tpu.memory_space<vmem>>
      %dma_start3A_246 = arith.constant 0 : i32
      %dma_start3A_247 = tpu.memref_slice %arg5[%squeeze3A_243, %dma_start3A_246] : memref<1000000x64xf32, #tpu.memory_space<hbm>> -> memref<1x64xf32, #tpu.memory_space<hbm>>
      %dma_start3A_248 = arith.constant 0 : i32
      %dma_start3A_249 = tpu.memref_slice %arg12[%add3A_231, %dma_start3A_248] : memref<128x64xf32, #tpu.memory_space<vmem>> -> memref<1x64xf32, #tpu.memory_space<vmem>>
      %dma_start3A_250 = arith.constant 0 : i32
      %dma_start3A_251 = tpu.memref_slice %arg5[%squeeze3A_243, %dma_start3A_250] : memref<1000000x64xf32, #tpu.memory_space<hbm>> -> memref<1x64xf32, #tpu.memory_space<hbm>>
      tpu.enqueue_dma source(%dma_start3A_251 : memref<1x64xf32, #tpu.memory_space<hbm>>) target(%dma_start3A_249 : memref<1x64xf32, #tpu.memory_space<vmem>>) target_semaphore(%arg15 : memref<!tpu.dma_semaphore, #tpu.memory_space<semaphore_mem>>)
      %mul3A_252 = arith.constant 16 : i32
      %mul3A_253 = arith.muli %scan3A_97, %mul3A_252 : i32
      %add3A_254 = arith.constant 6 : i32
      %add3A_255 = arith.addi %mul3A_253, %add3A_254 : i32
      %slice3A_256 = vector.extract_strided_slice %get3A_103 {offsets = [6], sizes = [1], strides = [1]} : vector<16xi32> to vector<1xi32>
      %squeeze3A_257 = vector.extract %slice3A_256[0] : i32 from vector<1xi32>
      %dma_start3A_258 = arith.constant 0 : i32
      %dma_start3A_259 = tpu.memref_slice %arg11[%add3A_255, %dma_start3A_258] : memref<128x64xf32, #tpu.memory_space<vmem>> -> memref<1x64xf32, #tpu.memory_space<vmem>>
      %dma_start3A_260 = arith.constant 0 : i32
      %dma_start3A_261 = tpu.memref_slice %arg4[%squeeze3A_257, %dma_start3A_260] : memref<1000000x64xf32, #tpu.memory_space<hbm>> -> memref<1x64xf32, #tpu.memory_space<hbm>>
      %dma_start3A_262 = arith.constant 0 : i32
      %dma_start3A_263 = tpu.memref_slice %arg11[%add3A_255, %dma_start3A_262] : memref<128x64xf32, #tpu.memory_space<vmem>> -> memref<1x64xf32, #tpu.memory_space<vmem>>
      %dma_start3A_264 = arith.constant 0 : i32
      %dma_start3A_265 = tpu.memref_slice %arg4[%squeeze3A_257, %dma_start3A_264] : memref<1000000x64xf32, #tpu.memory_space<hbm>> -> memref<1x64xf32, #tpu.memory_space<hbm>>
      tpu.enqueue_dma source(%dma_start3A_265 : memref<1x64xf32, #tpu.memory_space<hbm>>) target(%dma_start3A_263 : memref<1x64xf32, #tpu.memory_space<vmem>>) target_semaphore(%arg15 : memref<!tpu.dma_semaphore, #tpu.memory_space<semaphore_mem>>)
      %slice3A_266 = vector.extract_strided_slice %get3A_110 {offsets = [6], sizes = [1], strides = [1]} : vector<16xi32> to vector<1xi32>
      %squeeze3A_267 = vector.extract %slice3A_266[0] : i32 from vector<1xi32>
      %dma_start3A_268 = arith.constant 0 : i32
      %dma_start3A_269 = tpu.memref_slice %arg12[%add3A_255, %dma_start3A_268] : memref<128x64xf32, #tpu.memory_space<vmem>> -> memref<1x64xf32, #tpu.memory_space<vmem>>
      %dma_start3A_270 = arith.constant 0 : i32
      %dma_start3A_271 = tpu.memref_slice %arg5[%squeeze3A_267, %dma_start3A_270] : memref<1000000x64xf32, #tpu.memory_space<hbm>> -> memref<1x64xf32, #tpu.memory_space<hbm>>
      %dma_start3A_272 = arith.constant 0 : i32
      %dma_start3A_273 = tpu.memref_slice %arg12[%add3A_255, %dma_start3A_272] : memref<128x64xf32, #tpu.memory_space<vmem>> -> memref<1x64xf32, #tpu.memory_space<vmem>>
      %dma_start3A_274 = arith.constant 0 : i32
      %dma_start3A_275 = tpu.memref_slice %arg5[%squeeze3A_267, %dma_start3A_274] : memref<1000000x64xf32, #tpu.memory_space<hbm>> -> memref<1x64xf32, #tpu.memory_space<hbm>>
      tpu.enqueue_dma source(%dma_start3A_275 : memref<1x64xf32, #tpu.memory_space<hbm>>) target(%dma_start3A_273 : memref<1x64xf32, #tpu.memory_space<vmem>>) target_semaphore(%arg15 : memref<!tpu.dma_semaphore, #tpu.memory_space<semaphore_mem>>)
      %mul3A_276 = arith.constant 16 : i32
      %mul3A_277 = arith.muli %scan3A_97, %mul3A_276 : i32
      %add3A_278 = arith.constant 7 : i32
      %add3A_279 = arith.addi %mul3A_277, %add3A_278 : i32
      %slice3A_280 = vector.extract_strided_slice %get3A_103 {offsets = [7], sizes = [1], strides = [1]} : vector<16xi32> to vector<1xi32>
      %squeeze3A_281 = vector.extract %slice3A_280[0] : i32 from vector<1xi32>
      %dma_start3A_282 = arith.constant 0 : i32
      %dma_start3A_283 = tpu.memref_slice %arg11[%add3A_279, %dma_start3A_282] : memref<128x64xf32, #tpu.memory_space<vmem>> -> memref<1x64xf32, #tpu.memory_space<vmem>>
      %dma_start3A_284 = arith.constant 0 : i32
      %dma_start3A_285 = tpu.memref_slice %arg4[%squeeze3A_281, %dma_start3A_284] : memref<1000000x64xf32, #tpu.memory_space<hbm>> -> memref<1x64xf32, #tpu.memory_space<hbm>>
      %dma_start3A_286 = arith.constant 0 : i32
      %dma_start3A_287 = tpu.memref_slice %arg11[%add3A_279, %dma_start3A_286] : memref<128x64xf32, #tpu.memory_space<vmem>> -> memref<1x64xf32, #tpu.memory_space<vmem>>
      %dma_start3A_288 = arith.constant 0 : i32
      %dma_start3A_289 = tpu.memref_slice %arg4[%squeeze3A_281, %dma_start3A_288] : memref<1000000x64xf32, #tpu.memory_space<hbm>> -> memref<1x64xf32, #tpu.memory_space<hbm>>
      tpu.enqueue_dma source(%dma_start3A_289 : memref<1x64xf32, #tpu.memory_space<hbm>>) target(%dma_start3A_287 : memref<1x64xf32, #tpu.memory_space<vmem>>) target_semaphore(%arg15 : memref<!tpu.dma_semaphore, #tpu.memory_space<semaphore_mem>>)
      %slice3A_290 = vector.extract_strided_slice %get3A_110 {offsets = [7], sizes = [1], strides = [1]} : vector<16xi32> to vector<1xi32>
      %squeeze3A_291 = vector.extract %slice3A_290[0] : i32 from vector<1xi32>
      %dma_start3A_292 = arith.constant 0 : i32
      %dma_start3A_293 = tpu.memref_slice %arg12[%add3A_279, %dma_start3A_292] : memref<128x64xf32, #tpu.memory_space<vmem>> -> memref<1x64xf32, #tpu.memory_space<vmem>>
      %dma_start3A_294 = arith.constant 0 : i32
      %dma_start3A_295 = tpu.memref_slice %arg5[%squeeze3A_291, %dma_start3A_294] : memref<1000000x64xf32, #tpu.memory_space<hbm>> -> memref<1x64xf32, #tpu.memory_space<hbm>>
      %dma_start3A_296 = arith.constant 0 : i32
      %dma_start3A_297 = tpu.memref_slice %arg12[%add3A_279, %dma_start3A_296] : memref<128x64xf32, #tpu.memory_space<vmem>> -> memref<1x64xf32, #tpu.memory_space<vmem>>
      %dma_start3A_298 = arith.constant 0 : i32
      %dma_start3A_299 = tpu.memref_slice %arg5[%squeeze3A_291, %dma_start3A_298] : memref<1000000x64xf32, #tpu.memory_space<hbm>> -> memref<1x64xf32, #tpu.memory_space<hbm>>
      tpu.enqueue_dma source(%dma_start3A_299 : memref<1x64xf32, #tpu.memory_space<hbm>>) target(%dma_start3A_297 : memref<1x64xf32, #tpu.memory_space<vmem>>) target_semaphore(%arg15 : memref<!tpu.dma_semaphore, #tpu.memory_space<semaphore_mem>>)
      %mul3A_300 = arith.constant 16 : i32
      %mul3A_301 = arith.muli %scan3A_97, %mul3A_300 : i32
      %add3A_302 = arith.constant 8 : i32
      %add3A_303 = arith.addi %mul3A_301, %add3A_302 : i32
      %slice3A_304 = vector.extract_strided_slice %get3A_103 {offsets = [8], sizes = [1], strides = [1]} : vector<16xi32> to vector<1xi32>
      %squeeze3A_305 = vector.extract %slice3A_304[0] : i32 from vector<1xi32>
      %dma_start3A_306 = arith.constant 0 : i32
      %dma_start3A_307 = tpu.memref_slice %arg11[%add3A_303, %dma_start3A_306] : memref<128x64xf32, #tpu.memory_space<vmem>> -> memref<1x64xf32, #tpu.memory_space<vmem>>
      %dma_start3A_308 = arith.constant 0 : i32
      %dma_start3A_309 = tpu.memref_slice %arg4[%squeeze3A_305, %dma_start3A_308] : memref<1000000x64xf32, #tpu.memory_space<hbm>> -> memref<1x64xf32, #tpu.memory_space<hbm>>
      %dma_start3A_310 = arith.constant 0 : i32
      %dma_start3A_311 = tpu.memref_slice %arg11[%add3A_303, %dma_start3A_310] : memref<128x64xf32, #tpu.memory_space<vmem>> -> memref<1x64xf32, #tpu.memory_space<vmem>>
      %dma_start3A_312 = arith.constant 0 : i32
      %dma_start3A_313 = tpu.memref_slice %arg4[%squeeze3A_305, %dma_start3A_312] : memref<1000000x64xf32, #tpu.memory_space<hbm>> -> memref<1x64xf32, #tpu.memory_space<hbm>>
      tpu.enqueue_dma source(%dma_start3A_313 : memref<1x64xf32, #tpu.memory_space<hbm>>) target(%dma_start3A_311 : memref<1x64xf32, #tpu.memory_space<vmem>>) target_semaphore(%arg15 : memref<!tpu.dma_semaphore, #tpu.memory_space<semaphore_mem>>)
      %slice3A_314 = vector.extract_strided_slice %get3A_110 {offsets = [8], sizes = [1], strides = [1]} : vector<16xi32> to vector<1xi32>
      %squeeze3A_315 = vector.extract %slice3A_314[0] : i32 from vector<1xi32>
      %dma_start3A_316 = arith.constant 0 : i32
      %dma_start3A_317 = tpu.memref_slice %arg12[%add3A_303, %dma_start3A_316] : memref<128x64xf32, #tpu.memory_space<vmem>> -> memref<1x64xf32, #tpu.memory_space<vmem>>
      %dma_start3A_318 = arith.constant 0 : i32
      %dma_start3A_319 = tpu.memref_slice %arg5[%squeeze3A_315, %dma_start3A_318] : memref<1000000x64xf32, #tpu.memory_space<hbm>> -> memref<1x64xf32, #tpu.memory_space<hbm>>
      %dma_start3A_320 = arith.constant 0 : i32
      %dma_start3A_321 = tpu.memref_slice %arg12[%add3A_303, %dma_start3A_320] : memref<128x64xf32, #tpu.memory_space<vmem>> -> memref<1x64xf32, #tpu.memory_space<vmem>>
      %dma_start3A_322 = arith.constant 0 : i32
      %dma_start3A_323 = tpu.memref_slice %arg5[%squeeze3A_315, %dma_start3A_322] : memref<1000000x64xf32, #tpu.memory_space<hbm>> -> memref<1x64xf32, #tpu.memory_space<hbm>>
      tpu.enqueue_dma source(%dma_start3A_323 : memref<1x64xf32, #tpu.memory_space<hbm>>) target(%dma_start3A_321 : memref<1x64xf32, #tpu.memory_space<vmem>>) target_semaphore(%arg15 : memref<!tpu.dma_semaphore, #tpu.memory_space<semaphore_mem>>)
      %mul3A_324 = arith.constant 16 : i32
      %mul3A_325 = arith.muli %scan3A_97, %mul3A_324 : i32
      %add3A_326 = arith.constant 9 : i32
      %add3A_327 = arith.addi %mul3A_325, %add3A_326 : i32
      %slice3A_328 = vector.extract_strided_slice %get3A_103 {offsets = [9], sizes = [1], strides = [1]} : vector<16xi32> to vector<1xi32>
      %squeeze3A_329 = vector.extract %slice3A_328[0] : i32 from vector<1xi32>
      %dma_start3A_330 = arith.constant 0 : i32
      %dma_start3A_331 = tpu.memref_slice %arg11[%add3A_327, %dma_start3A_330] : memref<128x64xf32, #tpu.memory_space<vmem>> -> memref<1x64xf32, #tpu.memory_space<vmem>>
      %dma_start3A_332 = arith.constant 0 : i32
      %dma_start3A_333 = tpu.memref_slice %arg4[%squeeze3A_329, %dma_start3A_332] : memref<1000000x64xf32, #tpu.memory_space<hbm>> -> memref<1x64xf32, #tpu.memory_space<hbm>>
      %dma_start3A_334 = arith.constant 0 : i32
      %dma_start3A_335 = tpu.memref_slice %arg11[%add3A_327, %dma_start3A_334] : memref<128x64xf32, #tpu.memory_space<vmem>> -> memref<1x64xf32, #tpu.memory_space<vmem>>
      %dma_start3A_336 = arith.constant 0 : i32
      %dma_start3A_337 = tpu.memref_slice %arg4[%squeeze3A_329, %dma_start3A_336] : memref<1000000x64xf32, #tpu.memory_space<hbm>> -> memref<1x64xf32, #tpu.memory_space<hbm>>
      tpu.enqueue_dma source(%dma_start3A_337 : memref<1x64xf32, #tpu.memory_space<hbm>>) target(%dma_start3A_335 : memref<1x64xf32, #tpu.memory_space<vmem>>) target_semaphore(%arg15 : memref<!tpu.dma_semaphore, #tpu.memory_space<semaphore_mem>>)
      %slice3A_338 = vector.extract_strided_slice %get3A_110 {offsets = [9], sizes = [1], strides = [1]} : vector<16xi32> to vector<1xi32>
      %squeeze3A_339 = vector.extract %slice3A_338[0] : i32 from vector<1xi32>
      %dma_start3A_340 = arith.constant 0 : i32
      %dma_start3A_341 = tpu.memref_slice %arg12[%add3A_327, %dma_start3A_340] : memref<128x64xf32, #tpu.memory_space<vmem>> -> memref<1x64xf32, #tpu.memory_space<vmem>>
      %dma_start3A_342 = arith.constant 0 : i32
      %dma_start3A_343 = tpu.memref_slice %arg5[%squeeze3A_339, %dma_start3A_342] : memref<1000000x64xf32, #tpu.memory_space<hbm>> -> memref<1x64xf32, #tpu.memory_space<hbm>>
      %dma_start3A_344 = arith.constant 0 : i32
      %dma_start3A_345 = tpu.memref_slice %arg12[%add3A_327, %dma_start3A_344] : memref<128x64xf32, #tpu.memory_space<vmem>> -> memref<1x64xf32, #tpu.memory_space<vmem>>
      %dma_start3A_346 = arith.constant 0 : i32
      %dma_start3A_347 = tpu.memref_slice %arg5[%squeeze3A_339, %dma_start3A_346] : memref<1000000x64xf32, #tpu.memory_space<hbm>> -> memref<1x64xf32, #tpu.memory_space<hbm>>
      tpu.enqueue_dma source(%dma_start3A_347 : memref<1x64xf32, #tpu.memory_space<hbm>>) target(%dma_start3A_345 : memref<1x64xf32, #tpu.memory_space<vmem>>) target_semaphore(%arg15 : memref<!tpu.dma_semaphore, #tpu.memory_space<semaphore_mem>>)
      %mul3A_348 = arith.constant 16 : i32
      %mul3A_349 = arith.muli %scan3A_97, %mul3A_348 : i32
      %add3A_350 = arith.constant 10 : i32
      %add3A_351 = arith.addi %mul3A_349, %add3A_350 : i32
      %slice3A_352 = vector.extract_strided_slice %get3A_103 {offsets = [10], sizes = [1], strides = [1]} : vector<16xi32> to vector<1xi32>
      %squeeze3A_353 = vector.extract %slice3A_352[0] : i32 from vector<1xi32>
      %dma_start3A_354 = arith.constant 0 : i32
      %dma_start3A_355 = tpu.memref_slice %arg11[%add3A_351, %dma_start3A_354] : memref<128x64xf32, #tpu.memory_space<vmem>> -> memref<1x64xf32, #tpu.memory_space<vmem>>
      %dma_start3A_356 = arith.constant 0 : i32
      %dma_start3A_357 = tpu.memref_slice %arg4[%squeeze3A_353, %dma_start3A_356] : memref<1000000x64xf32, #tpu.memory_space<hbm>> -> memref<1x64xf32, #tpu.memory_space<hbm>>
      %dma_start3A_358 = arith.constant 0 : i32
      %dma_start3A_359 = tpu.memref_slice %arg11[%add3A_351, %dma_start3A_358] : memref<128x64xf32, #tpu.memory_space<vmem>> -> memref<1x64xf32, #tpu.memory_space<vmem>>
      %dma_start3A_360 = arith.constant 0 : i32
      %dma_start3A_361 = tpu.memref_slice %arg4[%squeeze3A_353, %dma_start3A_360] : memref<1000000x64xf32, #tpu.memory_space<hbm>> -> memref<1x64xf32, #tpu.memory_space<hbm>>
      tpu.enqueue_dma source(%dma_start3A_361 : memref<1x64xf32, #tpu.memory_space<hbm>>) target(%dma_start3A_359 : memref<1x64xf32, #tpu.memory_space<vmem>>) target_semaphore(%arg15 : memref<!tpu.dma_semaphore, #tpu.memory_space<semaphore_mem>>)
      %slice3A_362 = vector.extract_strided_slice %get3A_110 {offsets = [10], sizes = [1], strides = [1]} : vector<16xi32> to vector<1xi32>
      %squeeze3A_363 = vector.extract %slice3A_362[0] : i32 from vector<1xi32>
      %dma_start3A_364 = arith.constant 0 : i32
      %dma_start3A_365 = tpu.memref_slice %arg12[%add3A_351, %dma_start3A_364] : memref<128x64xf32, #tpu.memory_space<vmem>> -> memref<1x64xf32, #tpu.memory_space<vmem>>
      %dma_start3A_366 = arith.constant 0 : i32
      %dma_start3A_367 = tpu.memref_slice %arg5[%squeeze3A_363, %dma_start3A_366] : memref<1000000x64xf32, #tpu.memory_space<hbm>> -> memref<1x64xf32, #tpu.memory_space<hbm>>
      %dma_start3A_368 = arith.constant 0 : i32
      %dma_start3A_369 = tpu.memref_slice %arg12[%add3A_351, %dma_start3A_368] : memref<128x64xf32, #tpu.memory_space<vmem>> -> memref<1x64xf32, #tpu.memory_space<vmem>>
      %dma_start3A_370 = arith.constant 0 : i32
      %dma_start3A_371 = tpu.memref_slice %arg5[%squeeze3A_363, %dma_start3A_370] : memref<1000000x64xf32, #tpu.memory_space<hbm>> -> memref<1x64xf32, #tpu.memory_space<hbm>>
      tpu.enqueue_dma source(%dma_start3A_371 : memref<1x64xf32, #tpu.memory_space<hbm>>) target(%dma_start3A_369 : memref<1x64xf32, #tpu.memory_space<vmem>>) target_semaphore(%arg15 : memref<!tpu.dma_semaphore, #tpu.memory_space<semaphore_mem>>)
      %mul3A_372 = arith.constant 16 : i32
      %mul3A_373 = arith.muli %scan3A_97, %mul3A_372 : i32
      %add3A_374 = arith.constant 11 : i32
      %add3A_375 = arith.addi %mul3A_373, %add3A_374 : i32
      %slice3A_376 = vector.extract_strided_slice %get3A_103 {offsets = [11], sizes = [1], strides = [1]} : vector<16xi32> to vector<1xi32>
      %squeeze3A_377 = vector.extract %slice3A_376[0] : i32 from vector<1xi32>
      %dma_start3A_378 = arith.constant 0 : i32
      %dma_start3A_379 = tpu.memref_slice %arg11[%add3A_375, %dma_start3A_378] : memref<128x64xf32, #tpu.memory_space<vmem>> -> memref<1x64xf32, #tpu.memory_space<vmem>>
      %dma_start3A_380 = arith.constant 0 : i32
      %dma_start3A_381 = tpu.memref_slice %arg4[%squeeze3A_377, %dma_start3A_380] : memref<1000000x64xf32, #tpu.memory_space<hbm>> -> memref<1x64xf32, #tpu.memory_space<hbm>>
      %dma_start3A_382 = arith.constant 0 : i32
      %dma_start3A_383 = tpu.memref_slice %arg11[%add3A_375, %dma_start3A_382] : memref<128x64xf32, #tpu.memory_space<vmem>> -> memref<1x64xf32, #tpu.memory_space<vmem>>
      %dma_start3A_384 = arith.constant 0 : i32
      %dma_start3A_385 = tpu.memref_slice %arg4[%squeeze3A_377, %dma_start3A_384] : memref<1000000x64xf32, #tpu.memory_space<hbm>> -> memref<1x64xf32, #tpu.memory_space<hbm>>
      tpu.enqueue_dma source(%dma_start3A_385 : memref<1x64xf32, #tpu.memory_space<hbm>>) target(%dma_start3A_383 : memref<1x64xf32, #tpu.memory_space<vmem>>) target_semaphore(%arg15 : memref<!tpu.dma_semaphore, #tpu.memory_space<semaphore_mem>>)
      %slice3A_386 = vector.extract_strided_slice %get3A_110 {offsets = [11], sizes = [1], strides = [1]} : vector<16xi32> to vector<1xi32>
      %squeeze3A_387 = vector.extract %slice3A_386[0] : i32 from vector<1xi32>
      %dma_start3A_388 = arith.constant 0 : i32
      %dma_start3A_389 = tpu.memref_slice %arg12[%add3A_375, %dma_start3A_388] : memref<128x64xf32, #tpu.memory_space<vmem>> -> memref<1x64xf32, #tpu.memory_space<vmem>>
      %dma_start3A_390 = arith.constant 0 : i32
      %dma_start3A_391 = tpu.memref_slice %arg5[%squeeze3A_387, %dma_start3A_390] : memref<1000000x64xf32, #tpu.memory_space<hbm>> -> memref<1x64xf32, #tpu.memory_space<hbm>>
      %dma_start3A_392 = arith.constant 0 : i32
      %dma_start3A_393 = tpu.memref_slice %arg12[%add3A_375, %dma_start3A_392] : memref<128x64xf32, #tpu.memory_space<vmem>> -> memref<1x64xf32, #tpu.memory_space<vmem>>
      %dma_start3A_394 = arith.constant 0 : i32
      %dma_start3A_395 = tpu.memref_slice %arg5[%squeeze3A_387, %dma_start3A_394] : memref<1000000x64xf32, #tpu.memory_space<hbm>> -> memref<1x64xf32, #tpu.memory_space<hbm>>
      tpu.enqueue_dma source(%dma_start3A_395 : memref<1x64xf32, #tpu.memory_space<hbm>>) target(%dma_start3A_393 : memref<1x64xf32, #tpu.memory_space<vmem>>) target_semaphore(%arg15 : memref<!tpu.dma_semaphore, #tpu.memory_space<semaphore_mem>>)
      %mul3A_396 = arith.constant 16 : i32
      %mul3A_397 = arith.muli %scan3A_97, %mul3A_396 : i32
      %add3A_398 = arith.constant 12 : i32
      %add3A_399 = arith.addi %mul3A_397, %add3A_398 : i32
      %slice3A_400 = vector.extract_strided_slice %get3A_103 {offsets = [12], sizes = [1], strides = [1]} : vector<16xi32> to vector<1xi32>
      %squeeze3A_401 = vector.extract %slice3A_400[0] : i32 from vector<1xi32>
      %dma_start3A_402 = arith.constant 0 : i32
      %dma_start3A_403 = tpu.memref_slice %arg11[%add3A_399, %dma_start3A_402] : memref<128x64xf32, #tpu.memory_space<vmem>> -> memref<1x64xf32, #tpu.memory_space<vmem>>
      %dma_start3A_404 = arith.constant 0 : i32
      %dma_start3A_405 = tpu.memref_slice %arg4[%squeeze3A_401, %dma_start3A_404] : memref<1000000x64xf32, #tpu.memory_space<hbm>> -> memref<1x64xf32, #tpu.memory_space<hbm>>
      %dma_start3A_406 = arith.constant 0 : i32
      %dma_start3A_407 = tpu.memref_slice %arg11[%add3A_399, %dma_start3A_406] : memref<128x64xf32, #tpu.memory_space<vmem>> -> memref<1x64xf32, #tpu.memory_space<vmem>>
      %dma_start3A_408 = arith.constant 0 : i32
      %dma_start3A_409 = tpu.memref_slice %arg4[%squeeze3A_401, %dma_start3A_408] : memref<1000000x64xf32, #tpu.memory_space<hbm>> -> memref<1x64xf32, #tpu.memory_space<hbm>>
      tpu.enqueue_dma source(%dma_start3A_409 : memref<1x64xf32, #tpu.memory_space<hbm>>) target(%dma_start3A_407 : memref<1x64xf32, #tpu.memory_space<vmem>>) target_semaphore(%arg15 : memref<!tpu.dma_semaphore, #tpu.memory_space<semaphore_mem>>)
      %slice3A_410 = vector.extract_strided_slice %get3A_110 {offsets = [12], sizes = [1], strides = [1]} : vector<16xi32> to vector<1xi32>
      %squeeze3A_411 = vector.extract %slice3A_410[0] : i32 from vector<1xi32>
      %dma_start3A_412 = arith.constant 0 : i32
      %dma_start3A_413 = tpu.memref_slice %arg12[%add3A_399, %dma_start3A_412] : memref<128x64xf32, #tpu.memory_space<vmem>> -> memref<1x64xf32, #tpu.memory_space<vmem>>
      %dma_start3A_414 = arith.constant 0 : i32
      %dma_start3A_415 = tpu.memref_slice %arg5[%squeeze3A_411, %dma_start3A_414] : memref<1000000x64xf32, #tpu.memory_space<hbm>> -> memref<1x64xf32, #tpu.memory_space<hbm>>
      %dma_start3A_416 = arith.constant 0 : i32
      %dma_start3A_417 = tpu.memref_slice %arg12[%add3A_399, %dma_start3A_416] : memref<128x64xf32, #tpu.memory_space<vmem>> -> memref<1x64xf32, #tpu.memory_space<vmem>>
      %dma_start3A_418 = arith.constant 0 : i32
      %dma_start3A_419 = tpu.memref_slice %arg5[%squeeze3A_411, %dma_start3A_418] : memref<1000000x64xf32, #tpu.memory_space<hbm>> -> memref<1x64xf32, #tpu.memory_space<hbm>>
      tpu.enqueue_dma source(%dma_start3A_419 : memref<1x64xf32, #tpu.memory_space<hbm>>) target(%dma_start3A_417 : memref<1x64xf32, #tpu.memory_space<vmem>>) target_semaphore(%arg15 : memref<!tpu.dma_semaphore, #tpu.memory_space<semaphore_mem>>)
      %mul3A_420 = arith.constant 16 : i32
      %mul3A_421 = arith.muli %scan3A_97, %mul3A_420 : i32
      %add3A_422 = arith.constant 13 : i32
      %add3A_423 = arith.addi %mul3A_421, %add3A_422 : i32
      %slice3A_424 = vector.extract_strided_slice %get3A_103 {offsets = [13], sizes = [1], strides = [1]} : vector<16xi32> to vector<1xi32>
      %squeeze3A_425 = vector.extract %slice3A_424[0] : i32 from vector<1xi32>
      %dma_start3A_426 = arith.constant 0 : i32
      %dma_start3A_427 = tpu.memref_slice %arg11[%add3A_423, %dma_start3A_426] : memref<128x64xf32, #tpu.memory_space<vmem>> -> memref<1x64xf32, #tpu.memory_space<vmem>>
      %dma_start3A_428 = arith.constant 0 : i32
      %dma_start3A_429 = tpu.memref_slice %arg4[%squeeze3A_425, %dma_start3A_428] : memref<1000000x64xf32, #tpu.memory_space<hbm>> -> memref<1x64xf32, #tpu.memory_space<hbm>>
      %dma_start3A_430 = arith.constant 0 : i32
      %dma_start3A_431 = tpu.memref_slice %arg11[%add3A_423, %dma_start3A_430] : memref<128x64xf32, #tpu.memory_space<vmem>> -> memref<1x64xf32, #tpu.memory_space<vmem>>
      %dma_start3A_432 = arith.constant 0 : i32
      %dma_start3A_433 = tpu.memref_slice %arg4[%squeeze3A_425, %dma_start3A_432] : memref<1000000x64xf32, #tpu.memory_space<hbm>> -> memref<1x64xf32, #tpu.memory_space<hbm>>
      tpu.enqueue_dma source(%dma_start3A_433 : memref<1x64xf32, #tpu.memory_space<hbm>>) target(%dma_start3A_431 : memref<1x64xf32, #tpu.memory_space<vmem>>) target_semaphore(%arg15 : memref<!tpu.dma_semaphore, #tpu.memory_space<semaphore_mem>>)
      %slice3A_434 = vector.extract_strided_slice %get3A_110 {offsets = [13], sizes = [1], strides = [1]} : vector<16xi32> to vector<1xi32>
      %squeeze3A_435 = vector.extract %slice3A_434[0] : i32 from vector<1xi32>
      %dma_start3A_436 = arith.constant 0 : i32
      %dma_start3A_437 = tpu.memref_slice %arg12[%add3A_423, %dma_start3A_436] : memref<128x64xf32, #tpu.memory_space<vmem>> -> memref<1x64xf32, #tpu.memory_space<vmem>>
      %dma_start3A_438 = arith.constant 0 : i32
      %dma_start3A_439 = tpu.memref_slice %arg5[%squeeze3A_435, %dma_start3A_438] : memref<1000000x64xf32, #tpu.memory_space<hbm>> -> memref<1x64xf32, #tpu.memory_space<hbm>>
      %dma_start3A_440 = arith.constant 0 : i32
      %dma_start3A_441 = tpu.memref_slice %arg12[%add3A_423, %dma_start3A_440] : memref<128x64xf32, #tpu.memory_space<vmem>> -> memref<1x64xf32, #tpu.memory_space<vmem>>
      %dma_start3A_442 = arith.constant 0 : i32
      %dma_start3A_443 = tpu.memref_slice %arg5[%squeeze3A_435, %dma_start3A_442] : memref<1000000x64xf32, #tpu.memory_space<hbm>> -> memref<1x64xf32, #tpu.memory_space<hbm>>
      tpu.enqueue_dma source(%dma_start3A_443 : memref<1x64xf32, #tpu.memory_space<hbm>>) target(%dma_start3A_441 : memref<1x64xf32, #tpu.memory_space<vmem>>) target_semaphore(%arg15 : memref<!tpu.dma_semaphore, #tpu.memory_space<semaphore_mem>>)
      %mul3A_444 = arith.constant 16 : i32
      %mul3A_445 = arith.muli %scan3A_97, %mul3A_444 : i32
      %add3A_446 = arith.constant 14 : i32
      %add3A_447 = arith.addi %mul3A_445, %add3A_446 : i32
      %slice3A_448 = vector.extract_strided_slice %get3A_103 {offsets = [14], sizes = [1], strides = [1]} : vector<16xi32> to vector<1xi32>
      %squeeze3A_449 = vector.extract %slice3A_448[0] : i32 from vector<1xi32>
      %dma_start3A_450 = arith.constant 0 : i32
      %dma_start3A_451 = tpu.memref_slice %arg11[%add3A_447, %dma_start3A_450] : memref<128x64xf32, #tpu.memory_space<vmem>> -> memref<1x64xf32, #tpu.memory_space<vmem>>
      %dma_start3A_452 = arith.constant 0 : i32
      %dma_start3A_453 = tpu.memref_slice %arg4[%squeeze3A_449, %dma_start3A_452] : memref<1000000x64xf32, #tpu.memory_space<hbm>> -> memref<1x64xf32, #tpu.memory_space<hbm>>
      %dma_start3A_454 = arith.constant 0 : i32
      %dma_start3A_455 = tpu.memref_slice %arg11[%add3A_447, %dma_start3A_454] : memref<128x64xf32, #tpu.memory_space<vmem>> -> memref<1x64xf32, #tpu.memory_space<vmem>>
      %dma_start3A_456 = arith.constant 0 : i32
      %dma_start3A_457 = tpu.memref_slice %arg4[%squeeze3A_449, %dma_start3A_456] : memref<1000000x64xf32, #tpu.memory_space<hbm>> -> memref<1x64xf32, #tpu.memory_space<hbm>>
      tpu.enqueue_dma source(%dma_start3A_457 : memref<1x64xf32, #tpu.memory_space<hbm>>) target(%dma_start3A_455 : memref<1x64xf32, #tpu.memory_space<vmem>>) target_semaphore(%arg15 : memref<!tpu.dma_semaphore, #tpu.memory_space<semaphore_mem>>)
      %slice3A_458 = vector.extract_strided_slice %get3A_110 {offsets = [14], sizes = [1], strides = [1]} : vector<16xi32> to vector<1xi32>
      %squeeze3A_459 = vector.extract %slice3A_458[0] : i32 from vector<1xi32>
      %dma_start3A_460 = arith.constant 0 : i32
      %dma_start3A_461 = tpu.memref_slice %arg12[%add3A_447, %dma_start3A_460] : memref<128x64xf32, #tpu.memory_space<vmem>> -> memref<1x64xf32, #tpu.memory_space<vmem>>
      %dma_start3A_462 = arith.constant 0 : i32
      %dma_start3A_463 = tpu.memref_slice %arg5[%squeeze3A_459, %dma_start3A_462] : memref<1000000x64xf32, #tpu.memory_space<hbm>> -> memref<1x64xf32, #tpu.memory_space<hbm>>
      %dma_start3A_464 = arith.constant 0 : i32
      %dma_start3A_465 = tpu.memref_slice %arg12[%add3A_447, %dma_start3A_464] : memref<128x64xf32, #tpu.memory_space<vmem>> -> memref<1x64xf32, #tpu.memory_space<vmem>>
      %dma_start3A_466 = arith.constant 0 : i32
      %dma_start3A_467 = tpu.memref_slice %arg5[%squeeze3A_459, %dma_start3A_466] : memref<1000000x64xf32, #tpu.memory_space<hbm>> -> memref<1x64xf32, #tpu.memory_space<hbm>>
      tpu.enqueue_dma source(%dma_start3A_467 : memref<1x64xf32, #tpu.memory_space<hbm>>) target(%dma_start3A_465 : memref<1x64xf32, #tpu.memory_space<vmem>>) target_semaphore(%arg15 : memref<!tpu.dma_semaphore, #tpu.memory_space<semaphore_mem>>)
      %mul3A_468 = arith.constant 16 : i32
      %mul3A_469 = arith.muli %scan3A_97, %mul3A_468 : i32
      %add3A_470 = arith.constant 15 : i32
      %add3A_471 = arith.addi %mul3A_469, %add3A_470 : i32
      %slice3A_472 = vector.extract_strided_slice %get3A_103 {offsets = [15], sizes = [1], strides = [1]} : vector<16xi32> to vector<1xi32>
      %squeeze3A_473 = vector.extract %slice3A_472[0] : i32 from vector<1xi32>
      %dma_start3A_474 = arith.constant 0 : i32
      %dma_start3A_475 = tpu.memref_slice %arg11[%add3A_471, %dma_start3A_474] : memref<128x64xf32, #tpu.memory_space<vmem>> -> memref<1x64xf32, #tpu.memory_space<vmem>>
      %dma_start3A_476 = arith.constant 0 : i32
      %dma_start3A_477 = tpu.memref_slice %arg4[%squeeze3A_473, %dma_start3A_476] : memref<1000000x64xf32, #tpu.memory_space<hbm>> -> memref<1x64xf32, #tpu.memory_space<hbm>>
      %dma_start3A_478 = arith.constant 0 : i32
      %dma_start3A_479 = tpu.memref_slice %arg11[%add3A_471, %dma_start3A_478] : memref<128x64xf32, #tpu.memory_space<vmem>> -> memref<1x64xf32, #tpu.memory_space<vmem>>
      %dma_start3A_480 = arith.constant 0 : i32
      %dma_start3A_481 = tpu.memref_slice %arg4[%squeeze3A_473, %dma_start3A_480] : memref<1000000x64xf32, #tpu.memory_space<hbm>> -> memref<1x64xf32, #tpu.memory_space<hbm>>
      tpu.enqueue_dma source(%dma_start3A_481 : memref<1x64xf32, #tpu.memory_space<hbm>>) target(%dma_start3A_479 : memref<1x64xf32, #tpu.memory_space<vmem>>) target_semaphore(%arg15 : memref<!tpu.dma_semaphore, #tpu.memory_space<semaphore_mem>>)
      %slice3A_482 = vector.extract_strided_slice %get3A_110 {offsets = [15], sizes = [1], strides = [1]} : vector<16xi32> to vector<1xi32>
      %squeeze3A_483 = vector.extract %slice3A_482[0] : i32 from vector<1xi32>
      %dma_start3A_484 = arith.constant 0 : i32
      %dma_start3A_485 = tpu.memref_slice %arg12[%add3A_471, %dma_start3A_484] : memref<128x64xf32, #tpu.memory_space<vmem>> -> memref<1x64xf32, #tpu.memory_space<vmem>>
      %dma_start3A_486 = arith.constant 0 : i32
      %dma_start3A_487 = tpu.memref_slice %arg5[%squeeze3A_483, %dma_start3A_486] : memref<1000000x64xf32, #tpu.memory_space<hbm>> -> memref<1x64xf32, #tpu.memory_space<hbm>>
      %dma_start3A_488 = arith.constant 0 : i32
      %dma_start3A_489 = tpu.memref_slice %arg12[%add3A_471, %dma_start3A_488] : memref<128x64xf32, #tpu.memory_space<vmem>> -> memref<1x64xf32, #tpu.memory_space<vmem>>
      %dma_start3A_490 = arith.constant 0 : i32
      %dma_start3A_491 = tpu.memref_slice %arg5[%squeeze3A_483, %dma_start3A_490] : memref<1000000x64xf32, #tpu.memory_space<hbm>> -> memref<1x64xf32, #tpu.memory_space<hbm>>
      tpu.enqueue_dma source(%dma_start3A_491 : memref<1x64xf32, #tpu.memory_space<hbm>>) target(%dma_start3A_489 : memref<1x64xf32, #tpu.memory_space<vmem>>) target_semaphore(%arg15 : memref<!tpu.dma_semaphore, #tpu.memory_space<semaphore_mem>>)
    }
    %scan3A_11 = arith.constant 8 : i32
    %dma_wait3A = arith.constant 0 : i32
    %dma_wait3A_12 = arith.constant 0 : i32
    %dma_wait3A_13 = tpu.memref_slice %arg4[%dma_wait3A, %dma_wait3A_12] : memref<1000000x64xf32, #tpu.memory_space<hbm>> -> memref<128x64xf32, #tpu.memory_space<hbm>>
    %dma_wait3A_14 = arith.constant 0 : i32
    %dma_wait3A_15 = arith.constant 0 : i32
    %dma_wait3A_16 = tpu.memref_slice %arg4[%dma_wait3A_14, %dma_wait3A_15] : memref<1000000x64xf32, #tpu.memory_space<hbm>> -> memref<128x64xf32, #tpu.memory_space<hbm>>
    tpu.wait_dma2 semaphore(%arg14 : memref<!tpu.dma_semaphore, #tpu.memory_space<semaphore_mem>>) src(%dma_wait3A_16 : memref<128x64xf32, #tpu.memory_space<hbm>>) dst(%arg9 : memref<128x64xf32, #tpu.memory_space<vmem>>)
    %dma_wait3A_17 = arith.constant 0 : i32
    %dma_wait3A_18 = arith.constant 0 : i32
    %dma_wait3A_19 = tpu.memref_slice %arg5[%dma_wait3A_17, %dma_wait3A_18] : memref<1000000x64xf32, #tpu.memory_space<hbm>> -> memref<128x64xf32, #tpu.memory_space<hbm>>
    %dma_wait3A_20 = arith.constant 0 : i32
    %dma_wait3A_21 = arith.constant 0 : i32
    %dma_wait3A_22 = tpu.memref_slice %arg5[%dma_wait3A_20, %dma_wait3A_21] : memref<1000000x64xf32, #tpu.memory_space<hbm>> -> memref<128x64xf32, #tpu.memory_space<hbm>>
    tpu.wait_dma2 semaphore(%arg14 : memref<!tpu.dma_semaphore, #tpu.memory_space<semaphore_mem>>) src(%dma_wait3A_22 : memref<128x64xf32, #tpu.memory_space<hbm>>) dst(%arg10 : memref<128x64xf32, #tpu.memory_space<vmem>>)
    %scan3A_23 = arith.constant 0 : i32
    %scan3A_24 = arith.constant 128 : i32
    %scan3A_25 = arith.addi %scan3A_23, %scan3A_24 : i32
    %scan3A_26 = arith.constant 1 : i32
    scf.for %scan3A_97 = %scan3A_23 to %scan3A_25 step %scan3A_26  : i32 {
      %get3A = arith.index_cast %scan3A_97 : i32 to index
      %get3A_98 = arith.constant 0 : index
      %get3A_99 = tpu.vector_load %arg9[%get3A, %get3A_98] {strides = array<i32>} : memref<128x64xf32, #tpu.memory_space<vmem>>, vector<1x16xf32>,
      %get3A_100 = vector.shape_cast %get3A_99 : vector<1x16xf32> to vector<16xf32>
      %get3A_101 = arith.index_cast %scan3A_97 : i32 to index
      %get3A_102 = arith.constant 0 : index
      %get3A_103 = tpu.vector_load %arg10[%get3A_101, %get3A_102] {strides = array<i32>} : memref<128x64xf32, #tpu.memory_space<vmem>>, vector<1x16xf32>,
      %get3A_104 = vector.shape_cast %get3A_103 : vector<1x16xf32> to vector<16xf32>
      %mul3A_105 = arith.mulf %get3A_100, %get3A_104 : vector<16xf32>
      %swap3A = arith.index_cast %scan3A_97 : i32 to index
      %swap3A_106 = arith.constant 0 : index
      %swap3A_107 = tpu.vector_load %arg13[%swap3A, %swap3A_106] {strides = array<i32>} : memref<128x64xf32, #tpu.memory_space<vmem>>, vector<1x16xf32>,
      %swap3A_108 = vector.shape_cast %swap3A_107 : vector<1x16xf32> to vector<16xf32>
      %swap3A_109 = vector.shape_cast %mul3A_105 : vector<16xf32> to vector<1x16xf32>
      tpu.vector_store %arg13[%swap3A, %swap3A_106], %swap3A_109 {strides = array<i32>} : memref<128x64xf32, #tpu.memory_space<vmem>>, vector<1x16xf32>,
      %get3A_110 = arith.index_cast %scan3A_97 : i32 to index
      %get3A_111 = arith.constant 16 : index
      %get3A_112 = tpu.vector_load %arg9[%get3A_110, %get3A_111] {strides = array<i32>} : memref<128x64xf32, #tpu.memory_space<vmem>>, vector<1x16xf32>,
      %get3A_113 = vector.shape_cast %get3A_112 : vector<1x16xf32> to vector<16xf32>
      %get3A_114 = arith.index_cast %scan3A_97 : i32 to index
      %get3A_115 = arith.constant 16 : index
      %get3A_116 = tpu.vector_load %arg10[%get3A_114, %get3A_115] {strides = array<i32>} : memref<128x64xf32, #tpu.memory_space<vmem>>, vector<1x16xf32>,
      %get3A_117 = vector.shape_cast %get3A_116 : vector<1x16xf32> to vector<16xf32>
      %mul3A_118 = arith.mulf %get3A_113, %get3A_117 : vector<16xf32>
      %swap3A_119 = arith.index_cast %scan3A_97 : i32 to index
      %swap3A_120 = arith.constant 16 : index
      %swap3A_121 = tpu.vector_load %arg13[%swap3A_119, %swap3A_120] {strides = array<i32>} : memref<128x64xf32, #tpu.memory_space<vmem>>, vector<1x16xf32>,
      %swap3A_122 = vector.shape_cast %swap3A_121 : vector<1x16xf32> to vector<16xf32>
      %swap3A_123 = vector.shape_cast %mul3A_118 : vector<16xf32> to vector<1x16xf32>
      tpu.vector_store %arg13[%swap3A_119, %swap3A_120], %swap3A_123 {strides = array<i32>} : memref<128x64xf32, #tpu.memory_space<vmem>>, vector<1x16xf32>,
      %get3A_124 = arith.index_cast %scan3A_97 : i32 to index
      %get3A_125 = arith.constant 32 : index
      %get3A_126 = tpu.vector_load %arg9[%get3A_124, %get3A_125] {strides = array<i32>} : memref<128x64xf32, #tpu.memory_space<vmem>>, vector<1x16xf32>,
      %get3A_127 = vector.shape_cast %get3A_126 : vector<1x16xf32> to vector<16xf32>
      %get3A_128 = arith.index_cast %scan3A_97 : i32 to index
      %get3A_129 = arith.constant 32 : index
      %get3A_130 = tpu.vector_load %arg10[%get3A_128, %get3A_129] {strides = array<i32>} : memref<128x64xf32, #tpu.memory_space<vmem>>, vector<1x16xf32>,
      %get3A_131 = vector.shape_cast %get3A_130 : vector<1x16xf32> to vector<16xf32>
      %mul3A_132 = arith.mulf %get3A_127, %get3A_131 : vector<16xf32>
      %swap3A_133 = arith.index_cast %scan3A_97 : i32 to index
      %swap3A_134 = arith.constant 32 : index
      %swap3A_135 = tpu.vector_load %arg13[%swap3A_133, %swap3A_134] {strides = array<i32>} : memref<128x64xf32, #tpu.memory_space<vmem>>, vector<1x16xf32>,
      %swap3A_136 = vector.shape_cast %swap3A_135 : vector<1x16xf32> to vector<16xf32>
      %swap3A_137 = vector.shape_cast %mul3A_132 : vector<16xf32> to vector<1x16xf32>
      tpu.vector_store %arg13[%swap3A_133, %swap3A_134], %swap3A_137 {strides = array<i32>} : memref<128x64xf32, #tpu.memory_space<vmem>>, vector<1x16xf32>,
      %get3A_138 = arith.index_cast %scan3A_97 : i32 to index
      %get3A_139 = arith.constant 48 : index
      %get3A_140 = tpu.vector_load %arg9[%get3A_138, %get3A_139] {strides = array<i32>} : memref<128x64xf32, #tpu.memory_space<vmem>>, vector<1x16xf32>,
      %get3A_141 = vector.shape_cast %get3A_140 : vector<1x16xf32> to vector<16xf32>
      %get3A_142 = arith.index_cast %scan3A_97 : i32 to index
      %get3A_143 = arith.constant 48 : index
      %get3A_144 = tpu.vector_load %arg10[%get3A_142, %get3A_143] {strides = array<i32>} : memref<128x64xf32, #tpu.memory_space<vmem>>, vector<1x16xf32>,
      %get3A_145 = vector.shape_cast %get3A_144 : vector<1x16xf32> to vector<16xf32>
      %mul3A_146 = arith.mulf %get3A_141, %get3A_145 : vector<16xf32>
      %swap3A_147 = arith.index_cast %scan3A_97 : i32 to index
      %swap3A_148 = arith.constant 48 : index
      %swap3A_149 = tpu.vector_load %arg13[%swap3A_147, %swap3A_148] {strides = array<i32>} : memref<128x64xf32, #tpu.memory_space<vmem>>, vector<1x16xf32>,
      %swap3A_150 = vector.shape_cast %swap3A_149 : vector<1x16xf32> to vector<16xf32>
      %swap3A_151 = vector.shape_cast %mul3A_146 : vector<16xf32> to vector<1x16xf32>
      tpu.vector_store %arg13[%swap3A_147, %swap3A_148], %swap3A_151 {strides = array<i32>} : memref<128x64xf32, #tpu.memory_space<vmem>>, vector<1x16xf32>,
    }
    %scan3A_27 = arith.constant 128 : i32
    %add3A_28 = arith.constant 0 : i32
    %add3A_29 = arith.addi %mul3A_2, %add3A_28 : i32
    "tpu.region"() ({
      %run_scoped3A = tpu.sem_alloc : memref<!tpu.dma_semaphore, #tpu.memory_space<semaphore_mem>>
      %dma_start3A = arith.constant 0 : i32
      %dma_start3A_97 = tpu.memref_slice %arg6[%add3A_29, %dma_start3A] : memref<16384x64xf32, #tpu.memory_space<hbm>> -> memref<128x64xf32, #tpu.memory_space<hbm>>
      %dma_start3A_98 = arith.constant 0 : i32
      %dma_start3A_99 = tpu.memref_slice %arg6[%add3A_29, %dma_start3A_98] : memref<16384x64xf32, #tpu.memory_space<hbm>> -> memref<128x64xf32, #tpu.memory_space<hbm>>
      tpu.enqueue_dma source(%arg13 : memref<128x64xf32, #tpu.memory_space<vmem>>) target(%dma_start3A_99 : memref<128x64xf32, #tpu.memory_space<hbm>>) target_semaphore(%run_scoped3A : memref<!tpu.dma_semaphore, #tpu.memory_space<semaphore_mem>>)
      %dma_wait3A_100 = arith.constant 0 : i32
      %dma_wait3A_101 = tpu.memref_slice %arg6[%add3A_29, %dma_wait3A_100] : memref<16384x64xf32, #tpu.memory_space<hbm>> -> memref<128x64xf32, #tpu.memory_space<hbm>>
      %dma_wait3A_102 = arith.constant 0 : i32
      %dma_wait3A_103 = tpu.memref_slice %arg6[%add3A_29, %dma_wait3A_102] : memref<16384x64xf32, #tpu.memory_space<hbm>> -> memref<128x64xf32, #tpu.memory_space<hbm>>
      tpu.wait_dma2 semaphore(%run_scoped3A : memref<!tpu.dma_semaphore, #tpu.memory_space<semaphore_mem>>) src(%arg13 : memref<128x64xf32, #tpu.memory_space<vmem>>) dst(%dma_wait3A_103 : memref<128x64xf32, #tpu.memory_space<hbm>>)
      tpu.yield
    }) : () -> ()
    %scan3A_30 = arith.constant 0 : i32
    %scan3A_31 = arith.constant 8 : i32
    %scan3A_32 = arith.addi %scan3A_30, %scan3A_31 : i32
    %scan3A_33 = arith.constant 1 : i32
    scf.for %scan3A_97 = %scan3A_30 to %scan3A_32 step %scan3A_33  : i32 {
      %mul3A_98 = arith.constant 16 : i32
      %mul3A_99 = arith.muli %scan3A_97, %mul3A_98 : i32
      %add3A_100 = arith.constant 256 : i32
      %add3A_101 = arith.addi %add3A_100, %mul3A_99 : i32
      %get3A = arith.index_cast %add3A_101 : i32 to index
      %get3A_102 = tpu.vector_load %arg7[%get3A] {strides = array<i32>} : memref<512xi32, #tpu.memory_space<vmem>>, vector<16xi32>,
      %get3A_103 = vector.shape_cast %get3A_102 : vector<16xi32> to vector<16xi32>
      %mul3A_104 = arith.constant 16 : i32
      %mul3A_105 = arith.muli %scan3A_97, %mul3A_104 : i32
      %add3A_106 = arith.constant 256 : i32
      %add3A_107 = arith.addi %add3A_106, %mul3A_105 : i32
      %get3A_108 = arith.index_cast %add3A_107 : i32 to index
      %get3A_109 = tpu.vector_load %arg8[%get3A_108] {strides = array<i32>} : memref<512xi32, #tpu.memory_space<vmem>>, vector<16xi32>,
      %get3A_110 = vector.shape_cast %get3A_109 : vector<16xi32> to vector<16xi32>
      %mul3A_111 = arith.constant 16 : i32
      %mul3A_112 = arith.muli %scan3A_97, %mul3A_111 : i32
      %add3A_113 = arith.constant 0 : i32
      %add3A_114 = arith.addi %mul3A_112, %add3A_113 : i32
      %slice3A = vector.extract_strided_slice %get3A_103 {offsets = [0], sizes = [1], strides = [1]} : vector<16xi32> to vector<1xi32>
      %squeeze3A = vector.extract %slice3A[0] : i32 from vector<1xi32>
      %dma_start3A = arith.constant 0 : i32
      %dma_start3A_115 = tpu.memref_slice %arg9[%add3A_114, %dma_start3A] : memref<128x64xf32, #tpu.memory_space<vmem>> -> memref<1x64xf32, #tpu.memory_space<vmem>>
      %dma_start3A_116 = arith.constant 0 : i32
      %dma_start3A_117 = tpu.memref_slice %arg4[%squeeze3A, %dma_start3A_116] : memref<1000000x64xf32, #tpu.memory_space<hbm>> -> memref<1x64xf32, #tpu.memory_space<hbm>>
      %dma_start3A_118 = arith.constant 0 : i32
      %dma_start3A_119 = tpu.memref_slice %arg9[%add3A_114, %dma_start3A_118] : memref<128x64xf32, #tpu.memory_space<vmem>> -> memref<1x64xf32, #tpu.memory_space<vmem>>
      %dma_start3A_120 = arith.constant 0 : i32
      %dma_start3A_121 = tpu.memref_slice %arg4[%squeeze3A, %dma_start3A_120] : memref<1000000x64xf32, #tpu.memory_space<hbm>> -> memref<1x64xf32, #tpu.memory_space<hbm>>
      tpu.enqueue_dma source(%dma_start3A_121 : memref<1x64xf32, #tpu.memory_space<hbm>>) target(%dma_start3A_119 : memref<1x64xf32, #tpu.memory_space<vmem>>) target_semaphore(%arg14 : memref<!tpu.dma_semaphore, #tpu.memory_space<semaphore_mem>>)
      %slice3A_122 = vector.extract_strided_slice %get3A_110 {offsets = [0], sizes = [1], strides = [1]} : vector<16xi32> to vector<1xi32>
      %squeeze3A_123 = vector.extract %slice3A_122[0] : i32 from vector<1xi32>
      %dma_start3A_124 = arith.constant 0 : i32
      %dma_start3A_125 = tpu.memref_slice %arg10[%add3A_114, %dma_start3A_124] : memref<128x64xf32, #tpu.memory_space<vmem>> -> memref<1x64xf32, #tpu.memory_space<vmem>>
      %dma_start3A_126 = arith.constant 0 : i32
      %dma_start3A_127 = tpu.memref_slice %arg5[%squeeze3A_123, %dma_start3A_126] : memref<1000000x64xf32, #tpu.memory_space<hbm>> -> memref<1x64xf32, #tpu.memory_space<hbm>>
      %dma_start3A_128 = arith.constant 0 : i32
      %dma_start3A_129 = tpu.memref_slice %arg10[%add3A_114, %dma_start3A_128] : memref<128x64xf32, #tpu.memory_space<vmem>> -> memref<1x64xf32, #tpu.memory_space<vmem>>
      %dma_start3A_130 = arith.constant 0 : i32
      %dma_start3A_131 = tpu.memref_slice %arg5[%squeeze3A_123, %dma_start3A_130] : memref<1000000x64xf32, #tpu.memory_space<hbm>> -> memref<1x64xf32, #tpu.memory_space<hbm>>
      tpu.enqueue_dma source(%dma_start3A_131 : memref<1x64xf32, #tpu.memory_space<hbm>>) target(%dma_start3A_129 : memref<1x64xf32, #tpu.memory_space<vmem>>) target_semaphore(%arg14 : memref<!tpu.dma_semaphore, #tpu.memory_space<semaphore_mem>>)
      %mul3A_132 = arith.constant 16 : i32
      %mul3A_133 = arith.muli %scan3A_97, %mul3A_132 : i32
      %add3A_134 = arith.constant 1 : i32
      %add3A_135 = arith.addi %mul3A_133, %add3A_134 : i32
      %slice3A_136 = vector.extract_strided_slice %get3A_103 {offsets = [1], sizes = [1], strides = [1]} : vector<16xi32> to vector<1xi32>
      %squeeze3A_137 = vector.extract %slice3A_136[0] : i32 from vector<1xi32>
      %dma_start3A_138 = arith.constant 0 : i32
      %dma_start3A_139 = tpu.memref_slice %arg9[%add3A_135, %dma_start3A_138] : memref<128x64xf32, #tpu.memory_space<vmem>> -> memref<1x64xf32, #tpu.memory_space<vmem>>
      %dma_start3A_140 = arith.constant 0 : i32
      %dma_start3A_141 = tpu.memref_slice %arg4[%squeeze3A_137, %dma_start3A_140] : memref<1000000x64xf32, #tpu.memory_space<hbm>> -> memref<1x64xf32, #tpu.memory_space<hbm>>
      %dma_start3A_142 = arith.constant 0 : i32
      %dma_start3A_143 = tpu.memref_slice %arg9[%add3A_135, %dma_start3A_142] : memref<128x64xf32, #tpu.memory_space<vmem>> -> memref<1x64xf32, #tpu.memory_space<vmem>>
      %dma_start3A_144 = arith.constant 0 : i32
      %dma_start3A_145 = tpu.memref_slice %arg4[%squeeze3A_137, %dma_start3A_144] : memref<1000000x64xf32, #tpu.memory_space<hbm>> -> memref<1x64xf32, #tpu.memory_space<hbm>>
      tpu.enqueue_dma source(%dma_start3A_145 : memref<1x64xf32, #tpu.memory_space<hbm>>) target(%dma_start3A_143 : memref<1x64xf32, #tpu.memory_space<vmem>>) target_semaphore(%arg14 : memref<!tpu.dma_semaphore, #tpu.memory_space<semaphore_mem>>)
      %slice3A_146 = vector.extract_strided_slice %get3A_110 {offsets = [1], sizes = [1], strides = [1]} : vector<16xi32> to vector<1xi32>
      %squeeze3A_147 = vector.extract %slice3A_146[0] : i32 from vector<1xi32>
      %dma_start3A_148 = arith.constant 0 : i32
      %dma_start3A_149 = tpu.memref_slice %arg10[%add3A_135, %dma_start3A_148] : memref<128x64xf32, #tpu.memory_space<vmem>> -> memref<1x64xf32, #tpu.memory_space<vmem>>
      %dma_start3A_150 = arith.constant 0 : i32
      %dma_start3A_151 = tpu.memref_slice %arg5[%squeeze3A_147, %dma_start3A_150] : memref<1000000x64xf32, #tpu.memory_space<hbm>> -> memref<1x64xf32, #tpu.memory_space<hbm>>
      %dma_start3A_152 = arith.constant 0 : i32
      %dma_start3A_153 = tpu.memref_slice %arg10[%add3A_135, %dma_start3A_152] : memref<128x64xf32, #tpu.memory_space<vmem>> -> memref<1x64xf32, #tpu.memory_space<vmem>>
      %dma_start3A_154 = arith.constant 0 : i32
      %dma_start3A_155 = tpu.memref_slice %arg5[%squeeze3A_147, %dma_start3A_154] : memref<1000000x64xf32, #tpu.memory_space<hbm>> -> memref<1x64xf32, #tpu.memory_space<hbm>>
      tpu.enqueue_dma source(%dma_start3A_155 : memref<1x64xf32, #tpu.memory_space<hbm>>) target(%dma_start3A_153 : memref<1x64xf32, #tpu.memory_space<vmem>>) target_semaphore(%arg14 : memref<!tpu.dma_semaphore, #tpu.memory_space<semaphore_mem>>)
      %mul3A_156 = arith.constant 16 : i32
      %mul3A_157 = arith.muli %scan3A_97, %mul3A_156 : i32
      %add3A_158 = arith.constant 2 : i32
      %add3A_159 = arith.addi %mul3A_157, %add3A_158 : i32
      %slice3A_160 = vector.extract_strided_slice %get3A_103 {offsets = [2], sizes = [1], strides = [1]} : vector<16xi32> to vector<1xi32>
      %squeeze3A_161 = vector.extract %slice3A_160[0] : i32 from vector<1xi32>
      %dma_start3A_162 = arith.constant 0 : i32
      %dma_start3A_163 = tpu.memref_slice %arg9[%add3A_159, %dma_start3A_162] : memref<128x64xf32, #tpu.memory_space<vmem>> -> memref<1x64xf32, #tpu.memory_space<vmem>>
      %dma_start3A_164 = arith.constant 0 : i32
      %dma_start3A_165 = tpu.memref_slice %arg4[%squeeze3A_161, %dma_start3A_164] : memref<1000000x64xf32, #tpu.memory_space<hbm>> -> memref<1x64xf32, #tpu.memory_space<hbm>>
      %dma_start3A_166 = arith.constant 0 : i32
      %dma_start3A_167 = tpu.memref_slice %arg9[%add3A_159, %dma_start3A_166] : memref<128x64xf32, #tpu.memory_space<vmem>> -> memref<1x64xf32, #tpu.memory_space<vmem>>
      %dma_start3A_168 = arith.constant 0 : i32
      %dma_start3A_169 = tpu.memref_slice %arg4[%squeeze3A_161, %dma_start3A_168] : memref<1000000x64xf32, #tpu.memory_space<hbm>> -> memref<1x64xf32, #tpu.memory_space<hbm>>
      tpu.enqueue_dma source(%dma_start3A_169 : memref<1x64xf32, #tpu.memory_space<hbm>>) target(%dma_start3A_167 : memref<1x64xf32, #tpu.memory_space<vmem>>) target_semaphore(%arg14 : memref<!tpu.dma_semaphore, #tpu.memory_space<semaphore_mem>>)
      %slice3A_170 = vector.extract_strided_slice %get3A_110 {offsets = [2], sizes = [1], strides = [1]} : vector<16xi32> to vector<1xi32>
      %squeeze3A_171 = vector.extract %slice3A_170[0] : i32 from vector<1xi32>
      %dma_start3A_172 = arith.constant 0 : i32
      %dma_start3A_173 = tpu.memref_slice %arg10[%add3A_159, %dma_start3A_172] : memref<128x64xf32, #tpu.memory_space<vmem>> -> memref<1x64xf32, #tpu.memory_space<vmem>>
      %dma_start3A_174 = arith.constant 0 : i32
      %dma_start3A_175 = tpu.memref_slice %arg5[%squeeze3A_171, %dma_start3A_174] : memref<1000000x64xf32, #tpu.memory_space<hbm>> -> memref<1x64xf32, #tpu.memory_space<hbm>>
      %dma_start3A_176 = arith.constant 0 : i32
      %dma_start3A_177 = tpu.memref_slice %arg10[%add3A_159, %dma_start3A_176] : memref<128x64xf32, #tpu.memory_space<vmem>> -> memref<1x64xf32, #tpu.memory_space<vmem>>
      %dma_start3A_178 = arith.constant 0 : i32
      %dma_start3A_179 = tpu.memref_slice %arg5[%squeeze3A_171, %dma_start3A_178] : memref<1000000x64xf32, #tpu.memory_space<hbm>> -> memref<1x64xf32, #tpu.memory_space<hbm>>
      tpu.enqueue_dma source(%dma_start3A_179 : memref<1x64xf32, #tpu.memory_space<hbm>>) target(%dma_start3A_177 : memref<1x64xf32, #tpu.memory_space<vmem>>) target_semaphore(%arg14 : memref<!tpu.dma_semaphore, #tpu.memory_space<semaphore_mem>>)
      %mul3A_180 = arith.constant 16 : i32
      %mul3A_181 = arith.muli %scan3A_97, %mul3A_180 : i32
      %add3A_182 = arith.constant 3 : i32
      %add3A_183 = arith.addi %mul3A_181, %add3A_182 : i32
      %slice3A_184 = vector.extract_strided_slice %get3A_103 {offsets = [3], sizes = [1], strides = [1]} : vector<16xi32> to vector<1xi32>
      %squeeze3A_185 = vector.extract %slice3A_184[0] : i32 from vector<1xi32>
      %dma_start3A_186 = arith.constant 0 : i32
      %dma_start3A_187 = tpu.memref_slice %arg9[%add3A_183, %dma_start3A_186] : memref<128x64xf32, #tpu.memory_space<vmem>> -> memref<1x64xf32, #tpu.memory_space<vmem>>
      %dma_start3A_188 = arith.constant 0 : i32
      %dma_start3A_189 = tpu.memref_slice %arg4[%squeeze3A_185, %dma_start3A_188] : memref<1000000x64xf32, #tpu.memory_space<hbm>> -> memref<1x64xf32, #tpu.memory_space<hbm>>
      %dma_start3A_190 = arith.constant 0 : i32
      %dma_start3A_191 = tpu.memref_slice %arg9[%add3A_183, %dma_start3A_190] : memref<128x64xf32, #tpu.memory_space<vmem>> -> memref<1x64xf32, #tpu.memory_space<vmem>>
      %dma_start3A_192 = arith.constant 0 : i32
      %dma_start3A_193 = tpu.memref_slice %arg4[%squeeze3A_185, %dma_start3A_192] : memref<1000000x64xf32, #tpu.memory_space<hbm>> -> memref<1x64xf32, #tpu.memory_space<hbm>>
      tpu.enqueue_dma source(%dma_start3A_193 : memref<1x64xf32, #tpu.memory_space<hbm>>) target(%dma_start3A_191 : memref<1x64xf32, #tpu.memory_space<vmem>>) target_semaphore(%arg14 : memref<!tpu.dma_semaphore, #tpu.memory_space<semaphore_mem>>)
      %slice3A_194 = vector.extract_strided_slice %get3A_110 {offsets = [3], sizes = [1], strides = [1]} : vector<16xi32> to vector<1xi32>
      %squeeze3A_195 = vector.extract %slice3A_194[0] : i32 from vector<1xi32>
      %dma_start3A_196 = arith.constant 0 : i32
      %dma_start3A_197 = tpu.memref_slice %arg10[%add3A_183, %dma_start3A_196] : memref<128x64xf32, #tpu.memory_space<vmem>> -> memref<1x64xf32, #tpu.memory_space<vmem>>
      %dma_start3A_198 = arith.constant 0 : i32
      %dma_start3A_199 = tpu.memref_slice %arg5[%squeeze3A_195, %dma_start3A_198] : memref<1000000x64xf32, #tpu.memory_space<hbm>> -> memref<1x64xf32, #tpu.memory_space<hbm>>
      %dma_start3A_200 = arith.constant 0 : i32
      %dma_start3A_201 = tpu.memref_slice %arg10[%add3A_183, %dma_start3A_200] : memref<128x64xf32, #tpu.memory_space<vmem>> -> memref<1x64xf32, #tpu.memory_space<vmem>>
      %dma_start3A_202 = arith.constant 0 : i32
      %dma_start3A_203 = tpu.memref_slice %arg5[%squeeze3A_195, %dma_start3A_202] : memref<1000000x64xf32, #tpu.memory_space<hbm>> -> memref<1x64xf32, #tpu.memory_space<hbm>>
      tpu.enqueue_dma source(%dma_start3A_203 : memref<1x64xf32, #tpu.memory_space<hbm>>) target(%dma_start3A_201 : memref<1x64xf32, #tpu.memory_space<vmem>>) target_semaphore(%arg14 : memref<!tpu.dma_semaphore, #tpu.memory_space<semaphore_mem>>)
      %mul3A_204 = arith.constant 16 : i32
      %mul3A_205 = arith.muli %scan3A_97, %mul3A_204 : i32
      %add3A_206 = arith.constant 4 : i32
      %add3A_207 = arith.addi %mul3A_205, %add3A_206 : i32
      %slice3A_208 = vector.extract_strided_slice %get3A_103 {offsets = [4], sizes = [1], strides = [1]} : vector<16xi32> to vector<1xi32>
      %squeeze3A_209 = vector.extract %slice3A_208[0] : i32 from vector<1xi32>
      %dma_start3A_210 = arith.constant 0 : i32
      %dma_start3A_211 = tpu.memref_slice %arg9[%add3A_207, %dma_start3A_210] : memref<128x64xf32, #tpu.memory_space<vmem>> -> memref<1x64xf32, #tpu.memory_space<vmem>>
      %dma_start3A_212 = arith.constant 0 : i32
      %dma_start3A_213 = tpu.memref_slice %arg4[%squeeze3A_209, %dma_start3A_212] : memref<1000000x64xf32, #tpu.memory_space<hbm>> -> memref<1x64xf32, #tpu.memory_space<hbm>>
      %dma_start3A_214 = arith.constant 0 : i32
      %dma_start3A_215 = tpu.memref_slice %arg9[%add3A_207, %dma_start3A_214] : memref<128x64xf32, #tpu.memory_space<vmem>> -> memref<1x64xf32, #tpu.memory_space<vmem>>
      %dma_start3A_216 = arith.constant 0 : i32
      %dma_start3A_217 = tpu.memref_slice %arg4[%squeeze3A_209, %dma_start3A_216] : memref<1000000x64xf32, #tpu.memory_space<hbm>> -> memref<1x64xf32, #tpu.memory_space<hbm>>
      tpu.enqueue_dma source(%dma_start3A_217 : memref<1x64xf32, #tpu.memory_space<hbm>>) target(%dma_start3A_215 : memref<1x64xf32, #tpu.memory_space<vmem>>) target_semaphore(%arg14 : memref<!tpu.dma_semaphore, #tpu.memory_space<semaphore_mem>>)
      %slice3A_218 = vector.extract_strided_slice %get3A_110 {offsets = [4], sizes = [1], strides = [1]} : vector<16xi32> to vector<1xi32>
      %squeeze3A_219 = vector.extract %slice3A_218[0] : i32 from vector<1xi32>
      %dma_start3A_220 = arith.constant 0 : i32
      %dma_start3A_221 = tpu.memref_slice %arg10[%add3A_207, %dma_start3A_220] : memref<128x64xf32, #tpu.memory_space<vmem>> -> memref<1x64xf32, #tpu.memory_space<vmem>>
      %dma_start3A_222 = arith.constant 0 : i32
      %dma_start3A_223 = tpu.memref_slice %arg5[%squeeze3A_219, %dma_start3A_222] : memref<1000000x64xf32, #tpu.memory_space<hbm>> -> memref<1x64xf32, #tpu.memory_space<hbm>>
      %dma_start3A_224 = arith.constant 0 : i32
      %dma_start3A_225 = tpu.memref_slice %arg10[%add3A_207, %dma_start3A_224] : memref<128x64xf32, #tpu.memory_space<vmem>> -> memref<1x64xf32, #tpu.memory_space<vmem>>
      %dma_start3A_226 = arith.constant 0 : i32
      %dma_start3A_227 = tpu.memref_slice %arg5[%squeeze3A_219, %dma_start3A_226] : memref<1000000x64xf32, #tpu.memory_space<hbm>> -> memref<1x64xf32, #tpu.memory_space<hbm>>
      tpu.enqueue_dma source(%dma_start3A_227 : memref<1x64xf32, #tpu.memory_space<hbm>>) target(%dma_start3A_225 : memref<1x64xf32, #tpu.memory_space<vmem>>) target_semaphore(%arg14 : memref<!tpu.dma_semaphore, #tpu.memory_space<semaphore_mem>>)
      %mul3A_228 = arith.constant 16 : i32
      %mul3A_229 = arith.muli %scan3A_97, %mul3A_228 : i32
      %add3A_230 = arith.constant 5 : i32
      %add3A_231 = arith.addi %mul3A_229, %add3A_230 : i32
      %slice3A_232 = vector.extract_strided_slice %get3A_103 {offsets = [5], sizes = [1], strides = [1]} : vector<16xi32> to vector<1xi32>
      %squeeze3A_233 = vector.extract %slice3A_232[0] : i32 from vector<1xi32>
      %dma_start3A_234 = arith.constant 0 : i32
      %dma_start3A_235 = tpu.memref_slice %arg9[%add3A_231, %dma_start3A_234] : memref<128x64xf32, #tpu.memory_space<vmem>> -> memref<1x64xf32, #tpu.memory_space<vmem>>
      %dma_start3A_236 = arith.constant 0 : i32
      %dma_start3A_237 = tpu.memref_slice %arg4[%squeeze3A_233, %dma_start3A_236] : memref<1000000x64xf32, #tpu.memory_space<hbm>> -> memref<1x64xf32, #tpu.memory_space<hbm>>
      %dma_start3A_238 = arith.constant 0 : i32
      %dma_start3A_239 = tpu.memref_slice %arg9[%add3A_231, %dma_start3A_238] : memref<128x64xf32, #tpu.memory_space<vmem>> -> memref<1x64xf32, #tpu.memory_space<vmem>>
      %dma_start3A_240 = arith.constant 0 : i32
      %dma_start3A_241 = tpu.memref_slice %arg4[%squeeze3A_233, %dma_start3A_240] : memref<1000000x64xf32, #tpu.memory_space<hbm>> -> memref<1x64xf32, #tpu.memory_space<hbm>>
      tpu.enqueue_dma source(%dma_start3A_241 : memref<1x64xf32, #tpu.memory_space<hbm>>) target(%dma_start3A_239 : memref<1x64xf32, #tpu.memory_space<vmem>>) target_semaphore(%arg14 : memref<!tpu.dma_semaphore, #tpu.memory_space<semaphore_mem>>)
      %slice3A_242 = vector.extract_strided_slice %get3A_110 {offsets = [5], sizes = [1], strides = [1]} : vector<16xi32> to vector<1xi32>
      %squeeze3A_243 = vector.extract %slice3A_242[0] : i32 from vector<1xi32>
      %dma_start3A_244 = arith.constant 0 : i32
      %dma_start3A_245 = tpu.memref_slice %arg10[%add3A_231, %dma_start3A_244] : memref<128x64xf32, #tpu.memory_space<vmem>> -> memref<1x64xf32, #tpu.memory_space<vmem>>
      %dma_start3A_246 = arith.constant 0 : i32
      %dma_start3A_247 = tpu.memref_slice %arg5[%squeeze3A_243, %dma_start3A_246] : memref<1000000x64xf32, #tpu.memory_space<hbm>> -> memref<1x64xf32, #tpu.memory_space<hbm>>
      %dma_start3A_248 = arith.constant 0 : i32
      %dma_start3A_249 = tpu.memref_slice %arg10[%add3A_231, %dma_start3A_248] : memref<128x64xf32, #tpu.memory_space<vmem>> -> memref<1x64xf32, #tpu.memory_space<vmem>>
      %dma_start3A_250 = arith.constant 0 : i32
      %dma_start3A_251 = tpu.memref_slice %arg5[%squeeze3A_243, %dma_start3A_250] : memref<1000000x64xf32, #tpu.memory_space<hbm>> -> memref<1x64xf32, #tpu.memory_space<hbm>>
      tpu.enqueue_dma source(%dma_start3A_251 : memref<1x64xf32, #tpu.memory_space<hbm>>) target(%dma_start3A_249 : memref<1x64xf32, #tpu.memory_space<vmem>>) target_semaphore(%arg14 : memref<!tpu.dma_semaphore, #tpu.memory_space<semaphore_mem>>)
      %mul3A_252 = arith.constant 16 : i32
      %mul3A_253 = arith.muli %scan3A_97, %mul3A_252 : i32
      %add3A_254 = arith.constant 6 : i32
      %add3A_255 = arith.addi %mul3A_253, %add3A_254 : i32
      %slice3A_256 = vector.extract_strided_slice %get3A_103 {offsets = [6], sizes = [1], strides = [1]} : vector<16xi32> to vector<1xi32>
      %squeeze3A_257 = vector.extract %slice3A_256[0] : i32 from vector<1xi32>
      %dma_start3A_258 = arith.constant 0 : i32
      %dma_start3A_259 = tpu.memref_slice %arg9[%add3A_255, %dma_start3A_258] : memref<128x64xf32, #tpu.memory_space<vmem>> -> memref<1x64xf32, #tpu.memory_space<vmem>>
      %dma_start3A_260 = arith.constant 0 : i32
      %dma_start3A_261 = tpu.memref_slice %arg4[%squeeze3A_257, %dma_start3A_260] : memref<1000000x64xf32, #tpu.memory_space<hbm>> -> memref<1x64xf32, #tpu.memory_space<hbm>>
      %dma_start3A_262 = arith.constant 0 : i32
      %dma_start3A_263 = tpu.memref_slice %arg9[%add3A_255, %dma_start3A_262] : memref<128x64xf32, #tpu.memory_space<vmem>> -> memref<1x64xf32, #tpu.memory_space<vmem>>
      %dma_start3A_264 = arith.constant 0 : i32
      %dma_start3A_265 = tpu.memref_slice %arg4[%squeeze3A_257, %dma_start3A_264] : memref<1000000x64xf32, #tpu.memory_space<hbm>> -> memref<1x64xf32, #tpu.memory_space<hbm>>
      tpu.enqueue_dma source(%dma_start3A_265 : memref<1x64xf32, #tpu.memory_space<hbm>>) target(%dma_start3A_263 : memref<1x64xf32, #tpu.memory_space<vmem>>) target_semaphore(%arg14 : memref<!tpu.dma_semaphore, #tpu.memory_space<semaphore_mem>>)
      %slice3A_266 = vector.extract_strided_slice %get3A_110 {offsets = [6], sizes = [1], strides = [1]} : vector<16xi32> to vector<1xi32>
      %squeeze3A_267 = vector.extract %slice3A_266[0] : i32 from vector<1xi32>
      %dma_start3A_268 = arith.constant 0 : i32
      %dma_start3A_269 = tpu.memref_slice %arg10[%add3A_255, %dma_start3A_268] : memref<128x64xf32, #tpu.memory_space<vmem>> -> memref<1x64xf32, #tpu.memory_space<vmem>>
      %dma_start3A_270 = arith.constant 0 : i32
      %dma_start3A_271 = tpu.memref_slice %arg5[%squeeze3A_267, %dma_start3A_270] : memref<1000000x64xf32, #tpu.memory_space<hbm>> -> memref<1x64xf32, #tpu.memory_space<hbm>>
      %dma_start3A_272 = arith.constant 0 : i32
      %dma_start3A_273 = tpu.memref_slice %arg10[%add3A_255, %dma_start3A_272] : memref<128x64xf32, #tpu.memory_space<vmem>> -> memref<1x64xf32, #tpu.memory_space<vmem>>
      %dma_start3A_274 = arith.constant 0 : i32
      %dma_start3A_275 = tpu.memref_slice %arg5[%squeeze3A_267, %dma_start3A_274] : memref<1000000x64xf32, #tpu.memory_space<hbm>> -> memref<1x64xf32, #tpu.memory_space<hbm>>
      tpu.enqueue_dma source(%dma_start3A_275 : memref<1x64xf32, #tpu.memory_space<hbm>>) target(%dma_start3A_273 : memref<1x64xf32, #tpu.memory_space<vmem>>) target_semaphore(%arg14 : memref<!tpu.dma_semaphore, #tpu.memory_space<semaphore_mem>>)
      %mul3A_276 = arith.constant 16 : i32
      %mul3A_277 = arith.muli %scan3A_97, %mul3A_276 : i32
      %add3A_278 = arith.constant 7 : i32
      %add3A_279 = arith.addi %mul3A_277, %add3A_278 : i32
      %slice3A_280 = vector.extract_strided_slice %get3A_103 {offsets = [7], sizes = [1], strides = [1]} : vector<16xi32> to vector<1xi32>
      %squeeze3A_281 = vector.extract %slice3A_280[0] : i32 from vector<1xi32>
      %dma_start3A_282 = arith.constant 0 : i32
      %dma_start3A_283 = tpu.memref_slice %arg9[%add3A_279, %dma_start3A_282] : memref<128x64xf32, #tpu.memory_space<vmem>> -> memref<1x64xf32, #tpu.memory_space<vmem>>
      %dma_start3A_284 = arith.constant 0 : i32
      %dma_start3A_285 = tpu.memref_slice %arg4[%squeeze3A_281, %dma_start3A_284] : memref<1000000x64xf32, #tpu.memory_space<hbm>> -> memref<1x64xf32, #tpu.memory_space<hbm>>
      %dma_start3A_286 = arith.constant 0 : i32
      %dma_start3A_287 = tpu.memref_slice %arg9[%add3A_279, %dma_start3A_286] : memref<128x64xf32, #tpu.memory_space<vmem>> -> memref<1x64xf32, #tpu.memory_space<vmem>>
      %dma_start3A_288 = arith.constant 0 : i32
      %dma_start3A_289 = tpu.memref_slice %arg4[%squeeze3A_281, %dma_start3A_288] : memref<1000000x64xf32, #tpu.memory_space<hbm>> -> memref<1x64xf32, #tpu.memory_space<hbm>>
      tpu.enqueue_dma source(%dma_start3A_289 : memref<1x64xf32, #tpu.memory_space<hbm>>) target(%dma_start3A_287 : memref<1x64xf32, #tpu.memory_space<vmem>>) target_semaphore(%arg14 : memref<!tpu.dma_semaphore, #tpu.memory_space<semaphore_mem>>)
      %slice3A_290 = vector.extract_strided_slice %get3A_110 {offsets = [7], sizes = [1], strides = [1]} : vector<16xi32> to vector<1xi32>
      %squeeze3A_291 = vector.extract %slice3A_290[0] : i32 from vector<1xi32>
      %dma_start3A_292 = arith.constant 0 : i32
      %dma_start3A_293 = tpu.memref_slice %arg10[%add3A_279, %dma_start3A_292] : memref<128x64xf32, #tpu.memory_space<vmem>> -> memref<1x64xf32, #tpu.memory_space<vmem>>
      %dma_start3A_294 = arith.constant 0 : i32
      %dma_start3A_295 = tpu.memref_slice %arg5[%squeeze3A_291, %dma_start3A_294] : memref<1000000x64xf32, #tpu.memory_space<hbm>> -> memref<1x64xf32, #tpu.memory_space<hbm>>
      %dma_start3A_296 = arith.constant 0 : i32
      %dma_start3A_297 = tpu.memref_slice %arg10[%add3A_279, %dma_start3A_296] : memref<128x64xf32, #tpu.memory_space<vmem>> -> memref<1x64xf32, #tpu.memory_space<vmem>>
      %dma_start3A_298 = arith.constant 0 : i32
      %dma_start3A_299 = tpu.memref_slice %arg5[%squeeze3A_291, %dma_start3A_298] : memref<1000000x64xf32, #tpu.memory_space<hbm>> -> memref<1x64xf32, #tpu.memory_space<hbm>>
      tpu.enqueue_dma source(%dma_start3A_299 : memref<1x64xf32, #tpu.memory_space<hbm>>) target(%dma_start3A_297 : memref<1x64xf32, #tpu.memory_space<vmem>>) target_semaphore(%arg14 : memref<!tpu.dma_semaphore, #tpu.memory_space<semaphore_mem>>)
      %mul3A_300 = arith.constant 16 : i32
      %mul3A_301 = arith.muli %scan3A_97, %mul3A_300 : i32
      %add3A_302 = arith.constant 8 : i32
      %add3A_303 = arith.addi %mul3A_301, %add3A_302 : i32
      %slice3A_304 = vector.extract_strided_slice %get3A_103 {offsets = [8], sizes = [1], strides = [1]} : vector<16xi32> to vector<1xi32>
      %squeeze3A_305 = vector.extract %slice3A_304[0] : i32 from vector<1xi32>
      %dma_start3A_306 = arith.constant 0 : i32
      %dma_start3A_307 = tpu.memref_slice %arg9[%add3A_303, %dma_start3A_306] : memref<128x64xf32, #tpu.memory_space<vmem>> -> memref<1x64xf32, #tpu.memory_space<vmem>>
      %dma_start3A_308 = arith.constant 0 : i32
      %dma_start3A_309 = tpu.memref_slice %arg4[%squeeze3A_305, %dma_start3A_308] : memref<1000000x64xf32, #tpu.memory_space<hbm>> -> memref<1x64xf32, #tpu.memory_space<hbm>>
      %dma_start3A_310 = arith.constant 0 : i32
      %dma_start3A_311 = tpu.memref_slice %arg9[%add3A_303, %dma_start3A_310] : memref<128x64xf32, #tpu.memory_space<vmem>> -> memref<1x64xf32, #tpu.memory_space<vmem>>
      %dma_start3A_312 = arith.constant 0 : i32
      %dma_start3A_313 = tpu.memref_slice %arg4[%squeeze3A_305, %dma_start3A_312] : memref<1000000x64xf32, #tpu.memory_space<hbm>> -> memref<1x64xf32, #tpu.memory_space<hbm>>
      tpu.enqueue_dma source(%dma_start3A_313 : memref<1x64xf32, #tpu.memory_space<hbm>>) target(%dma_start3A_311 : memref<1x64xf32, #tpu.memory_space<vmem>>) target_semaphore(%arg14 : memref<!tpu.dma_semaphore, #tpu.memory_space<semaphore_mem>>)
      %slice3A_314 = vector.extract_strided_slice %get3A_110 {offsets = [8], sizes = [1], strides = [1]} : vector<16xi32> to vector<1xi32>
      %squeeze3A_315 = vector.extract %slice3A_314[0] : i32 from vector<1xi32>
      %dma_start3A_316 = arith.constant 0 : i32
      %dma_start3A_317 = tpu.memref_slice %arg10[%add3A_303, %dma_start3A_316] : memref<128x64xf32, #tpu.memory_space<vmem>> -> memref<1x64xf32, #tpu.memory_space<vmem>>
      %dma_start3A_318 = arith.constant 0 : i32
      %dma_start3A_319 = tpu.memref_slice %arg5[%squeeze3A_315, %dma_start3A_318] : memref<1000000x64xf32, #tpu.memory_space<hbm>> -> memref<1x64xf32, #tpu.memory_space<hbm>>
      %dma_start3A_320 = arith.constant 0 : i32
      %dma_start3A_321 = tpu.memref_slice %arg10[%add3A_303, %dma_start3A_320] : memref<128x64xf32, #tpu.memory_space<vmem>> -> memref<1x64xf32, #tpu.memory_space<vmem>>
      %dma_start3A_322 = arith.constant 0 : i32
      %dma_start3A_323 = tpu.memref_slice %arg5[%squeeze3A_315, %dma_start3A_322] : memref<1000000x64xf32, #tpu.memory_space<hbm>> -> memref<1x64xf32, #tpu.memory_space<hbm>>
      tpu.enqueue_dma source(%dma_start3A_323 : memref<1x64xf32, #tpu.memory_space<hbm>>) target(%dma_start3A_321 : memref<1x64xf32, #tpu.memory_space<vmem>>) target_semaphore(%arg14 : memref<!tpu.dma_semaphore, #tpu.memory_space<semaphore_mem>>)
      %mul3A_324 = arith.constant 16 : i32
      %mul3A_325 = arith.muli %scan3A_97, %mul3A_324 : i32
      %add3A_326 = arith.constant 9 : i32
      %add3A_327 = arith.addi %mul3A_325, %add3A_326 : i32
      %slice3A_328 = vector.extract_strided_slice %get3A_103 {offsets = [9], sizes = [1], strides = [1]} : vector<16xi32> to vector<1xi32>
      %squeeze3A_329 = vector.extract %slice3A_328[0] : i32 from vector<1xi32>
      %dma_start3A_330 = arith.constant 0 : i32
      %dma_start3A_331 = tpu.memref_slice %arg9[%add3A_327, %dma_start3A_330] : memref<128x64xf32, #tpu.memory_space<vmem>> -> memref<1x64xf32, #tpu.memory_space<vmem>>
      %dma_start3A_332 = arith.constant 0 : i32
      %dma_start3A_333 = tpu.memref_slice %arg4[%squeeze3A_329, %dma_start3A_332] : memref<1000000x64xf32, #tpu.memory_space<hbm>> -> memref<1x64xf32, #tpu.memory_space<hbm>>
      %dma_start3A_334 = arith.constant 0 : i32
      %dma_start3A_335 = tpu.memref_slice %arg9[%add3A_327, %dma_start3A_334] : memref<128x64xf32, #tpu.memory_space<vmem>> -> memref<1x64xf32, #tpu.memory_space<vmem>>
      %dma_start3A_336 = arith.constant 0 : i32
      %dma_start3A_337 = tpu.memref_slice %arg4[%squeeze3A_329, %dma_start3A_336] : memref<1000000x64xf32, #tpu.memory_space<hbm>> -> memref<1x64xf32, #tpu.memory_space<hbm>>
      tpu.enqueue_dma source(%dma_start3A_337 : memref<1x64xf32, #tpu.memory_space<hbm>>) target(%dma_start3A_335 : memref<1x64xf32, #tpu.memory_space<vmem>>) target_semaphore(%arg14 : memref<!tpu.dma_semaphore, #tpu.memory_space<semaphore_mem>>)
      %slice3A_338 = vector.extract_strided_slice %get3A_110 {offsets = [9], sizes = [1], strides = [1]} : vector<16xi32> to vector<1xi32>
      %squeeze3A_339 = vector.extract %slice3A_338[0] : i32 from vector<1xi32>
      %dma_start3A_340 = arith.constant 0 : i32
      %dma_start3A_341 = tpu.memref_slice %arg10[%add3A_327, %dma_start3A_340] : memref<128x64xf32, #tpu.memory_space<vmem>> -> memref<1x64xf32, #tpu.memory_space<vmem>>
      %dma_start3A_342 = arith.constant 0 : i32
      %dma_start3A_343 = tpu.memref_slice %arg5[%squeeze3A_339, %dma_start3A_342] : memref<1000000x64xf32, #tpu.memory_space<hbm>> -> memref<1x64xf32, #tpu.memory_space<hbm>>
      %dma_start3A_344 = arith.constant 0 : i32
      %dma_start3A_345 = tpu.memref_slice %arg10[%add3A_327, %dma_start3A_344] : memref<128x64xf32, #tpu.memory_space<vmem>> -> memref<1x64xf32, #tpu.memory_space<vmem>>
      %dma_start3A_346 = arith.constant 0 : i32
      %dma_start3A_347 = tpu.memref_slice %arg5[%squeeze3A_339, %dma_start3A_346] : memref<1000000x64xf32, #tpu.memory_space<hbm>> -> memref<1x64xf32, #tpu.memory_space<hbm>>
      tpu.enqueue_dma source(%dma_start3A_347 : memref<1x64xf32, #tpu.memory_space<hbm>>) target(%dma_start3A_345 : memref<1x64xf32, #tpu.memory_space<vmem>>) target_semaphore(%arg14 : memref<!tpu.dma_semaphore, #tpu.memory_space<semaphore_mem>>)
      %mul3A_348 = arith.constant 16 : i32
      %mul3A_349 = arith.muli %scan3A_97, %mul3A_348 : i32
      %add3A_350 = arith.constant 10 : i32
      %add3A_351 = arith.addi %mul3A_349, %add3A_350 : i32
      %slice3A_352 = vector.extract_strided_slice %get3A_103 {offsets = [10], sizes = [1], strides = [1]} : vector<16xi32> to vector<1xi32>
      %squeeze3A_353 = vector.extract %slice3A_352[0] : i32 from vector<1xi32>
      %dma_start3A_354 = arith.constant 0 : i32
      %dma_start3A_355 = tpu.memref_slice %arg9[%add3A_351, %dma_start3A_354] : memref<128x64xf32, #tpu.memory_space<vmem>> -> memref<1x64xf32, #tpu.memory_space<vmem>>
      %dma_start3A_356 = arith.constant 0 : i32
      %dma_start3A_357 = tpu.memref_slice %arg4[%squeeze3A_353, %dma_start3A_356] : memref<1000000x64xf32, #tpu.memory_space<hbm>> -> memref<1x64xf32, #tpu.memory_space<hbm>>
      %dma_start3A_358 = arith.constant 0 : i32
      %dma_start3A_359 = tpu.memref_slice %arg9[%add3A_351, %dma_start3A_358] : memref<128x64xf32, #tpu.memory_space<vmem>> -> memref<1x64xf32, #tpu.memory_space<vmem>>
      %dma_start3A_360 = arith.constant 0 : i32
      %dma_start3A_361 = tpu.memref_slice %arg4[%squeeze3A_353, %dma_start3A_360] : memref<1000000x64xf32, #tpu.memory_space<hbm>> -> memref<1x64xf32, #tpu.memory_space<hbm>>
      tpu.enqueue_dma source(%dma_start3A_361 : memref<1x64xf32, #tpu.memory_space<hbm>>) target(%dma_start3A_359 : memref<1x64xf32, #tpu.memory_space<vmem>>) target_semaphore(%arg14 : memref<!tpu.dma_semaphore, #tpu.memory_space<semaphore_mem>>)
      %slice3A_362 = vector.extract_strided_slice %get3A_110 {offsets = [10], sizes = [1], strides = [1]} : vector<16xi32> to vector<1xi32>
      %squeeze3A_363 = vector.extract %slice3A_362[0] : i32 from vector<1xi32>
      %dma_start3A_364 = arith.constant 0 : i32
      %dma_start3A_365 = tpu.memref_slice %arg10[%add3A_351, %dma_start3A_364] : memref<128x64xf32, #tpu.memory_space<vmem>> -> memref<1x64xf32, #tpu.memory_space<vmem>>
      %dma_start3A_366 = arith.constant 0 : i32
      %dma_start3A_367 = tpu.memref_slice %arg5[%squeeze3A_363, %dma_start3A_366] : memref<1000000x64xf32, #tpu.memory_space<hbm>> -> memref<1x64xf32, #tpu.memory_space<hbm>>
      %dma_start3A_368 = arith.constant 0 : i32
      %dma_start3A_369 = tpu.memref_slice %arg10[%add3A_351, %dma_start3A_368] : memref<128x64xf32, #tpu.memory_space<vmem>> -> memref<1x64xf32, #tpu.memory_space<vmem>>
      %dma_start3A_370 = arith.constant 0 : i32
      %dma_start3A_371 = tpu.memref_slice %arg5[%squeeze3A_363, %dma_start3A_370] : memref<1000000x64xf32, #tpu.memory_space<hbm>> -> memref<1x64xf32, #tpu.memory_space<hbm>>
      tpu.enqueue_dma source(%dma_start3A_371 : memref<1x64xf32, #tpu.memory_space<hbm>>) target(%dma_start3A_369 : memref<1x64xf32, #tpu.memory_space<vmem>>) target_semaphore(%arg14 : memref<!tpu.dma_semaphore, #tpu.memory_space<semaphore_mem>>)
      %mul3A_372 = arith.constant 16 : i32
      %mul3A_373 = arith.muli %scan3A_97, %mul3A_372 : i32
      %add3A_374 = arith.constant 11 : i32
      %add3A_375 = arith.addi %mul3A_373, %add3A_374 : i32
      %slice3A_376 = vector.extract_strided_slice %get3A_103 {offsets = [11], sizes = [1], strides = [1]} : vector<16xi32> to vector<1xi32>
      %squeeze3A_377 = vector.extract %slice3A_376[0] : i32 from vector<1xi32>
      %dma_start3A_378 = arith.constant 0 : i32
      %dma_start3A_379 = tpu.memref_slice %arg9[%add3A_375, %dma_start3A_378] : memref<128x64xf32, #tpu.memory_space<vmem>> -> memref<1x64xf32, #tpu.memory_space<vmem>>
      %dma_start3A_380 = arith.constant 0 : i32
      %dma_start3A_381 = tpu.memref_slice %arg4[%squeeze3A_377, %dma_start3A_380] : memref<1000000x64xf32, #tpu.memory_space<hbm>> -> memref<1x64xf32, #tpu.memory_space<hbm>>
      %dma_start3A_382 = arith.constant 0 : i32
      %dma_start3A_383 = tpu.memref_slice %arg9[%add3A_375, %dma_start3A_382] : memref<128x64xf32, #tpu.memory_space<vmem>> -> memref<1x64xf32, #tpu.memory_space<vmem>>
      %dma_start3A_384 = arith.constant 0 : i32
      %dma_start3A_385 = tpu.memref_slice %arg4[%squeeze3A_377, %dma_start3A_384] : memref<1000000x64xf32, #tpu.memory_space<hbm>> -> memref<1x64xf32, #tpu.memory_space<hbm>>
      tpu.enqueue_dma source(%dma_start3A_385 : memref<1x64xf32, #tpu.memory_space<hbm>>) target(%dma_start3A_383 : memref<1x64xf32, #tpu.memory_space<vmem>>) target_semaphore(%arg14 : memref<!tpu.dma_semaphore, #tpu.memory_space<semaphore_mem>>)
      %slice3A_386 = vector.extract_strided_slice %get3A_110 {offsets = [11], sizes = [1], strides = [1]} : vector<16xi32> to vector<1xi32>
      %squeeze3A_387 = vector.extract %slice3A_386[0] : i32 from vector<1xi32>
      %dma_start3A_388 = arith.constant 0 : i32
      %dma_start3A_389 = tpu.memref_slice %arg10[%add3A_375, %dma_start3A_388] : memref<128x64xf32, #tpu.memory_space<vmem>> -> memref<1x64xf32, #tpu.memory_space<vmem>>
      %dma_start3A_390 = arith.constant 0 : i32
      %dma_start3A_391 = tpu.memref_slice %arg5[%squeeze3A_387, %dma_start3A_390] : memref<1000000x64xf32, #tpu.memory_space<hbm>> -> memref<1x64xf32, #tpu.memory_space<hbm>>
      %dma_start3A_392 = arith.constant 0 : i32
      %dma_start3A_393 = tpu.memref_slice %arg10[%add3A_375, %dma_start3A_392] : memref<128x64xf32, #tpu.memory_space<vmem>> -> memref<1x64xf32, #tpu.memory_space<vmem>>
      %dma_start3A_394 = arith.constant 0 : i32
      %dma_start3A_395 = tpu.memref_slice %arg5[%squeeze3A_387, %dma_start3A_394] : memref<1000000x64xf32, #tpu.memory_space<hbm>> -> memref<1x64xf32, #tpu.memory_space<hbm>>
      tpu.enqueue_dma source(%dma_start3A_395 : memref<1x64xf32, #tpu.memory_space<hbm>>) target(%dma_start3A_393 : memref<1x64xf32, #tpu.memory_space<vmem>>) target_semaphore(%arg14 : memref<!tpu.dma_semaphore, #tpu.memory_space<semaphore_mem>>)
      %mul3A_396 = arith.constant 16 : i32
      %mul3A_397 = arith.muli %scan3A_97, %mul3A_396 : i32
      %add3A_398 = arith.constant 12 : i32
      %add3A_399 = arith.addi %mul3A_397, %add3A_398 : i32
      %slice3A_400 = vector.extract_strided_slice %get3A_103 {offsets = [12], sizes = [1], strides = [1]} : vector<16xi32> to vector<1xi32>
      %squeeze3A_401 = vector.extract %slice3A_400[0] : i32 from vector<1xi32>
      %dma_start3A_402 = arith.constant 0 : i32
      %dma_start3A_403 = tpu.memref_slice %arg9[%add3A_399, %dma_start3A_402] : memref<128x64xf32, #tpu.memory_space<vmem>> -> memref<1x64xf32, #tpu.memory_space<vmem>>
      %dma_start3A_404 = arith.constant 0 : i32
      %dma_start3A_405 = tpu.memref_slice %arg4[%squeeze3A_401, %dma_start3A_404] : memref<1000000x64xf32, #tpu.memory_space<hbm>> -> memref<1x64xf32, #tpu.memory_space<hbm>>
      %dma_start3A_406 = arith.constant 0 : i32
      %dma_start3A_407 = tpu.memref_slice %arg9[%add3A_399, %dma_start3A_406] : memref<128x64xf32, #tpu.memory_space<vmem>> -> memref<1x64xf32, #tpu.memory_space<vmem>>
      %dma_start3A_408 = arith.constant 0 : i32
      %dma_start3A_409 = tpu.memref_slice %arg4[%squeeze3A_401, %dma_start3A_408] : memref<1000000x64xf32, #tpu.memory_space<hbm>> -> memref<1x64xf32, #tpu.memory_space<hbm>>
      tpu.enqueue_dma source(%dma_start3A_409 : memref<1x64xf32, #tpu.memory_space<hbm>>) target(%dma_start3A_407 : memref<1x64xf32, #tpu.memory_space<vmem>>) target_semaphore(%arg14 : memref<!tpu.dma_semaphore, #tpu.memory_space<semaphore_mem>>)
      %slice3A_410 = vector.extract_strided_slice %get3A_110 {offsets = [12], sizes = [1], strides = [1]} : vector<16xi32> to vector<1xi32>
      %squeeze3A_411 = vector.extract %slice3A_410[0] : i32 from vector<1xi32>
      %dma_start3A_412 = arith.constant 0 : i32
      %dma_start3A_413 = tpu.memref_slice %arg10[%add3A_399, %dma_start3A_412] : memref<128x64xf32, #tpu.memory_space<vmem>> -> memref<1x64xf32, #tpu.memory_space<vmem>>
      %dma_start3A_414 = arith.constant 0 : i32
      %dma_start3A_415 = tpu.memref_slice %arg5[%squeeze3A_411, %dma_start3A_414] : memref<1000000x64xf32, #tpu.memory_space<hbm>> -> memref<1x64xf32, #tpu.memory_space<hbm>>
      %dma_start3A_416 = arith.constant 0 : i32
      %dma_start3A_417 = tpu.memref_slice %arg10[%add3A_399, %dma_start3A_416] : memref<128x64xf32, #tpu.memory_space<vmem>> -> memref<1x64xf32, #tpu.memory_space<vmem>>
      %dma_start3A_418 = arith.constant 0 : i32
      %dma_start3A_419 = tpu.memref_slice %arg5[%squeeze3A_411, %dma_start3A_418] : memref<1000000x64xf32, #tpu.memory_space<hbm>> -> memref<1x64xf32, #tpu.memory_space<hbm>>
      tpu.enqueue_dma source(%dma_start3A_419 : memref<1x64xf32, #tpu.memory_space<hbm>>) target(%dma_start3A_417 : memref<1x64xf32, #tpu.memory_space<vmem>>) target_semaphore(%arg14 : memref<!tpu.dma_semaphore, #tpu.memory_space<semaphore_mem>>)
      %mul3A_420 = arith.constant 16 : i32
      %mul3A_421 = arith.muli %scan3A_97, %mul3A_420 : i32
      %add3A_422 = arith.constant 13 : i32
      %add3A_423 = arith.addi %mul3A_421, %add3A_422 : i32
      %slice3A_424 = vector.extract_strided_slice %get3A_103 {offsets = [13], sizes = [1], strides = [1]} : vector<16xi32> to vector<1xi32>
      %squeeze3A_425 = vector.extract %slice3A_424[0] : i32 from vector<1xi32>
      %dma_start3A_426 = arith.constant 0 : i32
      %dma_start3A_427 = tpu.memref_slice %arg9[%add3A_423, %dma_start3A_426] : memref<128x64xf32, #tpu.memory_space<vmem>> -> memref<1x64xf32, #tpu.memory_space<vmem>>
      %dma_start3A_428 = arith.constant 0 : i32
      %dma_start3A_429 = tpu.memref_slice %arg4[%squeeze3A_425, %dma_start3A_428] : memref<1000000x64xf32, #tpu.memory_space<hbm>> -> memref<1x64xf32, #tpu.memory_space<hbm>>
      %dma_start3A_430 = arith.constant 0 : i32
      %dma_start3A_431 = tpu.memref_slice %arg9[%add3A_423, %dma_start3A_430] : memref<128x64xf32, #tpu.memory_space<vmem>> -> memref<1x64xf32, #tpu.memory_space<vmem>>
      %dma_start3A_432 = arith.constant 0 : i32
      %dma_start3A_433 = tpu.memref_slice %arg4[%squeeze3A_425, %dma_start3A_432] : memref<1000000x64xf32, #tpu.memory_space<hbm>> -> memref<1x64xf32, #tpu.memory_space<hbm>>
      tpu.enqueue_dma source(%dma_start3A_433 : memref<1x64xf32, #tpu.memory_space<hbm>>) target(%dma_start3A_431 : memref<1x64xf32, #tpu.memory_space<vmem>>) target_semaphore(%arg14 : memref<!tpu.dma_semaphore, #tpu.memory_space<semaphore_mem>>)
      %slice3A_434 = vector.extract_strided_slice %get3A_110 {offsets = [13], sizes = [1], strides = [1]} : vector<16xi32> to vector<1xi32>
      %squeeze3A_435 = vector.extract %slice3A_434[0] : i32 from vector<1xi32>
      %dma_start3A_436 = arith.constant 0 : i32
      %dma_start3A_437 = tpu.memref_slice %arg10[%add3A_423, %dma_start3A_436] : memref<128x64xf32, #tpu.memory_space<vmem>> -> memref<1x64xf32, #tpu.memory_space<vmem>>
      %dma_start3A_438 = arith.constant 0 : i32
      %dma_start3A_439 = tpu.memref_slice %arg5[%squeeze3A_435, %dma_start3A_438] : memref<1000000x64xf32, #tpu.memory_space<hbm>> -> memref<1x64xf32, #tpu.memory_space<hbm>>
      %dma_start3A_440 = arith.constant 0 : i32
      %dma_start3A_441 = tpu.memref_slice %arg10[%add3A_423, %dma_start3A_440] : memref<128x64xf32, #tpu.memory_space<vmem>> -> memref<1x64xf32, #tpu.memory_space<vmem>>
      %dma_start3A_442 = arith.constant 0 : i32
      %dma_start3A_443 = tpu.memref_slice %arg5[%squeeze3A_435, %dma_start3A_442] : memref<1000000x64xf32, #tpu.memory_space<hbm>> -> memref<1x64xf32, #tpu.memory_space<hbm>>
      tpu.enqueue_dma source(%dma_start3A_443 : memref<1x64xf32, #tpu.memory_space<hbm>>) target(%dma_start3A_441 : memref<1x64xf32, #tpu.memory_space<vmem>>) target_semaphore(%arg14 : memref<!tpu.dma_semaphore, #tpu.memory_space<semaphore_mem>>)
      %mul3A_444 = arith.constant 16 : i32
      %mul3A_445 = arith.muli %scan3A_97, %mul3A_444 : i32
      %add3A_446 = arith.constant 14 : i32
      %add3A_447 = arith.addi %mul3A_445, %add3A_446 : i32
      %slice3A_448 = vector.extract_strided_slice %get3A_103 {offsets = [14], sizes = [1], strides = [1]} : vector<16xi32> to vector<1xi32>
      %squeeze3A_449 = vector.extract %slice3A_448[0] : i32 from vector<1xi32>
      %dma_start3A_450 = arith.constant 0 : i32
      %dma_start3A_451 = tpu.memref_slice %arg9[%add3A_447, %dma_start3A_450] : memref<128x64xf32, #tpu.memory_space<vmem>> -> memref<1x64xf32, #tpu.memory_space<vmem>>
      %dma_start3A_452 = arith.constant 0 : i32
      %dma_start3A_453 = tpu.memref_slice %arg4[%squeeze3A_449, %dma_start3A_452] : memref<1000000x64xf32, #tpu.memory_space<hbm>> -> memref<1x64xf32, #tpu.memory_space<hbm>>
      %dma_start3A_454 = arith.constant 0 : i32
      %dma_start3A_455 = tpu.memref_slice %arg9[%add3A_447, %dma_start3A_454] : memref<128x64xf32, #tpu.memory_space<vmem>> -> memref<1x64xf32, #tpu.memory_space<vmem>>
      %dma_start3A_456 = arith.constant 0 : i32
      %dma_start3A_457 = tpu.memref_slice %arg4[%squeeze3A_449, %dma_start3A_456] : memref<1000000x64xf32, #tpu.memory_space<hbm>> -> memref<1x64xf32, #tpu.memory_space<hbm>>
      tpu.enqueue_dma source(%dma_start3A_457 : memref<1x64xf32, #tpu.memory_space<hbm>>) target(%dma_start3A_455 : memref<1x64xf32, #tpu.memory_space<vmem>>) target_semaphore(%arg14 : memref<!tpu.dma_semaphore, #tpu.memory_space<semaphore_mem>>)
      %slice3A_458 = vector.extract_strided_slice %get3A_110 {offsets = [14], sizes = [1], strides = [1]} : vector<16xi32> to vector<1xi32>
      %squeeze3A_459 = vector.extract %slice3A_458[0] : i32 from vector<1xi32>
      %dma_start3A_460 = arith.constant 0 : i32
      %dma_start3A_461 = tpu.memref_slice %arg10[%add3A_447, %dma_start3A_460] : memref<128x64xf32, #tpu.memory_space<vmem>> -> memref<1x64xf32, #tpu.memory_space<vmem>>
      %dma_start3A_462 = arith.constant 0 : i32
      %dma_start3A_463 = tpu.memref_slice %arg5[%squeeze3A_459, %dma_start3A_462] : memref<1000000x64xf32, #tpu.memory_space<hbm>> -> memref<1x64xf32, #tpu.memory_space<hbm>>
      %dma_start3A_464 = arith.constant 0 : i32
      %dma_start3A_465 = tpu.memref_slice %arg10[%add3A_447, %dma_start3A_464] : memref<128x64xf32, #tpu.memory_space<vmem>> -> memref<1x64xf32, #tpu.memory_space<vmem>>
      %dma_start3A_466 = arith.constant 0 : i32
      %dma_start3A_467 = tpu.memref_slice %arg5[%squeeze3A_459, %dma_start3A_466] : memref<1000000x64xf32, #tpu.memory_space<hbm>> -> memref<1x64xf32, #tpu.memory_space<hbm>>
      tpu.enqueue_dma source(%dma_start3A_467 : memref<1x64xf32, #tpu.memory_space<hbm>>) target(%dma_start3A_465 : memref<1x64xf32, #tpu.memory_space<vmem>>) target_semaphore(%arg14 : memref<!tpu.dma_semaphore, #tpu.memory_space<semaphore_mem>>)
      %mul3A_468 = arith.constant 16 : i32
      %mul3A_469 = arith.muli %scan3A_97, %mul3A_468 : i32
      %add3A_470 = arith.constant 15 : i32
      %add3A_471 = arith.addi %mul3A_469, %add3A_470 : i32
      %slice3A_472 = vector.extract_strided_slice %get3A_103 {offsets = [15], sizes = [1], strides = [1]} : vector<16xi32> to vector<1xi32>
      %squeeze3A_473 = vector.extract %slice3A_472[0] : i32 from vector<1xi32>
      %dma_start3A_474 = arith.constant 0 : i32
      %dma_start3A_475 = tpu.memref_slice %arg9[%add3A_471, %dma_start3A_474] : memref<128x64xf32, #tpu.memory_space<vmem>> -> memref<1x64xf32, #tpu.memory_space<vmem>>
      %dma_start3A_476 = arith.constant 0 : i32
      %dma_start3A_477 = tpu.memref_slice %arg4[%squeeze3A_473, %dma_start3A_476] : memref<1000000x64xf32, #tpu.memory_space<hbm>> -> memref<1x64xf32, #tpu.memory_space<hbm>>
      %dma_start3A_478 = arith.constant 0 : i32
      %dma_start3A_479 = tpu.memref_slice %arg9[%add3A_471, %dma_start3A_478] : memref<128x64xf32, #tpu.memory_space<vmem>> -> memref<1x64xf32, #tpu.memory_space<vmem>>
      %dma_start3A_480 = arith.constant 0 : i32
      %dma_start3A_481 = tpu.memref_slice %arg4[%squeeze3A_473, %dma_start3A_480] : memref<1000000x64xf32, #tpu.memory_space<hbm>> -> memref<1x64xf32, #tpu.memory_space<hbm>>
      tpu.enqueue_dma source(%dma_start3A_481 : memref<1x64xf32, #tpu.memory_space<hbm>>) target(%dma_start3A_479 : memref<1x64xf32, #tpu.memory_space<vmem>>) target_semaphore(%arg14 : memref<!tpu.dma_semaphore, #tpu.memory_space<semaphore_mem>>)
      %slice3A_482 = vector.extract_strided_slice %get3A_110 {offsets = [15], sizes = [1], strides = [1]} : vector<16xi32> to vector<1xi32>
      %squeeze3A_483 = vector.extract %slice3A_482[0] : i32 from vector<1xi32>
      %dma_start3A_484 = arith.constant 0 : i32
      %dma_start3A_485 = tpu.memref_slice %arg10[%add3A_471, %dma_start3A_484] : memref<128x64xf32, #tpu.memory_space<vmem>> -> memref<1x64xf32, #tpu.memory_space<vmem>>
      %dma_start3A_486 = arith.constant 0 : i32
      %dma_start3A_487 = tpu.memref_slice %arg5[%squeeze3A_483, %dma_start3A_486] : memref<1000000x64xf32, #tpu.memory_space<hbm>> -> memref<1x64xf32, #tpu.memory_space<hbm>>
      %dma_start3A_488 = arith.constant 0 : i32
      %dma_start3A_489 = tpu.memref_slice %arg10[%add3A_471, %dma_start3A_488] : memref<128x64xf32, #tpu.memory_space<vmem>> -> memref<1x64xf32, #tpu.memory_space<vmem>>
      %dma_start3A_490 = arith.constant 0 : i32
      %dma_start3A_491 = tpu.memref_slice %arg5[%squeeze3A_483, %dma_start3A_490] : memref<1000000x64xf32, #tpu.memory_space<hbm>> -> memref<1x64xf32, #tpu.memory_space<hbm>>
      tpu.enqueue_dma source(%dma_start3A_491 : memref<1x64xf32, #tpu.memory_space<hbm>>) target(%dma_start3A_489 : memref<1x64xf32, #tpu.memory_space<vmem>>) target_semaphore(%arg14 : memref<!tpu.dma_semaphore, #tpu.memory_space<semaphore_mem>>)
    }
    %scan3A_34 = arith.constant 8 : i32
    %dma_wait3A_35 = arith.constant 0 : i32
    %dma_wait3A_36 = arith.constant 0 : i32
    %dma_wait3A_37 = tpu.memref_slice %arg4[%dma_wait3A_35, %dma_wait3A_36] : memref<1000000x64xf32, #tpu.memory_space<hbm>> -> memref<128x64xf32, #tpu.memory_space<hbm>>
    %dma_wait3A_38 = arith.constant 0 : i32
    %dma_wait3A_39 = arith.constant 0 : i32
    %dma_wait3A_40 = tpu.memref_slice %arg4[%dma_wait3A_38, %dma_wait3A_39] : memref<1000000x64xf32, #tpu.memory_space<hbm>> -> memref<128x64xf32, #tpu.memory_space<hbm>>
    tpu.wait_dma2 semaphore(%arg15 : memref<!tpu.dma_semaphore, #tpu.memory_space<semaphore_mem>>) src(%dma_wait3A_40 : memref<128x64xf32, #tpu.memory_space<hbm>>) dst(%arg11 : memref<128x64xf32, #tpu.memory_space<vmem>>)
    %dma_wait3A_41 = arith.constant 0 : i32
    %dma_wait3A_42 = arith.constant 0 : i32
    %dma_wait3A_43 = tpu.memref_slice %arg5[%dma_wait3A_41, %dma_wait3A_42] : memref<1000000x64xf32, #tpu.memory_space<hbm>> -> memref<128x64xf32, #tpu.memory_space<hbm>>
    %dma_wait3A_44 = arith.constant 0 : i32
    %dma_wait3A_45 = arith.constant 0 : i32
    %dma_wait3A_46 = tpu.memref_slice %arg5[%dma_wait3A_44, %dma_wait3A_45] : memref<1000000x64xf32, #tpu.memory_space<hbm>> -> memref<128x64xf32, #tpu.memory_space<hbm>>
    tpu.wait_dma2 semaphore(%arg15 : memref<!tpu.dma_semaphore, #tpu.memory_space<semaphore_mem>>) src(%dma_wait3A_46 : memref<128x64xf32, #tpu.memory_space<hbm>>) dst(%arg12 : memref<128x64xf32, #tpu.memory_space<vmem>>)
    %scan3A_47 = arith.constant 0 : i32
    %scan3A_48 = arith.constant 128 : i32
    %scan3A_49 = arith.addi %scan3A_47, %scan3A_48 : i32
    %scan3A_50 = arith.constant 1 : i32
    scf.for %scan3A_97 = %scan3A_47 to %scan3A_49 step %scan3A_50  : i32 {
      %get3A = arith.index_cast %scan3A_97 : i32 to index
      %get3A_98 = arith.constant 0 : index
      %get3A_99 = tpu.vector_load %arg11[%get3A, %get3A_98] {strides = array<i32>} : memref<128x64xf32, #tpu.memory_space<vmem>>, vector<1x16xf32>,
      %get3A_100 = vector.shape_cast %get3A_99 : vector<1x16xf32> to vector<16xf32>
      %get3A_101 = arith.index_cast %scan3A_97 : i32 to index
      %get3A_102 = arith.constant 0 : index
      %get3A_103 = tpu.vector_load %arg12[%get3A_101, %get3A_102] {strides = array<i32>} : memref<128x64xf32, #tpu.memory_space<vmem>>, vector<1x16xf32>,
      %get3A_104 = vector.shape_cast %get3A_103 : vector<1x16xf32> to vector<16xf32>
      %mul3A_105 = arith.mulf %get3A_100, %get3A_104 : vector<16xf32>
      %swap3A = arith.index_cast %scan3A_97 : i32 to index
      %swap3A_106 = arith.constant 0 : index
      %swap3A_107 = tpu.vector_load %arg13[%swap3A, %swap3A_106] {strides = array<i32>} : memref<128x64xf32, #tpu.memory_space<vmem>>, vector<1x16xf32>,
      %swap3A_108 = vector.shape_cast %swap3A_107 : vector<1x16xf32> to vector<16xf32>
      %swap3A_109 = vector.shape_cast %mul3A_105 : vector<16xf32> to vector<1x16xf32>
      tpu.vector_store %arg13[%swap3A, %swap3A_106], %swap3A_109 {strides = array<i32>} : memref<128x64xf32, #tpu.memory_space<vmem>>, vector<1x16xf32>,
      %get3A_110 = arith.index_cast %scan3A_97 : i32 to index
      %get3A_111 = arith.constant 16 : index
      %get3A_112 = tpu.vector_load %arg11[%get3A_110, %get3A_111] {strides = array<i32>} : memref<128x64xf32, #tpu.memory_space<vmem>>, vector<1x16xf32>,
      %get3A_113 = vector.shape_cast %get3A_112 : vector<1x16xf32> to vector<16xf32>
      %get3A_114 = arith.index_cast %scan3A_97 : i32 to index
      %get3A_115 = arith.constant 16 : index
      %get3A_116 = tpu.vector_load %arg12[%get3A_114, %get3A_115] {strides = array<i32>} : memref<128x64xf32, #tpu.memory_space<vmem>>, vector<1x16xf32>,
      %get3A_117 = vector.shape_cast %get3A_116 : vector<1x16xf32> to vector<16xf32>
      %mul3A_118 = arith.mulf %get3A_113, %get3A_117 : vector<16xf32>
      %swap3A_119 = arith.index_cast %scan3A_97 : i32 to index
      %swap3A_120 = arith.constant 16 : index
      %swap3A_121 = tpu.vector_load %arg13[%swap3A_119, %swap3A_120] {strides = array<i32>} : memref<128x64xf32, #tpu.memory_space<vmem>>, vector<1x16xf32>,
      %swap3A_122 = vector.shape_cast %swap3A_121 : vector<1x16xf32> to vector<16xf32>
      %swap3A_123 = vector.shape_cast %mul3A_118 : vector<16xf32> to vector<1x16xf32>
      tpu.vector_store %arg13[%swap3A_119, %swap3A_120], %swap3A_123 {strides = array<i32>} : memref<128x64xf32, #tpu.memory_space<vmem>>, vector<1x16xf32>,
      %get3A_124 = arith.index_cast %scan3A_97 : i32 to index
      %get3A_125 = arith.constant 32 : index
      %get3A_126 = tpu.vector_load %arg11[%get3A_124, %get3A_125] {strides = array<i32>} : memref<128x64xf32, #tpu.memory_space<vmem>>, vector<1x16xf32>,
      %get3A_127 = vector.shape_cast %get3A_126 : vector<1x16xf32> to vector<16xf32>
      %get3A_128 = arith.index_cast %scan3A_97 : i32 to index
      %get3A_129 = arith.constant 32 : index
      %get3A_130 = tpu.vector_load %arg12[%get3A_128, %get3A_129] {strides = array<i32>} : memref<128x64xf32, #tpu.memory_space<vmem>>, vector<1x16xf32>,
      %get3A_131 = vector.shape_cast %get3A_130 : vector<1x16xf32> to vector<16xf32>
      %mul3A_132 = arith.mulf %get3A_127, %get3A_131 : vector<16xf32>
      %swap3A_133 = arith.index_cast %scan3A_97 : i32 to index
      %swap3A_134 = arith.constant 32 : index
      %swap3A_135 = tpu.vector_load %arg13[%swap3A_133, %swap3A_134] {strides = array<i32>} : memref<128x64xf32, #tpu.memory_space<vmem>>, vector<1x16xf32>,
      %swap3A_136 = vector.shape_cast %swap3A_135 : vector<1x16xf32> to vector<16xf32>
      %swap3A_137 = vector.shape_cast %mul3A_132 : vector<16xf32> to vector<1x16xf32>
      tpu.vector_store %arg13[%swap3A_133, %swap3A_134], %swap3A_137 {strides = array<i32>} : memref<128x64xf32, #tpu.memory_space<vmem>>, vector<1x16xf32>,
      %get3A_138 = arith.index_cast %scan3A_97 : i32 to index
      %get3A_139 = arith.constant 48 : index
      %get3A_140 = tpu.vector_load %arg11[%get3A_138, %get3A_139] {strides = array<i32>} : memref<128x64xf32, #tpu.memory_space<vmem>>, vector<1x16xf32>,
      %get3A_141 = vector.shape_cast %get3A_140 : vector<1x16xf32> to vector<16xf32>
      %get3A_142 = arith.index_cast %scan3A_97 : i32 to index
      %get3A_143 = arith.constant 48 : index
      %get3A_144 = tpu.vector_load %arg12[%get3A_142, %get3A_143] {strides = array<i32>} : memref<128x64xf32, #tpu.memory_space<vmem>>, vector<1x16xf32>,
      %get3A_145 = vector.shape_cast %get3A_144 : vector<1x16xf32> to vector<16xf32>
      %mul3A_146 = arith.mulf %get3A_141, %get3A_145 : vector<16xf32>
      %swap3A_147 = arith.index_cast %scan3A_97 : i32 to index
      %swap3A_148 = arith.constant 48 : index
      %swap3A_149 = tpu.vector_load %arg13[%swap3A_147, %swap3A_148] {strides = array<i32>} : memref<128x64xf32, #tpu.memory_space<vmem>>, vector<1x16xf32>,
      %swap3A_150 = vector.shape_cast %swap3A_149 : vector<1x16xf32> to vector<16xf32>
      %swap3A_151 = vector.shape_cast %mul3A_146 : vector<16xf32> to vector<1x16xf32>
      tpu.vector_store %arg13[%swap3A_147, %swap3A_148], %swap3A_151 {strides = array<i32>} : memref<128x64xf32, #tpu.memory_space<vmem>>, vector<1x16xf32>,
    }
    %scan3A_51 = arith.constant 128 : i32
    %add3A_52 = arith.constant 128 : i32
    %add3A_53 = arith.addi %mul3A_2, %add3A_52 : i32
    "tpu.region"() ({
      %run_scoped3A = tpu.sem_alloc : memref<!tpu.dma_semaphore, #tpu.memory_space<semaphore_mem>>
      %dma_start3A = arith.constant 0 : i32
      %dma_start3A_97 = tpu.memref_slice %arg6[%add3A_53, %dma_start3A] : memref<16384x64xf32, #tpu.memory_space<hbm>> -> memref<128x64xf32, #tpu.memory_space<hbm>>
      %dma_start3A_98 = arith.constant 0 : i32
      %dma_start3A_99 = tpu.memref_slice %arg6[%add3A_53, %dma_start3A_98] : memref<16384x64xf32, #tpu.memory_space<hbm>> -> memref<128x64xf32, #tpu.memory_space<hbm>>
      tpu.enqueue_dma source(%arg13 : memref<128x64xf32, #tpu.memory_space<vmem>>) target(%dma_start3A_99 : memref<128x64xf32, #tpu.memory_space<hbm>>) target_semaphore(%run_scoped3A : memref<!tpu.dma_semaphore, #tpu.memory_space<semaphore_mem>>)
      %dma_wait3A_100 = arith.constant 0 : i32
      %dma_wait3A_101 = tpu.memref_slice %arg6[%add3A_53, %dma_wait3A_100] : memref<16384x64xf32, #tpu.memory_space<hbm>> -> memref<128x64xf32, #tpu.memory_space<hbm>>
      %dma_wait3A_102 = arith.constant 0 : i32
      %dma_wait3A_103 = tpu.memref_slice %arg6[%add3A_53, %dma_wait3A_102] : memref<16384x64xf32, #tpu.memory_space<hbm>> -> memref<128x64xf32, #tpu.memory_space<hbm>>
      tpu.wait_dma2 semaphore(%run_scoped3A : memref<!tpu.dma_semaphore, #tpu.memory_space<semaphore_mem>>) src(%arg13 : memref<128x64xf32, #tpu.memory_space<vmem>>) dst(%dma_wait3A_103 : memref<128x64xf32, #tpu.memory_space<hbm>>)
      tpu.yield
    }) : () -> ()
    %scan3A_54 = arith.constant 0 : i32
    %scan3A_55 = arith.constant 8 : i32
    %scan3A_56 = arith.addi %scan3A_54, %scan3A_55 : i32
    %scan3A_57 = arith.constant 1 : i32
    scf.for %scan3A_97 = %scan3A_54 to %scan3A_56 step %scan3A_57  : i32 {
      %mul3A_98 = arith.constant 16 : i32
      %mul3A_99 = arith.muli %scan3A_97, %mul3A_98 : i32
      %add3A_100 = arith.constant 384 : i32
      %add3A_101 = arith.addi %add3A_100, %mul3A_99 : i32
      %get3A = arith.index_cast %add3A_101 : i32 to index
      %get3A_102 = tpu.vector_load %arg7[%get3A] {strides = array<i32>} : memref<512xi32, #tpu.memory_space<vmem>>, vector<16xi32>,
      %get3A_103 = vector.shape_cast %get3A_102 : vector<16xi32> to vector<16xi32>
      %mul3A_104 = arith.constant 16 : i32
      %mul3A_105 = arith.muli %scan3A_97, %mul3A_104 : i32
      %add3A_106 = arith.constant 384 : i32
      %add3A_107 = arith.addi %add3A_106, %mul3A_105 : i32
      %get3A_108 = arith.index_cast %add3A_107 : i32 to index
      %get3A_109 = tpu.vector_load %arg8[%get3A_108] {strides = array<i32>} : memref<512xi32, #tpu.memory_space<vmem>>, vector<16xi32>,
      %get3A_110 = vector.shape_cast %get3A_109 : vector<16xi32> to vector<16xi32>
      %mul3A_111 = arith.constant 16 : i32
      %mul3A_112 = arith.muli %scan3A_97, %mul3A_111 : i32
      %add3A_113 = arith.constant 0 : i32
      %add3A_114 = arith.addi %mul3A_112, %add3A_113 : i32
      %slice3A = vector.extract_strided_slice %get3A_103 {offsets = [0], sizes = [1], strides = [1]} : vector<16xi32> to vector<1xi32>
      %squeeze3A = vector.extract %slice3A[0] : i32 from vector<1xi32>
      %dma_start3A = arith.constant 0 : i32
      %dma_start3A_115 = tpu.memref_slice %arg11[%add3A_114, %dma_start3A] : memref<128x64xf32, #tpu.memory_space<vmem>> -> memref<1x64xf32, #tpu.memory_space<vmem>>
      %dma_start3A_116 = arith.constant 0 : i32
      %dma_start3A_117 = tpu.memref_slice %arg4[%squeeze3A, %dma_start3A_116] : memref<1000000x64xf32, #tpu.memory_space<hbm>> -> memref<1x64xf32, #tpu.memory_space<hbm>>
      %dma_start3A_118 = arith.constant 0 : i32
      %dma_start3A_119 = tpu.memref_slice %arg11[%add3A_114, %dma_start3A_118] : memref<128x64xf32, #tpu.memory_space<vmem>> -> memref<1x64xf32, #tpu.memory_space<vmem>>
      %dma_start3A_120 = arith.constant 0 : i32
      %dma_start3A_121 = tpu.memref_slice %arg4[%squeeze3A, %dma_start3A_120] : memref<1000000x64xf32, #tpu.memory_space<hbm>> -> memref<1x64xf32, #tpu.memory_space<hbm>>
      tpu.enqueue_dma source(%dma_start3A_121 : memref<1x64xf32, #tpu.memory_space<hbm>>) target(%dma_start3A_119 : memref<1x64xf32, #tpu.memory_space<vmem>>) target_semaphore(%arg15 : memref<!tpu.dma_semaphore, #tpu.memory_space<semaphore_mem>>)
      %slice3A_122 = vector.extract_strided_slice %get3A_110 {offsets = [0], sizes = [1], strides = [1]} : vector<16xi32> to vector<1xi32>
      %squeeze3A_123 = vector.extract %slice3A_122[0] : i32 from vector<1xi32>
      %dma_start3A_124 = arith.constant 0 : i32
      %dma_start3A_125 = tpu.memref_slice %arg12[%add3A_114, %dma_start3A_124] : memref<128x64xf32, #tpu.memory_space<vmem>> -> memref<1x64xf32, #tpu.memory_space<vmem>>
      %dma_start3A_126 = arith.constant 0 : i32
      %dma_start3A_127 = tpu.memref_slice %arg5[%squeeze3A_123, %dma_start3A_126] : memref<1000000x64xf32, #tpu.memory_space<hbm>> -> memref<1x64xf32, #tpu.memory_space<hbm>>
      %dma_start3A_128 = arith.constant 0 : i32
      %dma_start3A_129 = tpu.memref_slice %arg12[%add3A_114, %dma_start3A_128] : memref<128x64xf32, #tpu.memory_space<vmem>> -> memref<1x64xf32, #tpu.memory_space<vmem>>
      %dma_start3A_130 = arith.constant 0 : i32
      %dma_start3A_131 = tpu.memref_slice %arg5[%squeeze3A_123, %dma_start3A_130] : memref<1000000x64xf32, #tpu.memory_space<hbm>> -> memref<1x64xf32, #tpu.memory_space<hbm>>
      tpu.enqueue_dma source(%dma_start3A_131 : memref<1x64xf32, #tpu.memory_space<hbm>>) target(%dma_start3A_129 : memref<1x64xf32, #tpu.memory_space<vmem>>) target_semaphore(%arg15 : memref<!tpu.dma_semaphore, #tpu.memory_space<semaphore_mem>>)
      %mul3A_132 = arith.constant 16 : i32
      %mul3A_133 = arith.muli %scan3A_97, %mul3A_132 : i32
      %add3A_134 = arith.constant 1 : i32
      %add3A_135 = arith.addi %mul3A_133, %add3A_134 : i32
      %slice3A_136 = vector.extract_strided_slice %get3A_103 {offsets = [1], sizes = [1], strides = [1]} : vector<16xi32> to vector<1xi32>
      %squeeze3A_137 = vector.extract %slice3A_136[0] : i32 from vector<1xi32>
      %dma_start3A_138 = arith.constant 0 : i32
      %dma_start3A_139 = tpu.memref_slice %arg11[%add3A_135, %dma_start3A_138] : memref<128x64xf32, #tpu.memory_space<vmem>> -> memref<1x64xf32, #tpu.memory_space<vmem>>
      %dma_start3A_140 = arith.constant 0 : i32
      %dma_start3A_141 = tpu.memref_slice %arg4[%squeeze3A_137, %dma_start3A_140] : memref<1000000x64xf32, #tpu.memory_space<hbm>> -> memref<1x64xf32, #tpu.memory_space<hbm>>
      %dma_start3A_142 = arith.constant 0 : i32
      %dma_start3A_143 = tpu.memref_slice %arg11[%add3A_135, %dma_start3A_142] : memref<128x64xf32, #tpu.memory_space<vmem>> -> memref<1x64xf32, #tpu.memory_space<vmem>>
      %dma_start3A_144 = arith.constant 0 : i32
      %dma_start3A_145 = tpu.memref_slice %arg4[%squeeze3A_137, %dma_start3A_144] : memref<1000000x64xf32, #tpu.memory_space<hbm>> -> memref<1x64xf32, #tpu.memory_space<hbm>>
      tpu.enqueue_dma source(%dma_start3A_145 : memref<1x64xf32, #tpu.memory_space<hbm>>) target(%dma_start3A_143 : memref<1x64xf32, #tpu.memory_space<vmem>>) target_semaphore(%arg15 : memref<!tpu.dma_semaphore, #tpu.memory_space<semaphore_mem>>)
      %slice3A_146 = vector.extract_strided_slice %get3A_110 {offsets = [1], sizes = [1], strides = [1]} : vector<16xi32> to vector<1xi32>
      %squeeze3A_147 = vector.extract %slice3A_146[0] : i32 from vector<1xi32>
      %dma_start3A_148 = arith.constant 0 : i32
      %dma_start3A_149 = tpu.memref_slice %arg12[%add3A_135, %dma_start3A_148] : memref<128x64xf32, #tpu.memory_space<vmem>> -> memref<1x64xf32, #tpu.memory_space<vmem>>
      %dma_start3A_150 = arith.constant 0 : i32
      %dma_start3A_151 = tpu.memref_slice %arg5[%squeeze3A_147, %dma_start3A_150] : memref<1000000x64xf32, #tpu.memory_space<hbm>> -> memref<1x64xf32, #tpu.memory_space<hbm>>
      %dma_start3A_152 = arith.constant 0 : i32
      %dma_start3A_153 = tpu.memref_slice %arg12[%add3A_135, %dma_start3A_152] : memref<128x64xf32, #tpu.memory_space<vmem>> -> memref<1x64xf32, #tpu.memory_space<vmem>>
      %dma_start3A_154 = arith.constant 0 : i32
      %dma_start3A_155 = tpu.memref_slice %arg5[%squeeze3A_147, %dma_start3A_154] : memref<1000000x64xf32, #tpu.memory_space<hbm>> -> memref<1x64xf32, #tpu.memory_space<hbm>>
      tpu.enqueue_dma source(%dma_start3A_155 : memref<1x64xf32, #tpu.memory_space<hbm>>) target(%dma_start3A_153 : memref<1x64xf32, #tpu.memory_space<vmem>>) target_semaphore(%arg15 : memref<!tpu.dma_semaphore, #tpu.memory_space<semaphore_mem>>)
      %mul3A_156 = arith.constant 16 : i32
      %mul3A_157 = arith.muli %scan3A_97, %mul3A_156 : i32
      %add3A_158 = arith.constant 2 : i32
      %add3A_159 = arith.addi %mul3A_157, %add3A_158 : i32
      %slice3A_160 = vector.extract_strided_slice %get3A_103 {offsets = [2], sizes = [1], strides = [1]} : vector<16xi32> to vector<1xi32>
      %squeeze3A_161 = vector.extract %slice3A_160[0] : i32 from vector<1xi32>
      %dma_start3A_162 = arith.constant 0 : i32
      %dma_start3A_163 = tpu.memref_slice %arg11[%add3A_159, %dma_start3A_162] : memref<128x64xf32, #tpu.memory_space<vmem>> -> memref<1x64xf32, #tpu.memory_space<vmem>>
      %dma_start3A_164 = arith.constant 0 : i32
      %dma_start3A_165 = tpu.memref_slice %arg4[%squeeze3A_161, %dma_start3A_164] : memref<1000000x64xf32, #tpu.memory_space<hbm>> -> memref<1x64xf32, #tpu.memory_space<hbm>>
      %dma_start3A_166 = arith.constant 0 : i32
      %dma_start3A_167 = tpu.memref_slice %arg11[%add3A_159, %dma_start3A_166] : memref<128x64xf32, #tpu.memory_space<vmem>> -> memref<1x64xf32, #tpu.memory_space<vmem>>
      %dma_start3A_168 = arith.constant 0 : i32
      %dma_start3A_169 = tpu.memref_slice %arg4[%squeeze3A_161, %dma_start3A_168] : memref<1000000x64xf32, #tpu.memory_space<hbm>> -> memref<1x64xf32, #tpu.memory_space<hbm>>
      tpu.enqueue_dma source(%dma_start3A_169 : memref<1x64xf32, #tpu.memory_space<hbm>>) target(%dma_start3A_167 : memref<1x64xf32, #tpu.memory_space<vmem>>) target_semaphore(%arg15 : memref<!tpu.dma_semaphore, #tpu.memory_space<semaphore_mem>>)
      %slice3A_170 = vector.extract_strided_slice %get3A_110 {offsets = [2], sizes = [1], strides = [1]} : vector<16xi32> to vector<1xi32>
      %squeeze3A_171 = vector.extract %slice3A_170[0] : i32 from vector<1xi32>
      %dma_start3A_172 = arith.constant 0 : i32
      %dma_start3A_173 = tpu.memref_slice %arg12[%add3A_159, %dma_start3A_172] : memref<128x64xf32, #tpu.memory_space<vmem>> -> memref<1x64xf32, #tpu.memory_space<vmem>>
      %dma_start3A_174 = arith.constant 0 : i32
      %dma_start3A_175 = tpu.memref_slice %arg5[%squeeze3A_171, %dma_start3A_174] : memref<1000000x64xf32, #tpu.memory_space<hbm>> -> memref<1x64xf32, #tpu.memory_space<hbm>>
      %dma_start3A_176 = arith.constant 0 : i32
      %dma_start3A_177 = tpu.memref_slice %arg12[%add3A_159, %dma_start3A_176] : memref<128x64xf32, #tpu.memory_space<vmem>> -> memref<1x64xf32, #tpu.memory_space<vmem>>
      %dma_start3A_178 = arith.constant 0 : i32
      %dma_start3A_179 = tpu.memref_slice %arg5[%squeeze3A_171, %dma_start3A_178] : memref<1000000x64xf32, #tpu.memory_space<hbm>> -> memref<1x64xf32, #tpu.memory_space<hbm>>
      tpu.enqueue_dma source(%dma_start3A_179 : memref<1x64xf32, #tpu.memory_space<hbm>>) target(%dma_start3A_177 : memref<1x64xf32, #tpu.memory_space<vmem>>) target_semaphore(%arg15 : memref<!tpu.dma_semaphore, #tpu.memory_space<semaphore_mem>>)
      %mul3A_180 = arith.constant 16 : i32
      %mul3A_181 = arith.muli %scan3A_97, %mul3A_180 : i32
      %add3A_182 = arith.constant 3 : i32
      %add3A_183 = arith.addi %mul3A_181, %add3A_182 : i32
      %slice3A_184 = vector.extract_strided_slice %get3A_103 {offsets = [3], sizes = [1], strides = [1]} : vector<16xi32> to vector<1xi32>
      %squeeze3A_185 = vector.extract %slice3A_184[0] : i32 from vector<1xi32>
      %dma_start3A_186 = arith.constant 0 : i32
      %dma_start3A_187 = tpu.memref_slice %arg11[%add3A_183, %dma_start3A_186] : memref<128x64xf32, #tpu.memory_space<vmem>> -> memref<1x64xf32, #tpu.memory_space<vmem>>
      %dma_start3A_188 = arith.constant 0 : i32
      %dma_start3A_189 = tpu.memref_slice %arg4[%squeeze3A_185, %dma_start3A_188] : memref<1000000x64xf32, #tpu.memory_space<hbm>> -> memref<1x64xf32, #tpu.memory_space<hbm>>
      %dma_start3A_190 = arith.constant 0 : i32
      %dma_start3A_191 = tpu.memref_slice %arg11[%add3A_183, %dma_start3A_190] : memref<128x64xf32, #tpu.memory_space<vmem>> -> memref<1x64xf32, #tpu.memory_space<vmem>>
      %dma_start3A_192 = arith.constant 0 : i32
      %dma_start3A_193 = tpu.memref_slice %arg4[%squeeze3A_185, %dma_start3A_192] : memref<1000000x64xf32, #tpu.memory_space<hbm>> -> memref<1x64xf32, #tpu.memory_space<hbm>>
      tpu.enqueue_dma source(%dma_start3A_193 : memref<1x64xf32, #tpu.memory_space<hbm>>) target(%dma_start3A_191 : memref<1x64xf32, #tpu.memory_space<vmem>>) target_semaphore(%arg15 : memref<!tpu.dma_semaphore, #tpu.memory_space<semaphore_mem>>)
      %slice3A_194 = vector.extract_strided_slice %get3A_110 {offsets = [3], sizes = [1], strides = [1]} : vector<16xi32> to vector<1xi32>
      %squeeze3A_195 = vector.extract %slice3A_194[0] : i32 from vector<1xi32>
      %dma_start3A_196 = arith.constant 0 : i32
      %dma_start3A_197 = tpu.memref_slice %arg12[%add3A_183, %dma_start3A_196] : memref<128x64xf32, #tpu.memory_space<vmem>> -> memref<1x64xf32, #tpu.memory_space<vmem>>
      %dma_start3A_198 = arith.constant 0 : i32
      %dma_start3A_199 = tpu.memref_slice %arg5[%squeeze3A_195, %dma_start3A_198] : memref<1000000x64xf32, #tpu.memory_space<hbm>> -> memref<1x64xf32, #tpu.memory_space<hbm>>
      %dma_start3A_200 = arith.constant 0 : i32
      %dma_start3A_201 = tpu.memref_slice %arg12[%add3A_183, %dma_start3A_200] : memref<128x64xf32, #tpu.memory_space<vmem>> -> memref<1x64xf32, #tpu.memory_space<vmem>>
      %dma_start3A_202 = arith.constant 0 : i32
      %dma_start3A_203 = tpu.memref_slice %arg5[%squeeze3A_195, %dma_start3A_202] : memref<1000000x64xf32, #tpu.memory_space<hbm>> -> memref<1x64xf32, #tpu.memory_space<hbm>>
      tpu.enqueue_dma source(%dma_start3A_203 : memref<1x64xf32, #tpu.memory_space<hbm>>) target(%dma_start3A_201 : memref<1x64xf32, #tpu.memory_space<vmem>>) target_semaphore(%arg15 : memref<!tpu.dma_semaphore, #tpu.memory_space<semaphore_mem>>)
      %mul3A_204 = arith.constant 16 : i32
      %mul3A_205 = arith.muli %scan3A_97, %mul3A_204 : i32
      %add3A_206 = arith.constant 4 : i32
      %add3A_207 = arith.addi %mul3A_205, %add3A_206 : i32
      %slice3A_208 = vector.extract_strided_slice %get3A_103 {offsets = [4], sizes = [1], strides = [1]} : vector<16xi32> to vector<1xi32>
      %squeeze3A_209 = vector.extract %slice3A_208[0] : i32 from vector<1xi32>
      %dma_start3A_210 = arith.constant 0 : i32
      %dma_start3A_211 = tpu.memref_slice %arg11[%add3A_207, %dma_start3A_210] : memref<128x64xf32, #tpu.memory_space<vmem>> -> memref<1x64xf32, #tpu.memory_space<vmem>>
      %dma_start3A_212 = arith.constant 0 : i32
      %dma_start3A_213 = tpu.memref_slice %arg4[%squeeze3A_209, %dma_start3A_212] : memref<1000000x64xf32, #tpu.memory_space<hbm>> -> memref<1x64xf32, #tpu.memory_space<hbm>>
      %dma_start3A_214 = arith.constant 0 : i32
      %dma_start3A_215 = tpu.memref_slice %arg11[%add3A_207, %dma_start3A_214] : memref<128x64xf32, #tpu.memory_space<vmem>> -> memref<1x64xf32, #tpu.memory_space<vmem>>
      %dma_start3A_216 = arith.constant 0 : i32
      %dma_start3A_217 = tpu.memref_slice %arg4[%squeeze3A_209, %dma_start3A_216] : memref<1000000x64xf32, #tpu.memory_space<hbm>> -> memref<1x64xf32, #tpu.memory_space<hbm>>
      tpu.enqueue_dma source(%dma_start3A_217 : memref<1x64xf32, #tpu.memory_space<hbm>>) target(%dma_start3A_215 : memref<1x64xf32, #tpu.memory_space<vmem>>) target_semaphore(%arg15 : memref<!tpu.dma_semaphore, #tpu.memory_space<semaphore_mem>>)
      %slice3A_218 = vector.extract_strided_slice %get3A_110 {offsets = [4], sizes = [1], strides = [1]} : vector<16xi32> to vector<1xi32>
      %squeeze3A_219 = vector.extract %slice3A_218[0] : i32 from vector<1xi32>
      %dma_start3A_220 = arith.constant 0 : i32
      %dma_start3A_221 = tpu.memref_slice %arg12[%add3A_207, %dma_start3A_220] : memref<128x64xf32, #tpu.memory_space<vmem>> -> memref<1x64xf32, #tpu.memory_space<vmem>>
      %dma_start3A_222 = arith.constant 0 : i32
      %dma_start3A_223 = tpu.memref_slice %arg5[%squeeze3A_219, %dma_start3A_222] : memref<1000000x64xf32, #tpu.memory_space<hbm>> -> memref<1x64xf32, #tpu.memory_space<hbm>>
      %dma_start3A_224 = arith.constant 0 : i32
      %dma_start3A_225 = tpu.memref_slice %arg12[%add3A_207, %dma_start3A_224] : memref<128x64xf32, #tpu.memory_space<vmem>> -> memref<1x64xf32, #tpu.memory_space<vmem>>
      %dma_start3A_226 = arith.constant 0 : i32
      %dma_start3A_227 = tpu.memref_slice %arg5[%squeeze3A_219, %dma_start3A_226] : memref<1000000x64xf32, #tpu.memory_space<hbm>> -> memref<1x64xf32, #tpu.memory_space<hbm>>
      tpu.enqueue_dma source(%dma_start3A_227 : memref<1x64xf32, #tpu.memory_space<hbm>>) target(%dma_start3A_225 : memref<1x64xf32, #tpu.memory_space<vmem>>) target_semaphore(%arg15 : memref<!tpu.dma_semaphore, #tpu.memory_space<semaphore_mem>>)
      %mul3A_228 = arith.constant 16 : i32
      %mul3A_229 = arith.muli %scan3A_97, %mul3A_228 : i32
      %add3A_230 = arith.constant 5 : i32
      %add3A_231 = arith.addi %mul3A_229, %add3A_230 : i32
      %slice3A_232 = vector.extract_strided_slice %get3A_103 {offsets = [5], sizes = [1], strides = [1]} : vector<16xi32> to vector<1xi32>
      %squeeze3A_233 = vector.extract %slice3A_232[0] : i32 from vector<1xi32>
      %dma_start3A_234 = arith.constant 0 : i32
      %dma_start3A_235 = tpu.memref_slice %arg11[%add3A_231, %dma_start3A_234] : memref<128x64xf32, #tpu.memory_space<vmem>> -> memref<1x64xf32, #tpu.memory_space<vmem>>
      %dma_start3A_236 = arith.constant 0 : i32
      %dma_start3A_237 = tpu.memref_slice %arg4[%squeeze3A_233, %dma_start3A_236] : memref<1000000x64xf32, #tpu.memory_space<hbm>> -> memref<1x64xf32, #tpu.memory_space<hbm>>
      %dma_start3A_238 = arith.constant 0 : i32
      %dma_start3A_239 = tpu.memref_slice %arg11[%add3A_231, %dma_start3A_238] : memref<128x64xf32, #tpu.memory_space<vmem>> -> memref<1x64xf32, #tpu.memory_space<vmem>>
      %dma_start3A_240 = arith.constant 0 : i32
      %dma_start3A_241 = tpu.memref_slice %arg4[%squeeze3A_233, %dma_start3A_240] : memref<1000000x64xf32, #tpu.memory_space<hbm>> -> memref<1x64xf32, #tpu.memory_space<hbm>>
      tpu.enqueue_dma source(%dma_start3A_241 : memref<1x64xf32, #tpu.memory_space<hbm>>) target(%dma_start3A_239 : memref<1x64xf32, #tpu.memory_space<vmem>>) target_semaphore(%arg15 : memref<!tpu.dma_semaphore, #tpu.memory_space<semaphore_mem>>)
      %slice3A_242 = vector.extract_strided_slice %get3A_110 {offsets = [5], sizes = [1], strides = [1]} : vector<16xi32> to vector<1xi32>
      %squeeze3A_243 = vector.extract %slice3A_242[0] : i32 from vector<1xi32>
      %dma_start3A_244 = arith.constant 0 : i32
      %dma_start3A_245 = tpu.memref_slice %arg12[%add3A_231, %dma_start3A_244] : memref<128x64xf32, #tpu.memory_space<vmem>> -> memref<1x64xf32, #tpu.memory_space<vmem>>
      %dma_start3A_246 = arith.constant 0 : i32
      %dma_start3A_247 = tpu.memref_slice %arg5[%squeeze3A_243, %dma_start3A_246] : memref<1000000x64xf32, #tpu.memory_space<hbm>> -> memref<1x64xf32, #tpu.memory_space<hbm>>
      %dma_start3A_248 = arith.constant 0 : i32
      %dma_start3A_249 = tpu.memref_slice %arg12[%add3A_231, %dma_start3A_248] : memref<128x64xf32, #tpu.memory_space<vmem>> -> memref<1x64xf32, #tpu.memory_space<vmem>>
      %dma_start3A_250 = arith.constant 0 : i32
      %dma_start3A_251 = tpu.memref_slice %arg5[%squeeze3A_243, %dma_start3A_250] : memref<1000000x64xf32, #tpu.memory_space<hbm>> -> memref<1x64xf32, #tpu.memory_space<hbm>>
      tpu.enqueue_dma source(%dma_start3A_251 : memref<1x64xf32, #tpu.memory_space<hbm>>) target(%dma_start3A_249 : memref<1x64xf32, #tpu.memory_space<vmem>>) target_semaphore(%arg15 : memref<!tpu.dma_semaphore, #tpu.memory_space<semaphore_mem>>)
      %mul3A_252 = arith.constant 16 : i32
      %mul3A_253 = arith.muli %scan3A_97, %mul3A_252 : i32
      %add3A_254 = arith.constant 6 : i32
      %add3A_255 = arith.addi %mul3A_253, %add3A_254 : i32
      %slice3A_256 = vector.extract_strided_slice %get3A_103 {offsets = [6], sizes = [1], strides = [1]} : vector<16xi32> to vector<1xi32>
      %squeeze3A_257 = vector.extract %slice3A_256[0] : i32 from vector<1xi32>
      %dma_start3A_258 = arith.constant 0 : i32
      %dma_start3A_259 = tpu.memref_slice %arg11[%add3A_255, %dma_start3A_258] : memref<128x64xf32, #tpu.memory_space<vmem>> -> memref<1x64xf32, #tpu.memory_space<vmem>>
      %dma_start3A_260 = arith.constant 0 : i32
      %dma_start3A_261 = tpu.memref_slice %arg4[%squeeze3A_257, %dma_start3A_260] : memref<1000000x64xf32, #tpu.memory_space<hbm>> -> memref<1x64xf32, #tpu.memory_space<hbm>>
      %dma_start3A_262 = arith.constant 0 : i32
      %dma_start3A_263 = tpu.memref_slice %arg11[%add3A_255, %dma_start3A_262] : memref<128x64xf32, #tpu.memory_space<vmem>> -> memref<1x64xf32, #tpu.memory_space<vmem>>
      %dma_start3A_264 = arith.constant 0 : i32
      %dma_start3A_265 = tpu.memref_slice %arg4[%squeeze3A_257, %dma_start3A_264] : memref<1000000x64xf32, #tpu.memory_space<hbm>> -> memref<1x64xf32, #tpu.memory_space<hbm>>
      tpu.enqueue_dma source(%dma_start3A_265 : memref<1x64xf32, #tpu.memory_space<hbm>>) target(%dma_start3A_263 : memref<1x64xf32, #tpu.memory_space<vmem>>) target_semaphore(%arg15 : memref<!tpu.dma_semaphore, #tpu.memory_space<semaphore_mem>>)
      %slice3A_266 = vector.extract_strided_slice %get3A_110 {offsets = [6], sizes = [1], strides = [1]} : vector<16xi32> to vector<1xi32>
      %squeeze3A_267 = vector.extract %slice3A_266[0] : i32 from vector<1xi32>
      %dma_start3A_268 = arith.constant 0 : i32
      %dma_start3A_269 = tpu.memref_slice %arg12[%add3A_255, %dma_start3A_268] : memref<128x64xf32, #tpu.memory_space<vmem>> -> memref<1x64xf32, #tpu.memory_space<vmem>>
      %dma_start3A_270 = arith.constant 0 : i32
      %dma_start3A_271 = tpu.memref_slice %arg5[%squeeze3A_267, %dma_start3A_270] : memref<1000000x64xf32, #tpu.memory_space<hbm>> -> memref<1x64xf32, #tpu.memory_space<hbm>>
      %dma_start3A_272 = arith.constant 0 : i32
      %dma_start3A_273 = tpu.memref_slice %arg12[%add3A_255, %dma_start3A_272] : memref<128x64xf32, #tpu.memory_space<vmem>> -> memref<1x64xf32, #tpu.memory_space<vmem>>
      %dma_start3A_274 = arith.constant 0 : i32
      %dma_start3A_275 = tpu.memref_slice %arg5[%squeeze3A_267, %dma_start3A_274] : memref<1000000x64xf32, #tpu.memory_space<hbm>> -> memref<1x64xf32, #tpu.memory_space<hbm>>
      tpu.enqueue_dma source(%dma_start3A_275 : memref<1x64xf32, #tpu.memory_space<hbm>>) target(%dma_start3A_273 : memref<1x64xf32, #tpu.memory_space<vmem>>) target_semaphore(%arg15 : memref<!tpu.dma_semaphore, #tpu.memory_space<semaphore_mem>>)
      %mul3A_276 = arith.constant 16 : i32
      %mul3A_277 = arith.muli %scan3A_97, %mul3A_276 : i32
      %add3A_278 = arith.constant 7 : i32
      %add3A_279 = arith.addi %mul3A_277, %add3A_278 : i32
      %slice3A_280 = vector.extract_strided_slice %get3A_103 {offsets = [7], sizes = [1], strides = [1]} : vector<16xi32> to vector<1xi32>
      %squeeze3A_281 = vector.extract %slice3A_280[0] : i32 from vector<1xi32>
      %dma_start3A_282 = arith.constant 0 : i32
      %dma_start3A_283 = tpu.memref_slice %arg11[%add3A_279, %dma_start3A_282] : memref<128x64xf32, #tpu.memory_space<vmem>> -> memref<1x64xf32, #tpu.memory_space<vmem>>
      %dma_start3A_284 = arith.constant 0 : i32
      %dma_start3A_285 = tpu.memref_slice %arg4[%squeeze3A_281, %dma_start3A_284] : memref<1000000x64xf32, #tpu.memory_space<hbm>> -> memref<1x64xf32, #tpu.memory_space<hbm>>
      %dma_start3A_286 = arith.constant 0 : i32
      %dma_start3A_287 = tpu.memref_slice %arg11[%add3A_279, %dma_start3A_286] : memref<128x64xf32, #tpu.memory_space<vmem>> -> memref<1x64xf32, #tpu.memory_space<vmem>>
      %dma_start3A_288 = arith.constant 0 : i32
      %dma_start3A_289 = tpu.memref_slice %arg4[%squeeze3A_281, %dma_start3A_288] : memref<1000000x64xf32, #tpu.memory_space<hbm>> -> memref<1x64xf32, #tpu.memory_space<hbm>>
      tpu.enqueue_dma source(%dma_start3A_289 : memref<1x64xf32, #tpu.memory_space<hbm>>) target(%dma_start3A_287 : memref<1x64xf32, #tpu.memory_space<vmem>>) target_semaphore(%arg15 : memref<!tpu.dma_semaphore, #tpu.memory_space<semaphore_mem>>)
      %slice3A_290 = vector.extract_strided_slice %get3A_110 {offsets = [7], sizes = [1], strides = [1]} : vector<16xi32> to vector<1xi32>
      %squeeze3A_291 = vector.extract %slice3A_290[0] : i32 from vector<1xi32>
      %dma_start3A_292 = arith.constant 0 : i32
      %dma_start3A_293 = tpu.memref_slice %arg12[%add3A_279, %dma_start3A_292] : memref<128x64xf32, #tpu.memory_space<vmem>> -> memref<1x64xf32, #tpu.memory_space<vmem>>
      %dma_start3A_294 = arith.constant 0 : i32
      %dma_start3A_295 = tpu.memref_slice %arg5[%squeeze3A_291, %dma_start3A_294] : memref<1000000x64xf32, #tpu.memory_space<hbm>> -> memref<1x64xf32, #tpu.memory_space<hbm>>
      %dma_start3A_296 = arith.constant 0 : i32
      %dma_start3A_297 = tpu.memref_slice %arg12[%add3A_279, %dma_start3A_296] : memref<128x64xf32, #tpu.memory_space<vmem>> -> memref<1x64xf32, #tpu.memory_space<vmem>>
      %dma_start3A_298 = arith.constant 0 : i32
      %dma_start3A_299 = tpu.memref_slice %arg5[%squeeze3A_291, %dma_start3A_298] : memref<1000000x64xf32, #tpu.memory_space<hbm>> -> memref<1x64xf32, #tpu.memory_space<hbm>>
      tpu.enqueue_dma source(%dma_start3A_299 : memref<1x64xf32, #tpu.memory_space<hbm>>) target(%dma_start3A_297 : memref<1x64xf32, #tpu.memory_space<vmem>>) target_semaphore(%arg15 : memref<!tpu.dma_semaphore, #tpu.memory_space<semaphore_mem>>)
      %mul3A_300 = arith.constant 16 : i32
      %mul3A_301 = arith.muli %scan3A_97, %mul3A_300 : i32
      %add3A_302 = arith.constant 8 : i32
      %add3A_303 = arith.addi %mul3A_301, %add3A_302 : i32
      %slice3A_304 = vector.extract_strided_slice %get3A_103 {offsets = [8], sizes = [1], strides = [1]} : vector<16xi32> to vector<1xi32>
      %squeeze3A_305 = vector.extract %slice3A_304[0] : i32 from vector<1xi32>
      %dma_start3A_306 = arith.constant 0 : i32
      %dma_start3A_307 = tpu.memref_slice %arg11[%add3A_303, %dma_start3A_306] : memref<128x64xf32, #tpu.memory_space<vmem>> -> memref<1x64xf32, #tpu.memory_space<vmem>>
      %dma_start3A_308 = arith.constant 0 : i32
      %dma_start3A_309 = tpu.memref_slice %arg4[%squeeze3A_305, %dma_start3A_308] : memref<1000000x64xf32, #tpu.memory_space<hbm>> -> memref<1x64xf32, #tpu.memory_space<hbm>>
      %dma_start3A_310 = arith.constant 0 : i32
      %dma_start3A_311 = tpu.memref_slice %arg11[%add3A_303, %dma_start3A_310] : memref<128x64xf32, #tpu.memory_space<vmem>> -> memref<1x64xf32, #tpu.memory_space<vmem>>
      %dma_start3A_312 = arith.constant 0 : i32
      %dma_start3A_313 = tpu.memref_slice %arg4[%squeeze3A_305, %dma_start3A_312] : memref<1000000x64xf32, #tpu.memory_space<hbm>> -> memref<1x64xf32, #tpu.memory_space<hbm>>
      tpu.enqueue_dma source(%dma_start3A_313 : memref<1x64xf32, #tpu.memory_space<hbm>>) target(%dma_start3A_311 : memref<1x64xf32, #tpu.memory_space<vmem>>) target_semaphore(%arg15 : memref<!tpu.dma_semaphore, #tpu.memory_space<semaphore_mem>>)
      %slice3A_314 = vector.extract_strided_slice %get3A_110 {offsets = [8], sizes = [1], strides = [1]} : vector<16xi32> to vector<1xi32>
      %squeeze3A_315 = vector.extract %slice3A_314[0] : i32 from vector<1xi32>
      %dma_start3A_316 = arith.constant 0 : i32
      %dma_start3A_317 = tpu.memref_slice %arg12[%add3A_303, %dma_start3A_316] : memref<128x64xf32, #tpu.memory_space<vmem>> -> memref<1x64xf32, #tpu.memory_space<vmem>>
      %dma_start3A_318 = arith.constant 0 : i32
      %dma_start3A_319 = tpu.memref_slice %arg5[%squeeze3A_315, %dma_start3A_318] : memref<1000000x64xf32, #tpu.memory_space<hbm>> -> memref<1x64xf32, #tpu.memory_space<hbm>>
      %dma_start3A_320 = arith.constant 0 : i32
      %dma_start3A_321 = tpu.memref_slice %arg12[%add3A_303, %dma_start3A_320] : memref<128x64xf32, #tpu.memory_space<vmem>> -> memref<1x64xf32, #tpu.memory_space<vmem>>
      %dma_start3A_322 = arith.constant 0 : i32
      %dma_start3A_323 = tpu.memref_slice %arg5[%squeeze3A_315, %dma_start3A_322] : memref<1000000x64xf32, #tpu.memory_space<hbm>> -> memref<1x64xf32, #tpu.memory_space<hbm>>
      tpu.enqueue_dma source(%dma_start3A_323 : memref<1x64xf32, #tpu.memory_space<hbm>>) target(%dma_start3A_321 : memref<1x64xf32, #tpu.memory_space<vmem>>) target_semaphore(%arg15 : memref<!tpu.dma_semaphore, #tpu.memory_space<semaphore_mem>>)
      %mul3A_324 = arith.constant 16 : i32
      %mul3A_325 = arith.muli %scan3A_97, %mul3A_324 : i32
      %add3A_326 = arith.constant 9 : i32
      %add3A_327 = arith.addi %mul3A_325, %add3A_326 : i32
      %slice3A_328 = vector.extract_strided_slice %get3A_103 {offsets = [9], sizes = [1], strides = [1]} : vector<16xi32> to vector<1xi32>
      %squeeze3A_329 = vector.extract %slice3A_328[0] : i32 from vector<1xi32>
      %dma_start3A_330 = arith.constant 0 : i32
      %dma_start3A_331 = tpu.memref_slice %arg11[%add3A_327, %dma_start3A_330] : memref<128x64xf32, #tpu.memory_space<vmem>> -> memref<1x64xf32, #tpu.memory_space<vmem>>
      %dma_start3A_332 = arith.constant 0 : i32
      %dma_start3A_333 = tpu.memref_slice %arg4[%squeeze3A_329, %dma_start3A_332] : memref<1000000x64xf32, #tpu.memory_space<hbm>> -> memref<1x64xf32, #tpu.memory_space<hbm>>
      %dma_start3A_334 = arith.constant 0 : i32
      %dma_start3A_335 = tpu.memref_slice %arg11[%add3A_327, %dma_start3A_334] : memref<128x64xf32, #tpu.memory_space<vmem>> -> memref<1x64xf32, #tpu.memory_space<vmem>>
      %dma_start3A_336 = arith.constant 0 : i32
      %dma_start3A_337 = tpu.memref_slice %arg4[%squeeze3A_329, %dma_start3A_336] : memref<1000000x64xf32, #tpu.memory_space<hbm>> -> memref<1x64xf32, #tpu.memory_space<hbm>>
      tpu.enqueue_dma source(%dma_start3A_337 : memref<1x64xf32, #tpu.memory_space<hbm>>) target(%dma_start3A_335 : memref<1x64xf32, #tpu.memory_space<vmem>>) target_semaphore(%arg15 : memref<!tpu.dma_semaphore, #tpu.memory_space<semaphore_mem>>)
      %slice3A_338 = vector.extract_strided_slice %get3A_110 {offsets = [9], sizes = [1], strides = [1]} : vector<16xi32> to vector<1xi32>
      %squeeze3A_339 = vector.extract %slice3A_338[0] : i32 from vector<1xi32>
      %dma_start3A_340 = arith.constant 0 : i32
      %dma_start3A_341 = tpu.memref_slice %arg12[%add3A_327, %dma_start3A_340] : memref<128x64xf32, #tpu.memory_space<vmem>> -> memref<1x64xf32, #tpu.memory_space<vmem>>
      %dma_start3A_342 = arith.constant 0 : i32
      %dma_start3A_343 = tpu.memref_slice %arg5[%squeeze3A_339, %dma_start3A_342] : memref<1000000x64xf32, #tpu.memory_space<hbm>> -> memref<1x64xf32, #tpu.memory_space<hbm>>
      %dma_start3A_344 = arith.constant 0 : i32
      %dma_start3A_345 = tpu.memref_slice %arg12[%add3A_327, %dma_start3A_344] : memref<128x64xf32, #tpu.memory_space<vmem>> -> memref<1x64xf32, #tpu.memory_space<vmem>>
      %dma_start3A_346 = arith.constant 0 : i32
      %dma_start3A_347 = tpu.memref_slice %arg5[%squeeze3A_339, %dma_start3A_346] : memref<1000000x64xf32, #tpu.memory_space<hbm>> -> memref<1x64xf32, #tpu.memory_space<hbm>>
      tpu.enqueue_dma source(%dma_start3A_347 : memref<1x64xf32, #tpu.memory_space<hbm>>) target(%dma_start3A_345 : memref<1x64xf32, #tpu.memory_space<vmem>>) target_semaphore(%arg15 : memref<!tpu.dma_semaphore, #tpu.memory_space<semaphore_mem>>)
      %mul3A_348 = arith.constant 16 : i32
      %mul3A_349 = arith.muli %scan3A_97, %mul3A_348 : i32
      %add3A_350 = arith.constant 10 : i32
      %add3A_351 = arith.addi %mul3A_349, %add3A_350 : i32
      %slice3A_352 = vector.extract_strided_slice %get3A_103 {offsets = [10], sizes = [1], strides = [1]} : vector<16xi32> to vector<1xi32>
      %squeeze3A_353 = vector.extract %slice3A_352[0] : i32 from vector<1xi32>
      %dma_start3A_354 = arith.constant 0 : i32
      %dma_start3A_355 = tpu.memref_slice %arg11[%add3A_351, %dma_start3A_354] : memref<128x64xf32, #tpu.memory_space<vmem>> -> memref<1x64xf32, #tpu.memory_space<vmem>>
      %dma_start3A_356 = arith.constant 0 : i32
      %dma_start3A_357 = tpu.memref_slice %arg4[%squeeze3A_353, %dma_start3A_356] : memref<1000000x64xf32, #tpu.memory_space<hbm>> -> memref<1x64xf32, #tpu.memory_space<hbm>>
      %dma_start3A_358 = arith.constant 0 : i32
      %dma_start3A_359 = tpu.memref_slice %arg11[%add3A_351, %dma_start3A_358] : memref<128x64xf32, #tpu.memory_space<vmem>> -> memref<1x64xf32, #tpu.memory_space<vmem>>
      %dma_start3A_360 = arith.constant 0 : i32
      %dma_start3A_361 = tpu.memref_slice %arg4[%squeeze3A_353, %dma_start3A_360] : memref<1000000x64xf32, #tpu.memory_space<hbm>> -> memref<1x64xf32, #tpu.memory_space<hbm>>
      tpu.enqueue_dma source(%dma_start3A_361 : memref<1x64xf32, #tpu.memory_space<hbm>>) target(%dma_start3A_359 : memref<1x64xf32, #tpu.memory_space<vmem>>) target_semaphore(%arg15 : memref<!tpu.dma_semaphore, #tpu.memory_space<semaphore_mem>>)
      %slice3A_362 = vector.extract_strided_slice %get3A_110 {offsets = [10], sizes = [1], strides = [1]} : vector<16xi32> to vector<1xi32>
      %squeeze3A_363 = vector.extract %slice3A_362[0] : i32 from vector<1xi32>
      %dma_start3A_364 = arith.constant 0 : i32
      %dma_start3A_365 = tpu.memref_slice %arg12[%add3A_351, %dma_start3A_364] : memref<128x64xf32, #tpu.memory_space<vmem>> -> memref<1x64xf32, #tpu.memory_space<vmem>>
      %dma_start3A_366 = arith.constant 0 : i32
      %dma_start3A_367 = tpu.memref_slice %arg5[%squeeze3A_363, %dma_start3A_366] : memref<1000000x64xf32, #tpu.memory_space<hbm>> -> memref<1x64xf32, #tpu.memory_space<hbm>>
      %dma_start3A_368 = arith.constant 0 : i32
      %dma_start3A_369 = tpu.memref_slice %arg12[%add3A_351, %dma_start3A_368] : memref<128x64xf32, #tpu.memory_space<vmem>> -> memref<1x64xf32, #tpu.memory_space<vmem>>
      %dma_start3A_370 = arith.constant 0 : i32
      %dma_start3A_371 = tpu.memref_slice %arg5[%squeeze3A_363, %dma_start3A_370] : memref<1000000x64xf32, #tpu.memory_space<hbm>> -> memref<1x64xf32, #tpu.memory_space<hbm>>
      tpu.enqueue_dma source(%dma_start3A_371 : memref<1x64xf32, #tpu.memory_space<hbm>>) target(%dma_start3A_369 : memref<1x64xf32, #tpu.memory_space<vmem>>) target_semaphore(%arg15 : memref<!tpu.dma_semaphore, #tpu.memory_space<semaphore_mem>>)
      %mul3A_372 = arith.constant 16 : i32
      %mul3A_373 = arith.muli %scan3A_97, %mul3A_372 : i32
      %add3A_374 = arith.constant 11 : i32
      %add3A_375 = arith.addi %mul3A_373, %add3A_374 : i32
      %slice3A_376 = vector.extract_strided_slice %get3A_103 {offsets = [11], sizes = [1], strides = [1]} : vector<16xi32> to vector<1xi32>
      %squeeze3A_377 = vector.extract %slice3A_376[0] : i32 from vector<1xi32>
      %dma_start3A_378 = arith.constant 0 : i32
      %dma_start3A_379 = tpu.memref_slice %arg11[%add3A_375, %dma_start3A_378] : memref<128x64xf32, #tpu.memory_space<vmem>> -> memref<1x64xf32, #tpu.memory_space<vmem>>
      %dma_start3A_380 = arith.constant 0 : i32
      %dma_start3A_381 = tpu.memref_slice %arg4[%squeeze3A_377, %dma_start3A_380] : memref<1000000x64xf32, #tpu.memory_space<hbm>> -> memref<1x64xf32, #tpu.memory_space<hbm>>
      %dma_start3A_382 = arith.constant 0 : i32
      %dma_start3A_383 = tpu.memref_slice %arg11[%add3A_375, %dma_start3A_382] : memref<128x64xf32, #tpu.memory_space<vmem>> -> memref<1x64xf32, #tpu.memory_space<vmem>>
      %dma_start3A_384 = arith.constant 0 : i32
      %dma_start3A_385 = tpu.memref_slice %arg4[%squeeze3A_377, %dma_start3A_384] : memref<1000000x64xf32, #tpu.memory_space<hbm>> -> memref<1x64xf32, #tpu.memory_space<hbm>>
      tpu.enqueue_dma source(%dma_start3A_385 : memref<1x64xf32, #tpu.memory_space<hbm>>) target(%dma_start3A_383 : memref<1x64xf32, #tpu.memory_space<vmem>>) target_semaphore(%arg15 : memref<!tpu.dma_semaphore, #tpu.memory_space<semaphore_mem>>)
      %slice3A_386 = vector.extract_strided_slice %get3A_110 {offsets = [11], sizes = [1], strides = [1]} : vector<16xi32> to vector<1xi32>
      %squeeze3A_387 = vector.extract %slice3A_386[0] : i32 from vector<1xi32>
      %dma_start3A_388 = arith.constant 0 : i32
      %dma_start3A_389 = tpu.memref_slice %arg12[%add3A_375, %dma_start3A_388] : memref<128x64xf32, #tpu.memory_space<vmem>> -> memref<1x64xf32, #tpu.memory_space<vmem>>
      %dma_start3A_390 = arith.constant 0 : i32
      %dma_start3A_391 = tpu.memref_slice %arg5[%squeeze3A_387, %dma_start3A_390] : memref<1000000x64xf32, #tpu.memory_space<hbm>> -> memref<1x64xf32, #tpu.memory_space<hbm>>
      %dma_start3A_392 = arith.constant 0 : i32
      %dma_start3A_393 = tpu.memref_slice %arg12[%add3A_375, %dma_start3A_392] : memref<128x64xf32, #tpu.memory_space<vmem>> -> memref<1x64xf32, #tpu.memory_space<vmem>>
      %dma_start3A_394 = arith.constant 0 : i32
      %dma_start3A_395 = tpu.memref_slice %arg5[%squeeze3A_387, %dma_start3A_394] : memref<1000000x64xf32, #tpu.memory_space<hbm>> -> memref<1x64xf32, #tpu.memory_space<hbm>>
      tpu.enqueue_dma source(%dma_start3A_395 : memref<1x64xf32, #tpu.memory_space<hbm>>) target(%dma_start3A_393 : memref<1x64xf32, #tpu.memory_space<vmem>>) target_semaphore(%arg15 : memref<!tpu.dma_semaphore, #tpu.memory_space<semaphore_mem>>)
      %mul3A_396 = arith.constant 16 : i32
      %mul3A_397 = arith.muli %scan3A_97, %mul3A_396 : i32
      %add3A_398 = arith.constant 12 : i32
      %add3A_399 = arith.addi %mul3A_397, %add3A_398 : i32
      %slice3A_400 = vector.extract_strided_slice %get3A_103 {offsets = [12], sizes = [1], strides = [1]} : vector<16xi32> to vector<1xi32>
      %squeeze3A_401 = vector.extract %slice3A_400[0] : i32 from vector<1xi32>
      %dma_start3A_402 = arith.constant 0 : i32
      %dma_start3A_403 = tpu.memref_slice %arg11[%add3A_399, %dma_start3A_402] : memref<128x64xf32, #tpu.memory_space<vmem>> -> memref<1x64xf32, #tpu.memory_space<vmem>>
      %dma_start3A_404 = arith.constant 0 : i32
      %dma_start3A_405 = tpu.memref_slice %arg4[%squeeze3A_401, %dma_start3A_404] : memref<1000000x64xf32, #tpu.memory_space<hbm>> -> memref<1x64xf32, #tpu.memory_space<hbm>>
      %dma_start3A_406 = arith.constant 0 : i32
      %dma_start3A_407 = tpu.memref_slice %arg11[%add3A_399, %dma_start3A_406] : memref<128x64xf32, #tpu.memory_space<vmem>> -> memref<1x64xf32, #tpu.memory_space<vmem>>
      %dma_start3A_408 = arith.constant 0 : i32
      %dma_start3A_409 = tpu.memref_slice %arg4[%squeeze3A_401, %dma_start3A_408] : memref<1000000x64xf32, #tpu.memory_space<hbm>> -> memref<1x64xf32, #tpu.memory_space<hbm>>
      tpu.enqueue_dma source(%dma_start3A_409 : memref<1x64xf32, #tpu.memory_space<hbm>>) target(%dma_start3A_407 : memref<1x64xf32, #tpu.memory_space<vmem>>) target_semaphore(%arg15 : memref<!tpu.dma_semaphore, #tpu.memory_space<semaphore_mem>>)
      %slice3A_410 = vector.extract_strided_slice %get3A_110 {offsets = [12], sizes = [1], strides = [1]} : vector<16xi32> to vector<1xi32>
      %squeeze3A_411 = vector.extract %slice3A_410[0] : i32 from vector<1xi32>
      %dma_start3A_412 = arith.constant 0 : i32
      %dma_start3A_413 = tpu.memref_slice %arg12[%add3A_399, %dma_start3A_412] : memref<128x64xf32, #tpu.memory_space<vmem>> -> memref<1x64xf32, #tpu.memory_space<vmem>>
      %dma_start3A_414 = arith.constant 0 : i32
      %dma_start3A_415 = tpu.memref_slice %arg5[%squeeze3A_411, %dma_start3A_414] : memref<1000000x64xf32, #tpu.memory_space<hbm>> -> memref<1x64xf32, #tpu.memory_space<hbm>>
      %dma_start3A_416 = arith.constant 0 : i32
      %dma_start3A_417 = tpu.memref_slice %arg12[%add3A_399, %dma_start3A_416] : memref<128x64xf32, #tpu.memory_space<vmem>> -> memref<1x64xf32, #tpu.memory_space<vmem>>
      %dma_start3A_418 = arith.constant 0 : i32
      %dma_start3A_419 = tpu.memref_slice %arg5[%squeeze3A_411, %dma_start3A_418] : memref<1000000x64xf32, #tpu.memory_space<hbm>> -> memref<1x64xf32, #tpu.memory_space<hbm>>
      tpu.enqueue_dma source(%dma_start3A_419 : memref<1x64xf32, #tpu.memory_space<hbm>>) target(%dma_start3A_417 : memref<1x64xf32, #tpu.memory_space<vmem>>) target_semaphore(%arg15 : memref<!tpu.dma_semaphore, #tpu.memory_space<semaphore_mem>>)
      %mul3A_420 = arith.constant 16 : i32
      %mul3A_421 = arith.muli %scan3A_97, %mul3A_420 : i32
      %add3A_422 = arith.constant 13 : i32
      %add3A_423 = arith.addi %mul3A_421, %add3A_422 : i32
      %slice3A_424 = vector.extract_strided_slice %get3A_103 {offsets = [13], sizes = [1], strides = [1]} : vector<16xi32> to vector<1xi32>
      %squeeze3A_425 = vector.extract %slice3A_424[0] : i32 from vector<1xi32>
      %dma_start3A_426 = arith.constant 0 : i32
      %dma_start3A_427 = tpu.memref_slice %arg11[%add3A_423, %dma_start3A_426] : memref<128x64xf32, #tpu.memory_space<vmem>> -> memref<1x64xf32, #tpu.memory_space<vmem>>
      %dma_start3A_428 = arith.constant 0 : i32
      %dma_start3A_429 = tpu.memref_slice %arg4[%squeeze3A_425, %dma_start3A_428] : memref<1000000x64xf32, #tpu.memory_space<hbm>> -> memref<1x64xf32, #tpu.memory_space<hbm>>
      %dma_start3A_430 = arith.constant 0 : i32
      %dma_start3A_431 = tpu.memref_slice %arg11[%add3A_423, %dma_start3A_430] : memref<128x64xf32, #tpu.memory_space<vmem>> -> memref<1x64xf32, #tpu.memory_space<vmem>>
      %dma_start3A_432 = arith.constant 0 : i32
      %dma_start3A_433 = tpu.memref_slice %arg4[%squeeze3A_425, %dma_start3A_432] : memref<1000000x64xf32, #tpu.memory_space<hbm>> -> memref<1x64xf32, #tpu.memory_space<hbm>>
      tpu.enqueue_dma source(%dma_start3A_433 : memref<1x64xf32, #tpu.memory_space<hbm>>) target(%dma_start3A_431 : memref<1x64xf32, #tpu.memory_space<vmem>>) target_semaphore(%arg15 : memref<!tpu.dma_semaphore, #tpu.memory_space<semaphore_mem>>)
      %slice3A_434 = vector.extract_strided_slice %get3A_110 {offsets = [13], sizes = [1], strides = [1]} : vector<16xi32> to vector<1xi32>
      %squeeze3A_435 = vector.extract %slice3A_434[0] : i32 from vector<1xi32>
      %dma_start3A_436 = arith.constant 0 : i32
      %dma_start3A_437 = tpu.memref_slice %arg12[%add3A_423, %dma_start3A_436] : memref<128x64xf32, #tpu.memory_space<vmem>> -> memref<1x64xf32, #tpu.memory_space<vmem>>
      %dma_start3A_438 = arith.constant 0 : i32
      %dma_start3A_439 = tpu.memref_slice %arg5[%squeeze3A_435, %dma_start3A_438] : memref<1000000x64xf32, #tpu.memory_space<hbm>> -> memref<1x64xf32, #tpu.memory_space<hbm>>
      %dma_start3A_440 = arith.constant 0 : i32
      %dma_start3A_441 = tpu.memref_slice %arg12[%add3A_423, %dma_start3A_440] : memref<128x64xf32, #tpu.memory_space<vmem>> -> memref<1x64xf32, #tpu.memory_space<vmem>>
      %dma_start3A_442 = arith.constant 0 : i32
      %dma_start3A_443 = tpu.memref_slice %arg5[%squeeze3A_435, %dma_start3A_442] : memref<1000000x64xf32, #tpu.memory_space<hbm>> -> memref<1x64xf32, #tpu.memory_space<hbm>>
      tpu.enqueue_dma source(%dma_start3A_443 : memref<1x64xf32, #tpu.memory_space<hbm>>) target(%dma_start3A_441 : memref<1x64xf32, #tpu.memory_space<vmem>>) target_semaphore(%arg15 : memref<!tpu.dma_semaphore, #tpu.memory_space<semaphore_mem>>)
      %mul3A_444 = arith.constant 16 : i32
      %mul3A_445 = arith.muli %scan3A_97, %mul3A_444 : i32
      %add3A_446 = arith.constant 14 : i32
      %add3A_447 = arith.addi %mul3A_445, %add3A_446 : i32
      %slice3A_448 = vector.extract_strided_slice %get3A_103 {offsets = [14], sizes = [1], strides = [1]} : vector<16xi32> to vector<1xi32>
      %squeeze3A_449 = vector.extract %slice3A_448[0] : i32 from vector<1xi32>
      %dma_start3A_450 = arith.constant 0 : i32
      %dma_start3A_451 = tpu.memref_slice %arg11[%add3A_447, %dma_start3A_450] : memref<128x64xf32, #tpu.memory_space<vmem>> -> memref<1x64xf32, #tpu.memory_space<vmem>>
      %dma_start3A_452 = arith.constant 0 : i32
      %dma_start3A_453 = tpu.memref_slice %arg4[%squeeze3A_449, %dma_start3A_452] : memref<1000000x64xf32, #tpu.memory_space<hbm>> -> memref<1x64xf32, #tpu.memory_space<hbm>>
      %dma_start3A_454 = arith.constant 0 : i32
      %dma_start3A_455 = tpu.memref_slice %arg11[%add3A_447, %dma_start3A_454] : memref<128x64xf32, #tpu.memory_space<vmem>> -> memref<1x64xf32, #tpu.memory_space<vmem>>
      %dma_start3A_456 = arith.constant 0 : i32
      %dma_start3A_457 = tpu.memref_slice %arg4[%squeeze3A_449, %dma_start3A_456] : memref<1000000x64xf32, #tpu.memory_space<hbm>> -> memref<1x64xf32, #tpu.memory_space<hbm>>
      tpu.enqueue_dma source(%dma_start3A_457 : memref<1x64xf32, #tpu.memory_space<hbm>>) target(%dma_start3A_455 : memref<1x64xf32, #tpu.memory_space<vmem>>) target_semaphore(%arg15 : memref<!tpu.dma_semaphore, #tpu.memory_space<semaphore_mem>>)
      %slice3A_458 = vector.extract_strided_slice %get3A_110 {offsets = [14], sizes = [1], strides = [1]} : vector<16xi32> to vector<1xi32>
      %squeeze3A_459 = vector.extract %slice3A_458[0] : i32 from vector<1xi32>
      %dma_start3A_460 = arith.constant 0 : i32
      %dma_start3A_461 = tpu.memref_slice %arg12[%add3A_447, %dma_start3A_460] : memref<128x64xf32, #tpu.memory_space<vmem>> -> memref<1x64xf32, #tpu.memory_space<vmem>>
      %dma_start3A_462 = arith.constant 0 : i32
      %dma_start3A_463 = tpu.memref_slice %arg5[%squeeze3A_459, %dma_start3A_462] : memref<1000000x64xf32, #tpu.memory_space<hbm>> -> memref<1x64xf32, #tpu.memory_space<hbm>>
      %dma_start3A_464 = arith.constant 0 : i32
      %dma_start3A_465 = tpu.memref_slice %arg12[%add3A_447, %dma_start3A_464] : memref<128x64xf32, #tpu.memory_space<vmem>> -> memref<1x64xf32, #tpu.memory_space<vmem>>
      %dma_start3A_466 = arith.constant 0 : i32
      %dma_start3A_467 = tpu.memref_slice %arg5[%squeeze3A_459, %dma_start3A_466] : memref<1000000x64xf32, #tpu.memory_space<hbm>> -> memref<1x64xf32, #tpu.memory_space<hbm>>
      tpu.enqueue_dma source(%dma_start3A_467 : memref<1x64xf32, #tpu.memory_space<hbm>>) target(%dma_start3A_465 : memref<1x64xf32, #tpu.memory_space<vmem>>) target_semaphore(%arg15 : memref<!tpu.dma_semaphore, #tpu.memory_space<semaphore_mem>>)
      %mul3A_468 = arith.constant 16 : i32
      %mul3A_469 = arith.muli %scan3A_97, %mul3A_468 : i32
      %add3A_470 = arith.constant 15 : i32
      %add3A_471 = arith.addi %mul3A_469, %add3A_470 : i32
      %slice3A_472 = vector.extract_strided_slice %get3A_103 {offsets = [15], sizes = [1], strides = [1]} : vector<16xi32> to vector<1xi32>
      %squeeze3A_473 = vector.extract %slice3A_472[0] : i32 from vector<1xi32>
      %dma_start3A_474 = arith.constant 0 : i32
      %dma_start3A_475 = tpu.memref_slice %arg11[%add3A_471, %dma_start3A_474] : memref<128x64xf32, #tpu.memory_space<vmem>> -> memref<1x64xf32, #tpu.memory_space<vmem>>
      %dma_start3A_476 = arith.constant 0 : i32
      %dma_start3A_477 = tpu.memref_slice %arg4[%squeeze3A_473, %dma_start3A_476] : memref<1000000x64xf32, #tpu.memory_space<hbm>> -> memref<1x64xf32, #tpu.memory_space<hbm>>
      %dma_start3A_478 = arith.constant 0 : i32
      %dma_start3A_479 = tpu.memref_slice %arg11[%add3A_471, %dma_start3A_478] : memref<128x64xf32, #tpu.memory_space<vmem>> -> memref<1x64xf32, #tpu.memory_space<vmem>>
      %dma_start3A_480 = arith.constant 0 : i32
      %dma_start3A_481 = tpu.memref_slice %arg4[%squeeze3A_473, %dma_start3A_480] : memref<1000000x64xf32, #tpu.memory_space<hbm>> -> memref<1x64xf32, #tpu.memory_space<hbm>>
      tpu.enqueue_dma source(%dma_start3A_481 : memref<1x64xf32, #tpu.memory_space<hbm>>) target(%dma_start3A_479 : memref<1x64xf32, #tpu.memory_space<vmem>>) target_semaphore(%arg15 : memref<!tpu.dma_semaphore, #tpu.memory_space<semaphore_mem>>)
      %slice3A_482 = vector.extract_strided_slice %get3A_110 {offsets = [15], sizes = [1], strides = [1]} : vector<16xi32> to vector<1xi32>
      %squeeze3A_483 = vector.extract %slice3A_482[0] : i32 from vector<1xi32>
      %dma_start3A_484 = arith.constant 0 : i32
      %dma_start3A_485 = tpu.memref_slice %arg12[%add3A_471, %dma_start3A_484] : memref<128x64xf32, #tpu.memory_space<vmem>> -> memref<1x64xf32, #tpu.memory_space<vmem>>
      %dma_start3A_486 = arith.constant 0 : i32
      %dma_start3A_487 = tpu.memref_slice %arg5[%squeeze3A_483, %dma_start3A_486] : memref<1000000x64xf32, #tpu.memory_space<hbm>> -> memref<1x64xf32, #tpu.memory_space<hbm>>
      %dma_start3A_488 = arith.constant 0 : i32
      %dma_start3A_489 = tpu.memref_slice %arg12[%add3A_471, %dma_start3A_488] : memref<128x64xf32, #tpu.memory_space<vmem>> -> memref<1x64xf32, #tpu.memory_space<vmem>>
      %dma_start3A_490 = arith.constant 0 : i32
      %dma_start3A_491 = tpu.memref_slice %arg5[%squeeze3A_483, %dma_start3A_490] : memref<1000000x64xf32, #tpu.memory_space<hbm>> -> memref<1x64xf32, #tpu.memory_space<hbm>>
      tpu.enqueue_dma source(%dma_start3A_491 : memref<1x64xf32, #tpu.memory_space<hbm>>) target(%dma_start3A_489 : memref<1x64xf32, #tpu.memory_space<vmem>>) target_semaphore(%arg15 : memref<!tpu.dma_semaphore, #tpu.memory_space<semaphore_mem>>)
    }
    %scan3A_58 = arith.constant 8 : i32
    %dma_wait3A_59 = arith.constant 0 : i32
    %dma_wait3A_60 = arith.constant 0 : i32
    %dma_wait3A_61 = tpu.memref_slice %arg4[%dma_wait3A_59, %dma_wait3A_60] : memref<1000000x64xf32, #tpu.memory_space<hbm>> -> memref<128x64xf32, #tpu.memory_space<hbm>>
    %dma_wait3A_62 = arith.constant 0 : i32
    %dma_wait3A_63 = arith.constant 0 : i32
    %dma_wait3A_64 = tpu.memref_slice %arg4[%dma_wait3A_62, %dma_wait3A_63] : memref<1000000x64xf32, #tpu.memory_space<hbm>> -> memref<128x64xf32, #tpu.memory_space<hbm>>
    tpu.wait_dma2 semaphore(%arg14 : memref<!tpu.dma_semaphore, #tpu.memory_space<semaphore_mem>>) src(%dma_wait3A_64 : memref<128x64xf32, #tpu.memory_space<hbm>>) dst(%arg9 : memref<128x64xf32, #tpu.memory_space<vmem>>)
    %dma_wait3A_65 = arith.constant 0 : i32
    %dma_wait3A_66 = arith.constant 0 : i32
    %dma_wait3A_67 = tpu.memref_slice %arg5[%dma_wait3A_65, %dma_wait3A_66] : memref<1000000x64xf32, #tpu.memory_space<hbm>> -> memref<128x64xf32, #tpu.memory_space<hbm>>
    %dma_wait3A_68 = arith.constant 0 : i32
    %dma_wait3A_69 = arith.constant 0 : i32
    %dma_wait3A_70 = tpu.memref_slice %arg5[%dma_wait3A_68, %dma_wait3A_69] : memref<1000000x64xf32, #tpu.memory_space<hbm>> -> memref<128x64xf32, #tpu.memory_space<hbm>>
    tpu.wait_dma2 semaphore(%arg14 : memref<!tpu.dma_semaphore, #tpu.memory_space<semaphore_mem>>) src(%dma_wait3A_70 : memref<128x64xf32, #tpu.memory_space<hbm>>) dst(%arg10 : memref<128x64xf32, #tpu.memory_space<vmem>>)
    %scan3A_71 = arith.constant 0 : i32
    %scan3A_72 = arith.constant 128 : i32
    %scan3A_73 = arith.addi %scan3A_71, %scan3A_72 : i32
    %scan3A_74 = arith.constant 1 : i32
    scf.for %scan3A_97 = %scan3A_71 to %scan3A_73 step %scan3A_74  : i32 {
      %get3A = arith.index_cast %scan3A_97 : i32 to index
      %get3A_98 = arith.constant 0 : index
      %get3A_99 = tpu.vector_load %arg9[%get3A, %get3A_98] {strides = array<i32>} : memref<128x64xf32, #tpu.memory_space<vmem>>, vector<1x16xf32>,
      %get3A_100 = vector.shape_cast %get3A_99 : vector<1x16xf32> to vector<16xf32>
      %get3A_101 = arith.index_cast %scan3A_97 : i32 to index
      %get3A_102 = arith.constant 0 : index
      %get3A_103 = tpu.vector_load %arg10[%get3A_101, %get3A_102] {strides = array<i32>} : memref<128x64xf32, #tpu.memory_space<vmem>>, vector<1x16xf32>,
      %get3A_104 = vector.shape_cast %get3A_103 : vector<1x16xf32> to vector<16xf32>
      %mul3A_105 = arith.mulf %get3A_100, %get3A_104 : vector<16xf32>
      %swap3A = arith.index_cast %scan3A_97 : i32 to index
      %swap3A_106 = arith.constant 0 : index
      %swap3A_107 = tpu.vector_load %arg13[%swap3A, %swap3A_106] {strides = array<i32>} : memref<128x64xf32, #tpu.memory_space<vmem>>, vector<1x16xf32>,
      %swap3A_108 = vector.shape_cast %swap3A_107 : vector<1x16xf32> to vector<16xf32>
      %swap3A_109 = vector.shape_cast %mul3A_105 : vector<16xf32> to vector<1x16xf32>
      tpu.vector_store %arg13[%swap3A, %swap3A_106], %swap3A_109 {strides = array<i32>} : memref<128x64xf32, #tpu.memory_space<vmem>>, vector<1x16xf32>,
      %get3A_110 = arith.index_cast %scan3A_97 : i32 to index
      %get3A_111 = arith.constant 16 : index
      %get3A_112 = tpu.vector_load %arg9[%get3A_110, %get3A_111] {strides = array<i32>} : memref<128x64xf32, #tpu.memory_space<vmem>>, vector<1x16xf32>,
      %get3A_113 = vector.shape_cast %get3A_112 : vector<1x16xf32> to vector<16xf32>
      %get3A_114 = arith.index_cast %scan3A_97 : i32 to index
      %get3A_115 = arith.constant 16 : index
      %get3A_116 = tpu.vector_load %arg10[%get3A_114, %get3A_115] {strides = array<i32>} : memref<128x64xf32, #tpu.memory_space<vmem>>, vector<1x16xf32>,
      %get3A_117 = vector.shape_cast %get3A_116 : vector<1x16xf32> to vector<16xf32>
      %mul3A_118 = arith.mulf %get3A_113, %get3A_117 : vector<16xf32>
      %swap3A_119 = arith.index_cast %scan3A_97 : i32 to index
      %swap3A_120 = arith.constant 16 : index
      %swap3A_121 = tpu.vector_load %arg13[%swap3A_119, %swap3A_120] {strides = array<i32>} : memref<128x64xf32, #tpu.memory_space<vmem>>, vector<1x16xf32>,
      %swap3A_122 = vector.shape_cast %swap3A_121 : vector<1x16xf32> to vector<16xf32>
      %swap3A_123 = vector.shape_cast %mul3A_118 : vector<16xf32> to vector<1x16xf32>
      tpu.vector_store %arg13[%swap3A_119, %swap3A_120], %swap3A_123 {strides = array<i32>} : memref<128x64xf32, #tpu.memory_space<vmem>>, vector<1x16xf32>,
      %get3A_124 = arith.index_cast %scan3A_97 : i32 to index
      %get3A_125 = arith.constant 32 : index
      %get3A_126 = tpu.vector_load %arg9[%get3A_124, %get3A_125] {strides = array<i32>} : memref<128x64xf32, #tpu.memory_space<vmem>>, vector<1x16xf32>,
      %get3A_127 = vector.shape_cast %get3A_126 : vector<1x16xf32> to vector<16xf32>
      %get3A_128 = arith.index_cast %scan3A_97 : i32 to index
      %get3A_129 = arith.constant 32 : index
      %get3A_130 = tpu.vector_load %arg10[%get3A_128, %get3A_129] {strides = array<i32>} : memref<128x64xf32, #tpu.memory_space<vmem>>, vector<1x16xf32>,
      %get3A_131 = vector.shape_cast %get3A_130 : vector<1x16xf32> to vector<16xf32>
      %mul3A_132 = arith.mulf %get3A_127, %get3A_131 : vector<16xf32>
      %swap3A_133 = arith.index_cast %scan3A_97 : i32 to index
      %swap3A_134 = arith.constant 32 : index
      %swap3A_135 = tpu.vector_load %arg13[%swap3A_133, %swap3A_134] {strides = array<i32>} : memref<128x64xf32, #tpu.memory_space<vmem>>, vector<1x16xf32>,
      %swap3A_136 = vector.shape_cast %swap3A_135 : vector<1x16xf32> to vector<16xf32>
      %swap3A_137 = vector.shape_cast %mul3A_132 : vector<16xf32> to vector<1x16xf32>
      tpu.vector_store %arg13[%swap3A_133, %swap3A_134], %swap3A_137 {strides = array<i32>} : memref<128x64xf32, #tpu.memory_space<vmem>>, vector<1x16xf32>,
      %get3A_138 = arith.index_cast %scan3A_97 : i32 to index
      %get3A_139 = arith.constant 48 : index
      %get3A_140 = tpu.vector_load %arg9[%get3A_138, %get3A_139] {strides = array<i32>} : memref<128x64xf32, #tpu.memory_space<vmem>>, vector<1x16xf32>,
      %get3A_141 = vector.shape_cast %get3A_140 : vector<1x16xf32> to vector<16xf32>
      %get3A_142 = arith.index_cast %scan3A_97 : i32 to index
      %get3A_143 = arith.constant 48 : index
      %get3A_144 = tpu.vector_load %arg10[%get3A_142, %get3A_143] {strides = array<i32>} : memref<128x64xf32, #tpu.memory_space<vmem>>, vector<1x16xf32>,
      %get3A_145 = vector.shape_cast %get3A_144 : vector<1x16xf32> to vector<16xf32>
      %mul3A_146 = arith.mulf %get3A_141, %get3A_145 : vector<16xf32>
      %swap3A_147 = arith.index_cast %scan3A_97 : i32 to index
      %swap3A_148 = arith.constant 48 : index
      %swap3A_149 = tpu.vector_load %arg13[%swap3A_147, %swap3A_148] {strides = array<i32>} : memref<128x64xf32, #tpu.memory_space<vmem>>, vector<1x16xf32>,
      %swap3A_150 = vector.shape_cast %swap3A_149 : vector<1x16xf32> to vector<16xf32>
      %swap3A_151 = vector.shape_cast %mul3A_146 : vector<16xf32> to vector<1x16xf32>
      tpu.vector_store %arg13[%swap3A_147, %swap3A_148], %swap3A_151 {strides = array<i32>} : memref<128x64xf32, #tpu.memory_space<vmem>>, vector<1x16xf32>,
    }
    %scan3A_75 = arith.constant 128 : i32
    %add3A_76 = arith.constant 256 : i32
    %add3A_77 = arith.addi %mul3A_2, %add3A_76 : i32
    "tpu.region"() ({
      %run_scoped3A = tpu.sem_alloc : memref<!tpu.dma_semaphore, #tpu.memory_space<semaphore_mem>>
      %dma_start3A = arith.constant 0 : i32
      %dma_start3A_97 = tpu.memref_slice %arg6[%add3A_77, %dma_start3A] : memref<16384x64xf32, #tpu.memory_space<hbm>> -> memref<128x64xf32, #tpu.memory_space<hbm>>
      %dma_start3A_98 = arith.constant 0 : i32
      %dma_start3A_99 = tpu.memref_slice %arg6[%add3A_77, %dma_start3A_98] : memref<16384x64xf32, #tpu.memory_space<hbm>> -> memref<128x64xf32, #tpu.memory_space<hbm>>
      tpu.enqueue_dma source(%arg13 : memref<128x64xf32, #tpu.memory_space<vmem>>) target(%dma_start3A_99 : memref<128x64xf32, #tpu.memory_space<hbm>>) target_semaphore(%run_scoped3A : memref<!tpu.dma_semaphore, #tpu.memory_space<semaphore_mem>>)
      %dma_wait3A_100 = arith.constant 0 : i32
      %dma_wait3A_101 = tpu.memref_slice %arg6[%add3A_77, %dma_wait3A_100] : memref<16384x64xf32, #tpu.memory_space<hbm>> -> memref<128x64xf32, #tpu.memory_space<hbm>>
      %dma_wait3A_102 = arith.constant 0 : i32
      %dma_wait3A_103 = tpu.memref_slice %arg6[%add3A_77, %dma_wait3A_102] : memref<16384x64xf32, #tpu.memory_space<hbm>> -> memref<128x64xf32, #tpu.memory_space<hbm>>
      tpu.wait_dma2 semaphore(%run_scoped3A : memref<!tpu.dma_semaphore, #tpu.memory_space<semaphore_mem>>) src(%arg13 : memref<128x64xf32, #tpu.memory_space<vmem>>) dst(%dma_wait3A_103 : memref<128x64xf32, #tpu.memory_space<hbm>>)
      tpu.yield
    }) : () -> ()
    %dma_wait3A_78 = arith.constant 0 : i32
    %dma_wait3A_79 = arith.constant 0 : i32
    %dma_wait3A_80 = tpu.memref_slice %arg4[%dma_wait3A_78, %dma_wait3A_79] : memref<1000000x64xf32, #tpu.memory_space<hbm>> -> memref<128x64xf32, #tpu.memory_space<hbm>>
    %dma_wait3A_81 = arith.constant 0 : i32
    %dma_wait3A_82 = arith.constant 0 : i32
    %dma_wait3A_83 = tpu.memref_slice %arg4[%dma_wait3A_81, %dma_wait3A_82] : memref<1000000x64xf32, #tpu.memory_space<hbm>> -> memref<128x64xf32, #tpu.memory_space<hbm>>
    tpu.wait_dma2 semaphore(%arg15 : memref<!tpu.dma_semaphore, #tpu.memory_space<semaphore_mem>>) src(%dma_wait3A_83 : memref<128x64xf32, #tpu.memory_space<hbm>>) dst(%arg11 : memref<128x64xf32, #tpu.memory_space<vmem>>)
    %dma_wait3A_84 = arith.constant 0 : i32
    %dma_wait3A_85 = arith.constant 0 : i32
    %dma_wait3A_86 = tpu.memref_slice %arg5[%dma_wait3A_84, %dma_wait3A_85] : memref<1000000x64xf32, #tpu.memory_space<hbm>> -> memref<128x64xf32, #tpu.memory_space<hbm>>
    %dma_wait3A_87 = arith.constant 0 : i32
    %dma_wait3A_88 = arith.constant 0 : i32
    %dma_wait3A_89 = tpu.memref_slice %arg5[%dma_wait3A_87, %dma_wait3A_88] : memref<1000000x64xf32, #tpu.memory_space<hbm>> -> memref<128x64xf32, #tpu.memory_space<hbm>>
    tpu.wait_dma2 semaphore(%arg15 : memref<!tpu.dma_semaphore, #tpu.memory_space<semaphore_mem>>) src(%dma_wait3A_89 : memref<128x64xf32, #tpu.memory_space<hbm>>) dst(%arg12 : memref<128x64xf32, #tpu.memory_space<vmem>>)
    %scan3A_90 = arith.constant 0 : i32
    %scan3A_91 = arith.constant 128 : i32
    %scan3A_92 = arith.addi %scan3A_90, %scan3A_91 : i32
    %scan3A_93 = arith.constant 1 : i32
    scf.for %scan3A_97 = %scan3A_90 to %scan3A_92 step %scan3A_93  : i32 {
      %get3A = arith.index_cast %scan3A_97 : i32 to index
      %get3A_98 = arith.constant 0 : index
      %get3A_99 = tpu.vector_load %arg11[%get3A, %get3A_98] {strides = array<i32>} : memref<128x64xf32, #tpu.memory_space<vmem>>, vector<1x16xf32>,
      %get3A_100 = vector.shape_cast %get3A_99 : vector<1x16xf32> to vector<16xf32>
      %get3A_101 = arith.index_cast %scan3A_97 : i32 to index
      %get3A_102 = arith.constant 0 : index
      %get3A_103 = tpu.vector_load %arg12[%get3A_101, %get3A_102] {strides = array<i32>} : memref<128x64xf32, #tpu.memory_space<vmem>>, vector<1x16xf32>,
      %get3A_104 = vector.shape_cast %get3A_103 : vector<1x16xf32> to vector<16xf32>
      %mul3A_105 = arith.mulf %get3A_100, %get3A_104 : vector<16xf32>
      %swap3A = arith.index_cast %scan3A_97 : i32 to index
      %swap3A_106 = arith.constant 0 : index
      %swap3A_107 = tpu.vector_load %arg13[%swap3A, %swap3A_106] {strides = array<i32>} : memref<128x64xf32, #tpu.memory_space<vmem>>, vector<1x16xf32>,
      %swap3A_108 = vector.shape_cast %swap3A_107 : vector<1x16xf32> to vector<16xf32>
      %swap3A_109 = vector.shape_cast %mul3A_105 : vector<16xf32> to vector<1x16xf32>
      tpu.vector_store %arg13[%swap3A, %swap3A_106], %swap3A_109 {strides = array<i32>} : memref<128x64xf32, #tpu.memory_space<vmem>>, vector<1x16xf32>,
      %get3A_110 = arith.index_cast %scan3A_97 : i32 to index
      %get3A_111 = arith.constant 16 : index
      %get3A_112 = tpu.vector_load %arg11[%get3A_110, %get3A_111] {strides = array<i32>} : memref<128x64xf32, #tpu.memory_space<vmem>>, vector<1x16xf32>,
      %get3A_113 = vector.shape_cast %get3A_112 : vector<1x16xf32> to vector<16xf32>
      %get3A_114 = arith.index_cast %scan3A_97 : i32 to index
      %get3A_115 = arith.constant 16 : index
      %get3A_116 = tpu.vector_load %arg12[%get3A_114, %get3A_115] {strides = array<i32>} : memref<128x64xf32, #tpu.memory_space<vmem>>, vector<1x16xf32>,
      %get3A_117 = vector.shape_cast %get3A_116 : vector<1x16xf32> to vector<16xf32>
      %mul3A_118 = arith.mulf %get3A_113, %get3A_117 : vector<16xf32>
      %swap3A_119 = arith.index_cast %scan3A_97 : i32 to index
      %swap3A_120 = arith.constant 16 : index
      %swap3A_121 = tpu.vector_load %arg13[%swap3A_119, %swap3A_120] {strides = array<i32>} : memref<128x64xf32, #tpu.memory_space<vmem>>, vector<1x16xf32>,
      %swap3A_122 = vector.shape_cast %swap3A_121 : vector<1x16xf32> to vector<16xf32>
      %swap3A_123 = vector.shape_cast %mul3A_118 : vector<16xf32> to vector<1x16xf32>
      tpu.vector_store %arg13[%swap3A_119, %swap3A_120], %swap3A_123 {strides = array<i32>} : memref<128x64xf32, #tpu.memory_space<vmem>>, vector<1x16xf32>,
      %get3A_124 = arith.index_cast %scan3A_97 : i32 to index
      %get3A_125 = arith.constant 32 : index
      %get3A_126 = tpu.vector_load %arg11[%get3A_124, %get3A_125] {strides = array<i32>} : memref<128x64xf32, #tpu.memory_space<vmem>>, vector<1x16xf32>,
      %get3A_127 = vector.shape_cast %get3A_126 : vector<1x16xf32> to vector<16xf32>
      %get3A_128 = arith.index_cast %scan3A_97 : i32 to index
      %get3A_129 = arith.constant 32 : index
      %get3A_130 = tpu.vector_load %arg12[%get3A_128, %get3A_129] {strides = array<i32>} : memref<128x64xf32, #tpu.memory_space<vmem>>, vector<1x16xf32>,
      %get3A_131 = vector.shape_cast %get3A_130 : vector<1x16xf32> to vector<16xf32>
      %mul3A_132 = arith.mulf %get3A_127, %get3A_131 : vector<16xf32>
      %swap3A_133 = arith.index_cast %scan3A_97 : i32 to index
      %swap3A_134 = arith.constant 32 : index
      %swap3A_135 = tpu.vector_load %arg13[%swap3A_133, %swap3A_134] {strides = array<i32>} : memref<128x64xf32, #tpu.memory_space<vmem>>, vector<1x16xf32>,
      %swap3A_136 = vector.shape_cast %swap3A_135 : vector<1x16xf32> to vector<16xf32>
      %swap3A_137 = vector.shape_cast %mul3A_132 : vector<16xf32> to vector<1x16xf32>
      tpu.vector_store %arg13[%swap3A_133, %swap3A_134], %swap3A_137 {strides = array<i32>} : memref<128x64xf32, #tpu.memory_space<vmem>>, vector<1x16xf32>,
      %get3A_138 = arith.index_cast %scan3A_97 : i32 to index
      %get3A_139 = arith.constant 48 : index
      %get3A_140 = tpu.vector_load %arg11[%get3A_138, %get3A_139] {strides = array<i32>} : memref<128x64xf32, #tpu.memory_space<vmem>>, vector<1x16xf32>,
      %get3A_141 = vector.shape_cast %get3A_140 : vector<1x16xf32> to vector<16xf32>
      %get3A_142 = arith.index_cast %scan3A_97 : i32 to index
      %get3A_143 = arith.constant 48 : index
      %get3A_144 = tpu.vector_load %arg12[%get3A_142, %get3A_143] {strides = array<i32>} : memref<128x64xf32, #tpu.memory_space<vmem>>, vector<1x16xf32>,
      %get3A_145 = vector.shape_cast %get3A_144 : vector<1x16xf32> to vector<16xf32>
      %mul3A_146 = arith.mulf %get3A_141, %get3A_145 : vector<16xf32>
      %swap3A_147 = arith.index_cast %scan3A_97 : i32 to index
      %swap3A_148 = arith.constant 48 : index
      %swap3A_149 = tpu.vector_load %arg13[%swap3A_147, %swap3A_148] {strides = array<i32>} : memref<128x64xf32, #tpu.memory_space<vmem>>, vector<1x16xf32>,
      %swap3A_150 = vector.shape_cast %swap3A_149 : vector<1x16xf32> to vector<16xf32>
      %swap3A_151 = vector.shape_cast %mul3A_146 : vector<16xf32> to vector<1x16xf32>
      tpu.vector_store %arg13[%swap3A_147, %swap3A_148], %swap3A_151 {strides = array<i32>} : memref<128x64xf32, #tpu.memory_space<vmem>>, vector<1x16xf32>,
    }
    %scan3A_94 = arith.constant 128 : i32
    %add3A_95 = arith.constant 384 : i32
    %add3A_96 = arith.addi %mul3A_2, %add3A_95 : i32
    "tpu.region"() ({
      %run_scoped3A = tpu.sem_alloc : memref<!tpu.dma_semaphore, #tpu.memory_space<semaphore_mem>>
      %dma_start3A = arith.constant 0 : i32
      %dma_start3A_97 = tpu.memref_slice %arg6[%add3A_96, %dma_start3A] : memref<16384x64xf32, #tpu.memory_space<hbm>> -> memref<128x64xf32, #tpu.memory_space<hbm>>
      %dma_start3A_98 = arith.constant 0 : i32
      %dma_start3A_99 = tpu.memref_slice %arg6[%add3A_96, %dma_start3A_98] : memref<16384x64xf32, #tpu.memory_space<hbm>> -> memref<128x64xf32, #tpu.memory_space<hbm>>
      tpu.enqueue_dma source(%arg13 : memref<128x64xf32, #tpu.memory_space<vmem>>) target(%dma_start3A_99 : memref<128x64xf32, #tpu.memory_space<hbm>>) target_semaphore(%run_scoped3A : memref<!tpu.dma_semaphore, #tpu.memory_space<semaphore_mem>>)
      %dma_wait3A_100 = arith.constant 0 : i32
      %dma_wait3A_101 = tpu.memref_slice %arg6[%add3A_96, %dma_wait3A_100] : memref<16384x64xf32, #tpu.memory_space<hbm>> -> memref<128x64xf32, #tpu.memory_space<hbm>>
      %dma_wait3A_102 = arith.constant 0 : i32
      %dma_wait3A_103 = tpu.memref_slice %arg6[%add3A_96, %dma_wait3A_102] : memref<16384x64xf32, #tpu.memory_space<hbm>> -> memref<128x64xf32, #tpu.memory_space<hbm>>
      tpu.wait_dma2 semaphore(%run_scoped3A : memref<!tpu.dma_semaphore, #tpu.memory_space<semaphore_mem>>) src(%arg13 : memref<128x64xf32, #tpu.memory_space<vmem>>) dst(%dma_wait3A_103 : memref<128x64xf32, #tpu.memory_space<hbm>>)
      tpu.yield
    }) : () -> ()
    return
  }
}

</mosaic_0001>

<sc_bundles>
// kernel: _gmf.3.cloned.1.call-start
scs
__scs_entry_jumppad:
0x0: {  	(pc) =	sbr.rel $0x88, $3  }
0x1: {  	(tag) =	ssettag $0x0;
	lr =	simm.s32 $0x1  }
0x2: {  	[smem:$0x3F9D] =	sst lr;
	_ =	strace $0xD0000000  }
0x3: {  	_ = 	snop  }
0x4: {  	_ = 	snop  }
0x5: {  	_ = 	snop  }
0x6: {  	_ = 	snop  }
0x7: {  	_ = 	snop  }
__scs_overlays_trampoline_lowered:
0x8: {  	[smem:$0x3FAC] =	sst s0  }
0x9: {  	[smem:$0x3FAD] =	sst s1  }
0xa: {  	[smem:$0x3FAE] =	sst s2  }
0xb: {  	[smem:$0x3FAF] =	sst s3  }
0xc: {  	[smem:$0x3FB0] =	sst s4  }
0xd: {  	[smem:$0x3FB1] =	sst s5  }
0xe: {  	[smem:$0x3FB2] =	sst s6  }
0xf: {  	[smem:$0x3FB3] =	sst s7  }
0x10: {  	[smem:$0x3FB4] =	sst s8  }
0x11: {  	[smem:$0x3FB5] =	sst s9;
	s0 =	simm.s32 @!p0 $0x0  }
0x12: {  	s1 =	sld [smem:$0x3F9B];
	s0 =	simm.s32 @p0 $0x1  }
0x13: {  	[smem:$0x3FB6] =	sst s0;
	s0 =	simm.s32 @!p1 $0x0  }
0x14: {  	s2 =	sld [smem:$0x3F9A];
	s0 =	simm.s32 @p1 $0x1  }
0x15: {  	[smem:$0x3FB7] =	sst s0;
	s0 =	simm.s32 @!p2 $0x0  }
0x16: {  	s3 =	sld [smem:$0x3FDB];
	s0 =	simm.s32 @p2 $0x1  }
0x17: {  	s4 =	simm.s32 $0x1BF5;
	[smem:$0x3FB9] =	sst s0  }
0x18: {  	s0 =	sld [smem:$0x3F9C];
	_ =	swait.ge [sflag:s4], $0x0  }
0x19: {  	s7 =	sld [smem:$0x3F9D]  }
0x1a: {  	s8 =	sadd.s32 $0xFFFFE003, lr  }
0x1b: {  	s9 =	sadd.s32 $0xFFFFFEF7, lr;
	s5 =	simm.s32 $0xFFFFFFFF;
	p2 =	slt.u32 s8, $0xFFFFF086  }
0x1c: {  	p1 =	slt.u32 s9, $0xF7A;
	s5 =	simm.s32 @!p2 $0x0  }
0x1d: {  	s5 =	simm.s32 @p1 $0x1;
	p0 =	seq.s32 s7, s2  }
0x1e: {  	s7 =	smul.u32 @!p0 $0xF7A, s2;
	p2 =	seq.s32 @!p0 s5, $0x0  }
0x1f: {  	s9 =	smul.u32 $0xF7A, s1;
	s8 =	simm.s32 @!p0 $0x1BF5;
	p2 =	por !p2, p0  }
0x20: {  	[sflag:s8] =	ssyncset.s32 @!p0 $0xFFFFF086;
	s6 =	sadd.s32 @!p0 s3, s7;
	s7 =	simm.s32 @!p0 $0x108  }
0x21: {  	s3 =	sadd.s32 s3, s9;
	s6 =	sadd.s32 @!p0 $0x88, s6;
	s7 =	simm.s32 @p2 $0x1082  }
0x22: {  	[simem:s7], [sflag:s8] =	dma.local @!p0 [hbm:s6], $0xF7A  }
0x23: {  	s9 =	sor.u32 $0xD0000000, s2;
	s6 =	simm.s32 $0x108;
	_ =	swait.ge @!p0 [sflag:s8], $0x0  }
0x24: {  	s3 =	sadd.s32 $0x88, s3;
	s6 =	simm.s32 @!p1 $0x1082;
	[sflag:s4] =	ssyncset.s32 $0xFFFFF086  }
0x25: {  	[simem:s6], [sflag:s4] =	dma.local [hbm:s3], $0xF7A  }
0x26: {  	[smem:$0x3F9D] =	sst s1;
	(tag) =	ssettag s2;
	_ =	strace s9  }
0x27: {  	s1 =	sld [smem:$0x3FAD]  }
0x28: {  	s2 =	sld [smem:$0x3FAE]  }
0x29: {  	s4 =	sld [smem:$0x3FB0]  }
0x2a: {  	p0 =	seq.s32 s5, $0x0;
	s5 =	sld [smem:$0x3FB1]  }
0x2b: {  	s6 =	sld [smem:$0x3FB2]  }
0x2c: {  	s7 =	sld [smem:$0x3FB3]  }
0x2d: {  	s3 =	simm.s32 $0x108;
	s8 =	sld [smem:$0x3FB4]  }
0x2e: {  	s3 =	simm.s32 @!p0 $0x1082;
	s9 =	sld [smem:$0x3FB5]  }
0x2f: {  	lr =	sadd.s32 s0, s3;
	s0 =	sld [smem:$0x3FAC]  }
0x30: {  	s3 =	sld [smem:$0x3FAF]  }
0x31: {  	[smem:$0x3FB8] =	sst s10  }
0x32: {  	s10 =	sld [smem:$0x3FB6];
	_ =	sdelay $0x3  }
0x33: {  	p0 =	seq.s32 s10, $0x1;
	s10 =	sld [smem:$0x3FB8];
	_ =	sdelay $0x3  }
0x34: {  	[smem:$0x3FB8] =	sst s10  }
0x35: {  	s10 =	sld [smem:$0x3FB7];
	_ =	sdelay $0x3  }
0x36: {  	p1 =	seq.s32 s10, $0x1;
	s10 =	sld [smem:$0x3FB8];
	_ =	sdelay $0x3  }
0x37: {  	[smem:$0x3FB8] =	sst s10  }
0x38: {  	s10 =	sld [smem:$0x3FB9]  }
0x39: {  	_ = 	snop;
	(pc) =	sbr.ind lr, $3  }
0x3a: {  	_ = 	snop  }
0x3b: {  	_ = 	snop  }
0x3c: {  	p2 =	seq.s32 s10, $0x1;
	s10 =	sld [smem:$0x3FB8]  }
0x3d: {  	_ =	shalt  }
0x3e: {  	_ =	shalt  }
0x3f: {  	_ =	shalt  }
0x40: {  	_ =	shalt  }
0x41: {  	_ =	shalt  }
0x42: {  	_ =	shalt  }
0x43: {  	_ =	shalt  }
0x44: {  	_ =	shalt  }
0x45: {  	_ =	shalt  }
0x46: {  	_ =	shalt  }
0x47: {  	_ =	shalt  }
0x48: {  	_ =	shalt  }
0x49: {  	_ =	shalt  }
0x4a: {  	_ =	shalt  }
0x4b: {  	_ =	shalt  }
0x4c: {  	_ =	shalt  }
0x4d: {  	_ =	shalt  }
0x4e: {  	_ =	shalt  }
0x4f: {  	_ =	shalt  }
0x50: {  	_ =	shalt  }
0x51: {  	_ =	shalt  }
0x52: {  	_ =	shalt  }
0x53: {  	_ =	shalt  }
0x54: {  	_ =	shalt  }
0x55: {  	_ =	shalt  }
0x56: {  	_ =	shalt  }
0x57: {  	_ =	shalt  }
0x58: {  	_ =	shalt  }
0x59: {  	_ =	shalt  }
0x5a: {  	_ =	shalt  }
0x5b: {  	_ =	shalt  }
0x5c: {  	_ =	shalt  }
0x5d: {  	_ =	shalt  }
0x5e: {  	_ =	shalt  }
0x5f: {  	_ =	shalt  }
0x60: {  	_ =	shalt  }
0x61: {  	_ =	shalt  }
0x62: {  	_ =	shalt  }
0x63: {  	_ =	shalt  }
0x64: {  	_ =	shalt  }
0x65: {  	_ =	shalt  }
0x66: {  	_ =	shalt  }
0x67: {  	_ =	shalt  }
0x68: {  	_ =	shalt  }
0x69: {  	_ =	shalt  }
0x6a: {  	_ =	shalt  }
0x6b: {  	_ =	shalt  }
0x6c: {  	_ =	shalt  }
0x6d: {  	_ =	shalt  }
0x6e: {  	_ =	shalt  }
0x6f: {  	_ =	shalt  }
0x70: {  	_ =	shalt  }
0x71: {  	_ =	shalt  }
0x72: {  	_ =	shalt  }
0x73: {  	_ =	shalt  }
0x74: {  	_ =	shalt  }
0x75: {  	_ =	shalt  }
0x76: {  	_ =	shalt  }
0x77: {  	_ =	shalt  }
0x78: {  	_ =	shalt  }
0x79: {  	_ =	shalt  }
0x7a: {  	_ =	shalt  }
0x7b: {  	_ =	shalt  }
0x7c: {  	_ =	shalt  }
0x7d: {  	_ =	shalt  }
0x7e: {  	_ =	shalt  }
0x7f: {  	_ =	shalt  }
0x80: {  	_ =	shalt  }
0x81: {  	_ =	shalt  }
0x82: {  	_ =	shalt  }
0x83: {  	_ =	shalt  }
0x84: {  	_ =	shalt  }
0x85: {  	_ =	shalt  }
0x86: {  	_ =	shalt  }
0x87: {  	_ =	shalt  }
.Lfunc_end0:
.L_simem_size_0:
called_computation_lowered:
.L_overlay_start_0:
0x88: {  	s2 =	sld [smem:$0x3FD9]  }
0x89: {  	s3 =	sld [smem:$0x3FFE];
	_ =	sdelay $0x1  }
0x8a: {  	s1 =	srdreg.scid  }
0x8b: {  	s0 =	sand.u32 $0x1, s1  }
0x8c: {  	s17 =	sshll.u32 s0, $0xA;
	s2 =	sadd.s32 s3, s2  }
0x8d: {  	s2 =	sadd.s32 s2, s17  }
0x8e: {  	[smem:$0x3FC4] =	sst s2  }
0x8f: {  	_ = 	snop  }
0x90: {  	s2 =	sld [smem:$0x3FC9]  }
0x91: {  	s18 =	sld [smem:$0x3FC8];
	(tm) =	ssettm $0x1  }
0x92: {  	s4 =	sld [smem:$0x3FFB];
	_ =	sdelay $0x3  }
0x93: {  	_ =	strace s4  }
0x94: {  	s4 =	sld [smem:$0x3FFC];
	_ =	sdelay $0x3  }
0x95: {  	_ =	strace s4  }
0x96: {  	s4 =	sld [smem:$0x3FFD];
	_ =	sdelay $0x3  }
0x97: {  	_ =	strace s4  }
0x98: {  	_ =	strace $0x8FFFFFFF  }
0x99: {  	s19 =	sld [smem:$0x3FDB];
	_ =	sdelay $0x1  }
0x9a: {  	s5 =	simm.s32 $_scs_section_size  }
0x9b: {  	s6 =	simm.s32 $_size__tile_overlayer_lowered;
	s7 =	simm.s32 $_tile_overlayer_lowered  }
0x9c: {  	s22 =	simm.s32 $0x1BFF;
	s21 =	sshll.u32 s7, $0x1;
	s4 =	sadd.s32 s5, s19  }
0x9d: {  	s8 =	simm.s32 $0x0;
	s20 =	sshll.u32 s6, $0x1;
	s6 =	sadd.s32 s21, s4  }
0x9e: {  	[timem:s8], [sflag:s22] =	dma.local [hbm:s6], s20  }
0x9f: {  	_ =	swait.ge [sflag:s22], s20  }
0xa0: {  	s5 =	ssub.s32 $0x0, s20;
	[sflag:s22] =	ssyncset.done $0x0  }
0xa1: {  	[sflag:s22] =	ssyncadd.s32 s5;
	_ =	sdelay $0x1  }
0xa2: {  	s23 =	simm.s32 $0x1B8B  }
0xa3: {  	_ =	swait.ge [sflag:s23], $0x1  }
0xa4: {  	[sflag:s23] =	ssyncset.done $0x0  }
0xa5: {  	s25 =	simm.s32 $0x1B8E;
	s24 =	sld [smem:$0x3FFE];
	[sflag:s23] =	ssyncadd.s32 $0xFFFFFFFF  }
0xa6: {  	s26 =	simm.s32 $execute0_lowered;
	[smem:$0x3FD2] =	sst s25  }
0xa7: {  	s6 =	sshll.u32 s26, $0x1;
	_ =	strace $0x80000046;
	[dreg:$0x1] =	wrdreg $0xFFFFFFFF  }
0xa8: {  	s28 =	simm.s32 $_size_execute0_lowered;
	s4 =	sadd.s32 s4, s6;
	[dreg:$0x0] =	wrdreg $0x0  }
0xa9: {  	s6 =	sshll.u32 s28, $0x1;
	[dreg:$0x2] =	wrdreg s4  }
0xaa: {  	[dreg:$0x3] =	wrdreg s6  }
0xab: {  	[dreg:$0x4] =	wrdreg $0xC0  }
0xac: {  	_ =	task [dreg:s8], $0x5FFFF  }
0xad: {  	[dreg:$0x1] =	wrdreg $0xFFFFFFFF  }
0xae: {  	[dreg:$0x0] =	wrdreg $0x60  }
0xaf: {  	[dreg:$0x2] =	wrdreg s2  }
0xb0: {  	[dreg:$0x3] =	wrdreg s18  }
0xb1: {  	[dreg:$0x4] =	wrdreg s24  }
0xb2: {  	[dreg:$0x5] =	wrdreg $0x9  }
0xb3: {  	_ =	task.clear_ibuf [dreg:s8], $0x6FFFF;
	_ =	strace $0x90000046  }
0xb4: {  	s29 =	simm.s32 $0x9;
	_ =	strace $0x80000048  }
0xb5: {  	_ =	swait.ge [sflag:s29], $0x1  }
0xb6: {  	[sflag:s29] =	ssyncadd.s32 $0xFFFFFFFF  }
0xb7: {  	_ =	strace $0x90000048  }
0xb8: {  	_ =	sfence  }
0xb9: {  	s30 =	sld [smem:$0x0];
	_ =	sdelay $0x2  }
0xba: {  	s31 =	sshll.u32 s1, $0xD;
	s1 =	sshrl.u32 s1, $0x2  }
0xbb: {  	s3 =	sand.u32 $0x4000, s31;
	s1 =	sadd.s32 s1, s30  }
0xbc: {  	s0 =	sor.u32 s3, s0;
	s1 =	sshll.u32 s1, $0x11  }
0xbd: {  	s0 =	sor.u32 s1, s0  }
0xbe: {  	s0 =	sadd.s32 $0x8F2B, s0  }
0xbf: {  	[sflag:s0] =	ssyncadd.remote.s32 $0x1  }
0xc0: {  	_ =	sfence.sel $0xFFFF  }
0xc1: {  	[dreg:$0x0] =	wrdreg $0xFFFFFFFF;
	(pc) =	sbr.abs _section_cstart, $3  }
0xc2: {  	[dreg:$0x1] =	wrdreg $0xFFFFFFFF  }
0xc3: {  	_ =	task.clear_ibuf [dreg:s8], $0x2FFFF;
	_ =	strace $0x9FFFFFFF  }
0xc4: {  	(tm) =	ssettm $0x7FFFFFFF  }
0xc5: {  	_ =	shalt  }
tec
execute0_lowered:
.L_overlay_start_1:
0x0: {  	(tag) =	ssettag $0x1  }
0x1: {  	s0 =	rddreg [dreg:$0x0]  }
0x2: {  	s1 =	rddreg [dreg:$0x1]  }
0x3: {  	s5 =	rddreg [dreg:$0x2];
	s3 =	srdreg.scid  }
0x4: {  	s2 =	simm.s32 $0x0;
	s6 =	stileid.u32;
	s4 =	sand.u32 $0x1, s3  }
0x5: {  	[smem:$0x7FF] =	sst s2;
	s6 =	sshll.u32 s6, $0xA;
	s7 =	sshll.u32 s4, $0x9  }
0x6: {  	s3 =	sadd.s32 $0x400, s5;
	_ =	strace $0x80000047;
	s6 =	sor.u32 s7, s6  }
0x7: {  	s24 =	ssub.s32 $0x2, s4;
	s8 =	sshll.u32 s6, $0x4;
	s6 =	sshrl.u32 s6, $0x3  }
0x8: {  	s4 =	sadd.s32 $0xF42800, s5;
	s9 =	sshrl.u32 s24, $0x1;
	s0 =	sadd.s32 s0, s6  }
0x9: {  	s7 =	ssub.s32 s24, s9;
	s28 =	sadd.s32 s1, s6;
	[smem:$0x7F7] =	sst s0  }
0xa: {  	s5 =	sadd.s32 s8, s5;
	s31 =	smax.u32 s7, $0x1;
	[smem:$0x7FA] =	sst s28  }
0xb: {  	s25 =	sadd.s32 $0x1E84C00, s5;
	[smem:$0x7FD] =	sst s31  }
0xc: {  	s26 =	sadd.s32 $0x1E85400, s5;
	[smem:$0x7F8] =	sst s25  }
0xd: {  	s29 =	sadd.s32 $0x1E85C00, s5;
	[smem:$0x7F9] =	sst s26  }
0xe: {  	s30 =	sadd.s32 $0x1E86400, s5;
	[smem:$0x7FB] =	sst s29  }
0xf: {  	s6 =	simm.s32 $0x3;
	s1 =	simm.s32 $0x0;
	[smem:$0x7FC] =	sst s30  }
.LBB2_1:
0x10: {  	s0 =	sld [smem:$0x7F7];
	_ =	sdelay $0x1  }
0x11: {  	[smem:$0x7F6] =	sst s1  }
0x12: {  	[tilespmem:s2], [sflag:$0x3] =	stream.linear.gather [hbm4b:s0+s2], $0x200, $0x38;
	[tilespmem:$0x14400] =	vst v63  }
0x13: {  	_ =	swait.ge [sflag:s6], $0x200  }
0x14: {  	s18 =	sld [smem:$0x7FA]  }
0x15: {  	[sflag:s6] =	ssyncset.done $0x0  }
0x16: {  	s17 =	simm.s32 $0x200;
	[sflag:s6] =	ssyncadd.s32 $0xFFFFFE00  }
0x17: {  	[tilespmem:s17], [sflag:$0x3] =	stream.linear.gather [hbm4b:s18+s2], $0x200, $0x38;
	[tilespmem:$0x14400] =	vst v63  }
0x18: {  	_ =	swait.ge [sflag:s6], $0x200  }
0x19: {  	[sflag:s6] =	ssyncset.done $0x0  }
0x1a: {  	[sflag:s6] =	ssyncadd.s32 $0xFFFFFE00  }
0x1b: {  	v0 =	vld [tilespmem:s2+$0x0];
	_ =	sdelay $0x1  }
0x1c: {  	v1 =	vld [tilespmem:s17+$0x0];
	_ =	sdelay $0x2  }
0x1d: {  	v0 =	vshll.u32 v0, $0x4  }
0x1e: {  	(v2sf) =	vpush v0, $0x0  }
0x1f: {  	v1 =	vshll.u32 v1, $0x4  }
0x20: {  	(v2sf) =	vpush v1, $0x0  }
0x21: {  	(v2sf) =	vpush v0, $0x1;
	_ =	sdelay $0x1  }
0x22: {  	(v2sf) =	vpush v1, $0x1  }
0x23: {  	(v2sf) =	vpush v0, $0x2;
	_ =	sdelay $0x1  }
0x24: {  	(v2sf) =	vpush v1, $0x2;
	_ =	sdelay $0x1  }
0x25: {  	(v2sf) =	vpush v0, $0x3  }
0x26: {  	s5 =	simm.s32 $0x4400;
	s1 =	simm.s32 $0x880  }
0x27: {  	s7 =	simm.s32 $0x400;
	s8 =	simm.s32 $0x600;
	s10 =	simm.s32 $0x580  }
0x28: {  	s11 =	simm.s32 $0x4580;
	s13 =	simm.s32 $0x4A00;
	s22 =	simm.s32 $0x480  }
0x29: {  	s25 =	simm.s32 $0x4480;
	s29 =	simm.s32 $0x500;
	s15 =	simm.s32 $0x4600  }
0x2a: {  	s28 =	simm.s32 $0xB00;
	s0 =	simm.s32 $0x4900;
	s9 =	spop (v2sf)  }
0x2b: {  	s18 =	simm.s32 $0x2000;
	s6 =	simm.s32 $0x680;
	(v2sf) =	vpush v1, $0x3;
	s9 =	sand.u32 $0x1FFFFFF0, s9  }
0x2c: {  	s17 =	simm.s32 $0x0;
	s12 =	spop (v2sf);
	s9 =	sadd.s32 s3, s9  }
0x2d: {  	(v2sf) =	vpush v0, $0x4;
	s19 =	sand.u32 $0x1FFFFFF0, s12;
	s20 =	spop (v2sf);
	s12 =	simm.s32 $0xA80  }
0x2e: {  	(v2sf) =	vpush v1, $0x4;
	[tilespmem:s7], [sflag:$0x1] =	stream.linear.gather [hbm4b:s9+s2], $0x80, $0x38;
	[tilespmem:$0x14400] =	vst v63  }
0x2f: {  	s7 =	sadd.s32 s4, s19;
	s9 =	sand.u32 $0x1FFFFFF0, s20;
	s21 =	spop (v2sf)  }
0x30: {  	(v2sf) =	vpush v0, $0x5;
	s23 =	sadd.s32 s3, s9;
	s24 =	sand.u32 $0x1FFFFFF0, s21;
	s26 =	spop (v2sf)  }
0x31: {  	(v2sf) =	vpush v1, $0x5;
	[tilespmem:s5], [sflag:$0x1] =	stream.linear.gather [hbm4b:s7+s2], $0x80, $0x38;
	[tilespmem:$0x14400] =	vst v63  }
0x32: {  	s21 =	simm.s32 $0x4680;
	s9 =	sadd.s32 s4, s24;
	s30 =	spop (v2sf)  }
0x33: {  	(v2sf) =	vpush v0, $0x6;
	[tilespmem:s22], [sflag:$0x1] =	stream.linear.gather [hbm4b:s23+s2], $0x80, $0x38;
	[tilespmem:$0x14400] =	vst v63  }
0x34: {  	s7 =	sand.u32 $0x1FFFFFF0, s26;
	s5 =	simm.s32 $0x4980;
	s31 =	spop (v2sf)  }
0x35: {  	[tilespmem:s25], [sflag:$0x1] =	stream.linear.gather [hbm4b:s9+s2], $0x80, $0x38;
	[tilespmem:$0x14400] =	vst v63  }
0x36: {  	s7 =	sadd.s32 s3, s7;
	s14 =	sand.u32 $0x1FFFFFF0, s31;
	s9 =	sand.u32 $0x1FFFFFF0, s30  }
0x37: {  	(v2sf) =	vpush v1, $0x6;
	[tilespmem:s29], [sflag:$0x1] =	stream.linear.gather [hbm4b:s7+s2], $0x80, $0x38;
	[tilespmem:$0x14400] =	vst v63  }
0x38: {  	s22 =	simm.s32 $0x700;
	s9 =	sadd.s32 s4, s9;
	s7 =	simm.s32 $0x4500  }
0x39: {  	[tilespmem:s7], [sflag:$0x1] =	stream.linear.gather [hbm4b:s9+s2], $0x80, $0x38;
	[tilespmem:$0x14400] =	vst v63  }
0x3a: {  	s30 =	simm.s32 $0x4700;
	s9 =	sadd.s32 s3, s14;
	s16 =	spop (v2sf)  }
0x3b: {  	(v2sf) =	vpush v0, $0x7;
	[tilespmem:s10], [sflag:$0x1] =	stream.linear.gather [hbm4b:s9+s2], $0x80, $0x38;
	[tilespmem:$0x14400] =	vst v63  }
0x3c: {  	s14 =	simm.s32 $0x4A80;
	s7 =	sand.u32 $0x1FFFFFF0, s16;
	s19 =	spop (v2sf)  }
0x3d: {  	(v2sf) =	vpush v1, $0x7;
	s7 =	sadd.s32 s4, s7;
	s9 =	sand.u32 $0x1FFFFFF0, s19;
	s20 =	spop (v2sf)  }
0x3e: {  	(v2sf) =	vpush v0, $0x8;
	[tilespmem:s11], [sflag:$0x1] =	stream.linear.gather [hbm4b:s7+s2], $0x80, $0x38;
	[tilespmem:$0x14400] =	vst v63  }
0x3f: {  	s9 =	sadd.s32 s3, s9;
	s10 =	sand.u32 $0x1FFFFFF0, s20;
	s23 =	spop (v2sf)  }
0x40: {  	(v2sf) =	vpush v1, $0x8;
	s20 =	simm.s32 $0x4780;
	s10 =	sadd.s32 s4, s10;
	s24 =	spop (v2sf)  }
0x41: {  	[tilespmem:s8], [sflag:$0x1] =	stream.linear.gather [hbm4b:s9+s2], $0x80, $0x38;
	[tilespmem:$0x14400] =	vst v63  }
0x42: {  	(v2sf) =	vpush v0, $0x9;
	s9 =	sand.u32 $0x1FFFFFF0, s23;
	s25 =	spop (v2sf);
	s8 =	simm.s32 $0x4880  }
0x43: {  	(v2sf) =	vpush v1, $0x9;
	[tilespmem:s15], [sflag:$0x1] =	stream.linear.gather [hbm4b:s10+s2], $0x80, $0x38;
	[tilespmem:$0x14400] =	vst v63  }
0x44: {  	s9 =	sadd.s32 s3, s9;
	s29 =	sand.u32 $0x1FFFFFF0, s25;
	s10 =	sand.u32 $0x1FFFFFF0, s24  }
0x45: {  	(v2sf) =	vpush v0, $0xA;
	[tilespmem:s6], [sflag:$0x1] =	stream.linear.gather [hbm4b:s9+s2], $0x80, $0x38;
	[tilespmem:$0x14400] =	vst v63  }
0x46: {  	s31 =	spop (v2sf);
	s25 =	simm.s32 $0x4800;
	s26 =	sadd.s32 s4, s10  }
0x47: {  	(v2sf) =	vpush v1, $0xA;
	[tilespmem:s21], [sflag:$0x1] =	stream.linear.gather [hbm4b:s26+s2], $0x80, $0x38;
	[tilespmem:$0x14400] =	vst v63  }
0x48: {  	s7 =	sand.u32 $0x1FFFFFF0, s31;
	s15 =	simm.s32 $0x780;
	s9 =	sadd.s32 s3, s29  }
0x49: {  	[tilespmem:s22], [sflag:$0x1] =	stream.linear.gather [hbm4b:s9+s2], $0x80, $0x38;
	[tilespmem:$0x14400] =	vst v63  }
0x4a: {  	s7 =	sadd.s32 s4, s7;
	s22 =	simm.s32 $0x800;
	s10 =	spop (v2sf)  }
0x4b: {  	(v2sf) =	vpush v0, $0xB;
	[tilespmem:s30], [sflag:$0x1] =	stream.linear.gather [hbm4b:s7+s2], $0x80, $0x38;
	[tilespmem:$0x14400] =	vst v63  }
0x4c: {  	s30 =	simm.s32 $0x900;
	s9 =	sand.u32 $0x1FFFFFF0, s10;
	s11 =	spop (v2sf)  }
0x4d: {  	(v2sf) =	vpush v1, $0xB;
	s16 =	sadd.s32 s3, s9;
	s19 =	sand.u32 $0x1FFFFFF0, s11;
	s21 =	spop (v2sf)  }
0x4e: {  	[tilespmem:s15], [sflag:$0x1] =	stream.linear.gather [hbm4b:s16+s2], $0x80, $0x38;
	[tilespmem:$0x14400] =	vst v63  }
0x4f: {  	s9 =	sadd.s32 s4, s19;
	s7 =	sand.u32 $0x1FFFFFF0, s21;
	s23 =	spop (v2sf)  }
0x50: {  	(v2sf) =	vpush v0, $0xC;
	[tilespmem:s20], [sflag:$0x1] =	stream.linear.gather [hbm4b:s9+s2], $0x80, $0x38;
	[tilespmem:$0x14400] =	vst v63  }
0x51: {  	s7 =	sadd.s32 s3, s7;
	s24 =	spop (v2sf);
	s9 =	sand.u32 $0x1FFFFFF0, s23  }
0x52: {  	(v2sf) =	vpush v1, $0xC;
	s29 =	sand.u32 $0x1FFFFFF0, s24;
	s31 =	spop (v2sf);
	s24 =	simm.s32 $0x980  }
0x53: {  	[tilespmem:s22], [sflag:$0x1] =	stream.linear.gather [hbm4b:s7+s2], $0x80, $0x38;
	[tilespmem:$0x14400] =	vst v63  }
0x54: {  	s26 =	sadd.s32 s4, s9;
	s9 =	sadd.s32 s3, s29;
	s11 =	spop (v2sf)  }
0x55: {  	[tilespmem:s25], [sflag:$0x1] =	stream.linear.gather [hbm4b:s26+s2], $0x80, $0x38;
	[tilespmem:$0x14400] =	vst v63  }
0x56: {  	s10 =	sand.u32 $0x1FFFFFF0, s31;
	s7 =	sand.u32 $0x1FFFFFF0, s11;
	s15 =	spop (v2sf)  }
0x57: {  	[tilespmem:s1], [sflag:$0x1] =	stream.linear.gather [hbm4b:s9+s2], $0x80, $0x38;
	[tilespmem:$0x14400] =	vst v63  }
0x58: {  	s16 =	sadd.s32 s3, s7;
	s19 =	sand.u32 $0x1FFFFFF0, s15;
	s1 =	sadd.s32 s4, s10  }
0x59: {  	[tilespmem:s8], [sflag:$0x1] =	stream.linear.gather [hbm4b:s1+s2], $0x80, $0x38;
	[tilespmem:$0x14400] =	vst v63  }
0x5a: {  	s26 =	simm.s32 $0xA00;
	s21 =	sadd.s32 s4, s19;
	s20 =	spop (v2sf)  }
0x5b: {  	[tilespmem:s30], [sflag:$0x1] =	stream.linear.gather [hbm4b:s16+s2], $0x80, $0x38;
	[tilespmem:$0x14400] =	vst v63  }
0x5c: {  	s8 =	simm.s32 $0x4B00;
	s22 =	sand.u32 $0x1FFFFFF0, s20;
	s23 =	spop (v2sf)  }
0x5d: {  	(v2sf) =	vpush v0, $0xD;
	[tilespmem:s0], [sflag:$0x1] =	stream.linear.gather [hbm4b:s21+s2], $0x80, $0x38;
	[tilespmem:$0x14400] =	vst v63  }
0x5e: {  	(v2sf) =	vpush v1, $0xD;
	s25 =	sadd.s32 s3, s22;
	s29 =	sand.u32 $0x1FFFFFF0, s23;
	s23 =	simm.s32 $0x10  }
0x5f: {  	(v2sf) =	vpush v0, $0xE;
	s22 =	simm.s32 $0x0;
	s30 =	sadd.s32 s4, s29;
	s31 =	spop (v2sf)  }
0x60: {  	(v2sf) =	vpush v1, $0xE;
	[tilespmem:s24], [sflag:$0x1] =	stream.linear.gather [hbm4b:s25+s2], $0x80, $0x38;
	[tilespmem:$0x14400] =	vst v63  }
0x61: {  	s24 =	simm.s32 $0x210;
	(v2sf) =	vpush v0, $0xF;
	s0 =	sand.u32 $0x1FFFFFF0, s31;
	s1 =	spop (v2sf)  }
0x62: {  	(v2sf) =	vpush v1, $0xF;
	[tilespmem:s5], [sflag:$0x1] =	stream.linear.gather [hbm4b:s30+s2], $0x80, $0x38;
	[tilespmem:$0x14400] =	vst v63  }
.LBB2_2:
0x63: {  	_ =	sdelay $0x4  }
0x64: {  	s0 =	sadd.s32 s3, s0;
	s1 =	sand.u32 $0x1FFFFFF0, s1  }
0x65: {  	[tilespmem:s26], [sflag:$0x1] =	stream.linear.gather [hbm4b:s0+s22], $0x80, $0x38;
	[tilespmem:$0x14400] =	vst v63  }
0x66: {  	s21 =	sadd.s32 s4, s1  }
0x67: {  	[tilespmem:s13], [sflag:$0x1] =	stream.linear.gather [hbm4b:s21+s22], $0x80, $0x38;
	[tilespmem:$0x14400] =	vst v63  }
0x68: {  	s5 =	spop (v2sf)  }
0x69: {  	s25 =	sand.u32 $0x1FFFFFF0, s5;
	s26 =	spop (v2sf)  }
0x6a: {  	s29 =	sadd.s32 s3, s25;
	s30 =	sand.u32 $0x1FFFFFF0, s26;
	s31 =	spop (v2sf)  }
0x6b: {  	[tilespmem:s12], [sflag:$0x1] =	stream.linear.gather [hbm4b:s29+s22], $0x80, $0x38;
	[tilespmem:$0x14400] =	vst v63  }
0x6c: {  	s6 =	sadd.s32 s4, s30;
	s7 =	sand.u32 $0x1FFFFFF0, s31;
	s9 =	spop (v2sf)  }
0x6d: {  	[tilespmem:s14], [sflag:$0x1] =	stream.linear.gather [hbm4b:s6+s22], $0x80, $0x38;
	[tilespmem:$0x14400] =	vst v63  }
0x6e: {  	s10 =	sadd.s32 s3, s7;
	s11 =	sand.u32 $0x1FFFFFF0, s9;
	s12 =	spop (v2sf)  }
0x6f: {  	[tilespmem:s28], [sflag:$0x1] =	stream.linear.gather [hbm4b:s10+s22], $0x80, $0x38;
	[tilespmem:$0x14400] =	vst v63  }
0x70: {  	s13 =	sadd.s32 s4, s11;
	s14 =	sand.u32 $0x1FFFFFF0, s12;
	s15 =	spop (v2sf)  }
0x71: {  	[tilespmem:s8], [sflag:$0x1] =	stream.linear.gather [hbm4b:s13+s22], $0x80, $0x38;
	[tilespmem:$0x14400] =	vst v63  }
0x72: {  	s16 =	sadd.s32 $0xB80, s17;
	s1 =	sadd.s32 s3, s14;
	s5 =	sand.u32 $0x1FFFFFF0, s15  }
0x73: {  	[tilespmem:s16], [sflag:$0x1] =	stream.linear.gather [hbm4b:s1+s22], $0x80, $0x38;
	[tilespmem:$0x14400] =	vst v63  }
0x74: {  	s17 =	sadd.s32 $0x4B80, s17;
	s19 =	sadd.s32 s4, s5  }
0x75: {  	[tilespmem:s17], [sflag:$0x1] =	stream.linear.gather [hbm4b:s19+s22], $0x80, $0x38;
	[tilespmem:$0x14400] =	vst v63  }
0x76: {  	v0 =	vld [tilespmem:s23+$0x0]  }
0x77: {  	v2 =	vld [tilespmem:s24+$0x0];
	_ =	sdelay $0x3  }
0x78: {  	v1 =	vshll.u32 v0, $0x4  }
0x79: {  	p0 =	sne.s32 s18, $0xE000;
	s20 =	smov.u32 s18;
	v63 =	vshll.u32 v2, $0x4;
	(v2sf) =	vpush v1, $0x0  }
0x7a: {  	s18 =	sadd.s32 $0x2000, s18;
	s17 =	sshra.s32 s20, $0x2;
	s22 =	simm.s32 $0x0;
	(v2sf) =	vpush v63, $0x0  }
0x7b: {  	s31 =	sadd.s32 $0x4400, s17;
	s0 =	sadd.s32 $0x680, s17;
	s21 =	sadd.s32 $0x880, s17;
	(v2sf) =	vpush v1, $0x1  }
0x7c: {  	s20 =	sadd.s32 $0x400, s17;
	s15 =	sadd.s32 $0x600, s17;
	s25 =	sadd.s32 $0x4900, s17  }
0x7d: {  	s19 =	sadd.s32 $0x580, s17;
	s1 =	sadd.s32 $0x4580, s17;
	s10 =	sadd.s32 $0x4A00, s17;
	(v2sf) =	vpush v63, $0x1  }
0x7e: {  	s30 =	sadd.s32 $0x500, s17;
	s16 =	sadd.s32 $0x4600, s17;
	s12 =	sadd.s32 $0xA80, s17  }
0x7f: {  	s29 =	sadd.s32 $0x4500, s17;
	s13 =	sadd.s32 $0x4680, s17;
	[smem:$0x7F3] =	sst s0;
	(v2sf) =	vpush v1, $0x2  }
0x80: {  	s9 =	sadd.s32 $0x700, s17;
	s26 =	sadd.s32 $0x4980, s17;
	[dreg:$0xc] =	wrdreg s21  }
0x81: {  	s14 =	sadd.s32 $0x4A80, s17;
	s11 =	sadd.s32 $0x4700, s17;
	[dreg:$0x4] =	wrdreg s25;
	(v2sf) =	vpush v63, $0x2  }
0x82: {  	s6 =	sadd.s32 $0x4880, s17;
	s7 =	sadd.s32 $0x900, s17;
	[dreg:$0x8] =	wrdreg s26  }
0x83: {  	s8 =	sadd.s32 $0x780, s17;
	s23 =	sadd.s32 $0x10, s23;
	[dreg:$0x14] =	wrdreg s6;
	(v2sf) =	vpush v1, $0x3  }
0x84: {  	s24 =	sadd.s32 $0x10, s24;
	s28 =	sadd.s32 $0xB00, s17;
	[dreg:$0x10] =	wrdreg s7  }
0x85: {  	s5 =	sadd.s32 $0x980, s17;
	s0 =	sadd.s32 $0x4480, s17;
	[smem:$0x7F4] =	sst s8;
	(v2sf) =	vpush v63, $0x3  }
0x86: {  	s21 =	sadd.s32 $0x4800, s17;
	s26 =	sadd.s32 $0xA00, s17;
	s25 =	sadd.s32 $0x4780, s17  }
0x87: {  	s6 =	sadd.s32 $0x800, s17;
	s8 =	sadd.s32 $0x4B00, s17;
	[dreg:$0x18] =	wrdreg s21;
	(v2sf) =	vpush v1, $0x4  }
0x88: {  	s21 =	sadd.s32 $0x480, s17;
	[smem:$0x7F5] =	sst s25;
	s7 =	spop (v2sf)  }
0x89: {  	[dreg:$0x1f] =	wrdreg s6;
	s25 =	sand.u32 $0x1FFFFFF0, s7;
	s6 =	spop (v2sf);
	(v2sf) =	vpush v63, $0x4  }
0x8a: {  	s25 =	sadd.s32 s3, s25;
	s6 =	sand.u32 $0x1FFFFFF0, s6;
	s7 =	spop (v2sf)  }
0x8b: {  	(v2sf) =	vpush v1, $0x5;
	[tilespmem:s20], [sflag:$0x1] =	stream.linear.gather [hbm4b:s25+s22], $0x80, $0x38;
	[tilespmem:$0x14400] =	vst v63  }
0x8c: {  	s6 =	sadd.s32 s4, s6;
	s7 =	sand.u32 $0x1FFFFFF0, s7;
	s25 =	spop (v2sf)  }
0x8d: {  	(v2sf) =	vpush v63, $0x5;
	[tilespmem:s31], [sflag:$0x1] =	stream.linear.gather [hbm4b:s6+s22], $0x80, $0x38;
	[tilespmem:$0x14400] =	vst v63  }
0x8e: {  	s7 =	sadd.s32 s3, s7;
	s25 =	sand.u32 $0x1FFFFFF0, s25;
	s31 =	spop (v2sf)  }
0x8f: {  	(v2sf) =	vpush v1, $0x6;
	[tilespmem:s21], [sflag:$0x1] =	stream.linear.gather [hbm4b:s7+s22], $0x80, $0x38;
	[tilespmem:$0x14400] =	vst v63  }
0x90: {  	s21 =	sadd.s32 s4, s25;
	s25 =	sand.u32 $0x1FFFFFF0, s31;
	s31 =	spop (v2sf)  }
0x91: {  	[tilespmem:s0], [sflag:$0x1] =	stream.linear.gather [hbm4b:s21+s22], $0x80, $0x38;
	[tilespmem:$0x14400] =	vst v63  }
0x92: {  	(v2sf) =	vpush v63, $0x6;
	s21 =	sadd.s32 s3, s25;
	s25 =	sand.u32 $0x1FFFFFF0, s31;
	s31 =	spop (v2sf)  }
0x93: {  	[tilespmem:s30], [sflag:$0x1] =	stream.linear.gather [hbm4b:s21+s22], $0x80, $0x38;
	[tilespmem:$0x14400] =	vst v63  }
0x94: {  	(v2sf) =	vpush v1, $0x7;
	s20 =	sadd.s32 s4, s25;
	s25 =	spop (v2sf);
	s21 =	sand.u32 $0x1FFFFFF0, s31  }
0x95: {  	[tilespmem:s29], [sflag:$0x1] =	stream.linear.gather [hbm4b:s20+s22], $0x80, $0x38;
	[tilespmem:$0x14400] =	vst v63  }
0x96: {  	(v2sf) =	vpush v63, $0x7;
	s30 =	sand.u32 $0x1FFFFFF0, s25;
	s31 =	spop (v2sf);
	s29 =	sadd.s32 s3, s21  }
0x97: {  	[tilespmem:s19], [sflag:$0x1] =	stream.linear.gather [hbm4b:s29+s22], $0x80, $0x38;
	[tilespmem:$0x14400] =	vst v63  }
0x98: {  	(v2sf) =	vpush v1, $0x8;
	s6 =	sadd.s32 s4, s30;
	s19 =	sand.u32 $0x1FFFFFF0, s31;
	s20 =	spop (v2sf)  }
0x99: {  	[tilespmem:s1], [sflag:$0x1] =	stream.linear.gather [hbm4b:s6+s22], $0x80, $0x38;
	[tilespmem:$0x14400] =	vst v63  }
0x9a: {  	s21 =	sadd.s32 s3, s19;
	s25 =	sand.u32 $0x1FFFFFF0, s20;
	s29 =	spop (v2sf)  }
0x9b: {  	(v2sf) =	vpush v63, $0x8;
	[tilespmem:s15], [sflag:$0x1] =	stream.linear.gather [hbm4b:s21+s22], $0x80, $0x38;
	[tilespmem:$0x14400] =	vst v63  }
0x9c: {  	s19 =	sld [smem:$0x7F3];
	(v2sf) =	vpush v1, $0x9;
	s30 =	sadd.s32 s4, s25;
	s1 =	spop (v2sf)  }
0x9d: {  	[tilespmem:s16], [sflag:$0x1] =	stream.linear.gather [hbm4b:s30+s22], $0x80, $0x38;
	[tilespmem:$0x14400] =	vst v63  }
0x9e: {  	s31 =	sand.u32 $0x1FFFFFF0, s29;
	(v2sf) =	vpush v63, $0x9;
	s15 =	sand.u32 $0x1FFFFFF0, s1;
	s16 =	spop (v2sf)  }
0x9f: {  	s6 =	sadd.s32 s3, s31;
	s20 =	sadd.s32 s4, s15;
	s21 =	sand.u32 $0x1FFFFFF0, s16  }
0xa0: {  	[tilespmem:s19], [sflag:$0x1] =	stream.linear.gather [hbm4b:s6+s22], $0x80, $0x38;
	[tilespmem:$0x14400] =	vst v63  }
0xa1: {  	s15 =	sld [smem:$0x7F4];
	s25 =	spop (v2sf);
	s29 =	sadd.s32 s3, s21  }
0xa2: {  	(v2sf) =	vpush v1, $0xA;
	[tilespmem:s13], [sflag:$0x1] =	stream.linear.gather [hbm4b:s20+s22], $0x80, $0x38;
	[tilespmem:$0x14400] =	vst v63  }
0xa3: {  	s30 =	sand.u32 $0x1FFFFFF0, s25;
	s21 =	sld [smem:$0x7F5];
	s31 =	spop (v2sf)  }
0xa4: {  	(v2sf) =	vpush v63, $0xA;
	[tilespmem:s9], [sflag:$0x1] =	stream.linear.gather [hbm4b:s29+s22], $0x80, $0x38;
	[tilespmem:$0x14400] =	vst v63  }
0xa5: {  	s1 =	sadd.s32 s4, s30;
	s13 =	smov.u32 s10;
	s7 =	spop (v2sf)  }
0xa6: {  	(v2sf) =	vpush v1, $0xB;
	[tilespmem:s11], [sflag:$0x1] =	stream.linear.gather [hbm4b:s1+s22], $0x80, $0x38;
	[tilespmem:$0x14400] =	vst v63  }
0xa7: {  	s6 =	sand.u32 $0x1FFFFFF0, s31;
	s31 =	rddreg [dreg:$0x1f];
	s11 =	spop (v2sf)  }
0xa8: {  	s10 =	sand.u32 $0x1FFFFFF0, s7;
	s9 =	sadd.s32 s3, s6;
	s19 =	sand.u32 $0x1FFFFFF0, s11  }
0xa9: {  	[tilespmem:s15], [sflag:$0x1] =	stream.linear.gather [hbm4b:s9+s22], $0x80, $0x38;
	[tilespmem:$0x14400] =	vst v63  }
0xaa: {  	(v2sf) =	vpush v63, $0xB;
	s16 =	sadd.s32 s4, s10;
	s20 =	spop (v2sf);
	s25 =	sadd.s32 s3, s19  }
0xab: {  	(v2sf) =	vpush v1, $0xC;
	s15 =	rddreg [dreg:$0x18];
	s29 =	sand.u32 $0x1FFFFFF0, s20;
	s30 =	spop (v2sf)  }
0xac: {  	[tilespmem:s21], [sflag:$0x1] =	stream.linear.gather [hbm4b:s16+s22], $0x80, $0x38;
	[tilespmem:$0x14400] =	vst v63  }
0xad: {  	(v2sf) =	vpush v63, $0xC;
	s9 =	sadd.s32 s4, s29;
	s10 =	sand.u32 $0x1FFFFFF0, s30;
	s11 =	spop (v2sf)  }
0xae: {  	[tilespmem:s31], [sflag:$0x1] =	stream.linear.gather [hbm4b:s25+s22], $0x80, $0x38;
	[tilespmem:$0x14400] =	vst v63  }
0xaf: {  	s21 =	rddreg [dreg:$0xc];
	s16 =	sadd.s32 s3, s10;
	s19 =	sand.u32 $0x1FFFFFF0, s11  }
0xb0: {  	[tilespmem:s15], [sflag:$0x1] =	stream.linear.gather [hbm4b:s9+s22], $0x80, $0x38;
	[tilespmem:$0x14400] =	vst v63  }
0xb1: {  	s11 =	rddreg [dreg:$0x10];
	s25 =	sadd.s32 s4, s19;
	s20 =	spop (v2sf)  }
0xb2: {  	[tilespmem:s21], [sflag:$0x1] =	stream.linear.gather [hbm4b:s16+s22], $0x80, $0x38;
	[tilespmem:$0x14400] =	vst v63  }
0xb3: {  	s31 =	rddreg [dreg:$0x14];
	s29 =	sand.u32 $0x1FFFFFF0, s20;
	s30 =	spop (v2sf)  }
0xb4: {  	[tilespmem:s31], [sflag:$0x1] =	stream.linear.gather [hbm4b:s25+s22], $0x80, $0x38;
	[tilespmem:$0x14400] =	vst v63  }
0xb5: {  	s7 =	sadd.s32 s3, s29;
	s9 =	sand.u32 $0x1FFFFFF0, s30;
	s10 =	spop (v2sf)  }
0xb6: {  	[tilespmem:s11], [sflag:$0x1] =	stream.linear.gather [hbm4b:s7+s22], $0x80, $0x38;
	[tilespmem:$0x14400] =	vst v63  }
0xb7: {  	s20 =	rddreg [dreg:$0x4];
	s15 =	sadd.s32 s4, s9;
	s16 =	sand.u32 $0x1FFFFFF0, s10  }
0xb8: {  	(v2sf) =	vpush v1, $0xD;
	[tilespmem:s20], [sflag:$0x1] =	stream.linear.gather [hbm4b:s15+s22], $0x80, $0x38;
	[tilespmem:$0x14400] =	vst v63  }
.Ltmp0:
0xb9: {  	(v2sf) =	vpush v63, $0xD;
	s19 =	spop (v2sf);
	s21 =	sadd.s32 s3, s16;
	(pc) =	sbr.rel @p0 .LBB2_2-.Ltmp0, $4  }
0xba: {  	(v2sf) =	vpush v1, $0xE;
	s25 =	sand.u32 $0x1FFFFFF0, s19;
	s31 =	rddreg [dreg:$0x8];
	s29 =	spop (v2sf)  }
0xbb: {  	(v2sf) =	vpush v63, $0xE;
	[tilespmem:s5], [sflag:$0x1] =	stream.linear.gather [hbm4b:s21+s22], $0x80, $0x38;
	[tilespmem:$0x14400] =	vst v63  }
0xbc: {  	(v2sf) =	vpush v1, $0xF;
	s30 =	sadd.s32 s4, s25;
	s0 =	sand.u32 $0x1FFFFFF0, s29;
	s1 =	spop (v2sf)  }
0xbd: {  	(v2sf) =	vpush v63, $0xF;
	[tilespmem:s31], [sflag:$0x1] =	stream.linear.gather [hbm4b:s30+s22], $0x80, $0x38;
	[tilespmem:$0x14400] =	vst v63  }
0xbe: {  	_ =	sdelay $0x4  }
0xbf: {  	s0 =	sadd.s32 s3, s0;
	s1 =	sand.u32 $0x1FFFFFF0, s1  }
0xc0: {  	[tilespmem:s26], [sflag:$0x1] =	stream.linear.gather [hbm4b:s0+s22], $0x80, $0x38;
	[tilespmem:$0x14400] =	vst v63  }
0xc1: {  	s29 =	sadd.s32 s4, s1  }
0xc2: {  	[tilespmem:s13], [sflag:$0x1] =	stream.linear.gather [hbm4b:s29+s22], $0x80, $0x38;
	[tilespmem:$0x14400] =	vst v63  }
0xc3: {  	s5 =	spop (v2sf)  }
0xc4: {  	s30 =	sand.u32 $0x1FFFFFF0, s5;
	s31 =	spop (v2sf)  }
0xc5: {  	s1 =	sadd.s32 s3, s30;
	s6 =	sand.u32 $0x1FFFFFF0, s31;
	s7 =	spop (v2sf)  }
0xc6: {  	[tilespmem:s12], [sflag:$0x1] =	stream.linear.gather [hbm4b:s1+s22], $0x80, $0x38;
	[tilespmem:$0x14400] =	vst v63  }
0xc7: {  	s9 =	sadd.s32 s4, s6;
	s10 =	sand.u32 $0x1FFFFFF0, s7;
	s11 =	spop (v2sf)  }
0xc8: {  	[tilespmem:s14], [sflag:$0x1] =	stream.linear.gather [hbm4b:s9+s22], $0x80, $0x38;
	[tilespmem:$0x14400] =	vst v63  }
0xc9: {  	s12 =	sadd.s32 s3, s10;
	s13 =	sand.u32 $0x1FFFFFF0, s11;
	s14 =	spop (v2sf)  }
0xca: {  	[tilespmem:s28], [sflag:$0x1] =	stream.linear.gather [hbm4b:s12+s22], $0x80, $0x38;
	[tilespmem:$0x14400] =	vst v63  }
0xcb: {  	s15 =	sadd.s32 s4, s13;
	s16 =	sand.u32 $0x1FFFFFF0, s14;
	s18 =	spop (v2sf)  }
0xcc: {  	[tilespmem:s8], [sflag:$0x1] =	stream.linear.gather [hbm4b:s15+s22], $0x80, $0x38;
	[tilespmem:$0x14400] =	vst v63  }
0xcd: {  	s19 =	sadd.s32 $0xB80, s17;
	s1 =	sadd.s32 s3, s16;
	s5 =	sand.u32 $0x1FFFFFF0, s18  }
0xce: {  	[tilespmem:s19], [sflag:$0x1] =	stream.linear.gather [hbm4b:s1+s22], $0x80, $0x38;
	[tilespmem:$0x14400] =	vst v63  }
0xcf: {  	s20 =	sadd.s32 $0x4B80, s17;
	s21 =	sadd.s32 s4, s5  }
0xd0: {  	[tilespmem:s20], [sflag:$0x1] =	stream.linear.gather [hbm4b:s21+s22], $0x80, $0x38;
	[tilespmem:$0x14400] =	vst v63  }
0xd1: {  	s22 =	simm.s32 $0x80  }
0xd2: {  	s23 =	simm.s32 $0x280;
	v0 =	vld [tilespmem:s22+$0x0]  }
0xd3: {  	v2 =	vld [tilespmem:s23+$0x0];
	_ =	sdelay $0x3  }
0xd4: {  	v1 =	vshll.u32 v0, $0x4  }
0xd5: {  	v63 =	vshll.u32 v2, $0x4;
	(v2sf) =	vpush v1, $0x0  }
0xd6: {  	(v2sf) =	vpush v63, $0x0  }
0xd7: {  	(v2sf) =	vpush v1, $0x1;
	_ =	sdelay $0x1  }
0xd8: {  	(v2sf) =	vpush v63, $0x1;
	_ =	sdelay $0x3  }
0xd9: {  	(v2sf) =	vpush v1, $0x2;
	_ =	sdelay $0x1  }
0xda: {  	(v2sf) =	vpush v63, $0x2  }
0xdb: {  	s17 =	simm.s32 $0x0;
	(v2sf) =	vpush v1, $0x3  }
0xdc: {  	s0 =	simm.s32 $0xC900;
	s29 =	simm.s32 $0x8480;
	s6 =	simm.s32 $0xC400  }
0xdd: {  	s7 =	simm.s32 $0x8400;
	s10 =	simm.s32 $0x8580;
	s9 =	simm.s32 $0x8600;
	(v2sf) =	vpush v63, $0x3  }
0xde: {  	s13 =	simm.s32 $0x8500;
	s18 =	simm.s32 $0x2000;
	s16 =	simm.s32 $0xC500  }
0xdf: {  	s5 =	simm.s32 $0x8680;
	s1 =	simm.s32 $0x8880;
	s24 =	spop (v2sf)  }
0xe0: {  	s23 =	simm.s32 $0xC600;
	s8 =	sand.u32 $0x1FFFFFF0, s24;
	s11 =	spop (v2sf)  }
0xe1: {  	(v2sf) =	vpush v1, $0x4;
	s8 =	sadd.s32 s3, s8;
	s25 =	sand.u32 $0x1FFFFFF0, s11;
	s26 =	spop (v2sf)  }
0xe2: {  	(v2sf) =	vpush v63, $0x4;
	[tilespmem:s7], [sflag:$0x2] =	stream.linear.gather [hbm4b:s8+s2], $0x80, $0x38;
	[tilespmem:$0x14400] =	vst v63  }
0xe3: {  	s8 =	sadd.s32 s4, s25;
	s11 =	sand.u32 $0x1FFFFFF0, s26;
	s28 =	spop (v2sf)  }
0xe4: {  	(v2sf) =	vpush v1, $0x5;
	[tilespmem:s6], [sflag:$0x2] =	stream.linear.gather [hbm4b:s8+s2], $0x80, $0x38;
	[tilespmem:$0x14400] =	vst v63  }
0xe5: {  	s7 =	simm.s32 $0xC580;
	s30 =	sadd.s32 s3, s11;
	s31 =	sand.u32 $0x1FFFFFF0, s28  }
0xe6: {  	[tilespmem:s29], [sflag:$0x2] =	stream.linear.gather [hbm4b:s30+s2], $0x80, $0x38;
	[tilespmem:$0x14400] =	vst v63  }
0xe7: {  	s12 =	spop (v2sf);
	(v2sf) =	vpush v63, $0x5;
	s8 =	simm.s32 $0xC480;
	s11 =	sadd.s32 s4, s31  }
0xe8: {  	(v2sf) =	vpush v1, $0x6;
	[tilespmem:s8], [sflag:$0x2] =	stream.linear.gather [hbm4b:s11+s2], $0x80, $0x38;
	[tilespmem:$0x14400] =	vst v63  }
0xe9: {  	s14 =	spop (v2sf);
	s31 =	simm.s32 $0x8700;
	s8 =	sand.u32 $0x1FFFFFF0, s12  }
0xea: {  	s15 =	spop (v2sf);
	(v2sf) =	vpush v63, $0x6;
	s11 =	sand.u32 $0x1FFFFFF0, s14;
	s8 =	sadd.s32 s3, s8  }
0xeb: {  	[tilespmem:s13], [sflag:$0x2] =	stream.linear.gather [hbm4b:s8+s2], $0x80, $0x38;
	[tilespmem:$0x14400] =	vst v63  }
0xec: {  	s20 =	sand.u32 $0x1FFFFFF0, s15;
	s21 =	spop (v2sf);
	s19 =	sadd.s32 s4, s11  }
0xed: {  	[tilespmem:s16], [sflag:$0x2] =	stream.linear.gather [hbm4b:s19+s2], $0x80, $0x38;
	[tilespmem:$0x14400] =	vst v63  }
0xee: {  	(v2sf) =	vpush v1, $0x7;
	s29 =	simm.s32 $0xC680;
	s22 =	sadd.s32 s3, s20;
	s6 =	sand.u32 $0x1FFFFFF0, s21  }
0xef: {  	[tilespmem:s10], [sflag:$0x2] =	stream.linear.gather [hbm4b:s22+s2], $0x80, $0x38;
	[tilespmem:$0x14400] =	vst v63  }
0xf0: {  	(v2sf) =	vpush v63, $0x7;
	s20 =	simm.s32 $0xC700;
	s12 =	simm.s32 $0xCA00;
	s24 =	spop (v2sf)  }
0xf1: {  	s6 =	sadd.s32 s4, s6;
	s10 =	sand.u32 $0x1FFFFFF0, s24;
	s25 =	spop (v2sf)  }
0xf2: {  	(v2sf) =	vpush v1, $0x8;
	[tilespmem:s7], [sflag:$0x2] =	stream.linear.gather [hbm4b:s6+s2], $0x80, $0x38;
	[tilespmem:$0x14400] =	vst v63  }
0xf3: {  	s26 =	sadd.s32 s3, s10;
	s28 =	sand.u32 $0x1FFFFFF0, s25;
	s30 =	spop (v2sf)  }
0xf4: {  	(v2sf) =	vpush v63, $0x8;
	[tilespmem:s9], [sflag:$0x2] =	stream.linear.gather [hbm4b:s26+s2], $0x80, $0x38;
	[tilespmem:$0x14400] =	vst v63  }
0xf5: {  	s13 =	simm.s32 $0x8A80;
	s7 =	sadd.s32 s4, s28;
	s9 =	sand.u32 $0x1FFFFFF0, s30  }
0xf6: {  	(v2sf) =	vpush v1, $0x9;
	s10 =	spop (v2sf);
	s26 =	simm.s32 $0xC780;
	s8 =	sadd.s32 s3, s9  }
0xf7: {  	(v2sf) =	vpush v63, $0x9;
	s9 =	sand.u32 $0x1FFFFFF0, s10;
	s11 =	spop (v2sf);
	s10 =	simm.s32 $0xCA80  }
0xf8: {  	[tilespmem:s23], [sflag:$0x2] =	stream.linear.gather [hbm4b:s7+s2], $0x80, $0x38;
	[tilespmem:$0x14400] =	vst v63  }
0xf9: {  	(v2sf) =	vpush v1, $0xA;
	s14 =	sadd.s32 s4, s9;
	s15 =	sand.u32 $0x1FFFFFF0, s11;
	s16 =	spop (v2sf)  }
0xfa: {  	(v2sf) =	vpush v63, $0xA;
	[tilespmem:s5], [sflag:$0x2] =	stream.linear.gather [hbm4b:s8+s2], $0x80, $0x38;
	[tilespmem:$0x14400] =	vst v63  }
0xfb: {  	s23 =	simm.s32 $0x8780;
	s11 =	simm.s32 $0xC880;
	s19 =	sadd.s32 s3, s15  }
0xfc: {  	[tilespmem:s29], [sflag:$0x2] =	stream.linear.gather [hbm4b:s14+s2], $0x80, $0x38;
	[tilespmem:$0x14400] =	vst v63  }
0xfd: {  	s6 =	sand.u32 $0x1FFFFFF0, s16;
	s21 =	spop (v2sf);
	(v2sf) =	vpush v1, $0xB;
	s15 =	simm.s32 $0x8900  }
0xfe: {  	[tilespmem:s31], [sflag:$0x2] =	stream.linear.gather [hbm4b:s19+s2], $0x80, $0x38;
	[tilespmem:$0x14400] =	vst v63  }
0xff: {  	s6 =	sadd.s32 s4, s6;
	s8 =	sand.u32 $0x1FFFFFF0, s21;
	s22 =	spop (v2sf);
	(v2sf) =	vpush v63, $0xB  }
0x100: {  	[tilespmem:s20], [sflag:$0x2] =	stream.linear.gather [hbm4b:s6+s2], $0x80, $0x38;
	[tilespmem:$0x14400] =	vst v63  }
0x101: {  	s24 =	sadd.s32 s3, s8;
	s25 =	sand.u32 $0x1FFFFFF0, s22;
	s28 =	spop (v2sf)  }
0x102: {  	[tilespmem:s23], [sflag:$0x2] =	stream.linear.gather [hbm4b:s24+s2], $0x80, $0x38;
	[tilespmem:$0x14400] =	vst v63  }
0x103: {  	s5 =	simm.s32 $0xC980;
	s8 =	sadd.s32 s4, s25;
	s30 =	spop (v2sf)  }
0x104: {  	[tilespmem:s26], [sflag:$0x2] =	stream.linear.gather [hbm4b:s8+s2], $0x80, $0x38;
	[tilespmem:$0x14400] =	vst v63  }
0x105: {  	s29 =	simm.s32 $0x8800;
	s7 =	sand.u32 $0x1FFFFFF0, s28;
	(v2sf) =	vpush v1, $0xC;
	s31 =	spop (v2sf)  }
0x106: {  	s7 =	sadd.s32 s3, s7;
	s8 =	sand.u32 $0x1FFFFFF0, s30;
	s14 =	spop (v2sf)  }
0x107: {  	(v2sf) =	vpush v63, $0xC;
	[tilespmem:s29], [sflag:$0x2] =	stream.linear.gather [hbm4b:s7+s2], $0x80, $0x38;
	[tilespmem:$0x14400] =	vst v63  }
0x108: {  	s26 =	simm.s32 $0x8980;
	s8 =	sadd.s32 s4, s8;
	s16 =	spop (v2sf)  }
0x109: {  	s9 =	sand.u32 $0x1FFFFFF0, s31;
	s7 =	simm.s32 $0xC800;
	s19 =	spop (v2sf)  }
0x10a: {  	[tilespmem:s7], [sflag:$0x2] =	stream.linear.gather [hbm4b:s8+s2], $0x80, $0x38;
	[tilespmem:$0x14400] =	vst v63  }
0x10b: {  	s8 =	sadd.s32 s3, s9;
	s7 =	sand.u32 $0x1FFFFFF0, s14;
	s21 =	sand.u32 $0x1FFFFFF0, s19  }
0x10c: {  	s22 =	spop (v2sf);
	s7 =	sadd.s32 s4, s7;
	s23 =	sadd.s32 s4, s21  }
0x10d: {  	[tilespmem:s1], [sflag:$0x2] =	stream.linear.gather [hbm4b:s8+s2], $0x80, $0x38;
	[tilespmem:$0x14400] =	vst v63  }
0x10e: {  	s24 =	sand.u32 $0x1FFFFFF0, s22;
	s25 =	spop (v2sf);
	s8 =	sand.u32 $0x1FFFFFF0, s16  }
0x10f: {  	[tilespmem:s11], [sflag:$0x2] =	stream.linear.gather [hbm4b:s7+s2], $0x80, $0x38;
	[tilespmem:$0x14400] =	vst v63  }
0x110: {  	s22 =	simm.s32 $0x290;
	s29 =	sand.u32 $0x1FFFFFF0, s25;
	s20 =	sadd.s32 s3, s8  }
0x111: {  	[tilespmem:s15], [sflag:$0x2] =	stream.linear.gather [hbm4b:s20+s2], $0x80, $0x38;
	[tilespmem:$0x14400] =	vst v63  }
0x112: {  	(v2sf) =	vpush v1, $0xD;
	s28 =	sadd.s32 s3, s24;
	s25 =	simm.s32 $0x8B00;
	s30 =	sadd.s32 s4, s29  }
0x113: {  	(v2sf) =	vpush v63, $0xD;
	[tilespmem:s0], [sflag:$0x2] =	stream.linear.gather [hbm4b:s23+s2], $0x80, $0x38;
	[tilespmem:$0x14400] =	vst v63  }
0x114: {  	(v2sf) =	vpush v1, $0xE;
	s7 =	simm.s32 $0xCB00;
	s23 =	simm.s32 $0x90;
	s31 =	spop (v2sf)  }
0x115: {  	(v2sf) =	vpush v63, $0xE;
	[tilespmem:s26], [sflag:$0x2] =	stream.linear.gather [hbm4b:s28+s2], $0x80, $0x38;
	[tilespmem:$0x14400] =	vst v63  }
0x116: {  	(v2sf) =	vpush v1, $0xF;
	s26 =	simm.s32 $0x8A00;
	s0 =	sand.u32 $0x1FFFFFF0, s31;
	s1 =	spop (v2sf)  }
0x117: {  	(v2sf) =	vpush v63, $0xF;
	[tilespmem:s5], [sflag:$0x2] =	stream.linear.gather [hbm4b:s30+s2], $0x80, $0x38;
	[tilespmem:$0x14400] =	vst v63  }
.LBB2_4:
0x118: {  	_ =	sdelay $0x4  }
0x119: {  	s0 =	sadd.s32 s3, s0;
	s1 =	sand.u32 $0x1FFFFFF0, s1  }
0x11a: {  	[tilespmem:s26], [sflag:$0x2] =	stream.linear.gather [hbm4b:s0+s2], $0x80, $0x38;
	[tilespmem:$0x14400] =	vst v63  }
0x11b: {  	s24 =	sadd.s32 s4, s1  }
0x11c: {  	[tilespmem:s12], [sflag:$0x2] =	stream.linear.gather [hbm4b:s24+s2], $0x80, $0x38;
	[tilespmem:$0x14400] =	vst v63  }
0x11d: {  	s5 =	spop (v2sf)  }
0x11e: {  	s26 =	sand.u32 $0x1FFFFFF0, s5;
	s28 =	spop (v2sf)  }
0x11f: {  	s29 =	sadd.s32 s3, s26;
	s30 =	sand.u32 $0x1FFFFFF0, s28;
	s31 =	spop (v2sf)  }
0x120: {  	[tilespmem:s13], [sflag:$0x2] =	stream.linear.gather [hbm4b:s29+s2], $0x80, $0x38;
	[tilespmem:$0x14400] =	vst v63  }
0x121: {  	s1 =	sadd.s32 s4, s30;
	s5 =	sand.u32 $0x1FFFFFF0, s31;
	s6 =	spop (v2sf)  }
0x122: {  	[tilespmem:s10], [sflag:$0x2] =	stream.linear.gather [hbm4b:s1+s2], $0x80, $0x38;
	[tilespmem:$0x14400] =	vst v63  }
0x123: {  	s8 =	sadd.s32 s3, s5;
	s9 =	sand.u32 $0x1FFFFFF0, s6;
	s10 =	spop (v2sf)  }
0x124: {  	[tilespmem:s25], [sflag:$0x2] =	stream.linear.gather [hbm4b:s8+s2], $0x80, $0x38;
	[tilespmem:$0x14400] =	vst v63  }
0x125: {  	s11 =	sadd.s32 s4, s9;
	s12 =	sand.u32 $0x1FFFFFF0, s10;
	s13 =	spop (v2sf)  }
0x126: {  	[tilespmem:s7], [sflag:$0x2] =	stream.linear.gather [hbm4b:s11+s2], $0x80, $0x38;
	[tilespmem:$0x14400] =	vst v63  }
0x127: {  	s14 =	sadd.s32 $0x8B80, s17;
	s1 =	sadd.s32 s3, s12;
	s5 =	sand.u32 $0x1FFFFFF0, s13  }
0x128: {  	[tilespmem:s14], [sflag:$0x2] =	stream.linear.gather [hbm4b:s1+s2], $0x80, $0x38;
	[tilespmem:$0x14400] =	vst v63  }
0x129: {  	s15 =	sadd.s32 $0xCB80, s17;
	s16 =	sadd.s32 s4, s5  }
0x12a: {  	[tilespmem:s15], [sflag:$0x2] =	stream.linear.gather [hbm4b:s16+s2], $0x80, $0x38;
	[tilespmem:$0x14400] =	vst v63  }
0x12b: {  	v0 =	vld [tilespmem:s23+$0x0]  }
0x12c: {  	v2 =	vld [tilespmem:s22+$0x0];
	_ =	sdelay $0x3  }
0x12d: {  	v1 =	vshll.u32 v0, $0x4  }
0x12e: {  	s17 =	smov.u32 s18;
	v63 =	vshll.u32 v2, $0x4;
	(v2sf) =	vpush v1, $0x0  }
0x12f: {  	s17 =	sshra.s32 s17, $0x2;
	(v2sf) =	vpush v63, $0x0  }
0x130: {  	s0 =	sadd.s32 $0x8680, s17;
	(v2sf) =	vpush v1, $0x1  }
0x131: {  	p0 =	sne.s32 s18, $0xE000;
	s19 =	sadd.s32 $0x8880, s17;
	[smem:$0x7F1] =	sst s0  }
0x132: {  	s18 =	sadd.s32 $0x2000, s18;
	s20 =	sadd.s32 $0xC900, s17;
	[dreg:$0xd] =	wrdreg s19;
	(v2sf) =	vpush v63, $0x1  }
0x133: {  	s21 =	sadd.s32 $0xC980, s17;
	[dreg:$0x5] =	wrdreg s20;
	s19 =	sadd.s32 $0x8500, s17  }
0x134: {  	s0 =	sadd.s32 $0xC500, s17;
	[dreg:$0x9] =	wrdreg s21;
	s24 =	sadd.s32 $0xCA80, s17;
	(v2sf) =	vpush v1, $0x2  }
0x135: {  	s20 =	sadd.s32 $0x8480, s17;
	[dreg:$0x1c] =	wrdreg s24;
	s28 =	sadd.s32 $0x8400, s17;
	(v2sf) =	vpush v63, $0x2  }
0x136: {  	s26 =	sadd.s32 $0x8900, s17;
	s29 =	sadd.s32 $0xC400, s17;
	s31 =	sadd.s32 $0x8580, s17  }
0x137: {  	s30 =	sadd.s32 $0xC480, s17;
	[dreg:$0x11] =	wrdreg s26;
	s6 =	sadd.s32 $0xC800, s17;
	(v2sf) =	vpush v1, $0x3  }
0x138: {  	s26 =	sadd.s32 $0x8A00, s17;
	[dreg:$0x19] =	wrdreg s6;
	s9 =	sadd.s32 $0xC780, s17  }
0x139: {  	s10 =	sadd.s32 $0x8780, s17;
	s12 =	sadd.s32 $0xC580, s17;
	s25 =	sadd.s32 $0xC880, s17;
	(v2sf) =	vpush v63, $0x3  }
0x13a: {  	s8 =	sadd.s32 $0xCA00, s17;
	s13 =	sadd.s32 $0xC680, s17;
	[dreg:$0x15] =	wrdreg s25  }
0x13b: {  	s25 =	sadd.s32 $0x8B00, s17;
	s5 =	sadd.s32 $0x8980, s17;
	s7 =	sadd.s32 $0x8800, s17;
	(v2sf) =	vpush v1, $0x4  }
0x13c: {  	s11 =	sadd.s32 $0xC700, s17;
	[smem:$0x7F2] =	sst s7;
	s7 =	sadd.s32 $0xCB00, s17  }
0x13d: {  	s1 =	sadd.s32 $0x8A80, s17;
	s14 =	sadd.s32 $0x8700, s17;
	s21 =	spop (v2sf)  }
0x13e: {  	s15 =	sadd.s32 $0x8600, s17;
	s21 =	sand.u32 $0x1FFFFFF0, s21;
	s24 =	spop (v2sf)  }
0x13f: {  	(v2sf) =	vpush v63, $0x4;
	s21 =	sadd.s32 s3, s21;
	s24 =	sand.u32 $0x1FFFFFF0, s24;
	s6 =	spop (v2sf)  }
0x140: {  	[tilespmem:s28], [sflag:$0x2] =	stream.linear.gather [hbm4b:s21+s2], $0x80, $0x38;
	[tilespmem:$0x14400] =	vst v63  }
0x141: {  	(v2sf) =	vpush v1, $0x5;
	s24 =	sadd.s32 s4, s24;
	s6 =	sand.u32 $0x1FFFFFF0, s6;
	s28 =	spop (v2sf)  }
0x142: {  	[tilespmem:s29], [sflag:$0x2] =	stream.linear.gather [hbm4b:s24+s2], $0x80, $0x38;
	[tilespmem:$0x14400] =	vst v63  }
0x143: {  	(v2sf) =	vpush v63, $0x5;
	s6 =	sadd.s32 s3, s6;
	s28 =	sand.u32 $0x1FFFFFF0, s28;
	s29 =	spop (v2sf)  }
0x144: {  	s21 =	sadd.s32 s4, s28;
	s28 =	sand.u32 $0x1FFFFFF0, s29;
	s29 =	spop (v2sf)  }
0x145: {  	(v2sf) =	vpush v1, $0x6;
	[tilespmem:s20], [sflag:$0x2] =	stream.linear.gather [hbm4b:s6+s2], $0x80, $0x38;
	[tilespmem:$0x14400] =	vst v63  }
0x146: {  	s16 =	sadd.s32 $0xC600, s17;
	s22 =	sadd.s32 $0x10, s22;
	s24 =	spop (v2sf)  }
0x147: {  	(v2sf) =	vpush v63, $0x6;
	[tilespmem:s30], [sflag:$0x2] =	stream.linear.gather [hbm4b:s21+s2], $0x80, $0x38;
	[tilespmem:$0x14400] =	vst v63  }
0x148: {  	s20 =	sadd.s32 s3, s28;
	s21 =	sand.u32 $0x1FFFFFF0, s29;
	s30 =	spop (v2sf)  }
0x149: {  	(v2sf) =	vpush v1, $0x7;
	[tilespmem:s19], [sflag:$0x2] =	stream.linear.gather [hbm4b:s20+s2], $0x80, $0x38;
	[tilespmem:$0x14400] =	vst v63  }
0x14a: {  	s29 =	sand.u32 $0x1FFFFFF0, s24;
	(v2sf) =	vpush v63, $0x7;
	s28 =	sadd.s32 s4, s21;
	s20 =	spop (v2sf)  }
0x14b: {  	[tilespmem:s0], [sflag:$0x2] =	stream.linear.gather [hbm4b:s28+s2], $0x80, $0x38;
	[tilespmem:$0x14400] =	vst v63  }
0x14c: {  	s6 =	sadd.s32 s3, s29;
	s19 =	sand.u32 $0x1FFFFFF0, s30;
	(v2sf) =	vpush v1, $0x8;
	s24 =	sand.u32 $0x1FFFFFF0, s20  }
0x14d: {  	[tilespmem:s31], [sflag:$0x2] =	stream.linear.gather [hbm4b:s6+s2], $0x80, $0x38;
	[tilespmem:$0x14400] =	vst v63  }
0x14e: {  	s21 =	sadd.s32 s4, s19;
	s29 =	sadd.s32 s3, s24;
	s28 =	spop (v2sf)  }
0x14f: {  	[tilespmem:s12], [sflag:$0x2] =	stream.linear.gather [hbm4b:s21+s2], $0x80, $0x38;
	[tilespmem:$0x14400] =	vst v63  }
0x150: {  	s30 =	sand.u32 $0x1FFFFFF0, s28;
	s31 =	spop (v2sf);
	s21 =	sld [smem:$0x7F1]  }
0x151: {  	[tilespmem:s15], [sflag:$0x2] =	stream.linear.gather [hbm4b:s29+s2], $0x80, $0x38;
	[tilespmem:$0x14400] =	vst v63  }
0x152: {  	(v2sf) =	vpush v63, $0x8;
	s6 =	sadd.s32 s4, s30;
	s12 =	sand.u32 $0x1FFFFFF0, s31;
	s15 =	spop (v2sf)  }
0x153: {  	(v2sf) =	vpush v1, $0x9;
	[tilespmem:s16], [sflag:$0x2] =	stream.linear.gather [hbm4b:s6+s2], $0x80, $0x38;
	[tilespmem:$0x14400] =	vst v63  }
0x154: {  	s19 =	sand.u32 $0x1FFFFFF0, s15;
	s20 =	spop (v2sf);
	s16 =	sadd.s32 s3, s12  }
0x155: {  	[tilespmem:s21], [sflag:$0x2] =	stream.linear.gather [hbm4b:s16+s2], $0x80, $0x38;
	[tilespmem:$0x14400] =	vst v63  }
0x156: {  	s23 =	sadd.s32 $0x10, s23;
	(v2sf) =	vpush v63, $0x9;
	s24 =	sadd.s32 s4, s19;
	s29 =	spop (v2sf)  }
0x157: {  	[tilespmem:s13], [sflag:$0x2] =	stream.linear.gather [hbm4b:s24+s2], $0x80, $0x38;
	[tilespmem:$0x14400] =	vst v63  }
0x158: {  	(v2sf) =	vpush v1, $0xA;
	s28 =	sand.u32 $0x1FFFFFF0, s20;
	s13 =	smov.u32 s1;
	s1 =	spop (v2sf)  }
0x159: {  	s30 =	sadd.s32 s3, s28;
	s31 =	sand.u32 $0x1FFFFFF0, s29;
	s15 =	spop (v2sf)  }
0x15a: {  	(v2sf) =	vpush v63, $0xA;
	[tilespmem:s14], [sflag:$0x2] =	stream.linear.gather [hbm4b:s30+s2], $0x80, $0x38;
	[tilespmem:$0x14400] =	vst v63  }
0x15b: {  	s6 =	sadd.s32 s4, s31;
	s14 =	sand.u32 $0x1FFFFFF0, s1;
	s20 =	spop (v2sf)  }
0x15c: {  	(v2sf) =	vpush v1, $0xB;
	[tilespmem:s11], [sflag:$0x2] =	stream.linear.gather [hbm4b:s6+s2], $0x80, $0x38;
	[tilespmem:$0x14400] =	vst v63  }
0x15d: {  	s19 =	sand.u32 $0x1FFFFFF0, s15;
	s16 =	sadd.s32 s3, s14;
	s24 =	sand.u32 $0x1FFFFFF0, s20  }
0x15e: {  	[tilespmem:s10], [sflag:$0x2] =	stream.linear.gather [hbm4b:s16+s2], $0x80, $0x38;
	[tilespmem:$0x14400] =	vst v63  }
0x15f: {  	s21 =	sadd.s32 s4, s19;
	s29 =	sadd.s32 s3, s24;
	s24 =	rddreg [dreg:$0xd]  }
0x160: {  	(v2sf) =	vpush v63, $0xB;
	[tilespmem:s9], [sflag:$0x2] =	stream.linear.gather [hbm4b:s21+s2], $0x80, $0x38;
	[tilespmem:$0x14400] =	vst v63  }
0x161: {  	s12 =	smov.u32 s8;
	(v2sf) =	vpush v1, $0xC;
	s28 =	spop (v2sf);
	s9 =	sld [smem:$0x7F2]  }
0x162: {  	s10 =	rddreg [dreg:$0x1c];
	s30 =	sand.u32 $0x1FFFFFF0, s28;
	s31 =	spop (v2sf)  }
0x163: {  	(v2sf) =	vpush v63, $0xC;
	s16 =	rddreg [dreg:$0x19];
	s11 =	sadd.s32 s4, s30;
	s14 =	sand.u32 $0x1FFFFFF0, s31  }
0x164: {  	[tilespmem:s9], [sflag:$0x2] =	stream.linear.gather [hbm4b:s29+s2], $0x80, $0x38;
	[tilespmem:$0x14400] =	vst v63  }
0x165: {  	s31 =	rddreg [dreg:$0x15];
	s15 =	spop (v2sf);
	s19 =	sadd.s32 s3, s14  }
0x166: {  	[tilespmem:s16], [sflag:$0x2] =	stream.linear.gather [hbm4b:s11+s2], $0x80, $0x38;
	[tilespmem:$0x14400] =	vst v63  }
0x167: {  	s20 =	sand.u32 $0x1FFFFFF0, s15;
	s21 =	spop (v2sf);
	s15 =	rddreg [dreg:$0x11]  }
0x168: {  	[tilespmem:s24], [sflag:$0x2] =	stream.linear.gather [hbm4b:s19+s2], $0x80, $0x38;
	[tilespmem:$0x14400] =	vst v63  }
0x169: {  	s28 =	sadd.s32 s4, s20;
	s29 =	sand.u32 $0x1FFFFFF0, s21;
	s30 =	spop (v2sf)  }
0x16a: {  	[tilespmem:s31], [sflag:$0x2] =	stream.linear.gather [hbm4b:s28+s2], $0x80, $0x38;
	[tilespmem:$0x14400] =	vst v63  }
0x16b: {  	s9 =	sadd.s32 s3, s29;
	s11 =	sand.u32 $0x1FFFFFF0, s30;
	s14 =	spop (v2sf)  }
0x16c: {  	[tilespmem:s15], [sflag:$0x2] =	stream.linear.gather [hbm4b:s9+s2], $0x80, $0x38;
	[tilespmem:$0x14400] =	vst v63  }
0x16d: {  	s21 =	rddreg [dreg:$0x5];
	s16 =	sadd.s32 s4, s11;
	s19 =	sand.u32 $0x1FFFFFF0, s14  }
0x16e: {  	(v2sf) =	vpush v1, $0xD;
	[tilespmem:s21], [sflag:$0x2] =	stream.linear.gather [hbm4b:s16+s2], $0x80, $0x38;
	[tilespmem:$0x14400] =	vst v63  }
.Ltmp1:
0x16f: {  	(v2sf) =	vpush v63, $0xD;
	s20 =	spop (v2sf);
	s24 =	sadd.s32 s3, s19;
	(pc) =	sbr.rel @p0 .LBB2_4-.Ltmp1, $4  }
0x170: {  	(v2sf) =	vpush v1, $0xE;
	s28 =	sand.u32 $0x1FFFFFF0, s20;
	s29 =	spop (v2sf);
	s31 =	rddreg [dreg:$0x9]  }
0x171: {  	(v2sf) =	vpush v63, $0xE;
	[tilespmem:s5], [sflag:$0x2] =	stream.linear.gather [hbm4b:s24+s2], $0x80, $0x38;
	[tilespmem:$0x14400] =	vst v63  }
0x172: {  	(v2sf) =	vpush v1, $0xF;
	s30 =	sadd.s32 s4, s28;
	s0 =	sand.u32 $0x1FFFFFF0, s29;
	s1 =	spop (v2sf)  }
0x173: {  	(v2sf) =	vpush v63, $0xF;
	[tilespmem:s31], [sflag:$0x2] =	stream.linear.gather [hbm4b:s30+s2], $0x80, $0x38;
	[tilespmem:$0x14400] =	vst v63  }
0x174: {  	_ =	sdelay $0x4  }
0x175: {  	s0 =	sadd.s32 s3, s0;
	s1 =	sand.u32 $0x1FFFFFF0, s1  }
0x176: {  	[tilespmem:s26], [sflag:$0x2] =	stream.linear.gather [hbm4b:s0+s2], $0x80, $0x38;
	[tilespmem:$0x14400] =	vst v63  }
0x177: {  	s8 =	sadd.s32 s4, s1  }
0x178: {  	[tilespmem:s12], [sflag:$0x2] =	stream.linear.gather [hbm4b:s8+s2], $0x80, $0x38;
	[tilespmem:$0x14400] =	vst v63  }
0x179: {  	s5 =	spop (v2sf)  }
0x17a: {  	s9 =	sand.u32 $0x1FFFFFF0, s5;
	s11 =	spop (v2sf)  }
0x17b: {  	s14 =	sadd.s32 s3, s9;
	s15 =	sand.u32 $0x1FFFFFF0, s11;
	s16 =	spop (v2sf)  }
0x17c: {  	[tilespmem:s13], [sflag:$0x2] =	stream.linear.gather [hbm4b:s14+s2], $0x80, $0x38;
	[tilespmem:$0x14400] =	vst v63  }
0x17d: {  	s18 =	sadd.s32 s4, s15;
	s19 =	sand.u32 $0x1FFFFFF0, s16;
	s20 =	spop (v2sf)  }
0x17e: {  	[tilespmem:s10], [sflag:$0x2] =	stream.linear.gather [hbm4b:s18+s2], $0x80, $0x38;
	[tilespmem:$0x14400] =	vst v63  }
0x17f: {  	s21 =	sadd.s32 s3, s19;
	s22 =	sand.u32 $0x1FFFFFF0, s20;
	s23 =	spop (v2sf)  }
0x180: {  	[tilespmem:s25], [sflag:$0x2] =	stream.linear.gather [hbm4b:s21+s2], $0x80, $0x38;
	[tilespmem:$0x14400] =	vst v63  }
0x181: {  	s24 =	sadd.s32 s4, s22;
	s26 =	spop (v2sf);
	s25 =	sand.u32 $0x1FFFFFF0, s23  }
0x182: {  	[tilespmem:s7], [sflag:$0x2] =	stream.linear.gather [hbm4b:s24+s2], $0x80, $0x38;
	[tilespmem:$0x14400] =	vst v63  }
0x183: {  	s28 =	sadd.s32 $0x8B80, s17;
	s5 =	sand.u32 $0x1FFFFFF0, s26;
	s1 =	sadd.s32 s3, s25  }
0x184: {  	[tilespmem:s28], [sflag:$0x2] =	stream.linear.gather [hbm4b:s1+s2], $0x80, $0x38;
	[tilespmem:$0x14400] =	vst v63  }
0x185: {  	s29 =	sadd.s32 $0xCB80, s17;
	s31 =	simm.s32 $0x1;
	s30 =	sadd.s32 s4, s5  }
0x186: {  	[tilespmem:s29], [sflag:$0x2] =	stream.linear.gather [hbm4b:s30+s2], $0x80, $0x38;
	[tilespmem:$0x14400] =	vst v63  }
0x187: {  	_ =	swait.ge [sflag:s31], $0x4000  }
0x188: {  	[sflag:s31] =	ssyncset.done $0x0  }
0x189: {  	[sflag:s31] =	ssyncadd.s32 $0xFFFFC000  }
0x18a: {  	_ =	swait.ge [sflag:s31], $0x4000  }
0x18b: {  	[sflag:s31] =	ssyncset.done $0x0  }
0x18c: {  	s0 =	simm.s32 $0x0;
	[sflag:s31] =	ssyncadd.s32 $0xFFFFC000  }
0x18d: {  	v2 =	vld [tilespmem:s0+$0x430]  }
0x18e: {  	v4 =	vld [tilespmem:s0+$0x4430]  }
0x18f: {  	v5 =	vld [tilespmem:s0+$0x400]  }
0x190: {  	v6 =	vld [tilespmem:s0+$0x4400]  }
0x191: {  	v1 =	vld [tilespmem:s0+$0x410]  }
0x192: {  	v3 =	vld [tilespmem:s0+$0x4410]  }
0x193: {  	v0 =	vld [tilespmem:s0+$0x420];
	v7 =	vmul.f32 v4, v2  }
0x194: {  	s1 =	simm.s32 $0x80;
	v4 =	vld [tilespmem:s0+$0x4420]  }
0x195: {  	s5 =	simm.s32 $0x400;
	v2 =	vld [tilespmem:s1+$0x430];
	v5 =	vmul.f32 v6, v5;
	[tilespmem:s0+$0x10430] =	vst v7  }
.LBB2_6:
0x196: {  	p0 =	sne.s32 s5, $0xFE00;
	v6 =	vld [tilespmem:s1+$0x4430]  }
0x197: {  	v7 =	vld [tilespmem:s1+$0x400];
	[tilespmem:s0+$0x10400] =	vst v5;
	v3 =	vmul.f32 v3, v1  }
0x198: {  	v5 =	vld [tilespmem:s1+$0x4400]  }
.Ltmp2:
0x199: {  	v1 =	vld [tilespmem:s1+$0x410];
	[tilespmem:s0+$0x10410] =	vst v3;
	v4 =	vmul.f32 v4, v0;
	(pc) =	sbr.rel @p0 .LBB2_6-.Ltmp2, $4  }
0x19a: {  	v3 =	vld [tilespmem:s1+$0x4410]  }
0x19b: {  	v0 =	vld [tilespmem:s1+$0x420];
	v6 =	vmul.f32 v6, v2;
	[tilespmem:s0+$0x10420] =	vst v4;
	s0 =	smov.u32 s1  }
0x19c: {  	s1 =	sshra.s32 s5, $0x2;
	v4 =	vld [tilespmem:s0+$0x4420]  }
0x19d: {  	s5 =	sadd.s32 $0x200, s5;
	v2 =	vld [tilespmem:s1+$0x430];
	v5 =	vmul.f32 v5, v7;
	[tilespmem:s0+$0x10430] =	vst v6  }
0x19e: {  	v6 =	vld [tilespmem:s1+$0x4430]  }
0x19f: {  	v7 =	vld [tilespmem:s1+$0x400];
	[tilespmem:s0+$0x10400] =	vst v5;
	v1 =	vmul.f32 v3, v1  }
0x1a0: {  	v58 =	vld [tilespmem:s1+$0x4400]  }
0x1a1: {  	v5 =	vld [tilespmem:s1+$0x410];
	[tilespmem:s0+$0x10410] =	vst v1;
	v0 =	vmul.f32 v4, v0  }
0x1a2: {  	v1 =	vld [tilespmem:s1+$0x4410]  }
0x1a3: {  	v59 =	vld [tilespmem:s1+$0x420];
	[tilespmem:s0+$0x10420] =	vst v0  }
0x1a4: {  	v0 =	vld [tilespmem:s1+$0x4420];
	_ =	sdelay $0x1  }
0x1a5: {  	v2 =	vmul.f32 v6, v2  }
0x1a6: {  	v3 =	vmul.f32 v58, v7  }
0x1a7: {  	[tilespmem:s1+$0x10430] =	vst v2;
	v1 =	vmul.f32 v1, v5  }
0x1a8: {  	s22 =	sld [smem:$0x7F8];
	[tilespmem:s1+$0x10400] =	vst v3;
	v0 =	vmul.f32 v0, v59  }
0x1a9: {  	[tilespmem:s1+$0x10410] =	vst v1  }
0x1aa: {  	s21 =	simm.s32 $0x0;
	s5 =	simm.s32 $0x10400;
	s23 =	simm.s32 $0x3;
	[tilespmem:s1+$0x10420] =	vst v0  }
0x1ab: {  	[hbm4b:s22+s21] =	stream.linear.scatter [tilespmem:s5], [sflag:$0x3], $0x4000, $0x38;
	[tilespmem:$0x14400] =	vst v63  }
0x1ac: {  	_ =	swait.ge [sflag:s23], $0x4000  }
0x1ad: {  	[sflag:s23] =	ssyncset.done $0x0  }
0x1ae: {  	s24 =	simm.s32 $0x100;
	[sflag:s23] =	ssyncadd.s32 $0xFFFFC000  }
0x1af: {  	s25 =	simm.s32 $0x300;
	v60 =	vld [tilespmem:s24+$0x0]  }
0x1b0: {  	v61 =	vld [tilespmem:s25+$0x0];
	_ =	sdelay $0x3  }
0x1b1: {  	v62 =	vshll.u32 v60, $0x4  }
0x1b2: {  	v63 =	vshll.u32 v61, $0x4;
	(v2sf) =	vpush v62, $0x0  }
0x1b3: {  	(v2sf) =	vpush v63, $0x0  }
0x1b4: {  	(v2sf) =	vpush v62, $0x1;
	_ =	sdelay $0x1  }
0x1b5: {  	(v2sf) =	vpush v63, $0x1;
	_ =	sdelay $0x3  }
0x1b6: {  	(v2sf) =	vpush v62, $0x2;
	_ =	sdelay $0x1  }
0x1b7: {  	(v2sf) =	vpush v63, $0x2  }
0x1b8: {  	s18 =	simm.s32 $0x2000;
	(v2sf) =	vpush v62, $0x3  }
0x1b9: {  	s17 =	simm.s32 $0x0;
	s6 =	simm.s32 $0x4400;
	s7 =	simm.s32 $0x400  }
0x1ba: {  	s9 =	simm.s32 $0x600;
	s10 =	simm.s32 $0x580;
	s29 =	simm.s32 $0x480  }
0x1bb: {  	s13 =	simm.s32 $0x500;
	s16 =	simm.s32 $0x4500;
	s0 =	simm.s32 $0x4900  }
0x1bc: {  	s1 =	simm.s32 $0x880;
	s5 =	simm.s32 $0x680;
	s8 =	spop (v2sf);
	(v2sf) =	vpush v63, $0x3  }
0x1bd: {  	s23 =	simm.s32 $0x4600;
	s8 =	sand.u32 $0x1FFFFFF0, s8;
	s11 =	spop (v2sf)  }
0x1be: {  	(v2sf) =	vpush v62, $0x4;
	s8 =	sadd.s32 s3, s8;
	s26 =	sand.u32 $0x1FFFFFF0, s11;
	s28 =	spop (v2sf)  }
0x1bf: {  	(v2sf) =	vpush v63, $0x4;
	[tilespmem:s7], [sflag:$0x1] =	stream.linear.gather [hbm4b:s8+s2], $0x80, $0x38;
	[tilespmem:$0x14400] =	vst v63  }
0x1c0: {  	s8 =	sadd.s32 s4, s26;
	s11 =	sand.u32 $0x1FFFFFF0, s28;
	s12 =	spop (v2sf)  }
0x1c1: {  	(v2sf) =	vpush v62, $0x5;
	[tilespmem:s6], [sflag:$0x1] =	stream.linear.gather [hbm4b:s8+s2], $0x80, $0x38;
	[tilespmem:$0x14400] =	vst v63  }
0x1c2: {  	s7 =	simm.s32 $0x4580;
	s30 =	sadd.s32 s3, s11;
	s31 =	sand.u32 $0x1FFFFFF0, s12;
	(v2sf) =	vpush v63, $0x5  }
0x1c3: {  	[tilespmem:s29], [sflag:$0x1] =	stream.linear.gather [hbm4b:s30+s2], $0x80, $0x38;
	[tilespmem:$0x14400] =	vst v63  }
0x1c4: {  	s12 =	spop (v2sf);
	s8 =	simm.s32 $0x4480;
	s11 =	sadd.s32 s4, s31;
	(v2sf) =	vpush v62, $0x6  }
0x1c5: {  	[tilespmem:s8], [sflag:$0x1] =	stream.linear.gather [hbm4b:s11+s2], $0x80, $0x38;
	[tilespmem:$0x14400] =	vst v63  }
0x1c6: {  	s14 =	spop (v2sf);
	s31 =	simm.s32 $0x700;
	s8 =	sand.u32 $0x1FFFFFF0, s12  }
0x1c7: {  	s15 =	spop (v2sf);
	s11 =	sand.u32 $0x1FFFFFF0, s14;
	s8 =	sadd.s32 s3, s8  }
0x1c8: {  	(v2sf) =	vpush v63, $0x6;
	[tilespmem:s13], [sflag:$0x1] =	stream.linear.gather [hbm4b:s8+s2], $0x80, $0x38;
	[tilespmem:$0x14400] =	vst v63  }
0x1c9: {  	s20 =	sand.u32 $0x1FFFFFF0, s15;
	s29 =	simm.s32 $0x4680;
	s19 =	sadd.s32 s4, s11  }
0x1ca: {  	[tilespmem:s16], [sflag:$0x1] =	stream.linear.gather [hbm4b:s19+s2], $0x80, $0x38;
	[tilespmem:$0x14400] =	vst v63  }
0x1cb: {  	s22 =	sadd.s32 s3, s20;
	s20 =	simm.s32 $0x4700;
	s21 =	spop (v2sf)  }
0x1cc: {  	(v2sf) =	vpush v62, $0x7;
	[tilespmem:s10], [sflag:$0x1] =	stream.linear.gather [hbm4b:s22+s2], $0x80, $0x38;
	[tilespmem:$0x14400] =	vst v63  }
0x1cd: {  	s12 =	simm.s32 $0x4A00;
	s6 =	sand.u32 $0x1FFFFFF0, s21;
	s24 =	spop (v2sf)  }
0x1ce: {  	s13 =	simm.s32 $0xA80;
	(v2sf) =	vpush v63, $0x7;
	s6 =	sadd.s32 s4, s6;
	s25 =	spop (v2sf)  }
0x1cf: {  	(v2sf) =	vpush v62, $0x8;
	[tilespmem:s7], [sflag:$0x1] =	stream.linear.gather [hbm4b:s6+s2], $0x80, $0x38;
	[tilespmem:$0x14400] =	vst v63  }
0x1d0: {  	s10 =	sand.u32 $0x1FFFFFF0, s24;
	s28 =	sand.u32 $0x1FFFFFF0, s25;
	s30 =	spop (v2sf)  }
0x1d1: {  	s26 =	sadd.s32 s3, s10;
	(v2sf) =	vpush v63, $0x8;
	s7 =	sadd.s32 s4, s28;
	s10 =	spop (v2sf)  }
0x1d2: {  	(v2sf) =	vpush v62, $0x9;
	[tilespmem:s9], [sflag:$0x1] =	stream.linear.gather [hbm4b:s26+s2], $0x80, $0x38;
	[tilespmem:$0x14400] =	vst v63  }
0x1d3: {  	s9 =	sand.u32 $0x1FFFFFF0, s30;
	s11 =	spop (v2sf);
	s26 =	simm.s32 $0x4780  }
0x1d4: {  	(v2sf) =	vpush v63, $0x9;
	[tilespmem:s23], [sflag:$0x1] =	stream.linear.gather [hbm4b:s7+s2], $0x80, $0x38;
	[tilespmem:$0x14400] =	vst v63  }
0x1d5: {  	s8 =	sadd.s32 s3, s9;
	s9 =	sand.u32 $0x1FFFFFF0, s10;
	s15 =	sand.u32 $0x1FFFFFF0, s11;
	(v2sf) =	vpush v62, $0xA  }
0x1d6: {  	[tilespmem:s5], [sflag:$0x1] =	stream.linear.gather [hbm4b:s8+s2], $0x80, $0x38;
	[tilespmem:$0x14400] =	vst v63  }
0x1d7: {  	s10 =	simm.s32 $0x4A80;
	s16 =	spop (v2sf);
	s14 =	sadd.s32 s4, s9;
	(v2sf) =	vpush v63, $0xA  }
0x1d8: {  	[tilespmem:s29], [sflag:$0x1] =	stream.linear.gather [hbm4b:s14+s2], $0x80, $0x38;
	[tilespmem:$0x14400] =	vst v63  }
0x1d9: {  	s11 =	simm.s32 $0x4880;
	s19 =	sadd.s32 s3, s15;
	s6 =	sand.u32 $0x1FFFFFF0, s16  }
0x1da: {  	[tilespmem:s31], [sflag:$0x1] =	stream.linear.gather [hbm4b:s19+s2], $0x80, $0x38;
	[tilespmem:$0x14400] =	vst v63  }
0x1db: {  	s23 =	simm.s32 $0x780;
	s6 =	sadd.s32 s4, s6;
	s21 =	spop (v2sf)  }
0x1dc: {  	[tilespmem:s20], [sflag:$0x1] =	stream.linear.gather [hbm4b:s6+s2], $0x80, $0x38;
	[tilespmem:$0x14400] =	vst v63  }
0x1dd: {  	s15 =	simm.s32 $0x900;
	(v2sf) =	vpush v62, $0xB;
	s8 =	sand.u32 $0x1FFFFFF0, s21;
	s22 =	spop (v2sf)  }
0x1de: {  	s5 =	simm.s32 $0x4980;
	s24 =	sadd.s32 s3, s8;
	s28 =	spop (v2sf)  }
0x1df: {  	(v2sf) =	vpush v63, $0xB;
	[tilespmem:s23], [sflag:$0x1] =	stream.linear.gather [hbm4b:s24+s2], $0x80, $0x38;
	[tilespmem:$0x14400] =	vst v63  }
0x1e0: {  	s29 =	simm.s32 $0x800;
	s25 =	sand.u32 $0x1FFFFFF0, s22;
	s30 =	spop (v2sf)  }
0x1e1: {  	s8 =	sadd.s32 s4, s25;
	s7 =	sand.u32 $0x1FFFFFF0, s28;
	s31 =	spop (v2sf)  }
0x1e2: {  	(v2sf) =	vpush v62, $0xC;
	[tilespmem:s26], [sflag:$0x1] =	stream.linear.gather [hbm4b:s8+s2], $0x80, $0x38;
	[tilespmem:$0x14400] =	vst v63  }
0x1e3: {  	s7 =	sadd.s32 s3, s7;
	s8 =	sand.u32 $0x1FFFFFF0, s30;
	s14 =	spop (v2sf)  }
0x1e4: {  	(v2sf) =	vpush v63, $0xC;
	s9 =	sand.u32 $0x1FFFFFF0, s31;
	s26 =	simm.s32 $0x980;
	s16 =	spop (v2sf)  }
0x1e5: {  	[tilespmem:s29], [sflag:$0x1] =	stream.linear.gather [hbm4b:s7+s2], $0x80, $0x38;
	[tilespmem:$0x14400] =	vst v63  }
0x1e6: {  	s8 =	sadd.s32 s4, s8;
	s7 =	simm.s32 $0x4800;
	s19 =	spop (v2sf)  }
0x1e7: {  	[tilespmem:s7], [sflag:$0x1] =	stream.linear.gather [hbm4b:s8+s2], $0x80, $0x38;
	[tilespmem:$0x14400] =	vst v63  }
0x1e8: {  	s21 =	sand.u32 $0x1FFFFFF0, s19;
	s8 =	sadd.s32 s3, s9;
	s7 =	sand.u32 $0x1FFFFFF0, s14  }
0x1e9: {  	[tilespmem:s1], [sflag:$0x1] =	stream.linear.gather [hbm4b:s8+s2], $0x80, $0x38;
	[tilespmem:$0x14400] =	vst v63  }
0x1ea: {  	s23 =	sadd.s32 s4, s21;
	s7 =	sadd.s32 s4, s7;
	s8 =	sand.u32 $0x1FFFFFF0, s16  }
0x1eb: {  	[tilespmem:s11], [sflag:$0x1] =	stream.linear.gather [hbm4b:s7+s2], $0x80, $0x38;
	[tilespmem:$0x14400] =	vst v63  }
0x1ec: {  	s20 =	sadd.s32 s3, s8;
	s7 =	simm.s32 $0x4B00;
	s22 =	spop (v2sf)  }
0x1ed: {  	[tilespmem:s15], [sflag:$0x1] =	stream.linear.gather [hbm4b:s20+s2], $0x80, $0x38;
	[tilespmem:$0x14400] =	vst v63  }
0x1ee: {  	s24 =	sand.u32 $0x1FFFFFF0, s22;
	s25 =	spop (v2sf);
	s22 =	simm.s32 $0x310  }
0x1ef: {  	(v2sf) =	vpush v62, $0xD;
	[tilespmem:s0], [sflag:$0x1] =	stream.linear.gather [hbm4b:s23+s2], $0x80, $0x38;
	[tilespmem:$0x14400] =	vst v63  }
0x1f0: {  	(v2sf) =	vpush v63, $0xD;
	s28 =	sadd.s32 s3, s24;
	s29 =	sand.u32 $0x1FFFFFF0, s25;
	s23 =	simm.s32 $0x110  }
0x1f1: {  	(v2sf) =	vpush v62, $0xE;
	s25 =	simm.s32 $0xB00;
	s30 =	sadd.s32 s4, s29;
	s31 =	spop (v2sf)  }
0x1f2: {  	(v2sf) =	vpush v63, $0xE;
	[tilespmem:s26], [sflag:$0x1] =	stream.linear.gather [hbm4b:s28+s2], $0x80, $0x38;
	[tilespmem:$0x14400] =	vst v63  }
0x1f3: {  	s26 =	simm.s32 $0xA00;
	(v2sf) =	vpush v62, $0xF;
	s0 =	sand.u32 $0x1FFFFFF0, s31;
	s1 =	spop (v2sf)  }
0x1f4: {  	(v2sf) =	vpush v63, $0xF;
	[tilespmem:s5], [sflag:$0x1] =	stream.linear.gather [hbm4b:s30+s2], $0x80, $0x38;
	[tilespmem:$0x14400] =	vst v63  }
.LBB2_8:
0x1f5: {  	_ =	sdelay $0x4  }
0x1f6: {  	s0 =	sadd.s32 s3, s0;
	s1 =	sand.u32 $0x1FFFFFF0, s1  }
0x1f7: {  	[tilespmem:s26], [sflag:$0x1] =	stream.linear.gather [hbm4b:s0+s2], $0x80, $0x38;
	[tilespmem:$0x14400] =	vst v63  }
0x1f8: {  	s24 =	sadd.s32 s4, s1  }
0x1f9: {  	[tilespmem:s12], [sflag:$0x1] =	stream.linear.gather [hbm4b:s24+s2], $0x80, $0x38;
	[tilespmem:$0x14400] =	vst v63  }
0x1fa: {  	s5 =	spop (v2sf)  }
0x1fb: {  	s26 =	sand.u32 $0x1FFFFFF0, s5;
	s28 =	spop (v2sf)  }
0x1fc: {  	s29 =	sadd.s32 s3, s26;
	s30 =	sand.u32 $0x1FFFFFF0, s28;
	s31 =	spop (v2sf)  }
0x1fd: {  	[tilespmem:s13], [sflag:$0x1] =	stream.linear.gather [hbm4b:s29+s2], $0x80, $0x38;
	[tilespmem:$0x14400] =	vst v63  }
0x1fe: {  	s1 =	sadd.s32 s4, s30;
	s5 =	sand.u32 $0x1FFFFFF0, s31;
	s6 =	spop (v2sf)  }
0x1ff: {  	[tilespmem:s10], [sflag:$0x1] =	stream.linear.gather [hbm4b:s1+s2], $0x80, $0x38;
	[tilespmem:$0x14400] =	vst v63  }
0x200: {  	s8 =	sadd.s32 s3, s5;
	s9 =	sand.u32 $0x1FFFFFF0, s6;
	s10 =	spop (v2sf)  }
0x201: {  	[tilespmem:s25], [sflag:$0x1] =	stream.linear.gather [hbm4b:s8+s2], $0x80, $0x38;
	[tilespmem:$0x14400] =	vst v63  }
0x202: {  	s11 =	sadd.s32 s4, s9;
	s12 =	sand.u32 $0x1FFFFFF0, s10;
	s13 =	spop (v2sf)  }
0x203: {  	[tilespmem:s7], [sflag:$0x1] =	stream.linear.gather [hbm4b:s11+s2], $0x80, $0x38;
	[tilespmem:$0x14400] =	vst v63  }
0x204: {  	s14 =	sadd.s32 $0xB80, s17;
	s1 =	sadd.s32 s3, s12;
	s5 =	sand.u32 $0x1FFFFFF0, s13  }
0x205: {  	[tilespmem:s14], [sflag:$0x1] =	stream.linear.gather [hbm4b:s1+s2], $0x80, $0x38;
	[tilespmem:$0x14400] =	vst v63  }
0x206: {  	s15 =	sadd.s32 $0x4B80, s17;
	s16 =	sadd.s32 s4, s5  }
0x207: {  	[tilespmem:s15], [sflag:$0x1] =	stream.linear.gather [hbm4b:s16+s2], $0x80, $0x38;
	[tilespmem:$0x14400] =	vst v63  }
0x208: {  	v0 =	vld [tilespmem:s23+$0x0]  }
0x209: {  	v2 =	vld [tilespmem:s22+$0x0];
	_ =	sdelay $0x3  }
0x20a: {  	v1 =	vshll.u32 v0, $0x4  }
0x20b: {  	s17 =	smov.u32 s18;
	v63 =	vshll.u32 v2, $0x4;
	(v2sf) =	vpush v1, $0x0  }
0x20c: {  	s17 =	sshra.s32 s17, $0x2;
	(v2sf) =	vpush v63, $0x0  }
0x20d: {  	s0 =	sadd.s32 $0x680, s17;
	(v2sf) =	vpush v1, $0x1  }
0x20e: {  	p0 =	sne.s32 s18, $0xE000;
	s19 =	sadd.s32 $0x880, s17;
	[smem:$0x7EF] =	sst s0  }
0x20f: {  	s18 =	sadd.s32 $0x2000, s18;
	s20 =	sadd.s32 $0x4900, s17;
	[dreg:$0xe] =	wrdreg s19;
	(v2sf) =	vpush v63, $0x1  }
0x210: {  	s21 =	sadd.s32 $0x4980, s17;
	[dreg:$0x6] =	wrdreg s20;
	s19 =	sadd.s32 $0x500, s17  }
0x211: {  	s0 =	sadd.s32 $0x4500, s17;
	[dreg:$0xa] =	wrdreg s21;
	s24 =	sadd.s32 $0x4A80, s17;
	(v2sf) =	vpush v1, $0x2  }
0x212: {  	s20 =	sadd.s32 $0x480, s17;
	[dreg:$0x1d] =	wrdreg s24;
	s28 =	sadd.s32 $0x400, s17;
	(v2sf) =	vpush v63, $0x2  }
0x213: {  	s26 =	sadd.s32 $0x900, s17;
	s29 =	sadd.s32 $0x4400, s17;
	s31 =	sadd.s32 $0x580, s17  }
0x214: {  	s30 =	sadd.s32 $0x4480, s17;
	[dreg:$0x12] =	wrdreg s26;
	s6 =	sadd.s32 $0x4800, s17;
	(v2sf) =	vpush v1, $0x3  }
0x215: {  	s26 =	sadd.s32 $0xA00, s17;
	[dreg:$0x1a] =	wrdreg s6;
	s9 =	sadd.s32 $0x4780, s17  }
0x216: {  	s10 =	sadd.s32 $0x780, s17;
	s12 =	sadd.s32 $0x4580, s17;
	s25 =	sadd.s32 $0x4880, s17;
	(v2sf) =	vpush v63, $0x3  }
0x217: {  	s8 =	sadd.s32 $0x4A00, s17;
	s13 =	sadd.s32 $0x4680, s17;
	[dreg:$0x16] =	wrdreg s25  }
0x218: {  	s25 =	sadd.s32 $0xB00, s17;
	s5 =	sadd.s32 $0x980, s17;
	s7 =	sadd.s32 $0x800, s17;
	(v2sf) =	vpush v1, $0x4  }
0x219: {  	s11 =	sadd.s32 $0x4700, s17;
	[smem:$0x7F0] =	sst s7;
	s7 =	sadd.s32 $0x4B00, s17  }
0x21a: {  	s1 =	sadd.s32 $0xA80, s17;
	s14 =	sadd.s32 $0x700, s17;
	s21 =	spop (v2sf)  }
0x21b: {  	s15 =	sadd.s32 $0x600, s17;
	s21 =	sand.u32 $0x1FFFFFF0, s21;
	s24 =	spop (v2sf)  }
0x21c: {  	(v2sf) =	vpush v63, $0x4;
	s21 =	sadd.s32 s3, s21;
	s24 =	sand.u32 $0x1FFFFFF0, s24;
	s6 =	spop (v2sf)  }
0x21d: {  	[tilespmem:s28], [sflag:$0x1] =	stream.linear.gather [hbm4b:s21+s2], $0x80, $0x38;
	[tilespmem:$0x14400] =	vst v63  }
0x21e: {  	(v2sf) =	vpush v1, $0x5;
	s24 =	sadd.s32 s4, s24;
	s6 =	sand.u32 $0x1FFFFFF0, s6;
	s28 =	spop (v2sf)  }
0x21f: {  	[tilespmem:s29], [sflag:$0x1] =	stream.linear.gather [hbm4b:s24+s2], $0x80, $0x38;
	[tilespmem:$0x14400] =	vst v63  }
0x220: {  	(v2sf) =	vpush v63, $0x5;
	s6 =	sadd.s32 s3, s6;
	s28 =	sand.u32 $0x1FFFFFF0, s28;
	s29 =	spop (v2sf)  }
0x221: {  	s21 =	sadd.s32 s4, s28;
	s28 =	sand.u32 $0x1FFFFFF0, s29;
	s29 =	spop (v2sf)  }
0x222: {  	(v2sf) =	vpush v1, $0x6;
	[tilespmem:s20], [sflag:$0x1] =	stream.linear.gather [hbm4b:s6+s2], $0x80, $0x38;
	[tilespmem:$0x14400] =	vst v63  }
0x223: {  	s16 =	sadd.s32 $0x4600, s17;
	s22 =	sadd.s32 $0x10, s22;
	s24 =	spop (v2sf)  }
0x224: {  	(v2sf) =	vpush v63, $0x6;
	[tilespmem:s30], [sflag:$0x1] =	stream.linear.gather [hbm4b:s21+s2], $0x80, $0x38;
	[tilespmem:$0x14400] =	vst v63  }
0x225: {  	s20 =	sadd.s32 s3, s28;
	s21 =	sand.u32 $0x1FFFFFF0, s29;
	s30 =	spop (v2sf)  }
0x226: {  	(v2sf) =	vpush v1, $0x7;
	[tilespmem:s19], [sflag:$0x1] =	stream.linear.gather [hbm4b:s20+s2], $0x80, $0x38;
	[tilespmem:$0x14400] =	vst v63  }
0x227: {  	s29 =	sand.u32 $0x1FFFFFF0, s24;
	(v2sf) =	vpush v63, $0x7;
	s28 =	sadd.s32 s4, s21;
	s20 =	spop (v2sf)  }
0x228: {  	[tilespmem:s0], [sflag:$0x1] =	stream.linear.gather [hbm4b:s28+s2], $0x80, $0x38;
	[tilespmem:$0x14400] =	vst v63  }
0x229: {  	s6 =	sadd.s32 s3, s29;
	s19 =	sand.u32 $0x1FFFFFF0, s30;
	(v2sf) =	vpush v1, $0x8;
	s24 =	sand.u32 $0x1FFFFFF0, s20  }
0x22a: {  	[tilespmem:s31], [sflag:$0x1] =	stream.linear.gather [hbm4b:s6+s2], $0x80, $0x38;
	[tilespmem:$0x14400] =	vst v63  }
0x22b: {  	s21 =	sadd.s32 s4, s19;
	s29 =	sadd.s32 s3, s24;
	s28 =	spop (v2sf)  }
0x22c: {  	[tilespmem:s12], [sflag:$0x1] =	stream.linear.gather [hbm4b:s21+s2], $0x80, $0x38;
	[tilespmem:$0x14400] =	vst v63  }
0x22d: {  	s30 =	sand.u32 $0x1FFFFFF0, s28;
	s31 =	spop (v2sf);
	s21 =	sld [smem:$0x7EF]  }
0x22e: {  	[tilespmem:s15], [sflag:$0x1] =	stream.linear.gather [hbm4b:s29+s2], $0x80, $0x38;
	[tilespmem:$0x14400] =	vst v63  }
0x22f: {  	(v2sf) =	vpush v63, $0x8;
	s6 =	sadd.s32 s4, s30;
	s12 =	sand.u32 $0x1FFFFFF0, s31;
	s15 =	spop (v2sf)  }
0x230: {  	(v2sf) =	vpush v1, $0x9;
	[tilespmem:s16], [sflag:$0x1] =	stream.linear.gather [hbm4b:s6+s2], $0x80, $0x38;
	[tilespmem:$0x14400] =	vst v63  }
0x231: {  	s19 =	sand.u32 $0x1FFFFFF0, s15;
	s20 =	spop (v2sf);
	s16 =	sadd.s32 s3, s12  }
0x232: {  	[tilespmem:s21], [sflag:$0x1] =	stream.linear.gather [hbm4b:s16+s2], $0x80, $0x38;
	[tilespmem:$0x14400] =	vst v63  }
0x233: {  	s23 =	sadd.s32 $0x10, s23;
	(v2sf) =	vpush v63, $0x9;
	s24 =	sadd.s32 s4, s19;
	s29 =	spop (v2sf)  }
0x234: {  	[tilespmem:s13], [sflag:$0x1] =	stream.linear.gather [hbm4b:s24+s2], $0x80, $0x38;
	[tilespmem:$0x14400] =	vst v63  }
0x235: {  	(v2sf) =	vpush v1, $0xA;
	s28 =	sand.u32 $0x1FFFFFF0, s20;
	s13 =	smov.u32 s1;
	s1 =	spop (v2sf)  }
0x236: {  	s30 =	sadd.s32 s3, s28;
	s31 =	sand.u32 $0x1FFFFFF0, s29;
	s15 =	spop (v2sf)  }
0x237: {  	(v2sf) =	vpush v63, $0xA;
	[tilespmem:s14], [sflag:$0x1] =	stream.linear.gather [hbm4b:s30+s2], $0x80, $0x38;
	[tilespmem:$0x14400] =	vst v63  }
0x238: {  	s6 =	sadd.s32 s4, s31;
	s14 =	sand.u32 $0x1FFFFFF0, s1;
	s20 =	spop (v2sf)  }
0x239: {  	(v2sf) =	vpush v1, $0xB;
	[tilespmem:s11], [sflag:$0x1] =	stream.linear.gather [hbm4b:s6+s2], $0x80, $0x38;
	[tilespmem:$0x14400] =	vst v63  }
0x23a: {  	s19 =	sand.u32 $0x1FFFFFF0, s15;
	s16 =	sadd.s32 s3, s14;
	s24 =	sand.u32 $0x1FFFFFF0, s20  }
0x23b: {  	[tilespmem:s10], [sflag:$0x1] =	stream.linear.gather [hbm4b:s16+s2], $0x80, $0x38;
	[tilespmem:$0x14400] =	vst v63  }
0x23c: {  	s21 =	sadd.s32 s4, s19;
	s29 =	sadd.s32 s3, s24;
	s24 =	rddreg [dreg:$0xe]  }
0x23d: {  	(v2sf) =	vpush v63, $0xB;
	[tilespmem:s9], [sflag:$0x1] =	stream.linear.gather [hbm4b:s21+s2], $0x80, $0x38;
	[tilespmem:$0x14400] =	vst v63  }
0x23e: {  	s12 =	smov.u32 s8;
	(v2sf) =	vpush v1, $0xC;
	s28 =	spop (v2sf);
	s9 =	sld [smem:$0x7F0]  }
0x23f: {  	s10 =	rddreg [dreg:$0x1d];
	s30 =	sand.u32 $0x1FFFFFF0, s28;
	s31 =	spop (v2sf)  }
0x240: {  	(v2sf) =	vpush v63, $0xC;
	s16 =	rddreg [dreg:$0x1a];
	s11 =	sadd.s32 s4, s30;
	s14 =	sand.u32 $0x1FFFFFF0, s31  }
0x241: {  	[tilespmem:s9], [sflag:$0x1] =	stream.linear.gather [hbm4b:s29+s2], $0x80, $0x38;
	[tilespmem:$0x14400] =	vst v63  }
0x242: {  	s31 =	rddreg [dreg:$0x16];
	s15 =	spop (v2sf);
	s19 =	sadd.s32 s3, s14  }
0x243: {  	[tilespmem:s16], [sflag:$0x1] =	stream.linear.gather [hbm4b:s11+s2], $0x80, $0x38;
	[tilespmem:$0x14400] =	vst v63  }
0x244: {  	s20 =	sand.u32 $0x1FFFFFF0, s15;
	s21 =	spop (v2sf);
	s15 =	rddreg [dreg:$0x12]  }
0x245: {  	[tilespmem:s24], [sflag:$0x1] =	stream.linear.gather [hbm4b:s19+s2], $0x80, $0x38;
	[tilespmem:$0x14400] =	vst v63  }
0x246: {  	s28 =	sadd.s32 s4, s20;
	s29 =	sand.u32 $0x1FFFFFF0, s21;
	s30 =	spop (v2sf)  }
0x247: {  	[tilespmem:s31], [sflag:$0x1] =	stream.linear.gather [hbm4b:s28+s2], $0x80, $0x38;
	[tilespmem:$0x14400] =	vst v63  }
0x248: {  	s9 =	sadd.s32 s3, s29;
	s11 =	sand.u32 $0x1FFFFFF0, s30;
	s14 =	spop (v2sf)  }
0x249: {  	[tilespmem:s15], [sflag:$0x1] =	stream.linear.gather [hbm4b:s9+s2], $0x80, $0x38;
	[tilespmem:$0x14400] =	vst v63  }
0x24a: {  	s21 =	rddreg [dreg:$0x6];
	s16 =	sadd.s32 s4, s11;
	s19 =	sand.u32 $0x1FFFFFF0, s14  }
0x24b: {  	(v2sf) =	vpush v1, $0xD;
	[tilespmem:s21], [sflag:$0x1] =	stream.linear.gather [hbm4b:s16+s2], $0x80, $0x38;
	[tilespmem:$0x14400] =	vst v63  }
.Ltmp3:
0x24c: {  	(v2sf) =	vpush v63, $0xD;
	s20 =	spop (v2sf);
	s24 =	sadd.s32 s3, s19;
	(pc) =	sbr.rel @p0 .LBB2_8-.Ltmp3, $4  }
0x24d: {  	(v2sf) =	vpush v1, $0xE;
	s28 =	sand.u32 $0x1FFFFFF0, s20;
	s29 =	spop (v2sf);
	s31 =	rddreg [dreg:$0xa]  }
0x24e: {  	(v2sf) =	vpush v63, $0xE;
	[tilespmem:s5], [sflag:$0x1] =	stream.linear.gather [hbm4b:s24+s2], $0x80, $0x38;
	[tilespmem:$0x14400] =	vst v63  }
0x24f: {  	(v2sf) =	vpush v1, $0xF;
	s30 =	sadd.s32 s4, s28;
	s0 =	sand.u32 $0x1FFFFFF0, s29;
	s1 =	spop (v2sf)  }
0x250: {  	(v2sf) =	vpush v63, $0xF;
	[tilespmem:s31], [sflag:$0x1] =	stream.linear.gather [hbm4b:s30+s2], $0x80, $0x38;
	[tilespmem:$0x14400] =	vst v63  }
0x251: {  	_ =	sdelay $0x4  }
0x252: {  	s0 =	sadd.s32 s3, s0;
	s1 =	sand.u32 $0x1FFFFFF0, s1  }
0x253: {  	[tilespmem:s26], [sflag:$0x1] =	stream.linear.gather [hbm4b:s0+s2], $0x80, $0x38;
	[tilespmem:$0x14400] =	vst v63  }
0x254: {  	s8 =	sadd.s32 s4, s1  }
0x255: {  	[tilespmem:s12], [sflag:$0x1] =	stream.linear.gather [hbm4b:s8+s2], $0x80, $0x38;
	[tilespmem:$0x14400] =	vst v63  }
0x256: {  	s5 =	spop (v2sf)  }
0x257: {  	s9 =	sand.u32 $0x1FFFFFF0, s5;
	s11 =	spop (v2sf)  }
0x258: {  	s14 =	sadd.s32 s3, s9;
	s15 =	sand.u32 $0x1FFFFFF0, s11;
	s16 =	spop (v2sf)  }
0x259: {  	[tilespmem:s13], [sflag:$0x1] =	stream.linear.gather [hbm4b:s14+s2], $0x80, $0x38;
	[tilespmem:$0x14400] =	vst v63  }
0x25a: {  	s18 =	sadd.s32 s4, s15;
	s19 =	sand.u32 $0x1FFFFFF0, s16;
	s20 =	spop (v2sf)  }
0x25b: {  	[tilespmem:s10], [sflag:$0x1] =	stream.linear.gather [hbm4b:s18+s2], $0x80, $0x38;
	[tilespmem:$0x14400] =	vst v63  }
0x25c: {  	s21 =	sadd.s32 s3, s19;
	s22 =	sand.u32 $0x1FFFFFF0, s20;
	s23 =	spop (v2sf)  }
0x25d: {  	[tilespmem:s25], [sflag:$0x1] =	stream.linear.gather [hbm4b:s21+s2], $0x80, $0x38;
	[tilespmem:$0x14400] =	vst v63  }
0x25e: {  	s24 =	sadd.s32 s4, s22;
	s26 =	spop (v2sf);
	s25 =	sand.u32 $0x1FFFFFF0, s23  }
0x25f: {  	[tilespmem:s7], [sflag:$0x1] =	stream.linear.gather [hbm4b:s24+s2], $0x80, $0x38;
	[tilespmem:$0x14400] =	vst v63  }
0x260: {  	s28 =	sadd.s32 $0xB80, s17;
	s5 =	sand.u32 $0x1FFFFFF0, s26;
	s1 =	sadd.s32 s3, s25  }
0x261: {  	[tilespmem:s28], [sflag:$0x1] =	stream.linear.gather [hbm4b:s1+s2], $0x80, $0x38;
	[tilespmem:$0x14400] =	vst v63  }
0x262: {  	s29 =	sadd.s32 $0x4B80, s17;
	s31 =	simm.s32 $0x2;
	s30 =	sadd.s32 s4, s5  }
0x263: {  	[tilespmem:s29], [sflag:$0x1] =	stream.linear.gather [hbm4b:s30+s2], $0x80, $0x38;
	[tilespmem:$0x14400] =	vst v63  }
0x264: {  	_ =	swait.ge [sflag:s31], $0x4000  }
0x265: {  	[sflag:s31] =	ssyncset.done $0x0  }
0x266: {  	[sflag:s31] =	ssyncadd.s32 $0xFFFFC000  }
0x267: {  	_ =	swait.ge [sflag:s31], $0x4000  }
0x268: {  	[sflag:s31] =	ssyncset.done $0x0  }
0x269: {  	s0 =	simm.s32 $0x0;
	[sflag:s31] =	ssyncadd.s32 $0xFFFFC000  }
0x26a: {  	v2 =	vld [tilespmem:s0+$0x8430]  }
0x26b: {  	v4 =	vld [tilespmem:s0+$0xC430]  }
0x26c: {  	v5 =	vld [tilespmem:s0+$0x8400]  }
0x26d: {  	v6 =	vld [tilespmem:s0+$0xC400]  }
0x26e: {  	v1 =	vld [tilespmem:s0+$0x8410]  }
0x26f: {  	v3 =	vld [tilespmem:s0+$0xC410]  }
0x270: {  	v0 =	vld [tilespmem:s0+$0x8420];
	v7 =	vmul.f32 v4, v2  }
0x271: {  	s1 =	simm.s32 $0x80;
	v4 =	vld [tilespmem:s0+$0xC420]  }
0x272: {  	s5 =	simm.s32 $0x400;
	v2 =	vld [tilespmem:s1+$0x8430];
	v5 =	vmul.f32 v6, v5;
	[tilespmem:s0+$0x10430] =	vst v7  }
.LBB2_10:
0x273: {  	p0 =	sne.s32 s5, $0xFE00;
	v6 =	vld [tilespmem:s1+$0xC430]  }
0x274: {  	v7 =	vld [tilespmem:s1+$0x8400];
	[tilespmem:s0+$0x10400] =	vst v5;
	v3 =	vmul.f32 v3, v1  }
0x275: {  	v5 =	vld [tilespmem:s1+$0xC400]  }
.Ltmp4:
0x276: {  	v1 =	vld [tilespmem:s1+$0x8410];
	[tilespmem:s0+$0x10410] =	vst v3;
	v4 =	vmul.f32 v4, v0;
	(pc) =	sbr.rel @p0 .LBB2_10-.Ltmp4, $4  }
0x277: {  	v3 =	vld [tilespmem:s1+$0xC410]  }
0x278: {  	v0 =	vld [tilespmem:s1+$0x8420];
	v6 =	vmul.f32 v6, v2;
	[tilespmem:s0+$0x10420] =	vst v4;
	s0 =	smov.u32 s1  }
0x279: {  	s1 =	sshra.s32 s5, $0x2;
	v4 =	vld [tilespmem:s0+$0xC420]  }
0x27a: {  	s5 =	sadd.s32 $0x200, s5;
	v2 =	vld [tilespmem:s1+$0x8430];
	v5 =	vmul.f32 v5, v7;
	[tilespmem:s0+$0x10430] =	vst v6  }
0x27b: {  	v6 =	vld [tilespmem:s1+$0xC430]  }
0x27c: {  	v7 =	vld [tilespmem:s1+$0x8400];
	[tilespmem:s0+$0x10400] =	vst v5;
	v1 =	vmul.f32 v3, v1  }
0x27d: {  	v58 =	vld [tilespmem:s1+$0xC400]  }
0x27e: {  	v5 =	vld [tilespmem:s1+$0x8410];
	[tilespmem:s0+$0x10410] =	vst v1;
	v0 =	vmul.f32 v4, v0  }
0x27f: {  	v1 =	vld [tilespmem:s1+$0xC410]  }
0x280: {  	v59 =	vld [tilespmem:s1+$0x8420];
	[tilespmem:s0+$0x10420] =	vst v0  }
0x281: {  	v0 =	vld [tilespmem:s1+$0xC420];
	_ =	sdelay $0x1  }
0x282: {  	v2 =	vmul.f32 v6, v2  }
0x283: {  	v3 =	vmul.f32 v58, v7  }
0x284: {  	[tilespmem:s1+$0x10430] =	vst v2;
	v1 =	vmul.f32 v1, v5  }
0x285: {  	s22 =	sld [smem:$0x7F9];
	[tilespmem:s1+$0x10400] =	vst v3;
	v0 =	vmul.f32 v0, v59  }
0x286: {  	[tilespmem:s1+$0x10410] =	vst v1  }
0x287: {  	s21 =	simm.s32 $0x0;
	s5 =	simm.s32 $0x10400;
	s23 =	simm.s32 $0x3;
	[tilespmem:s1+$0x10420] =	vst v0  }
0x288: {  	[hbm4b:s22+s21] =	stream.linear.scatter [tilespmem:s5], [sflag:$0x3], $0x4000, $0x38;
	[tilespmem:$0x14400] =	vst v63  }
0x289: {  	_ =	swait.ge [sflag:s23], $0x4000  }
0x28a: {  	[sflag:s23] =	ssyncset.done $0x0  }
0x28b: {  	s24 =	simm.s32 $0x180;
	[sflag:s23] =	ssyncadd.s32 $0xFFFFC000  }
0x28c: {  	s25 =	simm.s32 $0x380;
	v60 =	vld [tilespmem:s24+$0x0]  }
0x28d: {  	v61 =	vld [tilespmem:s25+$0x0];
	_ =	sdelay $0x3  }
0x28e: {  	v62 =	vshll.u32 v60, $0x4  }
0x28f: {  	v63 =	vshll.u32 v61, $0x4;
	(v2sf) =	vpush v62, $0x0  }
0x290: {  	(v2sf) =	vpush v63, $0x0  }
0x291: {  	(v2sf) =	vpush v62, $0x1;
	_ =	sdelay $0x1  }
0x292: {  	(v2sf) =	vpush v63, $0x1;
	_ =	sdelay $0x3  }
0x293: {  	(v2sf) =	vpush v62, $0x2;
	_ =	sdelay $0x1  }
0x294: {  	(v2sf) =	vpush v63, $0x2  }
0x295: {  	s18 =	simm.s32 $0x2000;
	(v2sf) =	vpush v62, $0x3  }
0x296: {  	s17 =	simm.s32 $0x0;
	s6 =	simm.s32 $0xC400;
	s7 =	simm.s32 $0x8400  }
0x297: {  	s9 =	simm.s32 $0x8600;
	s10 =	simm.s32 $0x8580;
	s29 =	simm.s32 $0x8480  }
0x298: {  	s13 =	simm.s32 $0x8500;
	s16 =	simm.s32 $0xC500;
	s0 =	simm.s32 $0xC900  }
0x299: {  	s1 =	simm.s32 $0x8880;
	s5 =	simm.s32 $0x8680;
	s8 =	spop (v2sf);
	(v2sf) =	vpush v63, $0x3  }
0x29a: {  	s23 =	simm.s32 $0xC600;
	s8 =	sand.u32 $0x1FFFFFF0, s8;
	s11 =	spop (v2sf)  }
0x29b: {  	(v2sf) =	vpush v62, $0x4;
	s8 =	sadd.s32 s3, s8;
	s26 =	sand.u32 $0x1FFFFFF0, s11;
	s28 =	spop (v2sf)  }
0x29c: {  	(v2sf) =	vpush v63, $0x4;
	[tilespmem:s7], [sflag:$0x2] =	stream.linear.gather [hbm4b:s8+s2], $0x80, $0x38;
	[tilespmem:$0x14400] =	vst v63  }
0x29d: {  	s8 =	sadd.s32 s4, s26;
	s11 =	sand.u32 $0x1FFFFFF0, s28;
	s12 =	spop (v2sf)  }
0x29e: {  	(v2sf) =	vpush v62, $0x5;
	[tilespmem:s6], [sflag:$0x2] =	stream.linear.gather [hbm4b:s8+s2], $0x80, $0x38;
	[tilespmem:$0x14400] =	vst v63  }
0x29f: {  	s7 =	simm.s32 $0xC580;
	s30 =	sadd.s32 s3, s11;
	s31 =	sand.u32 $0x1FFFFFF0, s12;
	(v2sf) =	vpush v63, $0x5  }
0x2a0: {  	[tilespmem:s29], [sflag:$0x2] =	stream.linear.gather [hbm4b:s30+s2], $0x80, $0x38;
	[tilespmem:$0x14400] =	vst v63  }
0x2a1: {  	s12 =	spop (v2sf);
	s8 =	simm.s32 $0xC480;
	s11 =	sadd.s32 s4, s31;
	(v2sf) =	vpush v62, $0x6  }
0x2a2: {  	[tilespmem:s8], [sflag:$0x2] =	stream.linear.gather [hbm4b:s11+s2], $0x80, $0x38;
	[tilespmem:$0x14400] =	vst v63  }
0x2a3: {  	s14 =	spop (v2sf);
	s31 =	simm.s32 $0x8700;
	s8 =	sand.u32 $0x1FFFFFF0, s12  }
0x2a4: {  	s15 =	spop (v2sf);
	s11 =	sand.u32 $0x1FFFFFF0, s14;
	s8 =	sadd.s32 s3, s8  }
0x2a5: {  	(v2sf) =	vpush v63, $0x6;
	[tilespmem:s13], [sflag:$0x2] =	stream.linear.gather [hbm4b:s8+s2], $0x80, $0x38;
	[tilespmem:$0x14400] =	vst v63  }
0x2a6: {  	s20 =	sand.u32 $0x1FFFFFF0, s15;
	s29 =	simm.s32 $0xC680;
	s19 =	sadd.s32 s4, s11  }
0x2a7: {  	[tilespmem:s16], [sflag:$0x2] =	stream.linear.gather [hbm4b:s19+s2], $0x80, $0x38;
	[tilespmem:$0x14400] =	vst v63  }
0x2a8: {  	s22 =	sadd.s32 s3, s20;
	s20 =	simm.s32 $0xC700;
	s21 =	spop (v2sf)  }
0x2a9: {  	(v2sf) =	vpush v62, $0x7;
	[tilespmem:s10], [sflag:$0x2] =	stream.linear.gather [hbm4b:s22+s2], $0x80, $0x38;
	[tilespmem:$0x14400] =	vst v63  }
0x2aa: {  	s12 =	simm.s32 $0xCA00;
	s6 =	sand.u32 $0x1FFFFFF0, s21;
	s24 =	spop (v2sf)  }
0x2ab: {  	s13 =	simm.s32 $0x8A80;
	(v2sf) =	vpush v63, $0x7;
	s6 =	sadd.s32 s4, s6;
	s25 =	spop (v2sf)  }
0x2ac: {  	(v2sf) =	vpush v62, $0x8;
	[tilespmem:s7], [sflag:$0x2] =	stream.linear.gather [hbm4b:s6+s2], $0x80, $0x38;
	[tilespmem:$0x14400] =	vst v63  }
0x2ad: {  	s10 =	sand.u32 $0x1FFFFFF0, s24;
	s28 =	sand.u32 $0x1FFFFFF0, s25;
	s30 =	spop (v2sf)  }
0x2ae: {  	s26 =	sadd.s32 s3, s10;
	(v2sf) =	vpush v63, $0x8;
	s7 =	sadd.s32 s4, s28;
	s10 =	spop (v2sf)  }
0x2af: {  	(v2sf) =	vpush v62, $0x9;
	[tilespmem:s9], [sflag:$0x2] =	stream.linear.gather [hbm4b:s26+s2], $0x80, $0x38;
	[tilespmem:$0x14400] =	vst v63  }
0x2b0: {  	s9 =	sand.u32 $0x1FFFFFF0, s30;
	s11 =	spop (v2sf);
	s26 =	simm.s32 $0xC780  }
0x2b1: {  	(v2sf) =	vpush v63, $0x9;
	[tilespmem:s23], [sflag:$0x2] =	stream.linear.gather [hbm4b:s7+s2], $0x80, $0x38;
	[tilespmem:$0x14400] =	vst v63  }
0x2b2: {  	s8 =	sadd.s32 s3, s9;
	s9 =	sand.u32 $0x1FFFFFF0, s10;
	s15 =	sand.u32 $0x1FFFFFF0, s11;
	(v2sf) =	vpush v62, $0xA  }
0x2b3: {  	[tilespmem:s5], [sflag:$0x2] =	stream.linear.gather [hbm4b:s8+s2], $0x80, $0x38;
	[tilespmem:$0x14400] =	vst v63  }
0x2b4: {  	s10 =	simm.s32 $0xCA80;
	s16 =	spop (v2sf);
	s14 =	sadd.s32 s4, s9;
	(v2sf) =	vpush v63, $0xA  }
0x2b5: {  	[tilespmem:s29], [sflag:$0x2] =	stream.linear.gather [hbm4b:s14+s2], $0x80, $0x38;
	[tilespmem:$0x14400] =	vst v63  }
0x2b6: {  	s11 =	simm.s32 $0xC880;
	s19 =	sadd.s32 s3, s15;
	s6 =	sand.u32 $0x1FFFFFF0, s16  }
0x2b7: {  	[tilespmem:s31], [sflag:$0x2] =	stream.linear.gather [hbm4b:s19+s2], $0x80, $0x38;
	[tilespmem:$0x14400] =	vst v63  }
0x2b8: {  	s23 =	simm.s32 $0x8780;
	s6 =	sadd.s32 s4, s6;
	s21 =	spop (v2sf)  }
0x2b9: {  	[tilespmem:s20], [sflag:$0x2] =	stream.linear.gather [hbm4b:s6+s2], $0x80, $0x38;
	[tilespmem:$0x14400] =	vst v63  }
0x2ba: {  	s15 =	simm.s32 $0x8900;
	(v2sf) =	vpush v62, $0xB;
	s8 =	sand.u32 $0x1FFFFFF0, s21;
	s22 =	spop (v2sf)  }
0x2bb: {  	s5 =	simm.s32 $0xC980;
	s24 =	sadd.s32 s3, s8;
	s28 =	spop (v2sf)  }
0x2bc: {  	(v2sf) =	vpush v63, $0xB;
	[tilespmem:s23], [sflag:$0x2] =	stream.linear.gather [hbm4b:s24+s2], $0x80, $0x38;
	[tilespmem:$0x14400] =	vst v63  }
0x2bd: {  	s29 =	simm.s32 $0x8800;
	s25 =	sand.u32 $0x1FFFFFF0, s22;
	s30 =	spop (v2sf)  }
0x2be: {  	s8 =	sadd.s32 s4, s25;
	s7 =	sand.u32 $0x1FFFFFF0, s28;
	s31 =	spop (v2sf)  }
0x2bf: {  	(v2sf) =	vpush v62, $0xC;
	[tilespmem:s26], [sflag:$0x2] =	stream.linear.gather [hbm4b:s8+s2], $0x80, $0x38;
	[tilespmem:$0x14400] =	vst v63  }
0x2c0: {  	s7 =	sadd.s32 s3, s7;
	s8 =	sand.u32 $0x1FFFFFF0, s30;
	s14 =	spop (v2sf)  }
0x2c1: {  	(v2sf) =	vpush v63, $0xC;
	s9 =	sand.u32 $0x1FFFFFF0, s31;
	s26 =	simm.s32 $0x8980;
	s16 =	spop (v2sf)  }
0x2c2: {  	[tilespmem:s29], [sflag:$0x2] =	stream.linear.gather [hbm4b:s7+s2], $0x80, $0x38;
	[tilespmem:$0x14400] =	vst v63  }
0x2c3: {  	s8 =	sadd.s32 s4, s8;
	s7 =	simm.s32 $0xC800;
	s19 =	spop (v2sf)  }
0x2c4: {  	[tilespmem:s7], [sflag:$0x2] =	stream.linear.gather [hbm4b:s8+s2], $0x80, $0x38;
	[tilespmem:$0x14400] =	vst v63  }
0x2c5: {  	s21 =	sand.u32 $0x1FFFFFF0, s19;
	s8 =	sadd.s32 s3, s9;
	s7 =	sand.u32 $0x1FFFFFF0, s14  }
0x2c6: {  	[tilespmem:s1], [sflag:$0x2] =	stream.linear.gather [hbm4b:s8+s2], $0x80, $0x38;
	[tilespmem:$0x14400] =	vst v63  }
0x2c7: {  	s23 =	sadd.s32 s4, s21;
	s7 =	sadd.s32 s4, s7;
	s8 =	sand.u32 $0x1FFFFFF0, s16  }
0x2c8: {  	[tilespmem:s11], [sflag:$0x2] =	stream.linear.gather [hbm4b:s7+s2], $0x80, $0x38;
	[tilespmem:$0x14400] =	vst v63  }
0x2c9: {  	s20 =	sadd.s32 s3, s8;
	s7 =	simm.s32 $0xCB00;
	s22 =	spop (v2sf)  }
0x2ca: {  	[tilespmem:s15], [sflag:$0x2] =	stream.linear.gather [hbm4b:s20+s2], $0x80, $0x38;
	[tilespmem:$0x14400] =	vst v63  }
0x2cb: {  	s24 =	sand.u32 $0x1FFFFFF0, s22;
	s25 =	spop (v2sf);
	s22 =	simm.s32 $0x390  }
0x2cc: {  	(v2sf) =	vpush v62, $0xD;
	[tilespmem:s0], [sflag:$0x2] =	stream.linear.gather [hbm4b:s23+s2], $0x80, $0x38;
	[tilespmem:$0x14400] =	vst v63  }
0x2cd: {  	(v2sf) =	vpush v63, $0xD;
	s28 =	sadd.s32 s3, s24;
	s29 =	sand.u32 $0x1FFFFFF0, s25;
	s23 =	simm.s32 $0x190  }
0x2ce: {  	(v2sf) =	vpush v62, $0xE;
	s25 =	simm.s32 $0x8B00;
	s30 =	sadd.s32 s4, s29;
	s31 =	spop (v2sf)  }
0x2cf: {  	(v2sf) =	vpush v63, $0xE;
	[tilespmem:s26], [sflag:$0x2] =	stream.linear.gather [hbm4b:s28+s2], $0x80, $0x38;
	[tilespmem:$0x14400] =	vst v63  }
0x2d0: {  	s26 =	simm.s32 $0x8A00;
	(v2sf) =	vpush v62, $0xF;
	s0 =	sand.u32 $0x1FFFFFF0, s31;
	s1 =	spop (v2sf)  }
0x2d1: {  	(v2sf) =	vpush v63, $0xF;
	[tilespmem:s5], [sflag:$0x2] =	stream.linear.gather [hbm4b:s30+s2], $0x80, $0x38;
	[tilespmem:$0x14400] =	vst v63  }
.LBB2_12:
0x2d2: {  	_ =	sdelay $0x4  }
0x2d3: {  	s0 =	sadd.s32 s3, s0;
	s1 =	sand.u32 $0x1FFFFFF0, s1  }
0x2d4: {  	[tilespmem:s26], [sflag:$0x2] =	stream.linear.gather [hbm4b:s0+s2], $0x80, $0x38;
	[tilespmem:$0x14400] =	vst v63  }
0x2d5: {  	s24 =	sadd.s32 s4, s1  }
0x2d6: {  	[tilespmem:s12], [sflag:$0x2] =	stream.linear.gather [hbm4b:s24+s2], $0x80, $0x38;
	[tilespmem:$0x14400] =	vst v63  }
0x2d7: {  	s5 =	spop (v2sf)  }
0x2d8: {  	s26 =	sand.u32 $0x1FFFFFF0, s5;
	s28 =	spop (v2sf)  }
0x2d9: {  	s29 =	sadd.s32 s3, s26;
	s30 =	sand.u32 $0x1FFFFFF0, s28;
	s31 =	spop (v2sf)  }
0x2da: {  	[tilespmem:s13], [sflag:$0x2] =	stream.linear.gather [hbm4b:s29+s2], $0x80, $0x38;
	[tilespmem:$0x14400] =	vst v63  }
0x2db: {  	s1 =	sadd.s32 s4, s30;
	s5 =	sand.u32 $0x1FFFFFF0, s31;
	s6 =	spop (v2sf)  }
0x2dc: {  	[tilespmem:s10], [sflag:$0x2] =	stream.linear.gather [hbm4b:s1+s2], $0x80, $0x38;
	[tilespmem:$0x14400] =	vst v63  }
0x2dd: {  	s8 =	sadd.s32 s3, s5;
	s9 =	sand.u32 $0x1FFFFFF0, s6;
	s10 =	spop (v2sf)  }
0x2de: {  	[tilespmem:s25], [sflag:$0x2] =	stream.linear.gather [hbm4b:s8+s2], $0x80, $0x38;
	[tilespmem:$0x14400] =	vst v63  }
0x2df: {  	s11 =	sadd.s32 s4, s9;
	s12 =	sand.u32 $0x1FFFFFF0, s10;
	s13 =	spop (v2sf)  }
0x2e0: {  	[tilespmem:s7], [sflag:$0x2] =	stream.linear.gather [hbm4b:s11+s2], $0x80, $0x38;
	[tilespmem:$0x14400] =	vst v63  }
0x2e1: {  	s14 =	sadd.s32 $0x8B80, s17;
	s1 =	sadd.s32 s3, s12;
	s5 =	sand.u32 $0x1FFFFFF0, s13  }
0x2e2: {  	[tilespmem:s14], [sflag:$0x2] =	stream.linear.gather [hbm4b:s1+s2], $0x80, $0x38;
	[tilespmem:$0x14400] =	vst v63  }
0x2e3: {  	s15 =	sadd.s32 $0xCB80, s17;
	s16 =	sadd.s32 s4, s5  }
0x2e4: {  	[tilespmem:s15], [sflag:$0x2] =	stream.linear.gather [hbm4b:s16+s2], $0x80, $0x38;
	[tilespmem:$0x14400] =	vst v63  }
0x2e5: {  	v0 =	vld [tilespmem:s23+$0x0]  }
0x2e6: {  	v2 =	vld [tilespmem:s22+$0x0];
	_ =	sdelay $0x3  }
0x2e7: {  	v1 =	vshll.u32 v0, $0x4  }
0x2e8: {  	s17 =	smov.u32 s18;
	v63 =	vshll.u32 v2, $0x4;
	(v2sf) =	vpush v1, $0x0  }
0x2e9: {  	s17 =	sshra.s32 s17, $0x2;
	(v2sf) =	vpush v63, $0x0  }
0x2ea: {  	s0 =	sadd.s32 $0x8680, s17;
	(v2sf) =	vpush v1, $0x1  }
0x2eb: {  	p0 =	sne.s32 s18, $0xE000;
	s19 =	sadd.s32 $0x8880, s17;
	[smem:$0x7ED] =	sst s0  }
0x2ec: {  	s18 =	sadd.s32 $0x2000, s18;
	s20 =	sadd.s32 $0xC900, s17;
	[dreg:$0xf] =	wrdreg s19;
	(v2sf) =	vpush v63, $0x1  }
0x2ed: {  	s21 =	sadd.s32 $0xC980, s17;
	[dreg:$0x7] =	wrdreg s20;
	s19 =	sadd.s32 $0x8500, s17  }
0x2ee: {  	s0 =	sadd.s32 $0xC500, s17;
	[dreg:$0xb] =	wrdreg s21;
	s24 =	sadd.s32 $0xCA80, s17;
	(v2sf) =	vpush v1, $0x2  }
0x2ef: {  	s20 =	sadd.s32 $0x8480, s17;
	[dreg:$0x1e] =	wrdreg s24;
	s28 =	sadd.s32 $0x8400, s17;
	(v2sf) =	vpush v63, $0x2  }
0x2f0: {  	s26 =	sadd.s32 $0x8900, s17;
	s29 =	sadd.s32 $0xC400, s17;
	s31 =	sadd.s32 $0x8580, s17  }
0x2f1: {  	s30 =	sadd.s32 $0xC480, s17;
	[dreg:$0x13] =	wrdreg s26;
	s6 =	sadd.s32 $0xC800, s17;
	(v2sf) =	vpush v1, $0x3  }
0x2f2: {  	s26 =	sadd.s32 $0x8A00, s17;
	[dreg:$0x1b] =	wrdreg s6;
	s9 =	sadd.s32 $0xC780, s17  }
0x2f3: {  	s10 =	sadd.s32 $0x8780, s17;
	s12 =	sadd.s32 $0xC580, s17;
	s25 =	sadd.s32 $0xC880, s17;
	(v2sf) =	vpush v63, $0x3  }
0x2f4: {  	s8 =	sadd.s32 $0xCA00, s17;
	s13 =	sadd.s32 $0xC680, s17;
	[dreg:$0x17] =	wrdreg s25  }
0x2f5: {  	s25 =	sadd.s32 $0x8B00, s17;
	s5 =	sadd.s32 $0x8980, s17;
	s7 =	sadd.s32 $0x8800, s17;
	(v2sf) =	vpush v1, $0x4  }
0x2f6: {  	s11 =	sadd.s32 $0xC700, s17;
	[smem:$0x7EE] =	sst s7;
	s7 =	sadd.s32 $0xCB00, s17  }
0x2f7: {  	s1 =	sadd.s32 $0x8A80, s17;
	s14 =	sadd.s32 $0x8700, s17;
	s21 =	spop (v2sf)  }
0x2f8: {  	s15 =	sadd.s32 $0x8600, s17;
	s21 =	sand.u32 $0x1FFFFFF0, s21;
	s24 =	spop (v2sf)  }
0x2f9: {  	(v2sf) =	vpush v63, $0x4;
	s21 =	sadd.s32 s3, s21;
	s24 =	sand.u32 $0x1FFFFFF0, s24;
	s6 =	spop (v2sf)  }
0x2fa: {  	[tilespmem:s28], [sflag:$0x2] =	stream.linear.gather [hbm4b:s21+s2], $0x80, $0x38;
	[tilespmem:$0x14400] =	vst v63  }
0x2fb: {  	(v2sf) =	vpush v1, $0x5;
	s24 =	sadd.s32 s4, s24;
	s6 =	sand.u32 $0x1FFFFFF0, s6;
	s28 =	spop (v2sf)  }
0x2fc: {  	[tilespmem:s29], [sflag:$0x2] =	stream.linear.gather [hbm4b:s24+s2], $0x80, $0x38;
	[tilespmem:$0x14400] =	vst v63  }
0x2fd: {  	(v2sf) =	vpush v63, $0x5;
	s6 =	sadd.s32 s3, s6;
	s28 =	sand.u32 $0x1FFFFFF0, s28;
	s29 =	spop (v2sf)  }
0x2fe: {  	s21 =	sadd.s32 s4, s28;
	s28 =	sand.u32 $0x1FFFFFF0, s29;
	s29 =	spop (v2sf)  }
0x2ff: {  	(v2sf) =	vpush v1, $0x6;
	[tilespmem:s20], [sflag:$0x2] =	stream.linear.gather [hbm4b:s6+s2], $0x80, $0x38;
	[tilespmem:$0x14400] =	vst v63  }
0x300: {  	s16 =	sadd.s32 $0xC600, s17;
	s22 =	sadd.s32 $0x10, s22;
	s24 =	spop (v2sf)  }
0x301: {  	(v2sf) =	vpush v63, $0x6;
	[tilespmem:s30], [sflag:$0x2] =	stream.linear.gather [hbm4b:s21+s2], $0x80, $0x38;
	[tilespmem:$0x14400] =	vst v63  }
0x302: {  	s20 =	sadd.s32 s3, s28;
	s21 =	sand.u32 $0x1FFFFFF0, s29;
	s30 =	spop (v2sf)  }
0x303: {  	(v2sf) =	vpush v1, $0x7;
	[tilespmem:s19], [sflag:$0x2] =	stream.linear.gather [hbm4b:s20+s2], $0x80, $0x38;
	[tilespmem:$0x14400] =	vst v63  }
0x304: {  	s29 =	sand.u32 $0x1FFFFFF0, s24;
	(v2sf) =	vpush v63, $0x7;
	s28 =	sadd.s32 s4, s21;
	s20 =	spop (v2sf)  }
0x305: {  	[tilespmem:s0], [sflag:$0x2] =	stream.linear.gather [hbm4b:s28+s2], $0x80, $0x38;
	[tilespmem:$0x14400] =	vst v63  }
0x306: {  	s6 =	sadd.s32 s3, s29;
	s19 =	sand.u32 $0x1FFFFFF0, s30;
	(v2sf) =	vpush v1, $0x8;
	s24 =	sand.u32 $0x1FFFFFF0, s20  }
0x307: {  	[tilespmem:s31], [sflag:$0x2] =	stream.linear.gather [hbm4b:s6+s2], $0x80, $0x38;
	[tilespmem:$0x14400] =	vst v63  }
0x308: {  	s21 =	sadd.s32 s4, s19;
	s29 =	sadd.s32 s3, s24;
	s28 =	spop (v2sf)  }
0x309: {  	[tilespmem:s12], [sflag:$0x2] =	stream.linear.gather [hbm4b:s21+s2], $0x80, $0x38;
	[tilespmem:$0x14400] =	vst v63  }
0x30a: {  	s30 =	sand.u32 $0x1FFFFFF0, s28;
	s31 =	spop (v2sf);
	s21 =	sld [smem:$0x7ED]  }
0x30b: {  	[tilespmem:s15], [sflag:$0x2] =	stream.linear.gather [hbm4b:s29+s2], $0x80, $0x38;
	[tilespmem:$0x14400] =	vst v63  }
0x30c: {  	(v2sf) =	vpush v63, $0x8;
	s6 =	sadd.s32 s4, s30;
	s12 =	sand.u32 $0x1FFFFFF0, s31;
	s15 =	spop (v2sf)  }
0x30d: {  	(v2sf) =	vpush v1, $0x9;
	[tilespmem:s16], [sflag:$0x2] =	stream.linear.gather [hbm4b:s6+s2], $0x80, $0x38;
	[tilespmem:$0x14400] =	vst v63  }
0x30e: {  	s19 =	sand.u32 $0x1FFFFFF0, s15;
	s20 =	spop (v2sf);
	s16 =	sadd.s32 s3, s12  }
0x30f: {  	[tilespmem:s21], [sflag:$0x2] =	stream.linear.gather [hbm4b:s16+s2], $0x80, $0x38;
	[tilespmem:$0x14400] =	vst v63  }
0x310: {  	s23 =	sadd.s32 $0x10, s23;
	(v2sf) =	vpush v63, $0x9;
	s24 =	sadd.s32 s4, s19;
	s29 =	spop (v2sf)  }
0x311: {  	[tilespmem:s13], [sflag:$0x2] =	stream.linear.gather [hbm4b:s24+s2], $0x80, $0x38;
	[tilespmem:$0x14400] =	vst v63  }
0x312: {  	(v2sf) =	vpush v1, $0xA;
	s28 =	sand.u32 $0x1FFFFFF0, s20;
	s13 =	smov.u32 s1;
	s1 =	spop (v2sf)  }
0x313: {  	s30 =	sadd.s32 s3, s28;
	s31 =	sand.u32 $0x1FFFFFF0, s29;
	s15 =	spop (v2sf)  }
0x314: {  	(v2sf) =	vpush v63, $0xA;
	[tilespmem:s14], [sflag:$0x2] =	stream.linear.gather [hbm4b:s30+s2], $0x80, $0x38;
	[tilespmem:$0x14400] =	vst v63  }
0x315: {  	s6 =	sadd.s32 s4, s31;
	s14 =	sand.u32 $0x1FFFFFF0, s1;
	s20 =	spop (v2sf)  }
0x316: {  	(v2sf) =	vpush v1, $0xB;
	[tilespmem:s11], [sflag:$0x2] =	stream.linear.gather [hbm4b:s6+s2], $0x80, $0x38;
	[tilespmem:$0x14400] =	vst v63  }
0x317: {  	s19 =	sand.u32 $0x1FFFFFF0, s15;
	s16 =	sadd.s32 s3, s14;
	s24 =	sand.u32 $0x1FFFFFF0, s20  }
0x318: {  	[tilespmem:s10], [sflag:$0x2] =	stream.linear.gather [hbm4b:s16+s2], $0x80, $0x38;
	[tilespmem:$0x14400] =	vst v63  }
0x319: {  	s21 =	sadd.s32 s4, s19;
	s29 =	sadd.s32 s3, s24;
	s24 =	rddreg [dreg:$0xf]  }
0x31a: {  	(v2sf) =	vpush v63, $0xB;
	[tilespmem:s9], [sflag:$0x2] =	stream.linear.gather [hbm4b:s21+s2], $0x80, $0x38;
	[tilespmem:$0x14400] =	vst v63  }
0x31b: {  	s12 =	smov.u32 s8;
	(v2sf) =	vpush v1, $0xC;
	s28 =	spop (v2sf);
	s9 =	sld [smem:$0x7EE]  }
0x31c: {  	s10 =	rddreg [dreg:$0x1e];
	s30 =	sand.u32 $0x1FFFFFF0, s28;
	s31 =	spop (v2sf)  }
0x31d: {  	(v2sf) =	vpush v63, $0xC;
	s16 =	rddreg [dreg:$0x1b];
	s11 =	sadd.s32 s4, s30;
	s14 =	sand.u32 $0x1FFFFFF0, s31  }
0x31e: {  	[tilespmem:s9], [sflag:$0x2] =	stream.linear.gather [hbm4b:s29+s2], $0x80, $0x38;
	[tilespmem:$0x14400] =	vst v63  }
0x31f: {  	s31 =	rddreg [dreg:$0x17];
	s15 =	spop (v2sf);
	s19 =	sadd.s32 s3, s14  }
0x320: {  	[tilespmem:s16], [sflag:$0x2] =	stream.linear.gather [hbm4b:s11+s2], $0x80, $0x38;
	[tilespmem:$0x14400] =	vst v63  }
0x321: {  	s20 =	sand.u32 $0x1FFFFFF0, s15;
	s21 =	spop (v2sf);
	s15 =	rddreg [dreg:$0x13]  }
0x322: {  	[tilespmem:s24], [sflag:$0x2] =	stream.linear.gather [hbm4b:s19+s2], $0x80, $0x38;
	[tilespmem:$0x14400] =	vst v63  }
0x323: {  	s28 =	sadd.s32 s4, s20;
	s29 =	sand.u32 $0x1FFFFFF0, s21;
	s30 =	spop (v2sf)  }
0x324: {  	[tilespmem:s31], [sflag:$0x2] =	stream.linear.gather [hbm4b:s28+s2], $0x80, $0x38;
	[tilespmem:$0x14400] =	vst v63  }
0x325: {  	s9 =	sadd.s32 s3, s29;
	s11 =	sand.u32 $0x1FFFFFF0, s30;
	s14 =	spop (v2sf)  }
0x326: {  	[tilespmem:s15], [sflag:$0x2] =	stream.linear.gather [hbm4b:s9+s2], $0x80, $0x38;
	[tilespmem:$0x14400] =	vst v63  }
0x327: {  	s21 =	rddreg [dreg:$0x7];
	s16 =	sadd.s32 s4, s11;
	s19 =	sand.u32 $0x1FFFFFF0, s14  }
0x328: {  	(v2sf) =	vpush v1, $0xD;
	[tilespmem:s21], [sflag:$0x2] =	stream.linear.gather [hbm4b:s16+s2], $0x80, $0x38;
	[tilespmem:$0x14400] =	vst v63  }
.Ltmp5:
0x329: {  	(v2sf) =	vpush v63, $0xD;
	s20 =	spop (v2sf);
	s24 =	sadd.s32 s3, s19;
	(pc) =	sbr.rel @p0 .LBB2_12-.Ltmp5, $4  }
0x32a: {  	(v2sf) =	vpush v1, $0xE;
	s28 =	sand.u32 $0x1FFFFFF0, s20;
	s29 =	spop (v2sf);
	s31 =	rddreg [dreg:$0xb]  }
0x32b: {  	(v2sf) =	vpush v63, $0xE;
	[tilespmem:s5], [sflag:$0x2] =	stream.linear.gather [hbm4b:s24+s2], $0x80, $0x38;
	[tilespmem:$0x14400] =	vst v63  }
0x32c: {  	(v2sf) =	vpush v1, $0xF;
	s30 =	sadd.s32 s4, s28;
	s0 =	sand.u32 $0x1FFFFFF0, s29;
	s1 =	spop (v2sf)  }
0x32d: {  	(v2sf) =	vpush v63, $0xF;
	[tilespmem:s31], [sflag:$0x2] =	stream.linear.gather [hbm4b:s30+s2], $0x80, $0x38;
	[tilespmem:$0x14400] =	vst v63  }
0x32e: {  	_ =	sdelay $0x4  }
0x32f: {  	s0 =	sadd.s32 s3, s0;
	s1 =	sand.u32 $0x1FFFFFF0, s1  }
0x330: {  	[tilespmem:s26], [sflag:$0x2] =	stream.linear.gather [hbm4b:s0+s2], $0x80, $0x38;
	[tilespmem:$0x14400] =	vst v63  }
0x331: {  	s8 =	sadd.s32 s4, s1  }
0x332: {  	[tilespmem:s12], [sflag:$0x2] =	stream.linear.gather [hbm4b:s8+s2], $0x80, $0x38;
	[tilespmem:$0x14400] =	vst v63  }
0x333: {  	s5 =	spop (v2sf)  }
0x334: {  	s9 =	sand.u32 $0x1FFFFFF0, s5;
	s11 =	spop (v2sf)  }
0x335: {  	s14 =	sadd.s32 s3, s9;
	s15 =	sand.u32 $0x1FFFFFF0, s11;
	s16 =	spop (v2sf)  }
0x336: {  	[tilespmem:s13], [sflag:$0x2] =	stream.linear.gather [hbm4b:s14+s2], $0x80, $0x38;
	[tilespmem:$0x14400] =	vst v63  }
0x337: {  	s18 =	sadd.s32 s4, s15;
	s19 =	sand.u32 $0x1FFFFFF0, s16;
	s20 =	spop (v2sf)  }
0x338: {  	[tilespmem:s10], [sflag:$0x2] =	stream.linear.gather [hbm4b:s18+s2], $0x80, $0x38;
	[tilespmem:$0x14400] =	vst v63  }
0x339: {  	s21 =	sadd.s32 s3, s19;
	s22 =	sand.u32 $0x1FFFFFF0, s20;
	s23 =	spop (v2sf)  }
0x33a: {  	[tilespmem:s25], [sflag:$0x2] =	stream.linear.gather [hbm4b:s21+s2], $0x80, $0x38;
	[tilespmem:$0x14400] =	vst v63  }
0x33b: {  	s24 =	sadd.s32 s4, s22;
	s26 =	spop (v2sf);
	s25 =	sand.u32 $0x1FFFFFF0, s23  }
0x33c: {  	[tilespmem:s7], [sflag:$0x2] =	stream.linear.gather [hbm4b:s24+s2], $0x80, $0x38;
	[tilespmem:$0x14400] =	vst v63  }
0x33d: {  	s28 =	sadd.s32 $0x8B80, s17;
	s5 =	sand.u32 $0x1FFFFFF0, s26;
	s1 =	sadd.s32 s3, s25  }
0x33e: {  	[tilespmem:s28], [sflag:$0x2] =	stream.linear.gather [hbm4b:s1+s2], $0x80, $0x38;
	[tilespmem:$0x14400] =	vst v63  }
0x33f: {  	s29 =	sadd.s32 $0xCB80, s17;
	s31 =	simm.s32 $0x1;
	s30 =	sadd.s32 s4, s5  }
0x340: {  	[tilespmem:s29], [sflag:$0x2] =	stream.linear.gather [hbm4b:s30+s2], $0x80, $0x38;
	[tilespmem:$0x14400] =	vst v63  }
0x341: {  	_ =	swait.ge [sflag:s31], $0x4000  }
0x342: {  	[sflag:s31] =	ssyncset.done $0x0  }
0x343: {  	[sflag:s31] =	ssyncadd.s32 $0xFFFFC000  }
0x344: {  	_ =	swait.ge [sflag:s31], $0x4000  }
0x345: {  	[sflag:s31] =	ssyncset.done $0x0  }
0x346: {  	s0 =	simm.s32 $0x0;
	[sflag:s31] =	ssyncadd.s32 $0xFFFFC000  }
0x347: {  	v2 =	vld [tilespmem:s0+$0x430]  }
0x348: {  	v4 =	vld [tilespmem:s0+$0x4430]  }
0x349: {  	v5 =	vld [tilespmem:s0+$0x400]  }
0x34a: {  	v6 =	vld [tilespmem:s0+$0x4400]  }
0x34b: {  	v1 =	vld [tilespmem:s0+$0x410]  }
0x34c: {  	v3 =	vld [tilespmem:s0+$0x4410]  }
0x34d: {  	v0 =	vld [tilespmem:s0+$0x420];
	v7 =	vmul.f32 v4, v2  }
0x34e: {  	s1 =	simm.s32 $0x80;
	v4 =	vld [tilespmem:s0+$0x4420]  }
0x34f: {  	s5 =	simm.s32 $0x400;
	v2 =	vld [tilespmem:s1+$0x430];
	v5 =	vmul.f32 v6, v5;
	[tilespmem:s0+$0x10430] =	vst v7  }
.LBB2_14:
0x350: {  	p0 =	sne.s32 s5, $0xFE00;
	v6 =	vld [tilespmem:s1+$0x4430]  }
0x351: {  	v7 =	vld [tilespmem:s1+$0x400];
	[tilespmem:s0+$0x10400] =	vst v5;
	v3 =	vmul.f32 v3, v1  }
0x352: {  	v5 =	vld [tilespmem:s1+$0x4400]  }
.Ltmp6:
0x353: {  	v1 =	vld [tilespmem:s1+$0x410];
	[tilespmem:s0+$0x10410] =	vst v3;
	v4 =	vmul.f32 v4, v0;
	(pc) =	sbr.rel @p0 .LBB2_14-.Ltmp6, $4  }
0x354: {  	v3 =	vld [tilespmem:s1+$0x4410]  }
0x355: {  	v0 =	vld [tilespmem:s1+$0x420];
	v6 =	vmul.f32 v6, v2;
	[tilespmem:s0+$0x10420] =	vst v4;
	s0 =	smov.u32 s1  }
0x356: {  	s1 =	sshra.s32 s5, $0x2;
	v4 =	vld [tilespmem:s0+$0x4420]  }
0x357: {  	s5 =	sadd.s32 $0x200, s5;
	v2 =	vld [tilespmem:s1+$0x430];
	v5 =	vmul.f32 v5, v7;
	[tilespmem:s0+$0x10430] =	vst v6  }
0x358: {  	v6 =	vld [tilespmem:s1+$0x4430]  }
0x359: {  	v7 =	vld [tilespmem:s1+$0x400];
	[tilespmem:s0+$0x10400] =	vst v5;
	v1 =	vmul.f32 v3, v1  }
0x35a: {  	v3 =	vld [tilespmem:s1+$0x4400]  }
0x35b: {  	v5 =	vld [tilespmem:s1+$0x410];
	[tilespmem:s0+$0x10410] =	vst v1;
	v0 =	vmul.f32 v4, v0  }
0x35c: {  	v1 =	vld [tilespmem:s1+$0x4410]  }
0x35d: {  	v4 =	vld [tilespmem:s1+$0x420];
	[tilespmem:s0+$0x10420] =	vst v0  }
0x35e: {  	v0 =	vld [tilespmem:s1+$0x4420];
	_ =	sdelay $0x1  }
0x35f: {  	v2 =	vmul.f32 v6, v2  }
0x360: {  	v3 =	vmul.f32 v3, v7  }
0x361: {  	[tilespmem:s1+$0x10430] =	vst v2;
	v1 =	vmul.f32 v1, v5  }
0x362: {  	s30 =	sld [smem:$0x7FB];
	[tilespmem:s1+$0x10400] =	vst v3;
	v0 =	vmul.f32 v0, v4  }
0x363: {  	[tilespmem:s1+$0x10410] =	vst v1  }
0x364: {  	s29 =	simm.s32 $0x0;
	s5 =	simm.s32 $0x10400;
	s6 =	simm.s32 $0x3;
	[tilespmem:s1+$0x10420] =	vst v0  }
0x365: {  	[hbm4b:s30+s29] =	stream.linear.scatter [tilespmem:s5], [sflag:$0x3], $0x4000, $0x38;
	[tilespmem:$0x14400] =	vst v63  }
0x366: {  	_ =	swait.ge [sflag:s6], $0x4000  }
0x367: {  	[sflag:s6] =	ssyncset.done $0x0  }
0x368: {  	s31 =	simm.s32 $0x2;
	[sflag:s6] =	ssyncadd.s32 $0xFFFFC000  }
0x369: {  	_ =	swait.ge [sflag:s31], $0x4000  }
0x36a: {  	[sflag:s31] =	ssyncset.done $0x0  }
0x36b: {  	[sflag:s31] =	ssyncadd.s32 $0xFFFFC000  }
0x36c: {  	_ =	swait.ge [sflag:s31], $0x4000  }
0x36d: {  	[sflag:s31] =	ssyncset.done $0x0  }
0x36e: {  	s0 =	simm.s32 $0x0;
	[sflag:s31] =	ssyncadd.s32 $0xFFFFC000  }
0x36f: {  	v2 =	vld [tilespmem:s0+$0x8430]  }
0x370: {  	v4 =	vld [tilespmem:s0+$0xC430]  }
0x371: {  	v5 =	vld [tilespmem:s0+$0x8400]  }
0x372: {  	v6 =	vld [tilespmem:s0+$0xC400]  }
0x373: {  	v1 =	vld [tilespmem:s0+$0x8410]  }
0x374: {  	v3 =	vld [tilespmem:s0+$0xC410]  }
0x375: {  	v0 =	vld [tilespmem:s0+$0x8420];
	v7 =	vmul.f32 v4, v2  }
0x376: {  	s1 =	simm.s32 $0x80;
	v4 =	vld [tilespmem:s0+$0xC420]  }
0x377: {  	s5 =	simm.s32 $0x400;
	v2 =	vld [tilespmem:s1+$0x8430];
	v5 =	vmul.f32 v6, v5;
	[tilespmem:s0+$0x10430] =	vst v7  }
.LBB2_16:
0x378: {  	p0 =	sne.s32 s5, $0xFE00;
	v6 =	vld [tilespmem:s1+$0xC430]  }
0x379: {  	v7 =	vld [tilespmem:s1+$0x8400];
	[tilespmem:s0+$0x10400] =	vst v5;
	v3 =	vmul.f32 v3, v1  }
0x37a: {  	v5 =	vld [tilespmem:s1+$0xC400]  }
.Ltmp7:
0x37b: {  	v1 =	vld [tilespmem:s1+$0x8410];
	[tilespmem:s0+$0x10410] =	vst v3;
	v4 =	vmul.f32 v4, v0;
	(pc) =	sbr.rel @p0 .LBB2_16-.Ltmp7, $4  }
0x37c: {  	v3 =	vld [tilespmem:s1+$0xC410]  }
0x37d: {  	v0 =	vld [tilespmem:s1+$0x8420];
	v6 =	vmul.f32 v6, v2;
	[tilespmem:s0+$0x10420] =	vst v4;
	s0 =	smov.u32 s1  }
0x37e: {  	s1 =	sshra.s32 s5, $0x2;
	v4 =	vld [tilespmem:s0+$0xC420]  }
0x37f: {  	s5 =	sadd.s32 $0x200, s5;
	v2 =	vld [tilespmem:s1+$0x8430];
	v5 =	vmul.f32 v5, v7;
	[tilespmem:s0+$0x10430] =	vst v6  }
0x380: {  	v6 =	vld [tilespmem:s1+$0xC430]  }
0x381: {  	v7 =	vld [tilespmem:s1+$0x8400];
	[tilespmem:s0+$0x10400] =	vst v5;
	v1 =	vmul.f32 v3, v1  }
0x382: {  	v62 =	vld [tilespmem:s1+$0xC400]  }
0x383: {  	v5 =	vld [tilespmem:s1+$0x8410];
	[tilespmem:s0+$0x10410] =	vst v1;
	v0 =	vmul.f32 v4, v0  }
0x384: {  	v1 =	vld [tilespmem:s1+$0xC410]  }
0x385: {  	v63 =	vld [tilespmem:s1+$0x8420];
	[tilespmem:s0+$0x10420] =	vst v0  }
0x386: {  	v0 =	vld [tilespmem:s1+$0xC420];
	_ =	sdelay $0x1  }
0x387: {  	v2 =	vmul.f32 v6, v2  }
0x388: {  	v3 =	vmul.f32 v62, v7  }
0x389: {  	[tilespmem:s1+$0x10430] =	vst v2;
	v1 =	vmul.f32 v1, v5  }
0x38a: {  	s28 =	sld [smem:$0x7FC];
	[tilespmem:s1+$0x10400] =	vst v3;
	v0 =	vmul.f32 v0, v63  }
0x38b: {  	[tilespmem:s1+$0x10410] =	vst v1  }
0x38c: {  	s29 =	simm.s32 $0x10400;
	[tilespmem:s1+$0x10420] =	vst v0  }
0x38d: {  	[hbm4b:s28+s2] =	stream.linear.scatter [tilespmem:s29], [sflag:$0x3], $0x4000, $0x38;
	[tilespmem:$0x14400] =	vst v63  }
0x38e: {  	_ =	swait.ge [sflag:s6], $0x4000  }
0x38f: {  	s30 =	sld [smem:$0x7F6]  }
0x390: {  	s31 =	sld [smem:$0x7FD];
	_ =	sdelay $0x1  }
0x391: {  	s1 =	sadd.s32 $0x1, s30  }
0x392: {  	p0 =	sne.s32 s1, s31  }
.Ltmp8:
0x393: {  	_ = 	snop;
	(pc) =	sbr.rel @p0 .LBB2_1-.Ltmp8, $3  }
0x394: {  	_ =	sdelay $0x1  }
0x395: {  	[sflag:s6] =	ssyncset.done $0x0  }
0x396: {  	[sflag:s6] =	ssyncadd.s32 $0xFFFFC000  }
0x397: {  	_ =	sfence.sel $0x180000  }
0x398: {  	[bflag:$0x0] =	sbarrier.arrive $0xFFFF  }
0x399: {  	_ =	strace $0x90000047  }
0x39a: {  	s0 =	stileid.u32;
	[bflag:$0x2] =	sbarrier.arrive $0xFFFF  }
0x39b: {  	p0 =	sne.s32 s0, $0x0;
	s0 =	rddreg [dreg:$0x3]  }
0x39c: {  	s0 =	sadd.s32 @!p0 $0x100000, s0  }
0x39d: {  	[sflag:s0] =	ssyncadd.tile.s32 @!p0 $0x1;
	_ =	shalt  }
.Lfunc_end2:
_tile_overlayer_lowered:
.L_overlay_start_2:
0x39e: {  	(tag) =	ssettag $0x2  }
0x39f: {  	s0 =	rddreg [dreg:$0x0];
	s2 =	stileid.u32  }
0x3a0: {  	s1 =	rddreg [dreg:$0x1];
	p0 =	sne.s32 s2, $0x0  }
0x3a1: {  	s3 =	rddreg [dreg:$0x2];
	[bflag:$0x3] =	sbarrier.arrive $0xFFFF;
	s2 =	simm.s32 @!p0 $0x1C03  }
0x3a2: {  	[timem:s3], [sflag:s2] =	dma.local @!p0 [hbm:s0], s1  }
0x3a3: {  	s0 =	simm.s32 @!p0 $0x3  }
0x3a4: {  	_ =	swait.ge @!p0 [sflag:s0], s1  }
0x3a5: {  	s1 =	ssub.s32 @!p0 $0x0, s1;
	[sflag:s0] =	ssyncset.done @!p0 $0x0  }
0x3a6: {  	[sflag:s0] =	ssyncadd.s32 @!p0 s1  }
0x3a7: {  	[bflag:$0x3] =	sbarrier.arrive $0xFFFF  }
0x3a8: {  	_ =	shalt  }

</sc_bundles>
